<compile_context>
chip_gen: v7x
topology: tpu7x:2x2x1
jax: 0.10.2.dev20260603
libtpu: 0.0.44.dev20260713+nightly
codegen_flags: <defaults>
</compile_context>

<pallas_src>
import functools

import jax
import jax.numpy as jnp
import numpy as np
from jax import lax
from jax.experimental import pallas as pl
from jax.experimental.pallas import tpu as pltpu
from jax.experimental.pallas import tpu_sc as plsc

N = 10000
NUM_MOL = 100
HIDDEN = 128
FILTERS = 128
NUM_INT = 6
NUM_G = 50
CUTOFF = 10.0
MAXNB = 32

BN = 200
NBLK = N // BN
RB = 128
NPAD = 10240
RNB = NPAD // RB
W = 512
EB = BN * MAXNB
E = N * MAXNB

_OFFS = np.linspace(0.0, CUTOFF, NUM_G, dtype=np.float32)
_COEFF = np.float32(-0.5) / (_OFFS[1] - _OFFS[0]) ** 2
_STEP = np.float32(CUTOFF / (NUM_G - 1))
_LOG2 = np.float32(np.log(2.0))
_PI = np.float32(np.pi)


def _ssp(x):
    return jnp.maximum(x, 0.0) + jnp.log(1.0 + jnp.exp(-jnp.abs(x))) - _LOG2




def _radius_body(ws_ref, posT_ref, sqr_ref, brow_ref, pos_ref, sqc_ref,
                 bcol_ref, src_ref, dist_ref, c_ref):
    i = pl.program_id(0)
    ws = pl.multiple_of(ws_ref[0, 0], 128)
    pcT = posT_ref[...]
    posw = pos_ref[pl.ds(ws, W), :]
    sqw = sqc_ref[pl.ds(ws, W), :]
    bw = bcol_ref[pl.ds(ws, W), :]
    br = brow_ref[...]
    sqr = sqr_ref[...]
    d2 = sqw + sqr - 2.0 * jnp.dot(posw, pcT, preferred_element_type=jnp.float32)
    d2 = jnp.maximum(d2, 0.0)

    row_id = i * RB + lax.broadcasted_iota(jnp.int32, (1, RB), 1)
    col_id = ws + lax.broadcasted_iota(jnp.int32, (W, 1), 0)
    valid = (bw == br) & (col_id != row_id) & (d2 <= CUTOFF * CUTOFF)
    d2m = jnp.where(valid, d2, jnp.inf)

    ils = lax.broadcasted_iota(jnp.int32, (W, 1), 0).astype(jnp.float32)
    src_rows = []
    d2_rows = []
    for _ in range(MAXNB):
        m = jnp.min(d2m, axis=0, keepdims=True)
        eq = d2m == m
        jloc = jnp.min(jnp.where(eq, ils, np.float32(1e9)), axis=0,
                       keepdims=True)
        src_rows.append(ws + jloc.astype(jnp.int32))
        d2_rows.append(m)
        d2m = jnp.where(ils == jloc, jnp.inf, d2m)

    src_blk = jnp.concatenate(src_rows, axis=0)
    d2_blk = jnp.concatenate(d2_rows, axis=0)
    maskf = (d2_blk <= CUTOFF * CUTOFF).astype(jnp.float32)
    dist = jnp.sqrt(jnp.where(d2_blk <= CUTOFF * CUTOFF, d2_blk, 1.0))
    cfac = 0.5 * (jnp.cos(dist * _PI / CUTOFF) + 1.0) * maskf
    src_ref[...] = src_blk
    dist_ref[...] = dist
    c_ref[...] = cfac


def _radius_graph(ws3, posT_pad, sq_row, batch_row, pos_pad, sq_col,
                  batch_col):
    return pl.pallas_call(
        _radius_body,
        grid=(RNB,),
        in_specs=[
            pl.BlockSpec((None, 1, 1), lambda i: (i, 0, 0)),
            pl.BlockSpec((3, RB), lambda i: (0, i)),
            pl.BlockSpec((1, RB), lambda i: (0, i)),
            pl.BlockSpec((1, RB), lambda i: (0, i)),
            pl.BlockSpec((NPAD, 3), lambda i: (0, 0)),
            pl.BlockSpec((NPAD, 1), lambda i: (0, 0)),
            pl.BlockSpec((NPAD, 1), lambda i: (0, 0)),
        ],
        out_specs=[
            pl.BlockSpec((MAXNB, RB), lambda i: (0, i)),
            pl.BlockSpec((MAXNB, RB), lambda i: (0, i)),
            pl.BlockSpec((MAXNB, RB), lambda i: (0, i)),
        ],
        out_shape=[
            jax.ShapeDtypeStruct((MAXNB, NPAD), jnp.int32),
            jax.ShapeDtypeStruct((MAXNB, NPAD), jnp.float32),
            jax.ShapeDtypeStruct((MAXNB, NPAD), jnp.float32),
        ],
    )(ws3, posT_pad, sq_row, batch_row, pos_pad, sq_col, batch_col)


def _embed_body(z_ref, emb_ref, lin1_ref, h_ref, xs_ref):
    zb = z_ref[...]
    ids = lax.broadcasted_iota(jnp.int32, (1, 100), 1)
    oh = (zb == ids).astype(jnp.float32)
    h = jnp.dot(oh, emb_ref[...], preferred_element_type=jnp.float32)
    h_ref[...] = h
    xs_ref[...] = jnp.dot(h, lin1_ref[...], preferred_element_type=jnp.float32)


def _embed(z2, emb, lin1_0):
    return pl.pallas_call(
        _embed_body,
        grid=(NBLK,),
        in_specs=[
            pl.BlockSpec((BN, 1), lambda i: (i, 0)),
            pl.BlockSpec((100, HIDDEN), lambda i: (0, 0)),
            pl.BlockSpec((HIDDEN, FILTERS), lambda i: (0, 0)),
        ],
        out_specs=[
            pl.BlockSpec((BN, HIDDEN), lambda i: (i, 0)),
            pl.BlockSpec((BN, FILTERS), lambda i: (i, 0)),
        ],
        out_shape=[
            jax.ShapeDtypeStruct((N, HIDDEN), jnp.float32),
            jax.ShapeDtypeStruct((N, FILTERS), jnp.float32),
        ],
    )(z2, emb, lin1_0)


_NW = 32
_BPW = E // _NW
_CH = 200
_NCH = _BPW // _CH
_TW = 5632
_TOFF = 4608


def _sc_gather(xs, idx):
    mesh = plsc.VectorSubcoreMesh(core_axis_name="c", subcore_axis_name="s")

    @functools.partial(
        pl.kernel,
        out_type=jax.ShapeDtypeStruct((E, HIDDEN), jnp.float32),
        mesh=mesh,
        scratch_types=[
            pltpu.VMEM((_BPW,), jnp.int32),
            pltpu.VMEM((2, _CH, HIDDEN), jnp.float32),
            pltpu.VMEM_SHARED((_TW, HIDDEN), jnp.float32),
            pltpu.SemaphoreType.DMA,
            pltpu.SemaphoreType.DMA,
            pltpu.SemaphoreType.DMA,
            pltpu.SemaphoreType.DMA,
        ],
    )
    def k(table_hbm, idx_hbm, out_hbm, idx_v, rows_v, shared, sg0, sg1,
          so0, so1):
        wid = lax.axis_index("c") * 16 + lax.axis_index("s")
        base0 = wid * _BPW
        sg = (sg0, sg1)
        so = (so0, so1)

        @pl.when(lax.axis_index("s") == 0)
        def _():
            pltpu.sync_copy(
                table_hbm.at[pl.ds(lax.axis_index("c") * _TOFF, _TW)], shared)

        plsc.subcore_barrier()

        def gather_start(c, b):
            pltpu.async_copy(shared.at[idx_v.at[pl.ds(c * _CH, _CH)]],
                             rows_v.at[b], sg[b])

        def gather_wait(c, b):
            pltpu.make_async_copy(shared.at[idx_v.at[pl.ds(c * _CH, _CH)]],
                                  rows_v.at[b], sg[b]).wait()

        def out_start(c, b):
            pltpu.async_copy(rows_v.at[b],
                             out_hbm.at[pl.ds(base0 + c * _CH, _CH)], so[b])

        def out_wait(c, b):
            pltpu.make_async_copy(rows_v.at[b],
                                  out_hbm.at[pl.ds(base0 + c * _CH, _CH)],
                                  so[b]).wait()

        pltpu.sync_copy(idx_hbm.at[pl.ds(base0, _BPW)], idx_v)
        gather_start(0, 0)
        gather_wait(0, 0)
        out_start(0, 0)
        gather_start(1, 1)

        @pl.loop(1, _NCH - 1, step=2)
        def _(c):
            gather_wait(c, 1)
            out_start(c, 1)
            out_wait(c - 1, 0)
            gather_start(c + 1, 0)
            gather_wait(c + 1, 0)
            out_start(c + 1, 0)
            out_wait(c, 1)
            gather_start(c + 2, 1)

        c = _NCH - 1
        gather_wait(c, 1)
        out_start(c, 1)
        out_wait(c - 1, 0)
        out_wait(c, 1)

    xs_pad = jnp.pad(xs, ((0, _TOFF + _TW - N), (0, 0)))
    return k(xs_pad, idx)


def _interact_body(g_ref, d_ref, c_ref, h_ref,
                   w1_ref, b1_ref, w2_ref, b2_ref,
                   l2w_ref, l2b_ref, lw_ref, lb_ref, lin1n_ref,
                   h_out, xs_out):
    d3 = d_ref[...][:, :, None]
    cf3 = c_ref[...][:, :, None]
    offs = lax.broadcasted_iota(
        jnp.int32, (1, 1, NUM_G), 2).astype(jnp.float32) * _STEP
    rbf = jnp.exp(_COEFF * (d3 - offs) ** 2).reshape(EB, NUM_G)
    t = jnp.dot(rbf, w1_ref[...], preferred_element_type=jnp.float32) + b1_ref[...]
    t = _ssp(t)
    wf = jnp.dot(t, w2_ref[...], preferred_element_type=jnp.float32) + b2_ref[...]
    wf3 = wf.reshape(BN, MAXNB, FILTERS) * cf3
    msg = g_ref[...].reshape(BN, MAXNB, FILTERS) * wf3
    agg = jnp.sum(msg, axis=1)
    v = jnp.dot(agg, l2w_ref[...], preferred_element_type=jnp.float32) + l2b_ref[...]
    v = _ssp(v)
    v = jnp.dot(v, lw_ref[...], preferred_element_type=jnp.float32) + lb_ref[...]
    hn = h_ref[...] + v
    h_out[...] = hn
    xs_out[...] = jnp.dot(hn, lin1n_ref[...],
                          preferred_element_type=jnp.float32)


def _interact(g, dist, cfac, h, w1, b1, w2, b2, l2w, l2b, lw, lb, lin1n):
    full = lambda a, b: pl.BlockSpec((a, b), lambda i: (0, 0))
    return pl.pallas_call(
        _interact_body,
        grid=(NBLK,),
        in_specs=[
            pl.BlockSpec((EB, HIDDEN), lambda i: (i, 0)),
            pl.BlockSpec((BN, MAXNB), lambda i: (i, 0)),
            pl.BlockSpec((BN, MAXNB), lambda i: (i, 0)),
            pl.BlockSpec((BN, HIDDEN), lambda i: (i, 0)),
            full(NUM_G, FILTERS), full(1, FILTERS),
            full(FILTERS, FILTERS), full(1, FILTERS),
            full(FILTERS, HIDDEN), full(1, HIDDEN),
            full(HIDDEN, HIDDEN), full(1, HIDDEN),
            full(HIDDEN, FILTERS),
        ],
        out_specs=[
            pl.BlockSpec((BN, HIDDEN), lambda i: (i, 0)),
            pl.BlockSpec((BN, FILTERS), lambda i: (i, 0)),
        ],
        out_shape=[
            jax.ShapeDtypeStruct((N, HIDDEN), jnp.float32),
            jax.ShapeDtypeStruct((N, FILTERS), jnp.float32),
        ],
    )(g, dist, cfac, h, w1, b1, w2, b2, l2w, l2b, lw, lb, lin1n)


def _interact_final_body(g_ref, d_ref, c_ref, h_ref,
                         w1_ref, b1_ref, w2_ref, b2_ref,
                         l2w_ref, l2b_ref, lw_ref, lb_ref,
                         b_ref, o1w_ref, o1b_ref, o2w_ref, o2b_ref, acc_ref):
    i = pl.program_id(0)
    d3 = d_ref[...][:, :, None]
    cf3 = c_ref[...][:, :, None]
    offs = lax.broadcasted_iota(
        jnp.int32, (1, 1, NUM_G), 2).astype(jnp.float32) * _STEP
    rbf = jnp.exp(_COEFF * (d3 - offs) ** 2).reshape(EB, NUM_G)
    t = jnp.dot(rbf, w1_ref[...], preferred_element_type=jnp.float32) + b1_ref[...]
    t = _ssp(t)
    wf = jnp.dot(t, w2_ref[...], preferred_element_type=jnp.float32) + b2_ref[...]
    wf3 = wf.reshape(BN, MAXNB, FILTERS) * cf3
    msg = g_ref[...].reshape(BN, MAXNB, FILTERS) * wf3
    agg = jnp.sum(msg, axis=1)
    v = jnp.dot(agg, l2w_ref[...], preferred_element_type=jnp.float32) + l2b_ref[...]
    v = _ssp(v)
    v = jnp.dot(v, lw_ref[...], preferred_element_type=jnp.float32) + lb_ref[...]
    hn = h_ref[...] + v
    p = _ssp(jnp.dot(hn, o1w_ref[...],
                     preferred_element_type=jnp.float32) + o1b_ref[...])
    e = jnp.dot(p, o2w_ref[...], preferred_element_type=jnp.float32) + o2b_ref[...]
    ids = lax.broadcasted_iota(jnp.int32, (1, NUM_MOL), 1)
    moh = (b_ref[...] == ids).astype(jnp.float32)
    contrib = jnp.sum(moh * e, axis=0, keepdims=True)

    @pl.when(i == 0)
    def _():
        acc_ref[...] = jnp.zeros_like(acc_ref)

    acc_ref[...] += contrib


def _interact_final(g, dist, cfac, h, w1, b1, w2, b2, l2w, l2b, lw, lb,
                    batch2, o1w, o1b, o2w, o2b):
    full = lambda a, b: pl.BlockSpec((a, b), lambda i: (0, 0))
    return pl.pallas_call(
        _interact_final_body,
        grid=(NBLK,),
        in_specs=[
            pl.BlockSpec((EB, HIDDEN), lambda i: (i, 0)),
            pl.BlockSpec((BN, MAXNB), lambda i: (i, 0)),
            pl.BlockSpec((BN, MAXNB), lambda i: (i, 0)),
            pl.BlockSpec((BN, HIDDEN), lambda i: (i, 0)),
            full(NUM_G, FILTERS), full(1, FILTERS),
            full(FILTERS, FILTERS), full(1, FILTERS),
            full(FILTERS, HIDDEN), full(1, HIDDEN),
            full(HIDDEN, HIDDEN), full(1, HIDDEN),
            pl.BlockSpec((BN, 1), lambda i: (i, 0)),
            full(HIDDEN, HIDDEN // 2), full(1, HIDDEN // 2),
            full(HIDDEN // 2, 1), full(1, 1),
        ],
        out_specs=pl.BlockSpec((1, NUM_MOL), lambda i: (0, 0)),
        out_shape=jax.ShapeDtypeStruct((1, NUM_MOL), jnp.float32),
    )(g, dist, cfac, h, w1, b1, w2, b2, l2w, l2b, lw, lb,
      batch2, o1w, o1b, o2w, o2b)


def kernel(z, pos, batch, emb, mlp_w1, mlp_b1, mlp_w2, mlp_b2,
           conv_lin1_w, conv_lin2_w, conv_lin2_b, lin_w, lin_b,
           out1_w, out1_b, out2_w, out2_b):
    batch = batch.astype(jnp.int32)
    z = z.astype(jnp.int32)

    sq = jnp.sum(pos * pos, axis=1)
    posT_pad = jnp.pad(pos.T, ((0, 0), (0, NPAD - N)))
    sq_row = jnp.pad(sq, (0, NPAD - N))[None, :]
    batch_row = jnp.pad(batch, (0, NPAD - N),
                        constant_values=-2)[None, :]
    pos_pad = jnp.pad(pos, ((0, NPAD - N), (0, 0)))
    sq_col = jnp.pad(sq, (0, NPAD - N))[:, None]
    batch_col = jnp.pad(batch, (0, NPAD - N),
                        constant_values=-1)[:, None]

    first = batch[jnp.minimum(jnp.arange(RNB) * RB, N - 1)]
    ws = jnp.searchsorted(batch, first, side="left").astype(jnp.int32)
    ws = jnp.minimum((ws // 128) * 128, NPAD - W)
    ws3 = ws[:, None, None]

    src_t, dist_t, cfac_t = _radius_graph(ws3, posT_pad, sq_row, batch_row,
                                          pos_pad, sq_col, batch_col)
    src = src_t[:, :N].T
    dist = dist_t[:, :N].T
    cfac = cfac_t[:, :N].T
    idx_flat = src.reshape(E)
    idx_flat = jnp.where(jnp.arange(E) < E // 2, idx_flat,
                         idx_flat - _TOFF)

    h, xs = _embed(z[:, None], emb, conv_lin1_w[0])
    for l in range(NUM_INT - 1):
        g = _sc_gather(xs, idx_flat)
        h, xs = _interact(g, dist, cfac, h,
                          mlp_w1[l], mlp_b1[l][None, :],
                          mlp_w2[l], mlp_b2[l][None, :],
                          conv_lin2_w[l], conv_lin2_b[l][None, :],
                          lin_w[l], lin_b[l][None, :],
                          conv_lin1_w[l + 1])

    l = NUM_INT - 1
    g = _sc_gather(xs, idx_flat)
    out = _interact_final(g, dist, cfac, h,
                          mlp_w1[l], mlp_b1[l][None, :],
                          mlp_w2[l], mlp_b2[l][None, :],
                          conv_lin2_w[l], conv_lin2_b[l][None, :],
                          lin_w[l], lin_b[l][None, :],
                          batch[:, None], out1_w, out1_b[None, :],
                          out2_w, out2_b[None, :])
    return out.reshape(-1)

# --- scband reference (transcript-rebuilt; emitter-appended) ---
"""Pipeline reference for scband-sch-net-wrapper-27127013441818 (READ-ONLY COPY).

The authoritative reference and input builder live on the scoring server;
editing this copy changes nothing except your own understanding.
"""

import jax, jax.numpy as jnp
import numpy as np

N = 10000
NUM_MOL = 100
HIDDEN = 128
FILTERS = 128
NUM_INT = 6
NUM_G = 50
CUTOFF = 10.0
MAXNB = 32
BLK = 1000


def ssp(x):
    return jax.nn.softplus(x) - jnp.log(2.0)


def radius_graph(pos, batch):
    sq = jnp.sum(pos * pos, axis=1)
    idx = jnp.arange(N)

    def block(args):
        pc, bc, sc, ic = args
        D2 = sc[:, None] + sq[None, :] - 2.0 * (pc @ pos.T)
        D2 = jnp.maximum(D2, 0.0)
        valid = (bc[:, None] == batch[None, :]) & (ic[:, None] != idx[None, :]) & (D2 <= CUTOFF ** 2)
        D2m = jnp.where(valid, D2, jnp.inf)
        return jax.lax.top_k(-D2m, MAXNB)

    negv, src = jax.lax.map(block, (pos.reshape(N // BLK, BLK, 3), batch.reshape(N // BLK, BLK), sq.reshape(N // BLK, BLK), idx.reshape(N // BLK, BLK)))
    negv = negv.reshape(N * MAXNB)
    src = src.reshape(N * MAXNB)
    mask = jnp.isfinite(negv)
    dist = jnp.sqrt(jnp.where(mask, -negv, 1.0))
    dst = jnp.repeat(jnp.arange(N), MAXNB)
    return src, dst, dist, mask


def schnet_forward(z, batch, pos, emb, mlp_w1, mlp_b1, mlp_w2, mlp_b2, conv_lin1_w, conv_lin2_w, conv_lin2_b, lin_w, lin_b, out1_w, out1_b, out2_w, out2_b):
    src, dst, dist, mask = radius_graph(pos, batch)
    offsets = jnp.linspace(0.0, CUTOFF, NUM_G)
    coeff = -0.5 / (offsets[1] - offsets[0]) ** 2
    edge_attr = jnp.exp(coeff * (dist[:, None] - offsets[None, :]) ** 2)
    C = 0.5 * (jnp.cos(dist * jnp.pi / CUTOFF) + 1.0) * mask.astype(jnp.float32)
    h = emb[z]
    for i in range(NUM_INT):
        Wf = ssp(edge_attr @ mlp_w1[i] + mlp_b1[i]) @ mlp_w2[i] + mlp_b2[i]
        Wf = Wf * C[:, None]
        xs = h @ conv_lin1_w[i]
        msg = xs[src] * Wf
        agg = jax.ops.segment_sum(msg, dst, num_segments=N)
        v = agg @ conv_lin2_w[i] + conv_lin2_b[i]
        v = ssp(v)
        v = v @ lin_w[i] + lin_b[i]
        h = h + v
    h = ssp(h @ out1_w + out1_b) @ out2_w + out2_b
    out = jax.ops.segment_sum(h, batch, num_segments=NUM_MOL)
    return out.reshape(-1)


def setup_inputs(seed: int = 0):
    key = jax.random.key(seed)
    ks = jax.random.split(key, 16)
    z = jax.random.randint(ks[0], (N,), 0, 100)
    pos = jax.random.normal(ks[1], (N, 3), dtype=jnp.float32)
    batch = jnp.sort(jax.random.randint(ks[2], (N,), 0, NUM_MOL))

    def p(k, shape, scale):
        return jax.random.normal(k, shape, dtype=jnp.float32) * scale

    return {
        "z": z, "pos": pos, "batch": batch,
        "emb": p(ks[3], (100, HIDDEN), 0.1),
        "mlp_w1": p(ks[4], (NUM_INT, NUM_G, FILTERS), 0.1),
        "mlp_b1": jnp.zeros((NUM_INT, FILTERS), jnp.float32),
        "mlp_w2": p(ks[5], (NUM_INT, FILTERS, FILTERS), 0.05),
        "mlp_b2": jnp.zeros((NUM_INT, FILTERS), jnp.float32),
        "conv_lin1_w": p(ks[6], (NUM_INT, HIDDEN, FILTERS), 0.05),
        "conv_lin2_w": p(ks[7], (NUM_INT, FILTERS, HIDDEN), 0.05),
        "conv_lin2_b": jnp.zeros((NUM_INT, HIDDEN), jnp.float32),
        "lin_w": p(ks[8], (NUM_INT, HIDDEN, HIDDEN), 0.05),
        "lin_b": jnp.zeros((NUM_INT, HIDDEN), jnp.float32),
        "out1_w": p(ks[9], (HIDDEN, HIDDEN // 2), 0.05),
        "out1_b": jnp.zeros((HIDDEN // 2,), jnp.float32),
        "out2_w": p(ks[10], (HIDDEN // 2, 1), 0.05),
        "out2_b": jnp.zeros((1,), jnp.float32),
    }


def reference(z, pos, batch, emb, mlp_w1, mlp_b1, mlp_w2, mlp_b2, conv_lin1_w, conv_lin2_w, conv_lin2_b, lin_w, lin_b, out1_w, out1_b, out2_w, out2_b):
    return schnet_forward(z, batch, pos, emb, mlp_w1, mlp_b1, mlp_w2, mlp_b2, conv_lin1_w, conv_lin2_w, conv_lin2_b, lin_w, lin_b, out1_w, out1_b, out2_w, out2_b)

if __name__ == "__main__":
    import jax
    _d = setup_inputs()
    print(jax.jit(kernel)(*tuple(_d.values())))

</pallas_src>

<mosaic_0001>
#map = affine_map<(d0, d1) -> (0, 0)>
#map1 = affine_map<(d0, d1) -> (0)>
module attributes {stable_mosaic.version = 14 : i64} {
  func.func @k(%arg0: i32, %arg1: i32, %arg2: memref<10240x128xf32, #tpu.memory_space<hbm>>, %arg3: memref<320000xi32, #tpu.memory_space<hbm>>, %arg4: memref<320000x128xf32, #tpu.memory_space<hbm>>, %arg5: memref<10000xi32, #tpu.memory_space<vmem>>, %arg6: memref<2x200x128xf32, #tpu.memory_space<vmem>>, %arg7: memref<5632x128xf32, #tpu.memory_space<vmem_shared>>, %arg8: memref<!tpu.dma_semaphore, #tpu.memory_space<semaphore_mem>>, %arg9: memref<!tpu.dma_semaphore, #tpu.memory_space<semaphore_mem>>, %arg10: memref<!tpu.dma_semaphore, #tpu.memory_space<semaphore_mem>>, %arg11: memref<!tpu.dma_semaphore, #tpu.memory_space<semaphore_mem>>) attributes {dimension_semantics = [#tpu.dimension_semantics<core_parallel>, #tpu.dimension_semantics<subcore_parallel>], iteration_bounds = array<i64: 2, 16>, scalar_prefetch = 0 : i64, scratch_operands = 7 : i64, tpu.core_type = #tpu.core_type<sc_vector_subcore>, window_params = [{transform_indices = #map}, {transform_indices = #map1}, {transform_indices = #map}]} {
    %mul3A = arith.constant 16 : i32
    %mul3A_0 = arith.muli %arg0, %mul3A : i32
    %add3A = arith.addi %mul3A_0, %arg1 : i32
    %mul3A_1 = arith.constant 10000 : i32
    %mul3A_2 = arith.muli %add3A, %mul3A_1 : i32
    %eq3A = arith.constant 0 : i32
    %eq3A_3 = arith.cmpi eq, %arg1, %eq3A : i32
    %convert_element_type3A = arith.extui %eq3A_3 : i1 to i32
    %cond3A = arith.constant 0 : i32
    %cond3A_4 = arith.cmpi ne, %convert_element_type3A, %cond3A : i32
    scf.if %cond3A_4 {
      %mul3A_107 = arith.constant 4608 : i32
      %mul3A_108 = arith.muli %arg0, %mul3A_107 : i32
      "tpu.region"() ({
        %run_scoped3A = tpu.sem_alloc : memref<!tpu.dma_semaphore, #tpu.memory_space<semaphore_mem>>
        %dma_start3A_109 = arith.constant 0 : i32
        %dma_start3A_110 = tpu.memref_slice %arg2[%mul3A_108, %dma_start3A_109] : memref<10240x128xf32, #tpu.memory_space<hbm>> -> memref<5632x128xf32, #tpu.memory_space<hbm>>
        tpu.enqueue_dma source(%dma_start3A_110 : memref<5632x128xf32, #tpu.memory_space<hbm>>) target(%arg7 : memref<5632x128xf32, #tpu.memory_space<vmem_shared>>) target_semaphore(%run_scoped3A : memref<!tpu.dma_semaphore, #tpu.memory_space<semaphore_mem>>)
        %dma_wait3A_111 = arith.constant 0 : i32
        %dma_wait3A_112 = tpu.memref_slice %arg2[%mul3A_108, %dma_wait3A_111] : memref<10240x128xf32, #tpu.memory_space<hbm>> -> memref<5632x128xf32, #tpu.memory_space<hbm>>
        tpu.wait_dma2 semaphore(%run_scoped3A : memref<!tpu.dma_semaphore, #tpu.memory_space<semaphore_mem>>) src(%dma_wait3A_112 : memref<5632x128xf32, #tpu.memory_space<hbm>>) dst(%arg7 : memref<5632x128xf32, #tpu.memory_space<vmem_shared>>)
        tpu.yield
      }) : () -> ()
    } else {
    }
    %barrier3A = arith.constant 0 : index
    tpu.barrier barrier_id(%barrier3A)
    "tpu.region"() ({
      %run_scoped3A = tpu.sem_alloc : memref<!tpu.dma_semaphore, #tpu.memory_space<semaphore_mem>>
      %dma_start3A_107 = tpu.memref_slice %arg3[%mul3A_2] : memref<320000xi32, #tpu.memory_space<hbm>> -> memref<10000xi32, #tpu.memory_space<hbm>>
      %dma_start3A_108 = tpu.memref_slice %arg3[%mul3A_2] : memref<320000xi32, #tpu.memory_space<hbm>> -> memref<10000xi32, #tpu.memory_space<hbm>>
      tpu.enqueue_dma source(%dma_start3A_108 : memref<10000xi32, #tpu.memory_space<hbm>>) target(%arg5 : memref<10000xi32, #tpu.memory_space<vmem>>) target_semaphore(%run_scoped3A : memref<!tpu.dma_semaphore, #tpu.memory_space<semaphore_mem>>)
      %dma_wait3A_109 = tpu.memref_slice %arg3[%mul3A_2] : memref<320000xi32, #tpu.memory_space<hbm>> -> memref<10000xi32, #tpu.memory_space<hbm>>
      %dma_wait3A_110 = tpu.memref_slice %arg3[%mul3A_2] : memref<320000xi32, #tpu.memory_space<hbm>> -> memref<10000xi32, #tpu.memory_space<hbm>>
      tpu.wait_dma2 semaphore(%run_scoped3A : memref<!tpu.dma_semaphore, #tpu.memory_space<semaphore_mem>>) src(%dma_wait3A_110 : memref<10000xi32, #tpu.memory_space<hbm>>) dst(%arg5 : memref<10000xi32, #tpu.memory_space<vmem>>)
      tpu.yield
    }) : () -> ()
    %dma_start3A = arith.constant 0 : i32
    %dma_start3A_5 = arith.constant 0 : i32
    %dma_start3A_6 = arith.constant 0 : i32
    %dma_start3A_7 = tpu.memref_slice %arg6[%dma_start3A, %dma_start3A_5, %dma_start3A_6] : memref<2x200x128xf32, #tpu.memory_space<vmem>> -> memref<1x200x128xf32, #tpu.memory_space<vmem>>
    %dma_start3A_8 = tpu.memref_squeeze %dma_start3A_7 : memref<1x200x128xf32, #tpu.memory_space<vmem>> -> memref<200x128xf32, #tpu.memory_space<vmem>>
    %dma_start3A_9 = arith.constant 0 : i32
    %dma_start3A_10 = tpu.memref_slice %arg5[%dma_start3A_9] : memref<10000xi32, #tpu.memory_space<vmem>> -> memref<200xi32, #tpu.memory_space<vmem>>
    %dma_start3A_11 = arith.constant 0 : i32
    %dma_start3A_12 = arith.constant 0 : i32
    %dma_start3A_13 = tpu.memref_slice %arg7[%dma_start3A_11, %dma_start3A_12] : memref<5632x128xf32, #tpu.memory_space<vmem_shared>> -> memref<5632x128xf32, #tpu.memory_space<vmem_shared>>
    tpu.enqueue_indirect_dma source(%dma_start3A_13 : memref<5632x128xf32, #tpu.memory_space<vmem_shared>>) target(%dma_start3A_8 : memref<200x128xf32, #tpu.memory_space<vmem>>) offsets(%dma_start3A_10 : memref<200xi32, #tpu.memory_space<vmem>>) semaphore(%arg8 : memref<!tpu.dma_semaphore, #tpu.memory_space<semaphore_mem>>)
    %dma_wait3A = arith.constant 0 : i32
    %dma_wait3A_14 = arith.constant 0 : i32
    %dma_wait3A_15 = arith.constant 0 : i32
    %dma_wait3A_16 = tpu.memref_slice %arg6[%dma_wait3A, %dma_wait3A_14, %dma_wait3A_15] : memref<2x200x128xf32, #tpu.memory_space<vmem>> -> memref<1x200x128xf32, #tpu.memory_space<vmem>>
    %dma_wait3A_17 = tpu.memref_squeeze %dma_wait3A_16 : memref<1x200x128xf32, #tpu.memory_space<vmem>> -> memref<200x128xf32, #tpu.memory_space<vmem>>
    %dma_wait3A_18 = arith.constant 0 : i32
    %dma_wait3A_19 = tpu.memref_slice %arg5[%dma_wait3A_18] : memref<10000xi32, #tpu.memory_space<vmem>> -> memref<200xi32, #tpu.memory_space<vmem>>
    %dma_wait3A_20 = arith.constant 0 : i32
    %dma_wait3A_21 = arith.constant 0 : i32
    %dma_wait3A_22 = tpu.memref_slice %arg7[%dma_wait3A_20, %dma_wait3A_21] : memref<5632x128xf32, #tpu.memory_space<vmem_shared>> -> memref<5632x128xf32, #tpu.memory_space<vmem_shared>>
    tpu.wait_indirect_dma semaphore(%arg8 : memref<!tpu.dma_semaphore, #tpu.memory_space<semaphore_mem>>) src(%dma_wait3A_22 : memref<5632x128xf32, #tpu.memory_space<vmem_shared>>) dst(%dma_wait3A_17 : memref<200x128xf32, #tpu.memory_space<vmem>>)
    %add3A_23 = arith.constant 0 : i32
    %add3A_24 = arith.addi %mul3A_2, %add3A_23 : i32
    %dma_start3A_25 = arith.constant 0 : i32
    %dma_start3A_26 = arith.constant 0 : i32
    %dma_start3A_27 = arith.constant 0 : i32
    %dma_start3A_28 = tpu.memref_slice %arg6[%dma_start3A_25, %dma_start3A_26, %dma_start3A_27] : memref<2x200x128xf32, #tpu.memory_space<vmem>> -> memref<1x200x128xf32, #tpu.memory_space<vmem>>
    %dma_start3A_29 = tpu.memref_squeeze %dma_start3A_28 : memref<1x200x128xf32, #tpu.memory_space<vmem>> -> memref<200x128xf32, #tpu.memory_space<vmem>>
    %dma_start3A_30 = arith.constant 0 : i32
    %dma_start3A_31 = tpu.memref_slice %arg4[%add3A_24, %dma_start3A_30] : memref<320000x128xf32, #tpu.memory_space<hbm>> -> memref<200x128xf32, #tpu.memory_space<hbm>>
    %dma_start3A_32 = arith.constant 0 : i32
    %dma_start3A_33 = tpu.memref_slice %arg4[%add3A_24, %dma_start3A_32] : memref<320000x128xf32, #tpu.memory_space<hbm>> -> memref<200x128xf32, #tpu.memory_space<hbm>>
    %dma_start3A_34 = arith.constant 0 : i32
    %dma_start3A_35 = arith.constant 0 : i32
    %dma_start3A_36 = tpu.memref_slice %arg6[%dma_start3A_25, %dma_start3A_34, %dma_start3A_35] : memref<2x200x128xf32, #tpu.memory_space<vmem>> -> memref<1x200x128xf32, #tpu.memory_space<vmem>>
    %dma_start3A_37 = tpu.memref_squeeze %dma_start3A_36 : memref<1x200x128xf32, #tpu.memory_space<vmem>> -> memref<200x128xf32, #tpu.memory_space<vmem>>
    tpu.enqueue_dma source(%dma_start3A_37 : memref<200x128xf32, #tpu.memory_space<vmem>>) target(%dma_start3A_33 : memref<200x128xf32, #tpu.memory_space<hbm>>) target_semaphore(%arg10 : memref<!tpu.dma_semaphore, #tpu.memory_space<semaphore_mem>>)
    %dma_start3A_38 = arith.constant 1 : i32
    %dma_start3A_39 = arith.constant 0 : i32
    %dma_start3A_40 = arith.constant 0 : i32
    %dma_start3A_41 = tpu.memref_slice %arg6[%dma_start3A_38, %dma_start3A_39, %dma_start3A_40] : memref<2x200x128xf32, #tpu.memory_space<vmem>> -> memref<1x200x128xf32, #tpu.memory_space<vmem>>
    %dma_start3A_42 = tpu.memref_squeeze %dma_start3A_41 : memref<1x200x128xf32, #tpu.memory_space<vmem>> -> memref<200x128xf32, #tpu.memory_space<vmem>>
    %dma_start3A_43 = arith.constant 200 : i32
    %dma_start3A_44 = tpu.memref_slice %arg5[%dma_start3A_43] : memref<10000xi32, #tpu.memory_space<vmem>> -> memref<200xi32, #tpu.memory_space<vmem>>
    %dma_start3A_45 = arith.constant 0 : i32
    %dma_start3A_46 = arith.constant 0 : i32
    %dma_start3A_47 = tpu.memref_slice %arg7[%dma_start3A_45, %dma_start3A_46] : memref<5632x128xf32, #tpu.memory_space<vmem_shared>> -> memref<5632x128xf32, #tpu.memory_space<vmem_shared>>
    tpu.enqueue_indirect_dma source(%dma_start3A_47 : memref<5632x128xf32, #tpu.memory_space<vmem_shared>>) target(%dma_start3A_42 : memref<200x128xf32, #tpu.memory_space<vmem>>) offsets(%dma_start3A_44 : memref<200xi32, #tpu.memory_space<vmem>>) semaphore(%arg9 : memref<!tpu.dma_semaphore, #tpu.memory_space<semaphore_mem>>)
    %scan3A = arith.constant 0 : i32
    %scan3A_48 = arith.constant 24 : i32
    %scan3A_49 = arith.addi %scan3A, %scan3A_48 : i32
    %scan3A_50 = arith.constant 1 : i32
    scf.for %scan3A_107 = %scan3A to %scan3A_49 step %scan3A_50  : i32 {
      %mul3A_108 = arith.constant 2 : i32
      %mul3A_109 = arith.muli %scan3A_107, %mul3A_108 : i32
      %add3A_110 = arith.constant 1 : i32
      %add3A_111 = arith.addi %add3A_110, %mul3A_109 : i32
      %mul3A_112 = arith.constant 200 : i32
      %mul3A_113 = arith.muli %add3A_111, %mul3A_112 : i32
      %dma_wait3A_114 = arith.constant 1 : i32
      %dma_wait3A_115 = arith.constant 0 : i32
      %dma_wait3A_116 = arith.constant 0 : i32
      %dma_wait3A_117 = tpu.memref_slice %arg6[%dma_wait3A_114, %dma_wait3A_115, %dma_wait3A_116] : memref<2x200x128xf32, #tpu.memory_space<vmem>> -> memref<1x200x128xf32, #tpu.memory_space<vmem>>
      %dma_wait3A_118 = tpu.memref_squeeze %dma_wait3A_117 : memref<1x200x128xf32, #tpu.memory_space<vmem>> -> memref<200x128xf32, #tpu.memory_space<vmem>>
      %dma_wait3A_119 = tpu.memref_slice %arg5[%mul3A_113] : memref<10000xi32, #tpu.memory_space<vmem>> -> memref<200xi32, #tpu.memory_space<vmem>>
      %dma_wait3A_120 = arith.constant 0 : i32
      %dma_wait3A_121 = arith.constant 0 : i32
      %dma_wait3A_122 = tpu.memref_slice %arg7[%dma_wait3A_120, %dma_wait3A_121] : memref<5632x128xf32, #tpu.memory_space<vmem_shared>> -> memref<5632x128xf32, #tpu.memory_space<vmem_shared>>
      tpu.wait_indirect_dma semaphore(%arg9 : memref<!tpu.dma_semaphore, #tpu.memory_space<semaphore_mem>>) src(%dma_wait3A_122 : memref<5632x128xf32, #tpu.memory_space<vmem_shared>>) dst(%dma_wait3A_118 : memref<200x128xf32, #tpu.memory_space<vmem>>)
      %mul3A_123 = arith.constant 200 : i32
      %mul3A_124 = arith.muli %add3A_111, %mul3A_123 : i32
      %add3A_125 = arith.addi %mul3A_2, %mul3A_124 : i32
      %dma_start3A_126 = arith.constant 1 : i32
      %dma_start3A_127 = arith.constant 0 : i32
      %dma_start3A_128 = arith.constant 0 : i32
      %dma_start3A_129 = tpu.memref_slice %arg6[%dma_start3A_126, %dma_start3A_127, %dma_start3A_128] : memref<2x200x128xf32, #tpu.memory_space<vmem>> -> memref<1x200x128xf32, #tpu.memory_space<vmem>>
      %dma_start3A_130 = tpu.memref_squeeze %dma_start3A_129 : memref<1x200x128xf32, #tpu.memory_space<vmem>> -> memref<200x128xf32, #tpu.memory_space<vmem>>
      %dma_start3A_131 = arith.constant 0 : i32
      %dma_start3A_132 = tpu.memref_slice %arg4[%add3A_125, %dma_start3A_131] : memref<320000x128xf32, #tpu.memory_space<hbm>> -> memref<200x128xf32, #tpu.memory_space<hbm>>
      %dma_start3A_133 = arith.constant 0 : i32
      %dma_start3A_134 = tpu.memref_slice %arg4[%add3A_125, %dma_start3A_133] : memref<320000x128xf32, #tpu.memory_space<hbm>> -> memref<200x128xf32, #tpu.memory_space<hbm>>
      %dma_start3A_135 = arith.constant 0 : i32
      %dma_start3A_136 = arith.constant 0 : i32
      %dma_start3A_137 = tpu.memref_slice %arg6[%dma_start3A_126, %dma_start3A_135, %dma_start3A_136] : memref<2x200x128xf32, #tpu.memory_space<vmem>> -> memref<1x200x128xf32, #tpu.memory_space<vmem>>
      %dma_start3A_138 = tpu.memref_squeeze %dma_start3A_137 : memref<1x200x128xf32, #tpu.memory_space<vmem>> -> memref<200x128xf32, #tpu.memory_space<vmem>>
      tpu.enqueue_dma source(%dma_start3A_138 : memref<200x128xf32, #tpu.memory_space<vmem>>) target(%dma_start3A_134 : memref<200x128xf32, #tpu.memory_space<hbm>>) target_semaphore(%arg11 : memref<!tpu.dma_semaphore, #tpu.memory_space<semaphore_mem>>)
      %sub3A = arith.constant 1 : i32
      %sub3A_139 = arith.subi %add3A_111, %sub3A : i32
      %mul3A_140 = arith.constant 200 : i32
      %mul3A_141 = arith.muli %sub3A_139, %mul3A_140 : i32
      %add3A_142 = arith.addi %mul3A_2, %mul3A_141 : i32
      %dma_wait3A_143 = arith.constant 0 : i32
      %dma_wait3A_144 = arith.constant 0 : i32
      %dma_wait3A_145 = arith.constant 0 : i32
      %dma_wait3A_146 = tpu.memref_slice %arg6[%dma_wait3A_143, %dma_wait3A_144, %dma_wait3A_145] : memref<2x200x128xf32, #tpu.memory_space<vmem>> -> memref<1x200x128xf32, #tpu.memory_space<vmem>>
      %dma_wait3A_147 = tpu.memref_squeeze %dma_wait3A_146 : memref<1x200x128xf32, #tpu.memory_space<vmem>> -> memref<200x128xf32, #tpu.memory_space<vmem>>
      %dma_wait3A_148 = arith.constant 0 : i32
      %dma_wait3A_149 = tpu.memref_slice %arg4[%add3A_142, %dma_wait3A_148] : memref<320000x128xf32, #tpu.memory_space<hbm>> -> memref<200x128xf32, #tpu.memory_space<hbm>>
      %dma_wait3A_150 = arith.constant 0 : i32
      %dma_wait3A_151 = tpu.memref_slice %arg4[%add3A_142, %dma_wait3A_150] : memref<320000x128xf32, #tpu.memory_space<hbm>> -> memref<200x128xf32, #tpu.memory_space<hbm>>
      %dma_wait3A_152 = arith.constant 0 : i32
      %dma_wait3A_153 = arith.constant 0 : i32
      %dma_wait3A_154 = tpu.memref_slice %arg6[%dma_wait3A_143, %dma_wait3A_152, %dma_wait3A_153] : memref<2x200x128xf32, #tpu.memory_space<vmem>> -> memref<1x200x128xf32, #tpu.memory_space<vmem>>
      %dma_wait3A_155 = tpu.memref_squeeze %dma_wait3A_154 : memref<1x200x128xf32, #tpu.memory_space<vmem>> -> memref<200x128xf32, #tpu.memory_space<vmem>>
      tpu.wait_dma2 semaphore(%arg10 : memref<!tpu.dma_semaphore, #tpu.memory_space<semaphore_mem>>) src(%dma_wait3A_155 : memref<200x128xf32, #tpu.memory_space<vmem>>) dst(%dma_wait3A_151 : memref<200x128xf32, #tpu.memory_space<hbm>>)
      %add3A_156 = arith.constant 1 : i32
      %add3A_157 = arith.addi %add3A_111, %add3A_156 : i32
      %mul3A_158 = arith.constant 200 : i32
      %mul3A_159 = arith.muli %add3A_157, %mul3A_158 : i32
      %dma_start3A_160 = arith.constant 0 : i32
      %dma_start3A_161 = arith.constant 0 : i32
      %dma_start3A_162 = arith.constant 0 : i32
      %dma_start3A_163 = tpu.memref_slice %arg6[%dma_start3A_160, %dma_start3A_161, %dma_start3A_162] : memref<2x200x128xf32, #tpu.memory_space<vmem>> -> memref<1x200x128xf32, #tpu.memory_space<vmem>>
      %dma_start3A_164 = tpu.memref_squeeze %dma_start3A_163 : memref<1x200x128xf32, #tpu.memory_space<vmem>> -> memref<200x128xf32, #tpu.memory_space<vmem>>
      %dma_start3A_165 = tpu.memref_slice %arg5[%mul3A_159] : memref<10000xi32, #tpu.memory_space<vmem>> -> memref<200xi32, #tpu.memory_space<vmem>>
      %dma_start3A_166 = arith.constant 0 : i32
      %dma_start3A_167 = arith.constant 0 : i32
      %dma_start3A_168 = tpu.memref_slice %arg7[%dma_start3A_166, %dma_start3A_167] : memref<5632x128xf32, #tpu.memory_space<vmem_shared>> -> memref<5632x128xf32, #tpu.memory_space<vmem_shared>>
      tpu.enqueue_indirect_dma source(%dma_start3A_168 : memref<5632x128xf32, #tpu.memory_space<vmem_shared>>) target(%dma_start3A_164 : memref<200x128xf32, #tpu.memory_space<vmem>>) offsets(%dma_start3A_165 : memref<200xi32, #tpu.memory_space<vmem>>) semaphore(%arg8 : memref<!tpu.dma_semaphore, #tpu.memory_space<semaphore_mem>>)
      %add3A_169 = arith.constant 1 : i32
      %add3A_170 = arith.addi %add3A_111, %add3A_169 : i32
      %mul3A_171 = arith.constant 200 : i32
      %mul3A_172 = arith.muli %add3A_170, %mul3A_171 : i32
      %dma_wait3A_173 = arith.constant 0 : i32
      %dma_wait3A_174 = arith.constant 0 : i32
      %dma_wait3A_175 = arith.constant 0 : i32
      %dma_wait3A_176 = tpu.memref_slice %arg6[%dma_wait3A_173, %dma_wait3A_174, %dma_wait3A_175] : memref<2x200x128xf32, #tpu.memory_space<vmem>> -> memref<1x200x128xf32, #tpu.memory_space<vmem>>
      %dma_wait3A_177 = tpu.memref_squeeze %dma_wait3A_176 : memref<1x200x128xf32, #tpu.memory_space<vmem>> -> memref<200x128xf32, #tpu.memory_space<vmem>>
      %dma_wait3A_178 = tpu.memref_slice %arg5[%mul3A_172] : memref<10000xi32, #tpu.memory_space<vmem>> -> memref<200xi32, #tpu.memory_space<vmem>>
      %dma_wait3A_179 = arith.constant 0 : i32
      %dma_wait3A_180 = arith.constant 0 : i32
      %dma_wait3A_181 = tpu.memref_slice %arg7[%dma_wait3A_179, %dma_wait3A_180] : memref<5632x128xf32, #tpu.memory_space<vmem_shared>> -> memref<5632x128xf32, #tpu.memory_space<vmem_shared>>
      tpu.wait_indirect_dma semaphore(%arg8 : memref<!tpu.dma_semaphore, #tpu.memory_space<semaphore_mem>>) src(%dma_wait3A_181 : memref<5632x128xf32, #tpu.memory_space<vmem_shared>>) dst(%dma_wait3A_177 : memref<200x128xf32, #tpu.memory_space<vmem>>)
      %add3A_182 = arith.constant 1 : i32
      %add3A_183 = arith.addi %add3A_111, %add3A_182 : i32
      %mul3A_184 = arith.constant 200 : i32
      %mul3A_185 = arith.muli %add3A_183, %mul3A_184 : i32
      %add3A_186 = arith.addi %mul3A_2, %mul3A_185 : i32
      %dma_start3A_187 = arith.constant 0 : i32
      %dma_start3A_188 = arith.constant 0 : i32
      %dma_start3A_189 = arith.constant 0 : i32
      %dma_start3A_190 = tpu.memref_slice %arg6[%dma_start3A_187, %dma_start3A_188, %dma_start3A_189] : memref<2x200x128xf32, #tpu.memory_space<vmem>> -> memref<1x200x128xf32, #tpu.memory_space<vmem>>
      %dma_start3A_191 = tpu.memref_squeeze %dma_start3A_190 : memref<1x200x128xf32, #tpu.memory_space<vmem>> -> memref<200x128xf32, #tpu.memory_space<vmem>>
      %dma_start3A_192 = arith.constant 0 : i32
      %dma_start3A_193 = tpu.memref_slice %arg4[%add3A_186, %dma_start3A_192] : memref<320000x128xf32, #tpu.memory_space<hbm>> -> memref<200x128xf32, #tpu.memory_space<hbm>>
      %dma_start3A_194 = arith.constant 0 : i32
      %dma_start3A_195 = tpu.memref_slice %arg4[%add3A_186, %dma_start3A_194] : memref<320000x128xf32, #tpu.memory_space<hbm>> -> memref<200x128xf32, #tpu.memory_space<hbm>>
      %dma_start3A_196 = arith.constant 0 : i32
      %dma_start3A_197 = arith.constant 0 : i32
      %dma_start3A_198 = tpu.memref_slice %arg6[%dma_start3A_187, %dma_start3A_196, %dma_start3A_197] : memref<2x200x128xf32, #tpu.memory_space<vmem>> -> memref<1x200x128xf32, #tpu.memory_space<vmem>>
      %dma_start3A_199 = tpu.memref_squeeze %dma_start3A_198 : memref<1x200x128xf32, #tpu.memory_space<vmem>> -> memref<200x128xf32, #tpu.memory_space<vmem>>
      tpu.enqueue_dma source(%dma_start3A_199 : memref<200x128xf32, #tpu.memory_space<vmem>>) target(%dma_start3A_195 : memref<200x128xf32, #tpu.memory_space<hbm>>) target_semaphore(%arg10 : memref<!tpu.dma_semaphore, #tpu.memory_space<semaphore_mem>>)
      %mul3A_200 = arith.constant 200 : i32
      %mul3A_201 = arith.muli %add3A_111, %mul3A_200 : i32
      %add3A_202 = arith.addi %mul3A_2, %mul3A_201 : i32
      %dma_wait3A_203 = arith.constant 1 : i32
      %dma_wait3A_204 = arith.constant 0 : i32
      %dma_wait3A_205 = arith.constant 0 : i32
      %dma_wait3A_206 = tpu.memref_slice %arg6[%dma_wait3A_203, %dma_wait3A_204, %dma_wait3A_205] : memref<2x200x128xf32, #tpu.memory_space<vmem>> -> memref<1x200x128xf32, #tpu.memory_space<vmem>>
      %dma_wait3A_207 = tpu.memref_squeeze %dma_wait3A_206 : memref<1x200x128xf32, #tpu.memory_space<vmem>> -> memref<200x128xf32, #tpu.memory_space<vmem>>
      %dma_wait3A_208 = arith.constant 0 : i32
      %dma_wait3A_209 = tpu.memref_slice %arg4[%add3A_202, %dma_wait3A_208] : memref<320000x128xf32, #tpu.memory_space<hbm>> -> memref<200x128xf32, #tpu.memory_space<hbm>>
      %dma_wait3A_210 = arith.constant 0 : i32
      %dma_wait3A_211 = tpu.memref_slice %arg4[%add3A_202, %dma_wait3A_210] : memref<320000x128xf32, #tpu.memory_space<hbm>> -> memref<200x128xf32, #tpu.memory_space<hbm>>
      %dma_wait3A_212 = arith.constant 0 : i32
      %dma_wait3A_213 = arith.constant 0 : i32
      %dma_wait3A_214 = tpu.memref_slice %arg6[%dma_wait3A_203, %dma_wait3A_212, %dma_wait3A_213] : memref<2x200x128xf32, #tpu.memory_space<vmem>> -> memref<1x200x128xf32, #tpu.memory_space<vmem>>
      %dma_wait3A_215 = tpu.memref_squeeze %dma_wait3A_214 : memref<1x200x128xf32, #tpu.memory_space<vmem>> -> memref<200x128xf32, #tpu.memory_space<vmem>>
      tpu.wait_dma2 semaphore(%arg11 : memref<!tpu.dma_semaphore, #tpu.memory_space<semaphore_mem>>) src(%dma_wait3A_215 : memref<200x128xf32, #tpu.memory_space<vmem>>) dst(%dma_wait3A_211 : memref<200x128xf32, #tpu.memory_space<hbm>>)
      %add3A_216 = arith.constant 2 : i32
      %add3A_217 = arith.addi %add3A_111, %add3A_216 : i32
      %mul3A_218 = arith.constant 200 : i32
      %mul3A_219 = arith.muli %add3A_217, %mul3A_218 : i32
      %dma_start3A_220 = arith.constant 1 : i32
      %dma_start3A_221 = arith.constant 0 : i32
      %dma_start3A_222 = arith.constant 0 : i32
      %dma_start3A_223 = tpu.memref_slice %arg6[%dma_start3A_220, %dma_start3A_221, %dma_start3A_222] : memref<2x200x128xf32, #tpu.memory_space<vmem>> -> memref<1x200x128xf32, #tpu.memory_space<vmem>>
      %dma_start3A_224 = tpu.memref_squeeze %dma_start3A_223 : memref<1x200x128xf32, #tpu.memory_space<vmem>> -> memref<200x128xf32, #tpu.memory_space<vmem>>
      %dma_start3A_225 = tpu.memref_slice %arg5[%mul3A_219] : memref<10000xi32, #tpu.memory_space<vmem>> -> memref<200xi32, #tpu.memory_space<vmem>>
      %dma_start3A_226 = arith.constant 0 : i32
      %dma_start3A_227 = arith.constant 0 : i32
      %dma_start3A_228 = tpu.memref_slice %arg7[%dma_start3A_226, %dma_start3A_227] : memref<5632x128xf32, #tpu.memory_space<vmem_shared>> -> memref<5632x128xf32, #tpu.memory_space<vmem_shared>>
      tpu.enqueue_indirect_dma source(%dma_start3A_228 : memref<5632x128xf32, #tpu.memory_space<vmem_shared>>) target(%dma_start3A_224 : memref<200x128xf32, #tpu.memory_space<vmem>>) offsets(%dma_start3A_225 : memref<200xi32, #tpu.memory_space<vmem>>) semaphore(%arg9 : memref<!tpu.dma_semaphore, #tpu.memory_space<semaphore_mem>>)
    }
    %scan3A_51 = arith.constant 24 : i32
    %dma_wait3A_52 = arith.constant 1 : i32
    %dma_wait3A_53 = arith.constant 0 : i32
    %dma_wait3A_54 = arith.constant 0 : i32
    %dma_wait3A_55 = tpu.memref_slice %arg6[%dma_wait3A_52, %dma_wait3A_53, %dma_wait3A_54] : memref<2x200x128xf32, #tpu.memory_space<vmem>> -> memref<1x200x128xf32, #tpu.memory_space<vmem>>
    %dma_wait3A_56 = tpu.memref_squeeze %dma_wait3A_55 : memref<1x200x128xf32, #tpu.memory_space<vmem>> -> memref<200x128xf32, #tpu.memory_space<vmem>>
    %dma_wait3A_57 = arith.constant 9800 : i32
    %dma_wait3A_58 = tpu.memref_slice %arg5[%dma_wait3A_57] : memref<10000xi32, #tpu.memory_space<vmem>> -> memref<200xi32, #tpu.memory_space<vmem>>
    %dma_wait3A_59 = arith.constant 0 : i32
    %dma_wait3A_60 = arith.constant 0 : i32
    %dma_wait3A_61 = tpu.memref_slice %arg7[%dma_wait3A_59, %dma_wait3A_60] : memref<5632x128xf32, #tpu.memory_space<vmem_shared>> -> memref<5632x128xf32, #tpu.memory_space<vmem_shared>>
    tpu.wait_indirect_dma semaphore(%arg9 : memref<!tpu.dma_semaphore, #tpu.memory_space<semaphore_mem>>) src(%dma_wait3A_61 : memref<5632x128xf32, #tpu.memory_space<vmem_shared>>) dst(%dma_wait3A_56 : memref<200x128xf32, #tpu.memory_space<vmem>>)
    %add3A_62 = arith.constant 9800 : i32
    %add3A_63 = arith.addi %mul3A_2, %add3A_62 : i32
    %dma_start3A_64 = arith.constant 1 : i32
    %dma_start3A_65 = arith.constant 0 : i32
    %dma_start3A_66 = arith.constant 0 : i32
    %dma_start3A_67 = tpu.memref_slice %arg6[%dma_start3A_64, %dma_start3A_65, %dma_start3A_66] : memref<2x200x128xf32, #tpu.memory_space<vmem>> -> memref<1x200x128xf32, #tpu.memory_space<vmem>>
    %dma_start3A_68 = tpu.memref_squeeze %dma_start3A_67 : memref<1x200x128xf32, #tpu.memory_space<vmem>> -> memref<200x128xf32, #tpu.memory_space<vmem>>
    %dma_start3A_69 = arith.constant 0 : i32
    %dma_start3A_70 = tpu.memref_slice %arg4[%add3A_63, %dma_start3A_69] : memref<320000x128xf32, #tpu.memory_space<hbm>> -> memref<200x128xf32, #tpu.memory_space<hbm>>
    %dma_start3A_71 = arith.constant 0 : i32
    %dma_start3A_72 = tpu.memref_slice %arg4[%add3A_63, %dma_start3A_71] : memref<320000x128xf32, #tpu.memory_space<hbm>> -> memref<200x128xf32, #tpu.memory_space<hbm>>
    %dma_start3A_73 = arith.constant 0 : i32
    %dma_start3A_74 = arith.constant 0 : i32
    %dma_start3A_75 = tpu.memref_slice %arg6[%dma_start3A_64, %dma_start3A_73, %dma_start3A_74] : memref<2x200x128xf32, #tpu.memory_space<vmem>> -> memref<1x200x128xf32, #tpu.memory_space<vmem>>
    %dma_start3A_76 = tpu.memref_squeeze %dma_start3A_75 : memref<1x200x128xf32, #tpu.memory_space<vmem>> -> memref<200x128xf32, #tpu.memory_space<vmem>>
    tpu.enqueue_dma source(%dma_start3A_76 : memref<200x128xf32, #tpu.memory_space<vmem>>) target(%dma_start3A_72 : memref<200x128xf32, #tpu.memory_space<hbm>>) target_semaphore(%arg11 : memref<!tpu.dma_semaphore, #tpu.memory_space<semaphore_mem>>)
    %add3A_77 = arith.constant 9600 : i32
    %add3A_78 = arith.addi %mul3A_2, %add3A_77 : i32
    %dma_wait3A_79 = arith.constant 0 : i32
    %dma_wait3A_80 = arith.constant 0 : i32
    %dma_wait3A_81 = arith.constant 0 : i32
    %dma_wait3A_82 = tpu.memref_slice %arg6[%dma_wait3A_79, %dma_wait3A_80, %dma_wait3A_81] : memref<2x200x128xf32, #tpu.memory_space<vmem>> -> memref<1x200x128xf32, #tpu.memory_space<vmem>>
    %dma_wait3A_83 = tpu.memref_squeeze %dma_wait3A_82 : memref<1x200x128xf32, #tpu.memory_space<vmem>> -> memref<200x128xf32, #tpu.memory_space<vmem>>
    %dma_wait3A_84 = arith.constant 0 : i32
    %dma_wait3A_85 = tpu.memref_slice %arg4[%add3A_78, %dma_wait3A_84] : memref<320000x128xf32, #tpu.memory_space<hbm>> -> memref<200x128xf32, #tpu.memory_space<hbm>>
    %dma_wait3A_86 = arith.constant 0 : i32
    %dma_wait3A_87 = tpu.memref_slice %arg4[%add3A_78, %dma_wait3A_86] : memref<320000x128xf32, #tpu.memory_space<hbm>> -> memref<200x128xf32, #tpu.memory_space<hbm>>
    %dma_wait3A_88 = arith.constant 0 : i32
    %dma_wait3A_89 = arith.constant 0 : i32
    %dma_wait3A_90 = tpu.memref_slice %arg6[%dma_wait3A_79, %dma_wait3A_88, %dma_wait3A_89] : memref<2x200x128xf32, #tpu.memory_space<vmem>> -> memref<1x200x128xf32, #tpu.memory_space<vmem>>
    %dma_wait3A_91 = tpu.memref_squeeze %dma_wait3A_90 : memref<1x200x128xf32, #tpu.memory_space<vmem>> -> memref<200x128xf32, #tpu.memory_space<vmem>>
    tpu.wait_dma2 semaphore(%arg10 : memref<!tpu.dma_semaphore, #tpu.memory_space<semaphore_mem>>) src(%dma_wait3A_91 : memref<200x128xf32, #tpu.memory_space<vmem>>) dst(%dma_wait3A_87 : memref<200x128xf32, #tpu.memory_space<hbm>>)
    %add3A_92 = arith.constant 9800 : i32
    %add3A_93 = arith.addi %mul3A_2, %add3A_92 : i32
    %dma_wait3A_94 = arith.constant 1 : i32
    %dma_wait3A_95 = arith.constant 0 : i32
    %dma_wait3A_96 = arith.constant 0 : i32
    %dma_wait3A_97 = tpu.memref_slice %arg6[%dma_wait3A_94, %dma_wait3A_95, %dma_wait3A_96] : memref<2x200x128xf32, #tpu.memory_space<vmem>> -> memref<1x200x128xf32, #tpu.memory_space<vmem>>
    %dma_wait3A_98 = tpu.memref_squeeze %dma_wait3A_97 : memref<1x200x128xf32, #tpu.memory_space<vmem>> -> memref<200x128xf32, #tpu.memory_space<vmem>>
    %dma_wait3A_99 = arith.constant 0 : i32
    %dma_wait3A_100 = tpu.memref_slice %arg4[%add3A_93, %dma_wait3A_99] : memref<320000x128xf32, #tpu.memory_space<hbm>> -> memref<200x128xf32, #tpu.memory_space<hbm>>
    %dma_wait3A_101 = arith.constant 0 : i32
    %dma_wait3A_102 = tpu.memref_slice %arg4[%add3A_93, %dma_wait3A_101] : memref<320000x128xf32, #tpu.memory_space<hbm>> -> memref<200x128xf32, #tpu.memory_space<hbm>>
    %dma_wait3A_103 = arith.constant 0 : i32
    %dma_wait3A_104 = arith.constant 0 : i32
    %dma_wait3A_105 = tpu.memref_slice %arg6[%dma_wait3A_94, %dma_wait3A_103, %dma_wait3A_104] : memref<2x200x128xf32, #tpu.memory_space<vmem>> -> memref<1x200x128xf32, #tpu.memory_space<vmem>>
    %dma_wait3A_106 = tpu.memref_squeeze %dma_wait3A_105 : memref<1x200x128xf32, #tpu.memory_space<vmem>> -> memref<200x128xf32, #tpu.memory_space<vmem>>
    tpu.wait_dma2 semaphore(%arg11 : memref<!tpu.dma_semaphore, #tpu.memory_space<semaphore_mem>>) src(%dma_wait3A_106 : memref<200x128xf32, #tpu.memory_space<vmem>>) dst(%dma_wait3A_102 : memref<200x128xf32, #tpu.memory_space<hbm>>)
    return
  }
}

#map = affine_map<(d0, d1) -> (0, 0)>
#map1 = affine_map<(d0, d1) -> (0)>
module attributes {stable_mosaic.version = 14 : i64} {
  func.func @k(%arg0: i32, %arg1: i32, %arg2: memref<10240x128xf32, #tpu.memory_space<hbm>>, %arg3: memref<320000xi32, #tpu.memory_space<hbm>>, %arg4: memref<320000x128xf32, #tpu.memory_space<hbm>>, %arg5: memref<10000xi32, #tpu.memory_space<vmem>>, %arg6: memref<2x200x128xf32, #tpu.memory_space<vmem>>, %arg7: memref<5632x128xf32, #tpu.memory_space<vmem_shared>>, %arg8: memref<!tpu.dma_semaphore, #tpu.memory_space<semaphore_mem>>, %arg9: memref<!tpu.dma_semaphore, #tpu.memory_space<semaphore_mem>>, %arg10: memref<!tpu.dma_semaphore, #tpu.memory_space<semaphore_mem>>, %arg11: memref<!tpu.dma_semaphore, #tpu.memory_space<semaphore_mem>>) attributes {dimension_semantics = [#tpu.dimension_semantics<core_parallel>, #tpu.dimension_semantics<subcore_parallel>], iteration_bounds = array<i64: 2, 16>, scalar_prefetch = 0 : i64, scratch_operands = 7 : i64, tpu.core_type = #tpu.core_type<sc_vector_subcore>, window_params = [{transform_indices = #map}, {transform_indices = #map1}, {transform_indices = #map}]} {
    %mul3A = arith.constant 16 : i32
    %mul3A_0 = arith.muli %arg0, %mul3A : i32
    %add3A = arith.addi %mul3A_0, %arg1 : i32
    %mul3A_1 = arith.constant 10000 : i32
    %mul3A_2 = arith.muli %add3A, %mul3A_1 : i32
    %eq3A = arith.constant 0 : i32
    %eq3A_3 = arith.cmpi eq, %arg1, %eq3A : i32
    %convert_element_type3A = arith.extui %eq3A_3 : i1 to i32
    %cond3A = arith.constant 0 : i32
    %cond3A_4 = arith.cmpi ne, %convert_element_type3A, %cond3A : i32
    scf.if %cond3A_4 {
      %mul3A_107 = arith.constant 4608 : i32
      %mul3A_108 = arith.muli %arg0, %mul3A_107 : i32
      "tpu.region"() ({
        %run_scoped3A = tpu.sem_alloc : memref<!tpu.dma_semaphore, #tpu.memory_space<semaphore_mem>>
        %dma_start3A_109 = arith.constant 0 : i32
        %dma_start3A_110 = tpu.memref_slice %arg2[%mul3A_108, %dma_start3A_109] : memref<10240x128xf32, #tpu.memory_space<hbm>> -> memref<5632x128xf32, #tpu.memory_space<hbm>>
        tpu.enqueue_dma source(%dma_start3A_110 : memref<5632x128xf32, #tpu.memory_space<hbm>>) target(%arg7 : memref<5632x128xf32, #tpu.memory_space<vmem_shared>>) target_semaphore(%run_scoped3A : memref<!tpu.dma_semaphore, #tpu.memory_space<semaphore_mem>>)
        %dma_wait3A_111 = arith.constant 0 : i32
        %dma_wait3A_112 = tpu.memref_slice %arg2[%mul3A_108, %dma_wait3A_111] : memref<10240x128xf32, #tpu.memory_space<hbm>> -> memref<5632x128xf32, #tpu.memory_space<hbm>>
        tpu.wait_dma2 semaphore(%run_scoped3A : memref<!tpu.dma_semaphore, #tpu.memory_space<semaphore_mem>>) src(%dma_wait3A_112 : memref<5632x128xf32, #tpu.memory_space<hbm>>) dst(%arg7 : memref<5632x128xf32, #tpu.memory_space<vmem_shared>>)
        tpu.yield
      }) : () -> ()
    } else {
    }
    %barrier3A = arith.constant 0 : index
    tpu.barrier barrier_id(%barrier3A)
    "tpu.region"() ({
      %run_scoped3A = tpu.sem_alloc : memref<!tpu.dma_semaphore, #tpu.memory_space<semaphore_mem>>
      %dma_start3A_107 = tpu.memref_slice %arg3[%mul3A_2] : memref<320000xi32, #tpu.memory_space<hbm>> -> memref<10000xi32, #tpu.memory_space<hbm>>
      %dma_start3A_108 = tpu.memref_slice %arg3[%mul3A_2] : memref<320000xi32, #tpu.memory_space<hbm>> -> memref<10000xi32, #tpu.memory_space<hbm>>
      tpu.enqueue_dma source(%dma_start3A_108 : memref<10000xi32, #tpu.memory_space<hbm>>) target(%arg5 : memref<10000xi32, #tpu.memory_space<vmem>>) target_semaphore(%run_scoped3A : memref<!tpu.dma_semaphore, #tpu.memory_space<semaphore_mem>>)
      %dma_wait3A_109 = tpu.memref_slice %arg3[%mul3A_2] : memref<320000xi32, #tpu.memory_space<hbm>> -> memref<10000xi32, #tpu.memory_space<hbm>>
      %dma_wait3A_110 = tpu.memref_slice %arg3[%mul3A_2] : memref<320000xi32, #tpu.memory_space<hbm>> -> memref<10000xi32, #tpu.memory_space<hbm>>
      tpu.wait_dma2 semaphore(%run_scoped3A : memref<!tpu.dma_semaphore, #tpu.memory_space<semaphore_mem>>) src(%dma_wait3A_110 : memref<10000xi32, #tpu.memory_space<hbm>>) dst(%arg5 : memref<10000xi32, #tpu.memory_space<vmem>>)
      tpu.yield
    }) : () -> ()
    %dma_start3A = arith.constant 0 : i32
    %dma_start3A_5 = arith.constant 0 : i32
    %dma_start3A_6 = arith.constant 0 : i32
    %dma_start3A_7 = tpu.memref_slice %arg6[%dma_start3A, %dma_start3A_5, %dma_start3A_6] : memref<2x200x128xf32, #tpu.memory_space<vmem>> -> memref<1x200x128xf32, #tpu.memory_space<vmem>>
    %dma_start3A_8 = tpu.memref_squeeze %dma_start3A_7 : memref<1x200x128xf32, #tpu.memory_space<vmem>> -> memref<200x128xf32, #tpu.memory_space<vmem>>
    %dma_start3A_9 = arith.constant 0 : i32
    %dma_start3A_10 = tpu.memref_slice %arg5[%dma_start3A_9] : memref<10000xi32, #tpu.memory_space<vmem>> -> memref<200xi32, #tpu.memory_space<vmem>>
    %dma_start3A_11 = arith.constant 0 : i32
    %dma_start3A_12 = arith.constant 0 : i32
    %dma_start3A_13 = tpu.memref_slice %arg7[%dma_start3A_11, %dma_start3A_12] : memref<5632x128xf32, #tpu.memory_space<vmem_shared>> -> memref<5632x128xf32, #tpu.memory_space<vmem_shared>>
    tpu.enqueue_indirect_dma source(%dma_start3A_13 : memref<5632x128xf32, #tpu.memory_space<vmem_shared>>) target(%dma_start3A_8 : memref<200x128xf32, #tpu.memory_space<vmem>>) offsets(%dma_start3A_10 : memref<200xi32, #tpu.memory_space<vmem>>) semaphore(%arg8 : memref<!tpu.dma_semaphore, #tpu.memory_space<semaphore_mem>>)
    %dma_wait3A = arith.constant 0 : i32
    %dma_wait3A_14 = arith.constant 0 : i32
    %dma_wait3A_15 = arith.constant 0 : i32
    %dma_wait3A_16 = tpu.memref_slice %arg6[%dma_wait3A, %dma_wait3A_14, %dma_wait3A_15] : memref<2x200x128xf32, #tpu.memory_space<vmem>> -> memref<1x200x128xf32, #tpu.memory_space<vmem>>
    %dma_wait3A_17 = tpu.memref_squeeze %dma_wait3A_16 : memref<1x200x128xf32, #tpu.memory_space<vmem>> -> memref<200x128xf32, #tpu.memory_space<vmem>>
    %dma_wait3A_18 = arith.constant 0 : i32
    %dma_wait3A_19 = tpu.memref_slice %arg5[%dma_wait3A_18] : memref<10000xi32, #tpu.memory_space<vmem>> -> memref<200xi32, #tpu.memory_space<vmem>>
    %dma_wait3A_20 = arith.constant 0 : i32
    %dma_wait3A_21 = arith.constant 0 : i32
    %dma_wait3A_22 = tpu.memref_slice %arg7[%dma_wait3A_20, %dma_wait3A_21] : memref<5632x128xf32, #tpu.memory_space<vmem_shared>> -> memref<5632x128xf32, #tpu.memory_space<vmem_shared>>
    tpu.wait_indirect_dma semaphore(%arg8 : memref<!tpu.dma_semaphore, #tpu.memory_space<semaphore_mem>>) src(%dma_wait3A_22 : memref<5632x128xf32, #tpu.memory_space<vmem_shared>>) dst(%dma_wait3A_17 : memref<200x128xf32, #tpu.memory_space<vmem>>)
    %add3A_23 = arith.constant 0 : i32
    %add3A_24 = arith.addi %mul3A_2, %add3A_23 : i32
    %dma_start3A_25 = arith.constant 0 : i32
    %dma_start3A_26 = arith.constant 0 : i32
    %dma_start3A_27 = arith.constant 0 : i32
    %dma_start3A_28 = tpu.memref_slice %arg6[%dma_start3A_25, %dma_start3A_26, %dma_start3A_27] : memref<2x200x128xf32, #tpu.memory_space<vmem>> -> memref<1x200x128xf32, #tpu.memory_space<vmem>>
    %dma_start3A_29 = tpu.memref_squeeze %dma_start3A_28 : memref<1x200x128xf32, #tpu.memory_space<vmem>> -> memref<200x128xf32, #tpu.memory_space<vmem>>
    %dma_start3A_30 = arith.constant 0 : i32
    %dma_start3A_31 = tpu.memref_slice %arg4[%add3A_24, %dma_start3A_30] : memref<320000x128xf32, #tpu.memory_space<hbm>> -> memref<200x128xf32, #tpu.memory_space<hbm>>
    %dma_start3A_32 = arith.constant 0 : i32
    %dma_start3A_33 = tpu.memref_slice %arg4[%add3A_24, %dma_start3A_32] : memref<320000x128xf32, #tpu.memory_space<hbm>> -> memref<200x128xf32, #tpu.memory_space<hbm>>
    %dma_start3A_34 = arith.constant 0 : i32
    %dma_start3A_35 = arith.constant 0 : i32
    %dma_start3A_36 = tpu.memref_slice %arg6[%dma_start3A_25, %dma_start3A_34, %dma_start3A_35] : memref<2x200x128xf32, #tpu.memory_space<vmem>> -> memref<1x200x128xf32, #tpu.memory_space<vmem>>
    %dma_start3A_37 = tpu.memref_squeeze %dma_start3A_36 : memref<1x200x128xf32, #tpu.memory_space<vmem>> -> memref<200x128xf32, #tpu.memory_space<vmem>>
    tpu.enqueue_dma source(%dma_start3A_37 : memref<200x128xf32, #tpu.memory_space<vmem>>) target(%dma_start3A_33 : memref<200x128xf32, #tpu.memory_space<hbm>>) target_semaphore(%arg10 : memref<!tpu.dma_semaphore, #tpu.memory_space<semaphore_mem>>)
    %dma_start3A_38 = arith.constant 1 : i32
    %dma_start3A_39 = arith.constant 0 : i32
    %dma_start3A_40 = arith.constant 0 : i32
    %dma_start3A_41 = tpu.memref_slice %arg6[%dma_start3A_38, %dma_start3A_39, %dma_start3A_40] : memref<2x200x128xf32, #tpu.memory_space<vmem>> -> memref<1x200x128xf32, #tpu.memory_space<vmem>>
    %dma_start3A_42 = tpu.memref_squeeze %dma_start3A_41 : memref<1x200x128xf32, #tpu.memory_space<vmem>> -> memref<200x128xf32, #tpu.memory_space<vmem>>
    %dma_start3A_43 = arith.constant 200 : i32
    %dma_start3A_44 = tpu.memref_slice %arg5[%dma_start3A_43] : memref<10000xi32, #tpu.memory_space<vmem>> -> memref<200xi32, #tpu.memory_space<vmem>>
    %dma_start3A_45 = arith.constant 0 : i32
    %dma_start3A_46 = arith.constant 0 : i32
    %dma_start3A_47 = tpu.memref_slice %arg7[%dma_start3A_45, %dma_start3A_46] : memref<5632x128xf32, #tpu.memory_space<vmem_shared>> -> memref<5632x128xf32, #tpu.memory_space<vmem_shared>>
    tpu.enqueue_indirect_dma source(%dma_start3A_47 : memref<5632x128xf32, #tpu.memory_space<vmem_shared>>) target(%dma_start3A_42 : memref<200x128xf32, #tpu.memory_space<vmem>>) offsets(%dma_start3A_44 : memref<200xi32, #tpu.memory_space<vmem>>) semaphore(%arg9 : memref<!tpu.dma_semaphore, #tpu.memory_space<semaphore_mem>>)
    %scan3A = arith.constant 0 : i32
    %scan3A_48 = arith.constant 24 : i32
    %scan3A_49 = arith.addi %scan3A, %scan3A_48 : i32
    %scan3A_50 = arith.constant 1 : i32
    scf.for %scan3A_107 = %scan3A to %scan3A_49 step %scan3A_50  : i32 {
      %mul3A_108 = arith.constant 2 : i32
      %mul3A_109 = arith.muli %scan3A_107, %mul3A_108 : i32
      %add3A_110 = arith.constant 1 : i32
      %add3A_111 = arith.addi %add3A_110, %mul3A_109 : i32
      %mul3A_112 = arith.constant 200 : i32
      %mul3A_113 = arith.muli %add3A_111, %mul3A_112 : i32
      %dma_wait3A_114 = arith.constant 1 : i32
      %dma_wait3A_115 = arith.constant 0 : i32
      %dma_wait3A_116 = arith.constant 0 : i32
      %dma_wait3A_117 = tpu.memref_slice %arg6[%dma_wait3A_114, %dma_wait3A_115, %dma_wait3A_116] : memref<2x200x128xf32, #tpu.memory_space<vmem>> -> memref<1x200x128xf32, #tpu.memory_space<vmem>>
      %dma_wait3A_118 = tpu.memref_squeeze %dma_wait3A_117 : memref<1x200x128xf32, #tpu.memory_space<vmem>> -> memref<200x128xf32, #tpu.memory_space<vmem>>
      %dma_wait3A_119 = tpu.memref_slice %arg5[%mul3A_113] : memref<10000xi32, #tpu.memory_space<vmem>> -> memref<200xi32, #tpu.memory_space<vmem>>
      %dma_wait3A_120 = arith.constant 0 : i32
      %dma_wait3A_121 = arith.constant 0 : i32
      %dma_wait3A_122 = tpu.memref_slice %arg7[%dma_wait3A_120, %dma_wait3A_121] : memref<5632x128xf32, #tpu.memory_space<vmem_shared>> -> memref<5632x128xf32, #tpu.memory_space<vmem_shared>>
      tpu.wait_indirect_dma semaphore(%arg9 : memref<!tpu.dma_semaphore, #tpu.memory_space<semaphore_mem>>) src(%dma_wait3A_122 : memref<5632x128xf32, #tpu.memory_space<vmem_shared>>) dst(%dma_wait3A_118 : memref<200x128xf32, #tpu.memory_space<vmem>>)
      %mul3A_123 = arith.constant 200 : i32
      %mul3A_124 = arith.muli %add3A_111, %mul3A_123 : i32
      %add3A_125 = arith.addi %mul3A_2, %mul3A_124 : i32
      %dma_start3A_126 = arith.constant 1 : i32
      %dma_start3A_127 = arith.constant 0 : i32
      %dma_start3A_128 = arith.constant 0 : i32
      %dma_start3A_129 = tpu.memref_slice %arg6[%dma_start3A_126, %dma_start3A_127, %dma_start3A_128] : memref<2x200x128xf32, #tpu.memory_space<vmem>> -> memref<1x200x128xf32, #tpu.memory_space<vmem>>
      %dma_start3A_130 = tpu.memref_squeeze %dma_start3A_129 : memref<1x200x128xf32, #tpu.memory_space<vmem>> -> memref<200x128xf32, #tpu.memory_space<vmem>>
      %dma_start3A_131 = arith.constant 0 : i32
      %dma_start3A_132 = tpu.memref_slice %arg4[%add3A_125, %dma_start3A_131] : memref<320000x128xf32, #tpu.memory_space<hbm>> -> memref<200x128xf32, #tpu.memory_space<hbm>>
      %dma_start3A_133 = arith.constant 0 : i32
      %dma_start3A_134 = tpu.memref_slice %arg4[%add3A_125, %dma_start3A_133] : memref<320000x128xf32, #tpu.memory_space<hbm>> -> memref<200x128xf32, #tpu.memory_space<hbm>>
      %dma_start3A_135 = arith.constant 0 : i32
      %dma_start3A_136 = arith.constant 0 : i32
      %dma_start3A_137 = tpu.memref_slice %arg6[%dma_start3A_126, %dma_start3A_135, %dma_start3A_136] : memref<2x200x128xf32, #tpu.memory_space<vmem>> -> memref<1x200x128xf32, #tpu.memory_space<vmem>>
      %dma_start3A_138 = tpu.memref_squeeze %dma_start3A_137 : memref<1x200x128xf32, #tpu.memory_space<vmem>> -> memref<200x128xf32, #tpu.memory_space<vmem>>
      tpu.enqueue_dma source(%dma_start3A_138 : memref<200x128xf32, #tpu.memory_space<vmem>>) target(%dma_start3A_134 : memref<200x128xf32, #tpu.memory_space<hbm>>) target_semaphore(%arg11 : memref<!tpu.dma_semaphore, #tpu.memory_space<semaphore_mem>>)
      %sub3A = arith.constant 1 : i32
      %sub3A_139 = arith.subi %add3A_111, %sub3A : i32
      %mul3A_140 = arith.constant 200 : i32
      %mul3A_141 = arith.muli %sub3A_139, %mul3A_140 : i32
      %add3A_142 = arith.addi %mul3A_2, %mul3A_141 : i32
      %dma_wait3A_143 = arith.constant 0 : i32
      %dma_wait3A_144 = arith.constant 0 : i32
      %dma_wait3A_145 = arith.constant 0 : i32
      %dma_wait3A_146 = tpu.memref_slice %arg6[%dma_wait3A_143, %dma_wait3A_144, %dma_wait3A_145] : memref<2x200x128xf32, #tpu.memory_space<vmem>> -> memref<1x200x128xf32, #tpu.memory_space<vmem>>
      %dma_wait3A_147 = tpu.memref_squeeze %dma_wait3A_146 : memref<1x200x128xf32, #tpu.memory_space<vmem>> -> memref<200x128xf32, #tpu.memory_space<vmem>>
      %dma_wait3A_148 = arith.constant 0 : i32
      %dma_wait3A_149 = tpu.memref_slice %arg4[%add3A_142, %dma_wait3A_148] : memref<320000x128xf32, #tpu.memory_space<hbm>> -> memref<200x128xf32, #tpu.memory_space<hbm>>
      %dma_wait3A_150 = arith.constant 0 : i32
      %dma_wait3A_151 = tpu.memref_slice %arg4[%add3A_142, %dma_wait3A_150] : memref<320000x128xf32, #tpu.memory_space<hbm>> -> memref<200x128xf32, #tpu.memory_space<hbm>>
      %dma_wait3A_152 = arith.constant 0 : i32
      %dma_wait3A_153 = arith.constant 0 : i32
      %dma_wait3A_154 = tpu.memref_slice %arg6[%dma_wait3A_143, %dma_wait3A_152, %dma_wait3A_153] : memref<2x200x128xf32, #tpu.memory_space<vmem>> -> memref<1x200x128xf32, #tpu.memory_space<vmem>>
      %dma_wait3A_155 = tpu.memref_squeeze %dma_wait3A_154 : memref<1x200x128xf32, #tpu.memory_space<vmem>> -> memref<200x128xf32, #tpu.memory_space<vmem>>
      tpu.wait_dma2 semaphore(%arg10 : memref<!tpu.dma_semaphore, #tpu.memory_space<semaphore_mem>>) src(%dma_wait3A_155 : memref<200x128xf32, #tpu.memory_space<vmem>>) dst(%dma_wait3A_151 : memref<200x128xf32, #tpu.memory_space<hbm>>)
      %add3A_156 = arith.constant 1 : i32
      %add3A_157 = arith.addi %add3A_111, %add3A_156 : i32
      %mul3A_158 = arith.constant 200 : i32
      %mul3A_159 = arith.muli %add3A_157, %mul3A_158 : i32
      %dma_start3A_160 = arith.constant 0 : i32
      %dma_start3A_161 = arith.constant 0 : i32
      %dma_start3A_162 = arith.constant 0 : i32
      %dma_start3A_163 = tpu.memref_slice %arg6[%dma_start3A_160, %dma_start3A_161, %dma_start3A_162] : memref<2x200x128xf32, #tpu.memory_space<vmem>> -> memref<1x200x128xf32, #tpu.memory_space<vmem>>
      %dma_start3A_164 = tpu.memref_squeeze %dma_start3A_163 : memref<1x200x128xf32, #tpu.memory_space<vmem>> -> memref<200x128xf32, #tpu.memory_space<vmem>>
      %dma_start3A_165 = tpu.memref_slice %arg5[%mul3A_159] : memref<10000xi32, #tpu.memory_space<vmem>> -> memref<200xi32, #tpu.memory_space<vmem>>
      %dma_start3A_166 = arith.constant 0 : i32
      %dma_start3A_167 = arith.constant 0 : i32
      %dma_start3A_168 = tpu.memref_slice %arg7[%dma_start3A_166, %dma_start3A_167] : memref<5632x128xf32, #tpu.memory_space<vmem_shared>> -> memref<5632x128xf32, #tpu.memory_space<vmem_shared>>
      tpu.enqueue_indirect_dma source(%dma_start3A_168 : memref<5632x128xf32, #tpu.memory_space<vmem_shared>>) target(%dma_start3A_164 : memref<200x128xf32, #tpu.memory_space<vmem>>) offsets(%dma_start3A_165 : memref<200xi32, #tpu.memory_space<vmem>>) semaphore(%arg8 : memref<!tpu.dma_semaphore, #tpu.memory_space<semaphore_mem>>)
      %add3A_169 = arith.constant 1 : i32
      %add3A_170 = arith.addi %add3A_111, %add3A_169 : i32
      %mul3A_171 = arith.constant 200 : i32
      %mul3A_172 = arith.muli %add3A_170, %mul3A_171 : i32
      %dma_wait3A_173 = arith.constant 0 : i32
      %dma_wait3A_174 = arith.constant 0 : i32
      %dma_wait3A_175 = arith.constant 0 : i32
      %dma_wait3A_176 = tpu.memref_slice %arg6[%dma_wait3A_173, %dma_wait3A_174, %dma_wait3A_175] : memref<2x200x128xf32, #tpu.memory_space<vmem>> -> memref<1x200x128xf32, #tpu.memory_space<vmem>>
      %dma_wait3A_177 = tpu.memref_squeeze %dma_wait3A_176 : memref<1x200x128xf32, #tpu.memory_space<vmem>> -> memref<200x128xf32, #tpu.memory_space<vmem>>
      %dma_wait3A_178 = tpu.memref_slice %arg5[%mul3A_172] : memref<10000xi32, #tpu.memory_space<vmem>> -> memref<200xi32, #tpu.memory_space<vmem>>
      %dma_wait3A_179 = arith.constant 0 : i32
      %dma_wait3A_180 = arith.constant 0 : i32
      %dma_wait3A_181 = tpu.memref_slice %arg7[%dma_wait3A_179, %dma_wait3A_180] : memref<5632x128xf32, #tpu.memory_space<vmem_shared>> -> memref<5632x128xf32, #tpu.memory_space<vmem_shared>>
      tpu.wait_indirect_dma semaphore(%arg8 : memref<!tpu.dma_semaphore, #tpu.memory_space<semaphore_mem>>) src(%dma_wait3A_181 : memref<5632x128xf32, #tpu.memory_space<vmem_shared>>) dst(%dma_wait3A_177 : memref<200x128xf32, #tpu.memory_space<vmem>>)
      %add3A_182 = arith.constant 1 : i32
      %add3A_183 = arith.addi %add3A_111, %add3A_182 : i32
      %mul3A_184 = arith.constant 200 : i32
      %mul3A_185 = arith.muli %add3A_183, %mul3A_184 : i32
      %add3A_186 = arith.addi %mul3A_2, %mul3A_185 : i32
      %dma_start3A_187 = arith.constant 0 : i32
      %dma_start3A_188 = arith.constant 0 : i32
      %dma_start3A_189 = arith.constant 0 : i32
      %dma_start3A_190 = tpu.memref_slice %arg6[%dma_start3A_187, %dma_start3A_188, %dma_start3A_189] : memref<2x200x128xf32, #tpu.memory_space<vmem>> -> memref<1x200x128xf32, #tpu.memory_space<vmem>>
      %dma_start3A_191 = tpu.memref_squeeze %dma_start3A_190 : memref<1x200x128xf32, #tpu.memory_space<vmem>> -> memref<200x128xf32, #tpu.memory_space<vmem>>
      %dma_start3A_192 = arith.constant 0 : i32
      %dma_start3A_193 = tpu.memref_slice %arg4[%add3A_186, %dma_start3A_192] : memref<320000x128xf32, #tpu.memory_space<hbm>> -> memref<200x128xf32, #tpu.memory_space<hbm>>
      %dma_start3A_194 = arith.constant 0 : i32
      %dma_start3A_195 = tpu.memref_slice %arg4[%add3A_186, %dma_start3A_194] : memref<320000x128xf32, #tpu.memory_space<hbm>> -> memref<200x128xf32, #tpu.memory_space<hbm>>
      %dma_start3A_196 = arith.constant 0 : i32
      %dma_start3A_197 = arith.constant 0 : i32
      %dma_start3A_198 = tpu.memref_slice %arg6[%dma_start3A_187, %dma_start3A_196, %dma_start3A_197] : memref<2x200x128xf32, #tpu.memory_space<vmem>> -> memref<1x200x128xf32, #tpu.memory_space<vmem>>
      %dma_start3A_199 = tpu.memref_squeeze %dma_start3A_198 : memref<1x200x128xf32, #tpu.memory_space<vmem>> -> memref<200x128xf32, #tpu.memory_space<vmem>>
      tpu.enqueue_dma source(%dma_start3A_199 : memref<200x128xf32, #tpu.memory_space<vmem>>) target(%dma_start3A_195 : memref<200x128xf32, #tpu.memory_space<hbm>>) target_semaphore(%arg10 : memref<!tpu.dma_semaphore, #tpu.memory_space<semaphore_mem>>)
      %mul3A_200 = arith.constant 200 : i32
      %mul3A_201 = arith.muli %add3A_111, %mul3A_200 : i32
      %add3A_202 = arith.addi %mul3A_2, %mul3A_201 : i32
      %dma_wait3A_203 = arith.constant 1 : i32
      %dma_wait3A_204 = arith.constant 0 : i32
      %dma_wait3A_205 = arith.constant 0 : i32
      %dma_wait3A_206 = tpu.memref_slice %arg6[%dma_wait3A_203, %dma_wait3A_204, %dma_wait3A_205] : memref<2x200x128xf32, #tpu.memory_space<vmem>> -> memref<1x200x128xf32, #tpu.memory_space<vmem>>
      %dma_wait3A_207 = tpu.memref_squeeze %dma_wait3A_206 : memref<1x200x128xf32, #tpu.memory_space<vmem>> -> memref<200x128xf32, #tpu.memory_space<vmem>>
      %dma_wait3A_208 = arith.constant 0 : i32
      %dma_wait3A_209 = tpu.memref_slice %arg4[%add3A_202, %dma_wait3A_208] : memref<320000x128xf32, #tpu.memory_space<hbm>> -> memref<200x128xf32, #tpu.memory_space<hbm>>
      %dma_wait3A_210 = arith.constant 0 : i32
      %dma_wait3A_211 = tpu.memref_slice %arg4[%add3A_202, %dma_wait3A_210] : memref<320000x128xf32, #tpu.memory_space<hbm>> -> memref<200x128xf32, #tpu.memory_space<hbm>>
      %dma_wait3A_212 = arith.constant 0 : i32
      %dma_wait3A_213 = arith.constant 0 : i32
      %dma_wait3A_214 = tpu.memref_slice %arg6[%dma_wait3A_203, %dma_wait3A_212, %dma_wait3A_213] : memref<2x200x128xf32, #tpu.memory_space<vmem>> -> memref<1x200x128xf32, #tpu.memory_space<vmem>>
      %dma_wait3A_215 = tpu.memref_squeeze %dma_wait3A_214 : memref<1x200x128xf32, #tpu.memory_space<vmem>> -> memref<200x128xf32, #tpu.memory_space<vmem>>
      tpu.wait_dma2 semaphore(%arg11 : memref<!tpu.dma_semaphore, #tpu.memory_space<semaphore_mem>>) src(%dma_wait3A_215 : memref<200x128xf32, #tpu.memory_space<vmem>>) dst(%dma_wait3A_211 : memref<200x128xf32, #tpu.memory_space<hbm>>)
      %add3A_216 = arith.constant 2 : i32
      %add3A_217 = arith.addi %add3A_111, %add3A_216 : i32
      %mul3A_218 = arith.constant 200 : i32
      %mul3A_219 = arith.muli %add3A_217, %mul3A_218 : i32
      %dma_start3A_220 = arith.constant 1 : i32
      %dma_start3A_221 = arith.constant 0 : i32
      %dma_start3A_222 = arith.constant 0 : i32
      %dma_start3A_223 = tpu.memref_slice %arg6[%dma_start3A_220, %dma_start3A_221, %dma_start3A_222] : memref<2x200x128xf32, #tpu.memory_space<vmem>> -> memref<1x200x128xf32, #tpu.memory_space<vmem>>
      %dma_start3A_224 = tpu.memref_squeeze %dma_start3A_223 : memref<1x200x128xf32, #tpu.memory_space<vmem>> -> memref<200x128xf32, #tpu.memory_space<vmem>>
      %dma_start3A_225 = tpu.memref_slice %arg5[%mul3A_219] : memref<10000xi32, #tpu.memory_space<vmem>> -> memref<200xi32, #tpu.memory_space<vmem>>
      %dma_start3A_226 = arith.constant 0 : i32
      %dma_start3A_227 = arith.constant 0 : i32
      %dma_start3A_228 = tpu.memref_slice %arg7[%dma_start3A_226, %dma_start3A_227] : memref<5632x128xf32, #tpu.memory_space<vmem_shared>> -> memref<5632x128xf32, #tpu.memory_space<vmem_shared>>
      tpu.enqueue_indirect_dma source(%dma_start3A_228 : memref<5632x128xf32, #tpu.memory_space<vmem_shared>>) target(%dma_start3A_224 : memref<200x128xf32, #tpu.memory_space<vmem>>) offsets(%dma_start3A_225 : memref<200xi32, #tpu.memory_space<vmem>>) semaphore(%arg9 : memref<!tpu.dma_semaphore, #tpu.memory_space<semaphore_mem>>)
    }
    %scan3A_51 = arith.constant 24 : i32
    %dma_wait3A_52 = arith.constant 1 : i32
    %dma_wait3A_53 = arith.constant 0 : i32
    %dma_wait3A_54 = arith.constant 0 : i32
    %dma_wait3A_55 = tpu.memref_slice %arg6[%dma_wait3A_52, %dma_wait3A_53, %dma_wait3A_54] : memref<2x200x128xf32, #tpu.memory_space<vmem>> -> memref<1x200x128xf32, #tpu.memory_space<vmem>>
    %dma_wait3A_56 = tpu.memref_squeeze %dma_wait3A_55 : memref<1x200x128xf32, #tpu.memory_space<vmem>> -> memref<200x128xf32, #tpu.memory_space<vmem>>
    %dma_wait3A_57 = arith.constant 9800 : i32
    %dma_wait3A_58 = tpu.memref_slice %arg5[%dma_wait3A_57] : memref<10000xi32, #tpu.memory_space<vmem>> -> memref<200xi32, #tpu.memory_space<vmem>>
    %dma_wait3A_59 = arith.constant 0 : i32
    %dma_wait3A_60 = arith.constant 0 : i32
    %dma_wait3A_61 = tpu.memref_slice %arg7[%dma_wait3A_59, %dma_wait3A_60] : memref<5632x128xf32, #tpu.memory_space<vmem_shared>> -> memref<5632x128xf32, #tpu.memory_space<vmem_shared>>
    tpu.wait_indirect_dma semaphore(%arg9 : memref<!tpu.dma_semaphore, #tpu.memory_space<semaphore_mem>>) src(%dma_wait3A_61 : memref<5632x128xf32, #tpu.memory_space<vmem_shared>>) dst(%dma_wait3A_56 : memref<200x128xf32, #tpu.memory_space<vmem>>)
    %add3A_62 = arith.constant 9800 : i32
    %add3A_63 = arith.addi %mul3A_2, %add3A_62 : i32
    %dma_start3A_64 = arith.constant 1 : i32
    %dma_start3A_65 = arith.constant 0 : i32
    %dma_start3A_66 = arith.constant 0 : i32
    %dma_start3A_67 = tpu.memref_slice %arg6[%dma_start3A_64, %dma_start3A_65, %dma_start3A_66] : memref<2x200x128xf32, #tpu.memory_space<vmem>> -> memref<1x200x128xf32, #tpu.memory_space<vmem>>
    %dma_start3A_68 = tpu.memref_squeeze %dma_start3A_67 : memref<1x200x128xf32, #tpu.memory_space<vmem>> -> memref<200x128xf32, #tpu.memory_space<vmem>>
    %dma_start3A_69 = arith.constant 0 : i32
    %dma_start3A_70 = tpu.memref_slice %arg4[%add3A_63, %dma_start3A_69] : memref<320000x128xf32, #tpu.memory_space<hbm>> -> memref<200x128xf32, #tpu.memory_space<hbm>>
    %dma_start3A_71 = arith.constant 0 : i32
    %dma_start3A_72 = tpu.memref_slice %arg4[%add3A_63, %dma_start3A_71] : memref<320000x128xf32, #tpu.memory_space<hbm>> -> memref<200x128xf32, #tpu.memory_space<hbm>>
    %dma_start3A_73 = arith.constant 0 : i32
    %dma_start3A_74 = arith.constant 0 : i32
    %dma_start3A_75 = tpu.memref_slice %arg6[%dma_start3A_64, %dma_start3A_73, %dma_start3A_74] : memref<2x200x128xf32, #tpu.memory_space<vmem>> -> memref<1x200x128xf32, #tpu.memory_space<vmem>>
    %dma_start3A_76 = tpu.memref_squeeze %dma_start3A_75 : memref<1x200x128xf32, #tpu.memory_space<vmem>> -> memref<200x128xf32, #tpu.memory_space<vmem>>
    tpu.enqueue_dma source(%dma_start3A_76 : memref<200x128xf32, #tpu.memory_space<vmem>>) target(%dma_start3A_72 : memref<200x128xf32, #tpu.memory_space<hbm>>) target_semaphore(%arg11 : memref<!tpu.dma_semaphore, #tpu.memory_space<semaphore_mem>>)
    %add3A_77 = arith.constant 9600 : i32
    %add3A_78 = arith.addi %mul3A_2, %add3A_77 : i32
    %dma_wait3A_79 = arith.constant 0 : i32
    %dma_wait3A_80 = arith.constant 0 : i32
    %dma_wait3A_81 = arith.constant 0 : i32
    %dma_wait3A_82 = tpu.memref_slice %arg6[%dma_wait3A_79, %dma_wait3A_80, %dma_wait3A_81] : memref<2x200x128xf32, #tpu.memory_space<vmem>> -> memref<1x200x128xf32, #tpu.memory_space<vmem>>
    %dma_wait3A_83 = tpu.memref_squeeze %dma_wait3A_82 : memref<1x200x128xf32, #tpu.memory_space<vmem>> -> memref<200x128xf32, #tpu.memory_space<vmem>>
    %dma_wait3A_84 = arith.constant 0 : i32
    %dma_wait3A_85 = tpu.memref_slice %arg4[%add3A_78, %dma_wait3A_84] : memref<320000x128xf32, #tpu.memory_space<hbm>> -> memref<200x128xf32, #tpu.memory_space<hbm>>
    %dma_wait3A_86 = arith.constant 0 : i32
    %dma_wait3A_87 = tpu.memref_slice %arg4[%add3A_78, %dma_wait3A_86] : memref<320000x128xf32, #tpu.memory_space<hbm>> -> memref<200x128xf32, #tpu.memory_space<hbm>>
    %dma_wait3A_88 = arith.constant 0 : i32
    %dma_wait3A_89 = arith.constant 0 : i32
    %dma_wait3A_90 = tpu.memref_slice %arg6[%dma_wait3A_79, %dma_wait3A_88, %dma_wait3A_89] : memref<2x200x128xf32, #tpu.memory_space<vmem>> -> memref<1x200x128xf32, #tpu.memory_space<vmem>>
    %dma_wait3A_91 = tpu.memref_squeeze %dma_wait3A_90 : memref<1x200x128xf32, #tpu.memory_space<vmem>> -> memref<200x128xf32, #tpu.memory_space<vmem>>
    tpu.wait_dma2 semaphore(%arg10 : memref<!tpu.dma_semaphore, #tpu.memory_space<semaphore_mem>>) src(%dma_wait3A_91 : memref<200x128xf32, #tpu.memory_space<vmem>>) dst(%dma_wait3A_87 : memref<200x128xf32, #tpu.memory_space<hbm>>)
    %add3A_92 = arith.constant 9800 : i32
    %add3A_93 = arith.addi %mul3A_2, %add3A_92 : i32
    %dma_wait3A_94 = arith.constant 1 : i32
    %dma_wait3A_95 = arith.constant 0 : i32
    %dma_wait3A_96 = arith.constant 0 : i32
    %dma_wait3A_97 = tpu.memref_slice %arg6[%dma_wait3A_94, %dma_wait3A_95, %dma_wait3A_96] : memref<2x200x128xf32, #tpu.memory_space<vmem>> -> memref<1x200x128xf32, #tpu.memory_space<vmem>>
    %dma_wait3A_98 = tpu.memref_squeeze %dma_wait3A_97 : memref<1x200x128xf32, #tpu.memory_space<vmem>> -> memref<200x128xf32, #tpu.memory_space<vmem>>
    %dma_wait3A_99 = arith.constant 0 : i32
    %dma_wait3A_100 = tpu.memref_slice %arg4[%add3A_93, %dma_wait3A_99] : memref<320000x128xf32, #tpu.memory_space<hbm>> -> memref<200x128xf32, #tpu.memory_space<hbm>>
    %dma_wait3A_101 = arith.constant 0 : i32
    %dma_wait3A_102 = tpu.memref_slice %arg4[%add3A_93, %dma_wait3A_101] : memref<320000x128xf32, #tpu.memory_space<hbm>> -> memref<200x128xf32, #tpu.memory_space<hbm>>
    %dma_wait3A_103 = arith.constant 0 : i32
    %dma_wait3A_104 = arith.constant 0 : i32
    %dma_wait3A_105 = tpu.memref_slice %arg6[%dma_wait3A_94, %dma_wait3A_103, %dma_wait3A_104] : memref<2x200x128xf32, #tpu.memory_space<vmem>> -> memref<1x200x128xf32, #tpu.memory_space<vmem>>
    %dma_wait3A_106 = tpu.memref_squeeze %dma_wait3A_105 : memref<1x200x128xf32, #tpu.memory_space<vmem>> -> memref<200x128xf32, #tpu.memory_space<vmem>>
    tpu.wait_dma2 semaphore(%arg11 : memref<!tpu.dma_semaphore, #tpu.memory_space<semaphore_mem>>) src(%dma_wait3A_106 : memref<200x128xf32, #tpu.memory_space<vmem>>) dst(%dma_wait3A_102 : memref<200x128xf32, #tpu.memory_space<hbm>>)
    return
  }
}

#map = affine_map<(d0, d1) -> (0, 0)>
#map1 = affine_map<(d0, d1) -> (0)>
module attributes {stable_mosaic.version = 14 : i64} {
  func.func @k(%arg0: i32, %arg1: i32, %arg2: memref<10240x128xf32, #tpu.memory_space<hbm>>, %arg3: memref<320000xi32, #tpu.memory_space<hbm>>, %arg4: memref<320000x128xf32, #tpu.memory_space<hbm>>, %arg5: memref<10000xi32, #tpu.memory_space<vmem>>, %arg6: memref<2x200x128xf32, #tpu.memory_space<vmem>>, %arg7: memref<5632x128xf32, #tpu.memory_space<vmem_shared>>, %arg8: memref<!tpu.dma_semaphore, #tpu.memory_space<semaphore_mem>>, %arg9: memref<!tpu.dma_semaphore, #tpu.memory_space<semaphore_mem>>, %arg10: memref<!tpu.dma_semaphore, #tpu.memory_space<semaphore_mem>>, %arg11: memref<!tpu.dma_semaphore, #tpu.memory_space<semaphore_mem>>) attributes {dimension_semantics = [#tpu.dimension_semantics<core_parallel>, #tpu.dimension_semantics<subcore_parallel>], iteration_bounds = array<i64: 2, 16>, scalar_prefetch = 0 : i64, scratch_operands = 7 : i64, tpu.core_type = #tpu.core_type<sc_vector_subcore>, window_params = [{transform_indices = #map}, {transform_indices = #map1}, {transform_indices = #map}]} {
    %mul3A = arith.constant 16 : i32
    %mul3A_0 = arith.muli %arg0, %mul3A : i32
    %add3A = arith.addi %mul3A_0, %arg1 : i32
    %mul3A_1 = arith.constant 10000 : i32
    %mul3A_2 = arith.muli %add3A, %mul3A_1 : i32
    %eq3A = arith.constant 0 : i32
    %eq3A_3 = arith.cmpi eq, %arg1, %eq3A : i32
    %convert_element_type3A = arith.extui %eq3A_3 : i1 to i32
    %cond3A = arith.constant 0 : i32
    %cond3A_4 = arith.cmpi ne, %convert_element_type3A, %cond3A : i32
    scf.if %cond3A_4 {
      %mul3A_107 = arith.constant 4608 : i32
      %mul3A_108 = arith.muli %arg0, %mul3A_107 : i32
      "tpu.region"() ({
        %run_scoped3A = tpu.sem_alloc : memref<!tpu.dma_semaphore, #tpu.memory_space<semaphore_mem>>
        %dma_start3A_109 = arith.constant 0 : i32
        %dma_start3A_110 = tpu.memref_slice %arg2[%mul3A_108, %dma_start3A_109] : memref<10240x128xf32, #tpu.memory_space<hbm>> -> memref<5632x128xf32, #tpu.memory_space<hbm>>
        tpu.enqueue_dma source(%dma_start3A_110 : memref<5632x128xf32, #tpu.memory_space<hbm>>) target(%arg7 : memref<5632x128xf32, #tpu.memory_space<vmem_shared>>) target_semaphore(%run_scoped3A : memref<!tpu.dma_semaphore, #tpu.memory_space<semaphore_mem>>)
        %dma_wait3A_111 = arith.constant 0 : i32
        %dma_wait3A_112 = tpu.memref_slice %arg2[%mul3A_108, %dma_wait3A_111] : memref<10240x128xf32, #tpu.memory_space<hbm>> -> memref<5632x128xf32, #tpu.memory_space<hbm>>
        tpu.wait_dma2 semaphore(%run_scoped3A : memref<!tpu.dma_semaphore, #tpu.memory_space<semaphore_mem>>) src(%dma_wait3A_112 : memref<5632x128xf32, #tpu.memory_space<hbm>>) dst(%arg7 : memref<5632x128xf32, #tpu.memory_space<vmem_shared>>)
        tpu.yield
      }) : () -> ()
    } else {
    }
    %barrier3A = arith.constant 0 : index
    tpu.barrier barrier_id(%barrier3A)
    "tpu.region"() ({
      %run_scoped3A = tpu.sem_alloc : memref<!tpu.dma_semaphore, #tpu.memory_space<semaphore_mem>>
      %dma_start3A_107 = tpu.memref_slice %arg3[%mul3A_2] : memref<320000xi32, #tpu.memory_space<hbm>> -> memref<10000xi32, #tpu.memory_space<hbm>>
      %dma_start3A_108 = tpu.memref_slice %arg3[%mul3A_2] : memref<320000xi32, #tpu.memory_space<hbm>> -> memref<10000xi32, #tpu.memory_space<hbm>>
      tpu.enqueue_dma source(%dma_start3A_108 : memref<10000xi32, #tpu.memory_space<hbm>>) target(%arg5 : memref<10000xi32, #tpu.memory_space<vmem>>) target_semaphore(%run_scoped3A : memref<!tpu.dma_semaphore, #tpu.memory_space<semaphore_mem>>)
      %dma_wait3A_109 = tpu.memref_slice %arg3[%mul3A_2] : memref<320000xi32, #tpu.memory_space<hbm>> -> memref<10000xi32, #tpu.memory_space<hbm>>
      %dma_wait3A_110 = tpu.memref_slice %arg3[%mul3A_2] : memref<320000xi32, #tpu.memory_space<hbm>> -> memref<10000xi32, #tpu.memory_space<hbm>>
      tpu.wait_dma2 semaphore(%run_scoped3A : memref<!tpu.dma_semaphore, #tpu.memory_space<semaphore_mem>>) src(%dma_wait3A_110 : memref<10000xi32, #tpu.memory_space<hbm>>) dst(%arg5 : memref<10000xi32, #tpu.memory_space<vmem>>)
      tpu.yield
    }) : () -> ()
    %dma_start3A = arith.constant 0 : i32
    %dma_start3A_5 = arith.constant 0 : i32
    %dma_start3A_6 = arith.constant 0 : i32
    %dma_start3A_7 = tpu.memref_slice %arg6[%dma_start3A, %dma_start3A_5, %dma_start3A_6] : memref<2x200x128xf32, #tpu.memory_space<vmem>> -> memref<1x200x128xf32, #tpu.memory_space<vmem>>
    %dma_start3A_8 = tpu.memref_squeeze %dma_start3A_7 : memref<1x200x128xf32, #tpu.memory_space<vmem>> -> memref<200x128xf32, #tpu.memory_space<vmem>>
    %dma_start3A_9 = arith.constant 0 : i32
    %dma_start3A_10 = tpu.memref_slice %arg5[%dma_start3A_9] : memref<10000xi32, #tpu.memory_space<vmem>> -> memref<200xi32, #tpu.memory_space<vmem>>
    %dma_start3A_11 = arith.constant 0 : i32
    %dma_start3A_12 = arith.constant 0 : i32
    %dma_start3A_13 = tpu.memref_slice %arg7[%dma_start3A_11, %dma_start3A_12] : memref<5632x128xf32, #tpu.memory_space<vmem_shared>> -> memref<5632x128xf32, #tpu.memory_space<vmem_shared>>
    tpu.enqueue_indirect_dma source(%dma_start3A_13 : memref<5632x128xf32, #tpu.memory_space<vmem_shared>>) target(%dma_start3A_8 : memref<200x128xf32, #tpu.memory_space<vmem>>) offsets(%dma_start3A_10 : memref<200xi32, #tpu.memory_space<vmem>>) semaphore(%arg8 : memref<!tpu.dma_semaphore, #tpu.memory_space<semaphore_mem>>)
    %dma_wait3A = arith.constant 0 : i32
    %dma_wait3A_14 = arith.constant 0 : i32
    %dma_wait3A_15 = arith.constant 0 : i32
    %dma_wait3A_16 = tpu.memref_slice %arg6[%dma_wait3A, %dma_wait3A_14, %dma_wait3A_15] : memref<2x200x128xf32, #tpu.memory_space<vmem>> -> memref<1x200x128xf32, #tpu.memory_space<vmem>>
    %dma_wait3A_17 = tpu.memref_squeeze %dma_wait3A_16 : memref<1x200x128xf32, #tpu.memory_space<vmem>> -> memref<200x128xf32, #tpu.memory_space<vmem>>
    %dma_wait3A_18 = arith.constant 0 : i32
    %dma_wait3A_19 = tpu.memref_slice %arg5[%dma_wait3A_18] : memref<10000xi32, #tpu.memory_space<vmem>> -> memref<200xi32, #tpu.memory_space<vmem>>
    %dma_wait3A_20 = arith.constant 0 : i32
    %dma_wait3A_21 = arith.constant 0 : i32
    %dma_wait3A_22 = tpu.memref_slice %arg7[%dma_wait3A_20, %dma_wait3A_21] : memref<5632x128xf32, #tpu.memory_space<vmem_shared>> -> memref<5632x128xf32, #tpu.memory_space<vmem_shared>>
    tpu.wait_indirect_dma semaphore(%arg8 : memref<!tpu.dma_semaphore, #tpu.memory_space<semaphore_mem>>) src(%dma_wait3A_22 : memref<5632x128xf32, #tpu.memory_space<vmem_shared>>) dst(%dma_wait3A_17 : memref<200x128xf32, #tpu.memory_space<vmem>>)
    %add3A_23 = arith.constant 0 : i32
    %add3A_24 = arith.addi %mul3A_2, %add3A_23 : i32
    %dma_start3A_25 = arith.constant 0 : i32
    %dma_start3A_26 = arith.constant 0 : i32
    %dma_start3A_27 = arith.constant 0 : i32
    %dma_start3A_28 = tpu.memref_slice %arg6[%dma_start3A_25, %dma_start3A_26, %dma_start3A_27] : memref<2x200x128xf32, #tpu.memory_space<vmem>> -> memref<1x200x128xf32, #tpu.memory_space<vmem>>
    %dma_start3A_29 = tpu.memref_squeeze %dma_start3A_28 : memref<1x200x128xf32, #tpu.memory_space<vmem>> -> memref<200x128xf32, #tpu.memory_space<vmem>>
    %dma_start3A_30 = arith.constant 0 : i32
    %dma_start3A_31 = tpu.memref_slice %arg4[%add3A_24, %dma_start3A_30] : memref<320000x128xf32, #tpu.memory_space<hbm>> -> memref<200x128xf32, #tpu.memory_space<hbm>>
    %dma_start3A_32 = arith.constant 0 : i32
    %dma_start3A_33 = tpu.memref_slice %arg4[%add3A_24, %dma_start3A_32] : memref<320000x128xf32, #tpu.memory_space<hbm>> -> memref<200x128xf32, #tpu.memory_space<hbm>>
    %dma_start3A_34 = arith.constant 0 : i32
    %dma_start3A_35 = arith.constant 0 : i32
    %dma_start3A_36 = tpu.memref_slice %arg6[%dma_start3A_25, %dma_start3A_34, %dma_start3A_35] : memref<2x200x128xf32, #tpu.memory_space<vmem>> -> memref<1x200x128xf32, #tpu.memory_space<vmem>>
    %dma_start3A_37 = tpu.memref_squeeze %dma_start3A_36 : memref<1x200x128xf32, #tpu.memory_space<vmem>> -> memref<200x128xf32, #tpu.memory_space<vmem>>
    tpu.enqueue_dma source(%dma_start3A_37 : memref<200x128xf32, #tpu.memory_space<vmem>>) target(%dma_start3A_33 : memref<200x128xf32, #tpu.memory_space<hbm>>) target_semaphore(%arg10 : memref<!tpu.dma_semaphore, #tpu.memory_space<semaphore_mem>>)
    %dma_start3A_38 = arith.constant 1 : i32
    %dma_start3A_39 = arith.constant 0 : i32
    %dma_start3A_40 = arith.constant 0 : i32
    %dma_start3A_41 = tpu.memref_slice %arg6[%dma_start3A_38, %dma_start3A_39, %dma_start3A_40] : memref<2x200x128xf32, #tpu.memory_space<vmem>> -> memref<1x200x128xf32, #tpu.memory_space<vmem>>
    %dma_start3A_42 = tpu.memref_squeeze %dma_start3A_41 : memref<1x200x128xf32, #tpu.memory_space<vmem>> -> memref<200x128xf32, #tpu.memory_space<vmem>>
    %dma_start3A_43 = arith.constant 200 : i32
    %dma_start3A_44 = tpu.memref_slice %arg5[%dma_start3A_43] : memref<10000xi32, #tpu.memory_space<vmem>> -> memref<200xi32, #tpu.memory_space<vmem>>
    %dma_start3A_45 = arith.constant 0 : i32
    %dma_start3A_46 = arith.constant 0 : i32
    %dma_start3A_47 = tpu.memref_slice %arg7[%dma_start3A_45, %dma_start3A_46] : memref<5632x128xf32, #tpu.memory_space<vmem_shared>> -> memref<5632x128xf32, #tpu.memory_space<vmem_shared>>
    tpu.enqueue_indirect_dma source(%dma_start3A_47 : memref<5632x128xf32, #tpu.memory_space<vmem_shared>>) target(%dma_start3A_42 : memref<200x128xf32, #tpu.memory_space<vmem>>) offsets(%dma_start3A_44 : memref<200xi32, #tpu.memory_space<vmem>>) semaphore(%arg9 : memref<!tpu.dma_semaphore, #tpu.memory_space<semaphore_mem>>)
    %scan3A = arith.constant 0 : i32
    %scan3A_48 = arith.constant 24 : i32
    %scan3A_49 = arith.addi %scan3A, %scan3A_48 : i32
    %scan3A_50 = arith.constant 1 : i32
    scf.for %scan3A_107 = %scan3A to %scan3A_49 step %scan3A_50  : i32 {
      %mul3A_108 = arith.constant 2 : i32
      %mul3A_109 = arith.muli %scan3A_107, %mul3A_108 : i32
      %add3A_110 = arith.constant 1 : i32
      %add3A_111 = arith.addi %add3A_110, %mul3A_109 : i32
      %mul3A_112 = arith.constant 200 : i32
      %mul3A_113 = arith.muli %add3A_111, %mul3A_112 : i32
      %dma_wait3A_114 = arith.constant 1 : i32
      %dma_wait3A_115 = arith.constant 0 : i32
      %dma_wait3A_116 = arith.constant 0 : i32
      %dma_wait3A_117 = tpu.memref_slice %arg6[%dma_wait3A_114, %dma_wait3A_115, %dma_wait3A_116] : memref<2x200x128xf32, #tpu.memory_space<vmem>> -> memref<1x200x128xf32, #tpu.memory_space<vmem>>
      %dma_wait3A_118 = tpu.memref_squeeze %dma_wait3A_117 : memref<1x200x128xf32, #tpu.memory_space<vmem>> -> memref<200x128xf32, #tpu.memory_space<vmem>>
      %dma_wait3A_119 = tpu.memref_slice %arg5[%mul3A_113] : memref<10000xi32, #tpu.memory_space<vmem>> -> memref<200xi32, #tpu.memory_space<vmem>>
      %dma_wait3A_120 = arith.constant 0 : i32
      %dma_wait3A_121 = arith.constant 0 : i32
      %dma_wait3A_122 = tpu.memref_slice %arg7[%dma_wait3A_120, %dma_wait3A_121] : memref<5632x128xf32, #tpu.memory_space<vmem_shared>> -> memref<5632x128xf32, #tpu.memory_space<vmem_shared>>
      tpu.wait_indirect_dma semaphore(%arg9 : memref<!tpu.dma_semaphore, #tpu.memory_space<semaphore_mem>>) src(%dma_wait3A_122 : memref<5632x128xf32, #tpu.memory_space<vmem_shared>>) dst(%dma_wait3A_118 : memref<200x128xf32, #tpu.memory_space<vmem>>)
      %mul3A_123 = arith.constant 200 : i32
      %mul3A_124 = arith.muli %add3A_111, %mul3A_123 : i32
      %add3A_125 = arith.addi %mul3A_2, %mul3A_124 : i32
      %dma_start3A_126 = arith.constant 1 : i32
      %dma_start3A_127 = arith.constant 0 : i32
      %dma_start3A_128 = arith.constant 0 : i32
      %dma_start3A_129 = tpu.memref_slice %arg6[%dma_start3A_126, %dma_start3A_127, %dma_start3A_128] : memref<2x200x128xf32, #tpu.memory_space<vmem>> -> memref<1x200x128xf32, #tpu.memory_space<vmem>>
      %dma_start3A_130 = tpu.memref_squeeze %dma_start3A_129 : memref<1x200x128xf32, #tpu.memory_space<vmem>> -> memref<200x128xf32, #tpu.memory_space<vmem>>
      %dma_start3A_131 = arith.constant 0 : i32
      %dma_start3A_132 = tpu.memref_slice %arg4[%add3A_125, %dma_start3A_131] : memref<320000x128xf32, #tpu.memory_space<hbm>> -> memref<200x128xf32, #tpu.memory_space<hbm>>
      %dma_start3A_133 = arith.constant 0 : i32
      %dma_start3A_134 = tpu.memref_slice %arg4[%add3A_125, %dma_start3A_133] : memref<320000x128xf32, #tpu.memory_space<hbm>> -> memref<200x128xf32, #tpu.memory_space<hbm>>
      %dma_start3A_135 = arith.constant 0 : i32
      %dma_start3A_136 = arith.constant 0 : i32
      %dma_start3A_137 = tpu.memref_slice %arg6[%dma_start3A_126, %dma_start3A_135, %dma_start3A_136] : memref<2x200x128xf32, #tpu.memory_space<vmem>> -> memref<1x200x128xf32, #tpu.memory_space<vmem>>
      %dma_start3A_138 = tpu.memref_squeeze %dma_start3A_137 : memref<1x200x128xf32, #tpu.memory_space<vmem>> -> memref<200x128xf32, #tpu.memory_space<vmem>>
      tpu.enqueue_dma source(%dma_start3A_138 : memref<200x128xf32, #tpu.memory_space<vmem>>) target(%dma_start3A_134 : memref<200x128xf32, #tpu.memory_space<hbm>>) target_semaphore(%arg11 : memref<!tpu.dma_semaphore, #tpu.memory_space<semaphore_mem>>)
      %sub3A = arith.constant 1 : i32
      %sub3A_139 = arith.subi %add3A_111, %sub3A : i32
      %mul3A_140 = arith.constant 200 : i32
      %mul3A_141 = arith.muli %sub3A_139, %mul3A_140 : i32
      %add3A_142 = arith.addi %mul3A_2, %mul3A_141 : i32
      %dma_wait3A_143 = arith.constant 0 : i32
      %dma_wait3A_144 = arith.constant 0 : i32
      %dma_wait3A_145 = arith.constant 0 : i32
      %dma_wait3A_146 = tpu.memref_slice %arg6[%dma_wait3A_143, %dma_wait3A_144, %dma_wait3A_145] : memref<2x200x128xf32, #tpu.memory_space<vmem>> -> memref<1x200x128xf32, #tpu.memory_space<vmem>>
      %dma_wait3A_147 = tpu.memref_squeeze %dma_wait3A_146 : memref<1x200x128xf32, #tpu.memory_space<vmem>> -> memref<200x128xf32, #tpu.memory_space<vmem>>
      %dma_wait3A_148 = arith.constant 0 : i32
      %dma_wait3A_149 = tpu.memref_slice %arg4[%add3A_142, %dma_wait3A_148] : memref<320000x128xf32, #tpu.memory_space<hbm>> -> memref<200x128xf32, #tpu.memory_space<hbm>>
      %dma_wait3A_150 = arith.constant 0 : i32
      %dma_wait3A_151 = tpu.memref_slice %arg4[%add3A_142, %dma_wait3A_150] : memref<320000x128xf32, #tpu.memory_space<hbm>> -> memref<200x128xf32, #tpu.memory_space<hbm>>
      %dma_wait3A_152 = arith.constant 0 : i32
      %dma_wait3A_153 = arith.constant 0 : i32
      %dma_wait3A_154 = tpu.memref_slice %arg6[%dma_wait3A_143, %dma_wait3A_152, %dma_wait3A_153] : memref<2x200x128xf32, #tpu.memory_space<vmem>> -> memref<1x200x128xf32, #tpu.memory_space<vmem>>
      %dma_wait3A_155 = tpu.memref_squeeze %dma_wait3A_154 : memref<1x200x128xf32, #tpu.memory_space<vmem>> -> memref<200x128xf32, #tpu.memory_space<vmem>>
      tpu.wait_dma2 semaphore(%arg10 : memref<!tpu.dma_semaphore, #tpu.memory_space<semaphore_mem>>) src(%dma_wait3A_155 : memref<200x128xf32, #tpu.memory_space<vmem>>) dst(%dma_wait3A_151 : memref<200x128xf32, #tpu.memory_space<hbm>>)
      %add3A_156 = arith.constant 1 : i32
      %add3A_157 = arith.addi %add3A_111, %add3A_156 : i32
      %mul3A_158 = arith.constant 200 : i32
      %mul3A_159 = arith.muli %add3A_157, %mul3A_158 : i32
      %dma_start3A_160 = arith.constant 0 : i32
      %dma_start3A_161 = arith.constant 0 : i32
      %dma_start3A_162 = arith.constant 0 : i32
      %dma_start3A_163 = tpu.memref_slice %arg6[%dma_start3A_160, %dma_start3A_161, %dma_start3A_162] : memref<2x200x128xf32, #tpu.memory_space<vmem>> -> memref<1x200x128xf32, #tpu.memory_space<vmem>>
      %dma_start3A_164 = tpu.memref_squeeze %dma_start3A_163 : memref<1x200x128xf32, #tpu.memory_space<vmem>> -> memref<200x128xf32, #tpu.memory_space<vmem>>
      %dma_start3A_165 = tpu.memref_slice %arg5[%mul3A_159] : memref<10000xi32, #tpu.memory_space<vmem>> -> memref<200xi32, #tpu.memory_space<vmem>>
      %dma_start3A_166 = arith.constant 0 : i32
      %dma_start3A_167 = arith.constant 0 : i32
      %dma_start3A_168 = tpu.memref_slice %arg7[%dma_start3A_166, %dma_start3A_167] : memref<5632x128xf32, #tpu.memory_space<vmem_shared>> -> memref<5632x128xf32, #tpu.memory_space<vmem_shared>>
      tpu.enqueue_indirect_dma source(%dma_start3A_168 : memref<5632x128xf32, #tpu.memory_space<vmem_shared>>) target(%dma_start3A_164 : memref<200x128xf32, #tpu.memory_space<vmem>>) offsets(%dma_start3A_165 : memref<200xi32, #tpu.memory_space<vmem>>) semaphore(%arg8 : memref<!tpu.dma_semaphore, #tpu.memory_space<semaphore_mem>>)
      %add3A_169 = arith.constant 1 : i32
      %add3A_170 = arith.addi %add3A_111, %add3A_169 : i32
      %mul3A_171 = arith.constant 200 : i32
      %mul3A_172 = arith.muli %add3A_170, %mul3A_171 : i32
      %dma_wait3A_173 = arith.constant 0 : i32
      %dma_wait3A_174 = arith.constant 0 : i32
      %dma_wait3A_175 = arith.constant 0 : i32
      %dma_wait3A_176 = tpu.memref_slice %arg6[%dma_wait3A_173, %dma_wait3A_174, %dma_wait3A_175] : memref<2x200x128xf32, #tpu.memory_space<vmem>> -> memref<1x200x128xf32, #tpu.memory_space<vmem>>
      %dma_wait3A_177 = tpu.memref_squeeze %dma_wait3A_176 : memref<1x200x128xf32, #tpu.memory_space<vmem>> -> memref<200x128xf32, #tpu.memory_space<vmem>>
      %dma_wait3A_178 = tpu.memref_slice %arg5[%mul3A_172] : memref<10000xi32, #tpu.memory_space<vmem>> -> memref<200xi32, #tpu.memory_space<vmem>>
      %dma_wait3A_179 = arith.constant 0 : i32
      %dma_wait3A_180 = arith.constant 0 : i32
      %dma_wait3A_181 = tpu.memref_slice %arg7[%dma_wait3A_179, %dma_wait3A_180] : memref<5632x128xf32, #tpu.memory_space<vmem_shared>> -> memref<5632x128xf32, #tpu.memory_space<vmem_shared>>
      tpu.wait_indirect_dma semaphore(%arg8 : memref<!tpu.dma_semaphore, #tpu.memory_space<semaphore_mem>>) src(%dma_wait3A_181 : memref<5632x128xf32, #tpu.memory_space<vmem_shared>>) dst(%dma_wait3A_177 : memref<200x128xf32, #tpu.memory_space<vmem>>)
      %add3A_182 = arith.constant 1 : i32
      %add3A_183 = arith.addi %add3A_111, %add3A_182 : i32
      %mul3A_184 = arith.constant 200 : i32
      %mul3A_185 = arith.muli %add3A_183, %mul3A_184 : i32
      %add3A_186 = arith.addi %mul3A_2, %mul3A_185 : i32
      %dma_start3A_187 = arith.constant 0 : i32
      %dma_start3A_188 = arith.constant 0 : i32
      %dma_start3A_189 = arith.constant 0 : i32
      %dma_start3A_190 = tpu.memref_slice %arg6[%dma_start3A_187, %dma_start3A_188, %dma_start3A_189] : memref<2x200x128xf32, #tpu.memory_space<vmem>> -> memref<1x200x128xf32, #tpu.memory_space<vmem>>
      %dma_start3A_191 = tpu.memref_squeeze %dma_start3A_190 : memref<1x200x128xf32, #tpu.memory_space<vmem>> -> memref<200x128xf32, #tpu.memory_space<vmem>>
      %dma_start3A_192 = arith.constant 0 : i32
      %dma_start3A_193 = tpu.memref_slice %arg4[%add3A_186, %dma_start3A_192] : memref<320000x128xf32, #tpu.memory_space<hbm>> -> memref<200x128xf32, #tpu.memory_space<hbm>>
      %dma_start3A_194 = arith.constant 0 : i32
      %dma_start3A_195 = tpu.memref_slice %arg4[%add3A_186, %dma_start3A_194] : memref<320000x128xf32, #tpu.memory_space<hbm>> -> memref<200x128xf32, #tpu.memory_space<hbm>>
      %dma_start3A_196 = arith.constant 0 : i32
      %dma_start3A_197 = arith.constant 0 : i32
      %dma_start3A_198 = tpu.memref_slice %arg6[%dma_start3A_187, %dma_start3A_196, %dma_start3A_197] : memref<2x200x128xf32, #tpu.memory_space<vmem>> -> memref<1x200x128xf32, #tpu.memory_space<vmem>>
      %dma_start3A_199 = tpu.memref_squeeze %dma_start3A_198 : memref<1x200x128xf32, #tpu.memory_space<vmem>> -> memref<200x128xf32, #tpu.memory_space<vmem>>
      tpu.enqueue_dma source(%dma_start3A_199 : memref<200x128xf32, #tpu.memory_space<vmem>>) target(%dma_start3A_195 : memref<200x128xf32, #tpu.memory_space<hbm>>) target_semaphore(%arg10 : memref<!tpu.dma_semaphore, #tpu.memory_space<semaphore_mem>>)
      %mul3A_200 = arith.constant 200 : i32
      %mul3A_201 = arith.muli %add3A_111, %mul3A_200 : i32
      %add3A_202 = arith.addi %mul3A_2, %mul3A_201 : i32
      %dma_wait3A_203 = arith.constant 1 : i32
      %dma_wait3A_204 = arith.constant 0 : i32
      %dma_wait3A_205 = arith.constant 0 : i32
      %dma_wait3A_206 = tpu.memref_slice %arg6[%dma_wait3A_203, %dma_wait3A_204, %dma_wait3A_205] : memref<2x200x128xf32, #tpu.memory_space<vmem>> -> memref<1x200x128xf32, #tpu.memory_space<vmem>>
      %dma_wait3A_207 = tpu.memref_squeeze %dma_wait3A_206 : memref<1x200x128xf32, #tpu.memory_space<vmem>> -> memref<200x128xf32, #tpu.memory_space<vmem>>
      %dma_wait3A_208 = arith.constant 0 : i32
      %dma_wait3A_209 = tpu.memref_slice %arg4[%add3A_202, %dma_wait3A_208] : memref<320000x128xf32, #tpu.memory_space<hbm>> -> memref<200x128xf32, #tpu.memory_space<hbm>>
      %dma_wait3A_210 = arith.constant 0 : i32
      %dma_wait3A_211 = tpu.memref_slice %arg4[%add3A_202, %dma_wait3A_210] : memref<320000x128xf32, #tpu.memory_space<hbm>> -> memref<200x128xf32, #tpu.memory_space<hbm>>
      %dma_wait3A_212 = arith.constant 0 : i32
      %dma_wait3A_213 = arith.constant 0 : i32
      %dma_wait3A_214 = tpu.memref_slice %arg6[%dma_wait3A_203, %dma_wait3A_212, %dma_wait3A_213] : memref<2x200x128xf32, #tpu.memory_space<vmem>> -> memref<1x200x128xf32, #tpu.memory_space<vmem>>
      %dma_wait3A_215 = tpu.memref_squeeze %dma_wait3A_214 : memref<1x200x128xf32, #tpu.memory_space<vmem>> -> memref<200x128xf32, #tpu.memory_space<vmem>>
      tpu.wait_dma2 semaphore(%arg11 : memref<!tpu.dma_semaphore, #tpu.memory_space<semaphore_mem>>) src(%dma_wait3A_215 : memref<200x128xf32, #tpu.memory_space<vmem>>) dst(%dma_wait3A_211 : memref<200x128xf32, #tpu.memory_space<hbm>>)
      %add3A_216 = arith.constant 2 : i32
      %add3A_217 = arith.addi %add3A_111, %add3A_216 : i32
      %mul3A_218 = arith.constant 200 : i32
      %mul3A_219 = arith.muli %add3A_217, %mul3A_218 : i32
      %dma_start3A_220 = arith.constant 1 : i32
      %dma_start3A_221 = arith.constant 0 : i32
      %dma_start3A_222 = arith.constant 0 : i32
      %dma_start3A_223 = tpu.memref_slice %arg6[%dma_start3A_220, %dma_start3A_221, %dma_start3A_222] : memref<2x200x128xf32, #tpu.memory_space<vmem>> -> memref<1x200x128xf32, #tpu.memory_space<vmem>>
      %dma_start3A_224 = tpu.memref_squeeze %dma_start3A_223 : memref<1x200x128xf32, #tpu.memory_space<vmem>> -> memref<200x128xf32, #tpu.memory_space<vmem>>
      %dma_start3A_225 = tpu.memref_slice %arg5[%mul3A_219] : memref<10000xi32, #tpu.memory_space<vmem>> -> memref<200xi32, #tpu.memory_space<vmem>>
      %dma_start3A_226 = arith.constant 0 : i32
      %dma_start3A_227 = arith.constant 0 : i32
      %dma_start3A_228 = tpu.memref_slice %arg7[%dma_start3A_226, %dma_start3A_227] : memref<5632x128xf32, #tpu.memory_space<vmem_shared>> -> memref<5632x128xf32, #tpu.memory_space<vmem_shared>>
      tpu.enqueue_indirect_dma source(%dma_start3A_228 : memref<5632x128xf32, #tpu.memory_space<vmem_shared>>) target(%dma_start3A_224 : memref<200x128xf32, #tpu.memory_space<vmem>>) offsets(%dma_start3A_225 : memref<200xi32, #tpu.memory_space<vmem>>) semaphore(%arg9 : memref<!tpu.dma_semaphore, #tpu.memory_space<semaphore_mem>>)
    }
    %scan3A_51 = arith.constant 24 : i32
    %dma_wait3A_52 = arith.constant 1 : i32
    %dma_wait3A_53 = arith.constant 0 : i32
    %dma_wait3A_54 = arith.constant 0 : i32
    %dma_wait3A_55 = tpu.memref_slice %arg6[%dma_wait3A_52, %dma_wait3A_53, %dma_wait3A_54] : memref<2x200x128xf32, #tpu.memory_space<vmem>> -> memref<1x200x128xf32, #tpu.memory_space<vmem>>
    %dma_wait3A_56 = tpu.memref_squeeze %dma_wait3A_55 : memref<1x200x128xf32, #tpu.memory_space<vmem>> -> memref<200x128xf32, #tpu.memory_space<vmem>>
    %dma_wait3A_57 = arith.constant 9800 : i32
    %dma_wait3A_58 = tpu.memref_slice %arg5[%dma_wait3A_57] : memref<10000xi32, #tpu.memory_space<vmem>> -> memref<200xi32, #tpu.memory_space<vmem>>
    %dma_wait3A_59 = arith.constant 0 : i32
    %dma_wait3A_60 = arith.constant 0 : i32
    %dma_wait3A_61 = tpu.memref_slice %arg7[%dma_wait3A_59, %dma_wait3A_60] : memref<5632x128xf32, #tpu.memory_space<vmem_shared>> -> memref<5632x128xf32, #tpu.memory_space<vmem_shared>>
    tpu.wait_indirect_dma semaphore(%arg9 : memref<!tpu.dma_semaphore, #tpu.memory_space<semaphore_mem>>) src(%dma_wait3A_61 : memref<5632x128xf32, #tpu.memory_space<vmem_shared>>) dst(%dma_wait3A_56 : memref<200x128xf32, #tpu.memory_space<vmem>>)
    %add3A_62 = arith.constant 9800 : i32
    %add3A_63 = arith.addi %mul3A_2, %add3A_62 : i32
    %dma_start3A_64 = arith.constant 1 : i32
    %dma_start3A_65 = arith.constant 0 : i32
    %dma_start3A_66 = arith.constant 0 : i32
    %dma_start3A_67 = tpu.memref_slice %arg6[%dma_start3A_64, %dma_start3A_65, %dma_start3A_66] : memref<2x200x128xf32, #tpu.memory_space<vmem>> -> memref<1x200x128xf32, #tpu.memory_space<vmem>>
    %dma_start3A_68 = tpu.memref_squeeze %dma_start3A_67 : memref<1x200x128xf32, #tpu.memory_space<vmem>> -> memref<200x128xf32, #tpu.memory_space<vmem>>
    %dma_start3A_69 = arith.constant 0 : i32
    %dma_start3A_70 = tpu.memref_slice %arg4[%add3A_63, %dma_start3A_69] : memref<320000x128xf32, #tpu.memory_space<hbm>> -> memref<200x128xf32, #tpu.memory_space<hbm>>
    %dma_start3A_71 = arith.constant 0 : i32
    %dma_start3A_72 = tpu.memref_slice %arg4[%add3A_63, %dma_start3A_71] : memref<320000x128xf32, #tpu.memory_space<hbm>> -> memref<200x128xf32, #tpu.memory_space<hbm>>
    %dma_start3A_73 = arith.constant 0 : i32
    %dma_start3A_74 = arith.constant 0 : i32
    %dma_start3A_75 = tpu.memref_slice %arg6[%dma_start3A_64, %dma_start3A_73, %dma_start3A_74] : memref<2x200x128xf32, #tpu.memory_space<vmem>> -> memref<1x200x128xf32, #tpu.memory_space<vmem>>
    %dma_start3A_76 = tpu.memref_squeeze %dma_start3A_75 : memref<1x200x128xf32, #tpu.memory_space<vmem>> -> memref<200x128xf32, #tpu.memory_space<vmem>>
    tpu.enqueue_dma source(%dma_start3A_76 : memref<200x128xf32, #tpu.memory_space<vmem>>) target(%dma_start3A_72 : memref<200x128xf32, #tpu.memory_space<hbm>>) target_semaphore(%arg11 : memref<!tpu.dma_semaphore, #tpu.memory_space<semaphore_mem>>)
    %add3A_77 = arith.constant 9600 : i32
    %add3A_78 = arith.addi %mul3A_2, %add3A_77 : i32
    %dma_wait3A_79 = arith.constant 0 : i32
    %dma_wait3A_80 = arith.constant 0 : i32
    %dma_wait3A_81 = arith.constant 0 : i32
    %dma_wait3A_82 = tpu.memref_slice %arg6[%dma_wait3A_79, %dma_wait3A_80, %dma_wait3A_81] : memref<2x200x128xf32, #tpu.memory_space<vmem>> -> memref<1x200x128xf32, #tpu.memory_space<vmem>>
    %dma_wait3A_83 = tpu.memref_squeeze %dma_wait3A_82 : memref<1x200x128xf32, #tpu.memory_space<vmem>> -> memref<200x128xf32, #tpu.memory_space<vmem>>
    %dma_wait3A_84 = arith.constant 0 : i32
    %dma_wait3A_85 = tpu.memref_slice %arg4[%add3A_78, %dma_wait3A_84] : memref<320000x128xf32, #tpu.memory_space<hbm>> -> memref<200x128xf32, #tpu.memory_space<hbm>>
    %dma_wait3A_86 = arith.constant 0 : i32
    %dma_wait3A_87 = tpu.memref_slice %arg4[%add3A_78, %dma_wait3A_86] : memref<320000x128xf32, #tpu.memory_space<hbm>> -> memref<200x128xf32, #tpu.memory_space<hbm>>
    %dma_wait3A_88 = arith.constant 0 : i32
    %dma_wait3A_89 = arith.constant 0 : i32
    %dma_wait3A_90 = tpu.memref_slice %arg6[%dma_wait3A_79, %dma_wait3A_88, %dma_wait3A_89] : memref<2x200x128xf32, #tpu.memory_space<vmem>> -> memref<1x200x128xf32, #tpu.memory_space<vmem>>
    %dma_wait3A_91 = tpu.memref_squeeze %dma_wait3A_90 : memref<1x200x128xf32, #tpu.memory_space<vmem>> -> memref<200x128xf32, #tpu.memory_space<vmem>>
    tpu.wait_dma2 semaphore(%arg10 : memref<!tpu.dma_semaphore, #tpu.memory_space<semaphore_mem>>) src(%dma_wait3A_91 : memref<200x128xf32, #tpu.memory_space<vmem>>) dst(%dma_wait3A_87 : memref<200x128xf32, #tpu.memory_space<hbm>>)
    %add3A_92 = arith.constant 9800 : i32
    %add3A_93 = arith.addi %mul3A_2, %add3A_92 : i32
    %dma_wait3A_94 = arith.constant 1 : i32
    %dma_wait3A_95 = arith.constant 0 : i32
    %dma_wait3A_96 = arith.constant 0 : i32
    %dma_wait3A_97 = tpu.memref_slice %arg6[%dma_wait3A_94, %dma_wait3A_95, %dma_wait3A_96] : memref<2x200x128xf32, #tpu.memory_space<vmem>> -> memref<1x200x128xf32, #tpu.memory_space<vmem>>
    %dma_wait3A_98 = tpu.memref_squeeze %dma_wait3A_97 : memref<1x200x128xf32, #tpu.memory_space<vmem>> -> memref<200x128xf32, #tpu.memory_space<vmem>>
    %dma_wait3A_99 = arith.constant 0 : i32
    %dma_wait3A_100 = tpu.memref_slice %arg4[%add3A_93, %dma_wait3A_99] : memref<320000x128xf32, #tpu.memory_space<hbm>> -> memref<200x128xf32, #tpu.memory_space<hbm>>
    %dma_wait3A_101 = arith.constant 0 : i32
    %dma_wait3A_102 = tpu.memref_slice %arg4[%add3A_93, %dma_wait3A_101] : memref<320000x128xf32, #tpu.memory_space<hbm>> -> memref<200x128xf32, #tpu.memory_space<hbm>>
    %dma_wait3A_103 = arith.constant 0 : i32
    %dma_wait3A_104 = arith.constant 0 : i32
    %dma_wait3A_105 = tpu.memref_slice %arg6[%dma_wait3A_94, %dma_wait3A_103, %dma_wait3A_104] : memref<2x200x128xf32, #tpu.memory_space<vmem>> -> memref<1x200x128xf32, #tpu.memory_space<vmem>>
    %dma_wait3A_106 = tpu.memref_squeeze %dma_wait3A_105 : memref<1x200x128xf32, #tpu.memory_space<vmem>> -> memref<200x128xf32, #tpu.memory_space<vmem>>
    tpu.wait_dma2 semaphore(%arg11 : memref<!tpu.dma_semaphore, #tpu.memory_space<semaphore_mem>>) src(%dma_wait3A_106 : memref<200x128xf32, #tpu.memory_space<vmem>>) dst(%dma_wait3A_102 : memref<200x128xf32, #tpu.memory_space<hbm>>)
    return
  }
}

#map = affine_map<(d0, d1) -> (0, 0)>
#map1 = affine_map<(d0, d1) -> (0)>
module attributes {stable_mosaic.version = 14 : i64} {
  func.func @k(%arg0: i32, %arg1: i32, %arg2: memref<10240x128xf32, #tpu.memory_space<hbm>>, %arg3: memref<320000xi32, #tpu.memory_space<hbm>>, %arg4: memref<320000x128xf32, #tpu.memory_space<hbm>>, %arg5: memref<10000xi32, #tpu.memory_space<vmem>>, %arg6: memref<2x200x128xf32, #tpu.memory_space<vmem>>, %arg7: memref<5632x128xf32, #tpu.memory_space<vmem_shared>>, %arg8: memref<!tpu.dma_semaphore, #tpu.memory_space<semaphore_mem>>, %arg9: memref<!tpu.dma_semaphore, #tpu.memory_space<semaphore_mem>>, %arg10: memref<!tpu.dma_semaphore, #tpu.memory_space<semaphore_mem>>, %arg11: memref<!tpu.dma_semaphore, #tpu.memory_space<semaphore_mem>>) attributes {dimension_semantics = [#tpu.dimension_semantics<core_parallel>, #tpu.dimension_semantics<subcore_parallel>], iteration_bounds = array<i64: 2, 16>, scalar_prefetch = 0 : i64, scratch_operands = 7 : i64, tpu.core_type = #tpu.core_type<sc_vector_subcore>, window_params = [{transform_indices = #map}, {transform_indices = #map1}, {transform_indices = #map}]} {
    %mul3A = arith.constant 16 : i32
    %mul3A_0 = arith.muli %arg0, %mul3A : i32
    %add3A = arith.addi %mul3A_0, %arg1 : i32
    %mul3A_1 = arith.constant 10000 : i32
    %mul3A_2 = arith.muli %add3A, %mul3A_1 : i32
    %eq3A = arith.constant 0 : i32
    %eq3A_3 = arith.cmpi eq, %arg1, %eq3A : i32
    %convert_element_type3A = arith.extui %eq3A_3 : i1 to i32
    %cond3A = arith.constant 0 : i32
    %cond3A_4 = arith.cmpi ne, %convert_element_type3A, %cond3A : i32
    scf.if %cond3A_4 {
      %mul3A_107 = arith.constant 4608 : i32
      %mul3A_108 = arith.muli %arg0, %mul3A_107 : i32
      "tpu.region"() ({
        %run_scoped3A = tpu.sem_alloc : memref<!tpu.dma_semaphore, #tpu.memory_space<semaphore_mem>>
        %dma_start3A_109 = arith.constant 0 : i32
        %dma_start3A_110 = tpu.memref_slice %arg2[%mul3A_108, %dma_start3A_109] : memref<10240x128xf32, #tpu.memory_space<hbm>> -> memref<5632x128xf32, #tpu.memory_space<hbm>>
        tpu.enqueue_dma source(%dma_start3A_110 : memref<5632x128xf32, #tpu.memory_space<hbm>>) target(%arg7 : memref<5632x128xf32, #tpu.memory_space<vmem_shared>>) target_semaphore(%run_scoped3A : memref<!tpu.dma_semaphore, #tpu.memory_space<semaphore_mem>>)
        %dma_wait3A_111 = arith.constant 0 : i32
        %dma_wait3A_112 = tpu.memref_slice %arg2[%mul3A_108, %dma_wait3A_111] : memref<10240x128xf32, #tpu.memory_space<hbm>> -> memref<5632x128xf32, #tpu.memory_space<hbm>>
        tpu.wait_dma2 semaphore(%run_scoped3A : memref<!tpu.dma_semaphore, #tpu.memory_space<semaphore_mem>>) src(%dma_wait3A_112 : memref<5632x128xf32, #tpu.memory_space<hbm>>) dst(%arg7 : memref<5632x128xf32, #tpu.memory_space<vmem_shared>>)
        tpu.yield
      }) : () -> ()
    } else {
    }
    %barrier3A = arith.constant 0 : index
    tpu.barrier barrier_id(%barrier3A)
    "tpu.region"() ({
      %run_scoped3A = tpu.sem_alloc : memref<!tpu.dma_semaphore, #tpu.memory_space<semaphore_mem>>
      %dma_start3A_107 = tpu.memref_slice %arg3[%mul3A_2] : memref<320000xi32, #tpu.memory_space<hbm>> -> memref<10000xi32, #tpu.memory_space<hbm>>
      %dma_start3A_108 = tpu.memref_slice %arg3[%mul3A_2] : memref<320000xi32, #tpu.memory_space<hbm>> -> memref<10000xi32, #tpu.memory_space<hbm>>
      tpu.enqueue_dma source(%dma_start3A_108 : memref<10000xi32, #tpu.memory_space<hbm>>) target(%arg5 : memref<10000xi32, #tpu.memory_space<vmem>>) target_semaphore(%run_scoped3A : memref<!tpu.dma_semaphore, #tpu.memory_space<semaphore_mem>>)
      %dma_wait3A_109 = tpu.memref_slice %arg3[%mul3A_2] : memref<320000xi32, #tpu.memory_space<hbm>> -> memref<10000xi32, #tpu.memory_space<hbm>>
      %dma_wait3A_110 = tpu.memref_slice %arg3[%mul3A_2] : memref<320000xi32, #tpu.memory_space<hbm>> -> memref<10000xi32, #tpu.memory_space<hbm>>
      tpu.wait_dma2 semaphore(%run_scoped3A : memref<!tpu.dma_semaphore, #tpu.memory_space<semaphore_mem>>) src(%dma_wait3A_110 : memref<10000xi32, #tpu.memory_space<hbm>>) dst(%arg5 : memref<10000xi32, #tpu.memory_space<vmem>>)
      tpu.yield
    }) : () -> ()
    %dma_start3A = arith.constant 0 : i32
    %dma_start3A_5 = arith.constant 0 : i32
    %dma_start3A_6 = arith.constant 0 : i32
    %dma_start3A_7 = tpu.memref_slice %arg6[%dma_start3A, %dma_start3A_5, %dma_start3A_6] : memref<2x200x128xf32, #tpu.memory_space<vmem>> -> memref<1x200x128xf32, #tpu.memory_space<vmem>>
    %dma_start3A_8 = tpu.memref_squeeze %dma_start3A_7 : memref<1x200x128xf32, #tpu.memory_space<vmem>> -> memref<200x128xf32, #tpu.memory_space<vmem>>
    %dma_start3A_9 = arith.constant 0 : i32
    %dma_start3A_10 = tpu.memref_slice %arg5[%dma_start3A_9] : memref<10000xi32, #tpu.memory_space<vmem>> -> memref<200xi32, #tpu.memory_space<vmem>>
    %dma_start3A_11 = arith.constant 0 : i32
    %dma_start3A_12 = arith.constant 0 : i32
    %dma_start3A_13 = tpu.memref_slice %arg7[%dma_start3A_11, %dma_start3A_12] : memref<5632x128xf32, #tpu.memory_space<vmem_shared>> -> memref<5632x128xf32, #tpu.memory_space<vmem_shared>>
    tpu.enqueue_indirect_dma source(%dma_start3A_13 : memref<5632x128xf32, #tpu.memory_space<vmem_shared>>) target(%dma_start3A_8 : memref<200x128xf32, #tpu.memory_space<vmem>>) offsets(%dma_start3A_10 : memref<200xi32, #tpu.memory_space<vmem>>) semaphore(%arg8 : memref<!tpu.dma_semaphore, #tpu.memory_space<semaphore_mem>>)
    %dma_wait3A = arith.constant 0 : i32
    %dma_wait3A_14 = arith.constant 0 : i32
    %dma_wait3A_15 = arith.constant 0 : i32
    %dma_wait3A_16 = tpu.memref_slice %arg6[%dma_wait3A, %dma_wait3A_14, %dma_wait3A_15] : memref<2x200x128xf32, #tpu.memory_space<vmem>> -> memref<1x200x128xf32, #tpu.memory_space<vmem>>
    %dma_wait3A_17 = tpu.memref_squeeze %dma_wait3A_16 : memref<1x200x128xf32, #tpu.memory_space<vmem>> -> memref<200x128xf32, #tpu.memory_space<vmem>>
    %dma_wait3A_18 = arith.constant 0 : i32
    %dma_wait3A_19 = tpu.memref_slice %arg5[%dma_wait3A_18] : memref<10000xi32, #tpu.memory_space<vmem>> -> memref<200xi32, #tpu.memory_space<vmem>>
    %dma_wait3A_20 = arith.constant 0 : i32
    %dma_wait3A_21 = arith.constant 0 : i32
    %dma_wait3A_22 = tpu.memref_slice %arg7[%dma_wait3A_20, %dma_wait3A_21] : memref<5632x128xf32, #tpu.memory_space<vmem_shared>> -> memref<5632x128xf32, #tpu.memory_space<vmem_shared>>
    tpu.wait_indirect_dma semaphore(%arg8 : memref<!tpu.dma_semaphore, #tpu.memory_space<semaphore_mem>>) src(%dma_wait3A_22 : memref<5632x128xf32, #tpu.memory_space<vmem_shared>>) dst(%dma_wait3A_17 : memref<200x128xf32, #tpu.memory_space<vmem>>)
    %add3A_23 = arith.constant 0 : i32
    %add3A_24 = arith.addi %mul3A_2, %add3A_23 : i32
    %dma_start3A_25 = arith.constant 0 : i32
    %dma_start3A_26 = arith.constant 0 : i32
    %dma_start3A_27 = arith.constant 0 : i32
    %dma_start3A_28 = tpu.memref_slice %arg6[%dma_start3A_25, %dma_start3A_26, %dma_start3A_27] : memref<2x200x128xf32, #tpu.memory_space<vmem>> -> memref<1x200x128xf32, #tpu.memory_space<vmem>>
    %dma_start3A_29 = tpu.memref_squeeze %dma_start3A_28 : memref<1x200x128xf32, #tpu.memory_space<vmem>> -> memref<200x128xf32, #tpu.memory_space<vmem>>
    %dma_start3A_30 = arith.constant 0 : i32
    %dma_start3A_31 = tpu.memref_slice %arg4[%add3A_24, %dma_start3A_30] : memref<320000x128xf32, #tpu.memory_space<hbm>> -> memref<200x128xf32, #tpu.memory_space<hbm>>
    %dma_start3A_32 = arith.constant 0 : i32
    %dma_start3A_33 = tpu.memref_slice %arg4[%add3A_24, %dma_start3A_32] : memref<320000x128xf32, #tpu.memory_space<hbm>> -> memref<200x128xf32, #tpu.memory_space<hbm>>
    %dma_start3A_34 = arith.constant 0 : i32
    %dma_start3A_35 = arith.constant 0 : i32
    %dma_start3A_36 = tpu.memref_slice %arg6[%dma_start3A_25, %dma_start3A_34, %dma_start3A_35] : memref<2x200x128xf32, #tpu.memory_space<vmem>> -> memref<1x200x128xf32, #tpu.memory_space<vmem>>
    %dma_start3A_37 = tpu.memref_squeeze %dma_start3A_36 : memref<1x200x128xf32, #tpu.memory_space<vmem>> -> memref<200x128xf32, #tpu.memory_space<vmem>>
    tpu.enqueue_dma source(%dma_start3A_37 : memref<200x128xf32, #tpu.memory_space<vmem>>) target(%dma_start3A_33 : memref<200x128xf32, #tpu.memory_space<hbm>>) target_semaphore(%arg10 : memref<!tpu.dma_semaphore, #tpu.memory_space<semaphore_mem>>)
    %dma_start3A_38 = arith.constant 1 : i32
    %dma_start3A_39 = arith.constant 0 : i32
    %dma_start3A_40 = arith.constant 0 : i32
    %dma_start3A_41 = tpu.memref_slice %arg6[%dma_start3A_38, %dma_start3A_39, %dma_start3A_40] : memref<2x200x128xf32, #tpu.memory_space<vmem>> -> memref<1x200x128xf32, #tpu.memory_space<vmem>>
    %dma_start3A_42 = tpu.memref_squeeze %dma_start3A_41 : memref<1x200x128xf32, #tpu.memory_space<vmem>> -> memref<200x128xf32, #tpu.memory_space<vmem>>
    %dma_start3A_43 = arith.constant 200 : i32
    %dma_start3A_44 = tpu.memref_slice %arg5[%dma_start3A_43] : memref<10000xi32, #tpu.memory_space<vmem>> -> memref<200xi32, #tpu.memory_space<vmem>>
    %dma_start3A_45 = arith.constant 0 : i32
    %dma_start3A_46 = arith.constant 0 : i32
    %dma_start3A_47 = tpu.memref_slice %arg7[%dma_start3A_45, %dma_start3A_46] : memref<5632x128xf32, #tpu.memory_space<vmem_shared>> -> memref<5632x128xf32, #tpu.memory_space<vmem_shared>>
    tpu.enqueue_indirect_dma source(%dma_start3A_47 : memref<5632x128xf32, #tpu.memory_space<vmem_shared>>) target(%dma_start3A_42 : memref<200x128xf32, #tpu.memory_space<vmem>>) offsets(%dma_start3A_44 : memref<200xi32, #tpu.memory_space<vmem>>) semaphore(%arg9 : memref<!tpu.dma_semaphore, #tpu.memory_space<semaphore_mem>>)
    %scan3A = arith.constant 0 : i32
    %scan3A_48 = arith.constant 24 : i32
    %scan3A_49 = arith.addi %scan3A, %scan3A_48 : i32
    %scan3A_50 = arith.constant 1 : i32
    scf.for %scan3A_107 = %scan3A to %scan3A_49 step %scan3A_50  : i32 {
      %mul3A_108 = arith.constant 2 : i32
      %mul3A_109 = arith.muli %scan3A_107, %mul3A_108 : i32
      %add3A_110 = arith.constant 1 : i32
      %add3A_111 = arith.addi %add3A_110, %mul3A_109 : i32
      %mul3A_112 = arith.constant 200 : i32
      %mul3A_113 = arith.muli %add3A_111, %mul3A_112 : i32
      %dma_wait3A_114 = arith.constant 1 : i32
      %dma_wait3A_115 = arith.constant 0 : i32
      %dma_wait3A_116 = arith.constant 0 : i32
      %dma_wait3A_117 = tpu.memref_slice %arg6[%dma_wait3A_114, %dma_wait3A_115, %dma_wait3A_116] : memref<2x200x128xf32, #tpu.memory_space<vmem>> -> memref<1x200x128xf32, #tpu.memory_space<vmem>>
      %dma_wait3A_118 = tpu.memref_squeeze %dma_wait3A_117 : memref<1x200x128xf32, #tpu.memory_space<vmem>> -> memref<200x128xf32, #tpu.memory_space<vmem>>
      %dma_wait3A_119 = tpu.memref_slice %arg5[%mul3A_113] : memref<10000xi32, #tpu.memory_space<vmem>> -> memref<200xi32, #tpu.memory_space<vmem>>
      %dma_wait3A_120 = arith.constant 0 : i32
      %dma_wait3A_121 = arith.constant 0 : i32
      %dma_wait3A_122 = tpu.memref_slice %arg7[%dma_wait3A_120, %dma_wait3A_121] : memref<5632x128xf32, #tpu.memory_space<vmem_shared>> -> memref<5632x128xf32, #tpu.memory_space<vmem_shared>>
      tpu.wait_indirect_dma semaphore(%arg9 : memref<!tpu.dma_semaphore, #tpu.memory_space<semaphore_mem>>) src(%dma_wait3A_122 : memref<5632x128xf32, #tpu.memory_space<vmem_shared>>) dst(%dma_wait3A_118 : memref<200x128xf32, #tpu.memory_space<vmem>>)
      %mul3A_123 = arith.constant 200 : i32
      %mul3A_124 = arith.muli %add3A_111, %mul3A_123 : i32
      %add3A_125 = arith.addi %mul3A_2, %mul3A_124 : i32
      %dma_start3A_126 = arith.constant 1 : i32
      %dma_start3A_127 = arith.constant 0 : i32
      %dma_start3A_128 = arith.constant 0 : i32
      %dma_start3A_129 = tpu.memref_slice %arg6[%dma_start3A_126, %dma_start3A_127, %dma_start3A_128] : memref<2x200x128xf32, #tpu.memory_space<vmem>> -> memref<1x200x128xf32, #tpu.memory_space<vmem>>
      %dma_start3A_130 = tpu.memref_squeeze %dma_start3A_129 : memref<1x200x128xf32, #tpu.memory_space<vmem>> -> memref<200x128xf32, #tpu.memory_space<vmem>>
      %dma_start3A_131 = arith.constant 0 : i32
      %dma_start3A_132 = tpu.memref_slice %arg4[%add3A_125, %dma_start3A_131] : memref<320000x128xf32, #tpu.memory_space<hbm>> -> memref<200x128xf32, #tpu.memory_space<hbm>>
      %dma_start3A_133 = arith.constant 0 : i32
      %dma_start3A_134 = tpu.memref_slice %arg4[%add3A_125, %dma_start3A_133] : memref<320000x128xf32, #tpu.memory_space<hbm>> -> memref<200x128xf32, #tpu.memory_space<hbm>>
      %dma_start3A_135 = arith.constant 0 : i32
      %dma_start3A_136 = arith.constant 0 : i32
      %dma_start3A_137 = tpu.memref_slice %arg6[%dma_start3A_126, %dma_start3A_135, %dma_start3A_136] : memref<2x200x128xf32, #tpu.memory_space<vmem>> -> memref<1x200x128xf32, #tpu.memory_space<vmem>>
      %dma_start3A_138 = tpu.memref_squeeze %dma_start3A_137 : memref<1x200x128xf32, #tpu.memory_space<vmem>> -> memref<200x128xf32, #tpu.memory_space<vmem>>
      tpu.enqueue_dma source(%dma_start3A_138 : memref<200x128xf32, #tpu.memory_space<vmem>>) target(%dma_start3A_134 : memref<200x128xf32, #tpu.memory_space<hbm>>) target_semaphore(%arg11 : memref<!tpu.dma_semaphore, #tpu.memory_space<semaphore_mem>>)
      %sub3A = arith.constant 1 : i32
      %sub3A_139 = arith.subi %add3A_111, %sub3A : i32
      %mul3A_140 = arith.constant 200 : i32
      %mul3A_141 = arith.muli %sub3A_139, %mul3A_140 : i32
      %add3A_142 = arith.addi %mul3A_2, %mul3A_141 : i32
      %dma_wait3A_143 = arith.constant 0 : i32
      %dma_wait3A_144 = arith.constant 0 : i32
      %dma_wait3A_145 = arith.constant 0 : i32
      %dma_wait3A_146 = tpu.memref_slice %arg6[%dma_wait3A_143, %dma_wait3A_144, %dma_wait3A_145] : memref<2x200x128xf32, #tpu.memory_space<vmem>> -> memref<1x200x128xf32, #tpu.memory_space<vmem>>
      %dma_wait3A_147 = tpu.memref_squeeze %dma_wait3A_146 : memref<1x200x128xf32, #tpu.memory_space<vmem>> -> memref<200x128xf32, #tpu.memory_space<vmem>>
      %dma_wait3A_148 = arith.constant 0 : i32
      %dma_wait3A_149 = tpu.memref_slice %arg4[%add3A_142, %dma_wait3A_148] : memref<320000x128xf32, #tpu.memory_space<hbm>> -> memref<200x128xf32, #tpu.memory_space<hbm>>
      %dma_wait3A_150 = arith.constant 0 : i32
      %dma_wait3A_151 = tpu.memref_slice %arg4[%add3A_142, %dma_wait3A_150] : memref<320000x128xf32, #tpu.memory_space<hbm>> -> memref<200x128xf32, #tpu.memory_space<hbm>>
      %dma_wait3A_152 = arith.constant 0 : i32
      %dma_wait3A_153 = arith.constant 0 : i32
      %dma_wait3A_154 = tpu.memref_slice %arg6[%dma_wait3A_143, %dma_wait3A_152, %dma_wait3A_153] : memref<2x200x128xf32, #tpu.memory_space<vmem>> -> memref<1x200x128xf32, #tpu.memory_space<vmem>>
      %dma_wait3A_155 = tpu.memref_squeeze %dma_wait3A_154 : memref<1x200x128xf32, #tpu.memory_space<vmem>> -> memref<200x128xf32, #tpu.memory_space<vmem>>
      tpu.wait_dma2 semaphore(%arg10 : memref<!tpu.dma_semaphore, #tpu.memory_space<semaphore_mem>>) src(%dma_wait3A_155 : memref<200x128xf32, #tpu.memory_space<vmem>>) dst(%dma_wait3A_151 : memref<200x128xf32, #tpu.memory_space<hbm>>)
      %add3A_156 = arith.constant 1 : i32
      %add3A_157 = arith.addi %add3A_111, %add3A_156 : i32
      %mul3A_158 = arith.constant 200 : i32
      %mul3A_159 = arith.muli %add3A_157, %mul3A_158 : i32
      %dma_start3A_160 = arith.constant 0 : i32
      %dma_start3A_161 = arith.constant 0 : i32
      %dma_start3A_162 = arith.constant 0 : i32
      %dma_start3A_163 = tpu.memref_slice %arg6[%dma_start3A_160, %dma_start3A_161, %dma_start3A_162] : memref<2x200x128xf32, #tpu.memory_space<vmem>> -> memref<1x200x128xf32, #tpu.memory_space<vmem>>
      %dma_start3A_164 = tpu.memref_squeeze %dma_start3A_163 : memref<1x200x128xf32, #tpu.memory_space<vmem>> -> memref<200x128xf32, #tpu.memory_space<vmem>>
      %dma_start3A_165 = tpu.memref_slice %arg5[%mul3A_159] : memref<10000xi32, #tpu.memory_space<vmem>> -> memref<200xi32, #tpu.memory_space<vmem>>
      %dma_start3A_166 = arith.constant 0 : i32
      %dma_start3A_167 = arith.constant 0 : i32
      %dma_start3A_168 = tpu.memref_slice %arg7[%dma_start3A_166, %dma_start3A_167] : memref<5632x128xf32, #tpu.memory_space<vmem_shared>> -> memref<5632x128xf32, #tpu.memory_space<vmem_shared>>
      tpu.enqueue_indirect_dma source(%dma_start3A_168 : memref<5632x128xf32, #tpu.memory_space<vmem_shared>>) target(%dma_start3A_164 : memref<200x128xf32, #tpu.memory_space<vmem>>) offsets(%dma_start3A_165 : memref<200xi32, #tpu.memory_space<vmem>>) semaphore(%arg8 : memref<!tpu.dma_semaphore, #tpu.memory_space<semaphore_mem>>)
      %add3A_169 = arith.constant 1 : i32
      %add3A_170 = arith.addi %add3A_111, %add3A_169 : i32
      %mul3A_171 = arith.constant 200 : i32
      %mul3A_172 = arith.muli %add3A_170, %mul3A_171 : i32
      %dma_wait3A_173 = arith.constant 0 : i32
      %dma_wait3A_174 = arith.constant 0 : i32
      %dma_wait3A_175 = arith.constant 0 : i32
      %dma_wait3A_176 = tpu.memref_slice %arg6[%dma_wait3A_173, %dma_wait3A_174, %dma_wait3A_175] : memref<2x200x128xf32, #tpu.memory_space<vmem>> -> memref<1x200x128xf32, #tpu.memory_space<vmem>>
      %dma_wait3A_177 = tpu.memref_squeeze %dma_wait3A_176 : memref<1x200x128xf32, #tpu.memory_space<vmem>> -> memref<200x128xf32, #tpu.memory_space<vmem>>
      %dma_wait3A_178 = tpu.memref_slice %arg5[%mul3A_172] : memref<10000xi32, #tpu.memory_space<vmem>> -> memref<200xi32, #tpu.memory_space<vmem>>
      %dma_wait3A_179 = arith.constant 0 : i32
      %dma_wait3A_180 = arith.constant 0 : i32
      %dma_wait3A_181 = tpu.memref_slice %arg7[%dma_wait3A_179, %dma_wait3A_180] : memref<5632x128xf32, #tpu.memory_space<vmem_shared>> -> memref<5632x128xf32, #tpu.memory_space<vmem_shared>>
      tpu.wait_indirect_dma semaphore(%arg8 : memref<!tpu.dma_semaphore, #tpu.memory_space<semaphore_mem>>) src(%dma_wait3A_181 : memref<5632x128xf32, #tpu.memory_space<vmem_shared>>) dst(%dma_wait3A_177 : memref<200x128xf32, #tpu.memory_space<vmem>>)
      %add3A_182 = arith.constant 1 : i32
      %add3A_183 = arith.addi %add3A_111, %add3A_182 : i32
      %mul3A_184 = arith.constant 200 : i32
      %mul3A_185 = arith.muli %add3A_183, %mul3A_184 : i32
      %add3A_186 = arith.addi %mul3A_2, %mul3A_185 : i32
      %dma_start3A_187 = arith.constant 0 : i32
      %dma_start3A_188 = arith.constant 0 : i32
      %dma_start3A_189 = arith.constant 0 : i32
      %dma_start3A_190 = tpu.memref_slice %arg6[%dma_start3A_187, %dma_start3A_188, %dma_start3A_189] : memref<2x200x128xf32, #tpu.memory_space<vmem>> -> memref<1x200x128xf32, #tpu.memory_space<vmem>>
      %dma_start3A_191 = tpu.memref_squeeze %dma_start3A_190 : memref<1x200x128xf32, #tpu.memory_space<vmem>> -> memref<200x128xf32, #tpu.memory_space<vmem>>
      %dma_start3A_192 = arith.constant 0 : i32
      %dma_start3A_193 = tpu.memref_slice %arg4[%add3A_186, %dma_start3A_192] : memref<320000x128xf32, #tpu.memory_space<hbm>> -> memref<200x128xf32, #tpu.memory_space<hbm>>
      %dma_start3A_194 = arith.constant 0 : i32
      %dma_start3A_195 = tpu.memref_slice %arg4[%add3A_186, %dma_start3A_194] : memref<320000x128xf32, #tpu.memory_space<hbm>> -> memref<200x128xf32, #tpu.memory_space<hbm>>
      %dma_start3A_196 = arith.constant 0 : i32
      %dma_start3A_197 = arith.constant 0 : i32
      %dma_start3A_198 = tpu.memref_slice %arg6[%dma_start3A_187, %dma_start3A_196, %dma_start3A_197] : memref<2x200x128xf32, #tpu.memory_space<vmem>> -> memref<1x200x128xf32, #tpu.memory_space<vmem>>
      %dma_start3A_199 = tpu.memref_squeeze %dma_start3A_198 : memref<1x200x128xf32, #tpu.memory_space<vmem>> -> memref<200x128xf32, #tpu.memory_space<vmem>>
      tpu.enqueue_dma source(%dma_start3A_199 : memref<200x128xf32, #tpu.memory_space<vmem>>) target(%dma_start3A_195 : memref<200x128xf32, #tpu.memory_space<hbm>>) target_semaphore(%arg10 : memref<!tpu.dma_semaphore, #tpu.memory_space<semaphore_mem>>)
      %mul3A_200 = arith.constant 200 : i32
      %mul3A_201 = arith.muli %add3A_111, %mul3A_200 : i32
      %add3A_202 = arith.addi %mul3A_2, %mul3A_201 : i32
      %dma_wait3A_203 = arith.constant 1 : i32
      %dma_wait3A_204 = arith.constant 0 : i32
      %dma_wait3A_205 = arith.constant 0 : i32
      %dma_wait3A_206 = tpu.memref_slice %arg6[%dma_wait3A_203, %dma_wait3A_204, %dma_wait3A_205] : memref<2x200x128xf32, #tpu.memory_space<vmem>> -> memref<1x200x128xf32, #tpu.memory_space<vmem>>
      %dma_wait3A_207 = tpu.memref_squeeze %dma_wait3A_206 : memref<1x200x128xf32, #tpu.memory_space<vmem>> -> memref<200x128xf32, #tpu.memory_space<vmem>>
      %dma_wait3A_208 = arith.constant 0 : i32
      %dma_wait3A_209 = tpu.memref_slice %arg4[%add3A_202, %dma_wait3A_208] : memref<320000x128xf32, #tpu.memory_space<hbm>> -> memref<200x128xf32, #tpu.memory_space<hbm>>
      %dma_wait3A_210 = arith.constant 0 : i32
      %dma_wait3A_211 = tpu.memref_slice %arg4[%add3A_202, %dma_wait3A_210] : memref<320000x128xf32, #tpu.memory_space<hbm>> -> memref<200x128xf32, #tpu.memory_space<hbm>>
      %dma_wait3A_212 = arith.constant 0 : i32
      %dma_wait3A_213 = arith.constant 0 : i32
      %dma_wait3A_214 = tpu.memref_slice %arg6[%dma_wait3A_203, %dma_wait3A_212, %dma_wait3A_213] : memref<2x200x128xf32, #tpu.memory_space<vmem>> -> memref<1x200x128xf32, #tpu.memory_space<vmem>>
      %dma_wait3A_215 = tpu.memref_squeeze %dma_wait3A_214 : memref<1x200x128xf32, #tpu.memory_space<vmem>> -> memref<200x128xf32, #tpu.memory_space<vmem>>
      tpu.wait_dma2 semaphore(%arg11 : memref<!tpu.dma_semaphore, #tpu.memory_space<semaphore_mem>>) src(%dma_wait3A_215 : memref<200x128xf32, #tpu.memory_space<vmem>>) dst(%dma_wait3A_211 : memref<200x128xf32, #tpu.memory_space<hbm>>)
      %add3A_216 = arith.constant 2 : i32
      %add3A_217 = arith.addi %add3A_111, %add3A_216 : i32
      %mul3A_218 = arith.constant 200 : i32
      %mul3A_219 = arith.muli %add3A_217, %mul3A_218 : i32
      %dma_start3A_220 = arith.constant 1 : i32
      %dma_start3A_221 = arith.constant 0 : i32
      %dma_start3A_222 = arith.constant 0 : i32
      %dma_start3A_223 = tpu.memref_slice %arg6[%dma_start3A_220, %dma_start3A_221, %dma_start3A_222] : memref<2x200x128xf32, #tpu.memory_space<vmem>> -> memref<1x200x128xf32, #tpu.memory_space<vmem>>
      %dma_start3A_224 = tpu.memref_squeeze %dma_start3A_223 : memref<1x200x128xf32, #tpu.memory_space<vmem>> -> memref<200x128xf32, #tpu.memory_space<vmem>>
      %dma_start3A_225 = tpu.memref_slice %arg5[%mul3A_219] : memref<10000xi32, #tpu.memory_space<vmem>> -> memref<200xi32, #tpu.memory_space<vmem>>
      %dma_start3A_226 = arith.constant 0 : i32
      %dma_start3A_227 = arith.constant 0 : i32
      %dma_start3A_228 = tpu.memref_slice %arg7[%dma_start3A_226, %dma_start3A_227] : memref<5632x128xf32, #tpu.memory_space<vmem_shared>> -> memref<5632x128xf32, #tpu.memory_space<vmem_shared>>
      tpu.enqueue_indirect_dma source(%dma_start3A_228 : memref<5632x128xf32, #tpu.memory_space<vmem_shared>>) target(%dma_start3A_224 : memref<200x128xf32, #tpu.memory_space<vmem>>) offsets(%dma_start3A_225 : memref<200xi32, #tpu.memory_space<vmem>>) semaphore(%arg9 : memref<!tpu.dma_semaphore, #tpu.memory_space<semaphore_mem>>)
    }
    %scan3A_51 = arith.constant 24 : i32
    %dma_wait3A_52 = arith.constant 1 : i32
    %dma_wait3A_53 = arith.constant 0 : i32
    %dma_wait3A_54 = arith.constant 0 : i32
    %dma_wait3A_55 = tpu.memref_slice %arg6[%dma_wait3A_52, %dma_wait3A_53, %dma_wait3A_54] : memref<2x200x128xf32, #tpu.memory_space<vmem>> -> memref<1x200x128xf32, #tpu.memory_space<vmem>>
    %dma_wait3A_56 = tpu.memref_squeeze %dma_wait3A_55 : memref<1x200x128xf32, #tpu.memory_space<vmem>> -> memref<200x128xf32, #tpu.memory_space<vmem>>
    %dma_wait3A_57 = arith.constant 9800 : i32
    %dma_wait3A_58 = tpu.memref_slice %arg5[%dma_wait3A_57] : memref<10000xi32, #tpu.memory_space<vmem>> -> memref<200xi32, #tpu.memory_space<vmem>>
    %dma_wait3A_59 = arith.constant 0 : i32
    %dma_wait3A_60 = arith.constant 0 : i32
    %dma_wait3A_61 = tpu.memref_slice %arg7[%dma_wait3A_59, %dma_wait3A_60] : memref<5632x128xf32, #tpu.memory_space<vmem_shared>> -> memref<5632x128xf32, #tpu.memory_space<vmem_shared>>
    tpu.wait_indirect_dma semaphore(%arg9 : memref<!tpu.dma_semaphore, #tpu.memory_space<semaphore_mem>>) src(%dma_wait3A_61 : memref<5632x128xf32, #tpu.memory_space<vmem_shared>>) dst(%dma_wait3A_56 : memref<200x128xf32, #tpu.memory_space<vmem>>)
    %add3A_62 = arith.constant 9800 : i32
    %add3A_63 = arith.addi %mul3A_2, %add3A_62 : i32
    %dma_start3A_64 = arith.constant 1 : i32
    %dma_start3A_65 = arith.constant 0 : i32
    %dma_start3A_66 = arith.constant 0 : i32
    %dma_start3A_67 = tpu.memref_slice %arg6[%dma_start3A_64, %dma_start3A_65, %dma_start3A_66] : memref<2x200x128xf32, #tpu.memory_space<vmem>> -> memref<1x200x128xf32, #tpu.memory_space<vmem>>
    %dma_start3A_68 = tpu.memref_squeeze %dma_start3A_67 : memref<1x200x128xf32, #tpu.memory_space<vmem>> -> memref<200x128xf32, #tpu.memory_space<vmem>>
    %dma_start3A_69 = arith.constant 0 : i32
    %dma_start3A_70 = tpu.memref_slice %arg4[%add3A_63, %dma_start3A_69] : memref<320000x128xf32, #tpu.memory_space<hbm>> -> memref<200x128xf32, #tpu.memory_space<hbm>>
    %dma_start3A_71 = arith.constant 0 : i32
    %dma_start3A_72 = tpu.memref_slice %arg4[%add3A_63, %dma_start3A_71] : memref<320000x128xf32, #tpu.memory_space<hbm>> -> memref<200x128xf32, #tpu.memory_space<hbm>>
    %dma_start3A_73 = arith.constant 0 : i32
    %dma_start3A_74 = arith.constant 0 : i32
    %dma_start3A_75 = tpu.memref_slice %arg6[%dma_start3A_64, %dma_start3A_73, %dma_start3A_74] : memref<2x200x128xf32, #tpu.memory_space<vmem>> -> memref<1x200x128xf32, #tpu.memory_space<vmem>>
    %dma_start3A_76 = tpu.memref_squeeze %dma_start3A_75 : memref<1x200x128xf32, #tpu.memory_space<vmem>> -> memref<200x128xf32, #tpu.memory_space<vmem>>
    tpu.enqueue_dma source(%dma_start3A_76 : memref<200x128xf32, #tpu.memory_space<vmem>>) target(%dma_start3A_72 : memref<200x128xf32, #tpu.memory_space<hbm>>) target_semaphore(%arg11 : memref<!tpu.dma_semaphore, #tpu.memory_space<semaphore_mem>>)
    %add3A_77 = arith.constant 9600 : i32
    %add3A_78 = arith.addi %mul3A_2, %add3A_77 : i32
    %dma_wait3A_79 = arith.constant 0 : i32
    %dma_wait3A_80 = arith.constant 0 : i32
    %dma_wait3A_81 = arith.constant 0 : i32
    %dma_wait3A_82 = tpu.memref_slice %arg6[%dma_wait3A_79, %dma_wait3A_80, %dma_wait3A_81] : memref<2x200x128xf32, #tpu.memory_space<vmem>> -> memref<1x200x128xf32, #tpu.memory_space<vmem>>
    %dma_wait3A_83 = tpu.memref_squeeze %dma_wait3A_82 : memref<1x200x128xf32, #tpu.memory_space<vmem>> -> memref<200x128xf32, #tpu.memory_space<vmem>>
    %dma_wait3A_84 = arith.constant 0 : i32
    %dma_wait3A_85 = tpu.memref_slice %arg4[%add3A_78, %dma_wait3A_84] : memref<320000x128xf32, #tpu.memory_space<hbm>> -> memref<200x128xf32, #tpu.memory_space<hbm>>
    %dma_wait3A_86 = arith.constant 0 : i32
    %dma_wait3A_87 = tpu.memref_slice %arg4[%add3A_78, %dma_wait3A_86] : memref<320000x128xf32, #tpu.memory_space<hbm>> -> memref<200x128xf32, #tpu.memory_space<hbm>>
    %dma_wait3A_88 = arith.constant 0 : i32
    %dma_wait3A_89 = arith.constant 0 : i32
    %dma_wait3A_90 = tpu.memref_slice %arg6[%dma_wait3A_79, %dma_wait3A_88, %dma_wait3A_89] : memref<2x200x128xf32, #tpu.memory_space<vmem>> -> memref<1x200x128xf32, #tpu.memory_space<vmem>>
    %dma_wait3A_91 = tpu.memref_squeeze %dma_wait3A_90 : memref<1x200x128xf32, #tpu.memory_space<vmem>> -> memref<200x128xf32, #tpu.memory_space<vmem>>
    tpu.wait_dma2 semaphore(%arg10 : memref<!tpu.dma_semaphore, #tpu.memory_space<semaphore_mem>>) src(%dma_wait3A_91 : memref<200x128xf32, #tpu.memory_space<vmem>>) dst(%dma_wait3A_87 : memref<200x128xf32, #tpu.memory_space<hbm>>)
    %add3A_92 = arith.constant 9800 : i32
    %add3A_93 = arith.addi %mul3A_2, %add3A_92 : i32
    %dma_wait3A_94 = arith.constant 1 : i32
    %dma_wait3A_95 = arith.constant 0 : i32
    %dma_wait3A_96 = arith.constant 0 : i32
    %dma_wait3A_97 = tpu.memref_slice %arg6[%dma_wait3A_94, %dma_wait3A_95, %dma_wait3A_96] : memref<2x200x128xf32, #tpu.memory_space<vmem>> -> memref<1x200x128xf32, #tpu.memory_space<vmem>>
    %dma_wait3A_98 = tpu.memref_squeeze %dma_wait3A_97 : memref<1x200x128xf32, #tpu.memory_space<vmem>> -> memref<200x128xf32, #tpu.memory_space<vmem>>
    %dma_wait3A_99 = arith.constant 0 : i32
    %dma_wait3A_100 = tpu.memref_slice %arg4[%add3A_93, %dma_wait3A_99] : memref<320000x128xf32, #tpu.memory_space<hbm>> -> memref<200x128xf32, #tpu.memory_space<hbm>>
    %dma_wait3A_101 = arith.constant 0 : i32
    %dma_wait3A_102 = tpu.memref_slice %arg4[%add3A_93, %dma_wait3A_101] : memref<320000x128xf32, #tpu.memory_space<hbm>> -> memref<200x128xf32, #tpu.memory_space<hbm>>
    %dma_wait3A_103 = arith.constant 0 : i32
    %dma_wait3A_104 = arith.constant 0 : i32
    %dma_wait3A_105 = tpu.memref_slice %arg6[%dma_wait3A_94, %dma_wait3A_103, %dma_wait3A_104] : memref<2x200x128xf32, #tpu.memory_space<vmem>> -> memref<1x200x128xf32, #tpu.memory_space<vmem>>
    %dma_wait3A_106 = tpu.memref_squeeze %dma_wait3A_105 : memref<1x200x128xf32, #tpu.memory_space<vmem>> -> memref<200x128xf32, #tpu.memory_space<vmem>>
    tpu.wait_dma2 semaphore(%arg11 : memref<!tpu.dma_semaphore, #tpu.memory_space<semaphore_mem>>) src(%dma_wait3A_106 : memref<200x128xf32, #tpu.memory_space<vmem>>) dst(%dma_wait3A_102 : memref<200x128xf32, #tpu.memory_space<hbm>>)
    return
  }
}

#map = affine_map<(d0, d1) -> (0, 0)>
#map1 = affine_map<(d0, d1) -> (0)>
module attributes {stable_mosaic.version = 14 : i64} {
  func.func @k(%arg0: i32, %arg1: i32, %arg2: memref<10240x128xf32, #tpu.memory_space<hbm>>, %arg3: memref<320000xi32, #tpu.memory_space<hbm>>, %arg4: memref<320000x128xf32, #tpu.memory_space<hbm>>, %arg5: memref<10000xi32, #tpu.memory_space<vmem>>, %arg6: memref<2x200x128xf32, #tpu.memory_space<vmem>>, %arg7: memref<5632x128xf32, #tpu.memory_space<vmem_shared>>, %arg8: memref<!tpu.dma_semaphore, #tpu.memory_space<semaphore_mem>>, %arg9: memref<!tpu.dma_semaphore, #tpu.memory_space<semaphore_mem>>, %arg10: memref<!tpu.dma_semaphore, #tpu.memory_space<semaphore_mem>>, %arg11: memref<!tpu.dma_semaphore, #tpu.memory_space<semaphore_mem>>) attributes {dimension_semantics = [#tpu.dimension_semantics<core_parallel>, #tpu.dimension_semantics<subcore_parallel>], iteration_bounds = array<i64: 2, 16>, scalar_prefetch = 0 : i64, scratch_operands = 7 : i64, tpu.core_type = #tpu.core_type<sc_vector_subcore>, window_params = [{transform_indices = #map}, {transform_indices = #map1}, {transform_indices = #map}]} {
    %mul3A = arith.constant 16 : i32
    %mul3A_0 = arith.muli %arg0, %mul3A : i32
    %add3A = arith.addi %mul3A_0, %arg1 : i32
    %mul3A_1 = arith.constant 10000 : i32
    %mul3A_2 = arith.muli %add3A, %mul3A_1 : i32
    %eq3A = arith.constant 0 : i32
    %eq3A_3 = arith.cmpi eq, %arg1, %eq3A : i32
    %convert_element_type3A = arith.extui %eq3A_3 : i1 to i32
    %cond3A = arith.constant 0 : i32
    %cond3A_4 = arith.cmpi ne, %convert_element_type3A, %cond3A : i32
    scf.if %cond3A_4 {
      %mul3A_107 = arith.constant 4608 : i32
      %mul3A_108 = arith.muli %arg0, %mul3A_107 : i32
      "tpu.region"() ({
        %run_scoped3A = tpu.sem_alloc : memref<!tpu.dma_semaphore, #tpu.memory_space<semaphore_mem>>
        %dma_start3A_109 = arith.constant 0 : i32
        %dma_start3A_110 = tpu.memref_slice %arg2[%mul3A_108, %dma_start3A_109] : memref<10240x128xf32, #tpu.memory_space<hbm>> -> memref<5632x128xf32, #tpu.memory_space<hbm>>
        tpu.enqueue_dma source(%dma_start3A_110 : memref<5632x128xf32, #tpu.memory_space<hbm>>) target(%arg7 : memref<5632x128xf32, #tpu.memory_space<vmem_shared>>) target_semaphore(%run_scoped3A : memref<!tpu.dma_semaphore, #tpu.memory_space<semaphore_mem>>)
        %dma_wait3A_111 = arith.constant 0 : i32
        %dma_wait3A_112 = tpu.memref_slice %arg2[%mul3A_108, %dma_wait3A_111] : memref<10240x128xf32, #tpu.memory_space<hbm>> -> memref<5632x128xf32, #tpu.memory_space<hbm>>
        tpu.wait_dma2 semaphore(%run_scoped3A : memref<!tpu.dma_semaphore, #tpu.memory_space<semaphore_mem>>) src(%dma_wait3A_112 : memref<5632x128xf32, #tpu.memory_space<hbm>>) dst(%arg7 : memref<5632x128xf32, #tpu.memory_space<vmem_shared>>)
        tpu.yield
      }) : () -> ()
    } else {
    }
    %barrier3A = arith.constant 0 : index
    tpu.barrier barrier_id(%barrier3A)
    "tpu.region"() ({
      %run_scoped3A = tpu.sem_alloc : memref<!tpu.dma_semaphore, #tpu.memory_space<semaphore_mem>>
      %dma_start3A_107 = tpu.memref_slice %arg3[%mul3A_2] : memref<320000xi32, #tpu.memory_space<hbm>> -> memref<10000xi32, #tpu.memory_space<hbm>>
      %dma_start3A_108 = tpu.memref_slice %arg3[%mul3A_2] : memref<320000xi32, #tpu.memory_space<hbm>> -> memref<10000xi32, #tpu.memory_space<hbm>>
      tpu.enqueue_dma source(%dma_start3A_108 : memref<10000xi32, #tpu.memory_space<hbm>>) target(%arg5 : memref<10000xi32, #tpu.memory_space<vmem>>) target_semaphore(%run_scoped3A : memref<!tpu.dma_semaphore, #tpu.memory_space<semaphore_mem>>)
      %dma_wait3A_109 = tpu.memref_slice %arg3[%mul3A_2] : memref<320000xi32, #tpu.memory_space<hbm>> -> memref<10000xi32, #tpu.memory_space<hbm>>
      %dma_wait3A_110 = tpu.memref_slice %arg3[%mul3A_2] : memref<320000xi32, #tpu.memory_space<hbm>> -> memref<10000xi32, #tpu.memory_space<hbm>>
      tpu.wait_dma2 semaphore(%run_scoped3A : memref<!tpu.dma_semaphore, #tpu.memory_space<semaphore_mem>>) src(%dma_wait3A_110 : memref<10000xi32, #tpu.memory_space<hbm>>) dst(%arg5 : memref<10000xi32, #tpu.memory_space<vmem>>)
      tpu.yield
    }) : () -> ()
    %dma_start3A = arith.constant 0 : i32
    %dma_start3A_5 = arith.constant 0 : i32
    %dma_start3A_6 = arith.constant 0 : i32
    %dma_start3A_7 = tpu.memref_slice %arg6[%dma_start3A, %dma_start3A_5, %dma_start3A_6] : memref<2x200x128xf32, #tpu.memory_space<vmem>> -> memref<1x200x128xf32, #tpu.memory_space<vmem>>
    %dma_start3A_8 = tpu.memref_squeeze %dma_start3A_7 : memref<1x200x128xf32, #tpu.memory_space<vmem>> -> memref<200x128xf32, #tpu.memory_space<vmem>>
    %dma_start3A_9 = arith.constant 0 : i32
    %dma_start3A_10 = tpu.memref_slice %arg5[%dma_start3A_9] : memref<10000xi32, #tpu.memory_space<vmem>> -> memref<200xi32, #tpu.memory_space<vmem>>
    %dma_start3A_11 = arith.constant 0 : i32
    %dma_start3A_12 = arith.constant 0 : i32
    %dma_start3A_13 = tpu.memref_slice %arg7[%dma_start3A_11, %dma_start3A_12] : memref<5632x128xf32, #tpu.memory_space<vmem_shared>> -> memref<5632x128xf32, #tpu.memory_space<vmem_shared>>
    tpu.enqueue_indirect_dma source(%dma_start3A_13 : memref<5632x128xf32, #tpu.memory_space<vmem_shared>>) target(%dma_start3A_8 : memref<200x128xf32, #tpu.memory_space<vmem>>) offsets(%dma_start3A_10 : memref<200xi32, #tpu.memory_space<vmem>>) semaphore(%arg8 : memref<!tpu.dma_semaphore, #tpu.memory_space<semaphore_mem>>)
    %dma_wait3A = arith.constant 0 : i32
    %dma_wait3A_14 = arith.constant 0 : i32
    %dma_wait3A_15 = arith.constant 0 : i32
    %dma_wait3A_16 = tpu.memref_slice %arg6[%dma_wait3A, %dma_wait3A_14, %dma_wait3A_15] : memref<2x200x128xf32, #tpu.memory_space<vmem>> -> memref<1x200x128xf32, #tpu.memory_space<vmem>>
    %dma_wait3A_17 = tpu.memref_squeeze %dma_wait3A_16 : memref<1x200x128xf32, #tpu.memory_space<vmem>> -> memref<200x128xf32, #tpu.memory_space<vmem>>
    %dma_wait3A_18 = arith.constant 0 : i32
    %dma_wait3A_19 = tpu.memref_slice %arg5[%dma_wait3A_18] : memref<10000xi32, #tpu.memory_space<vmem>> -> memref<200xi32, #tpu.memory_space<vmem>>
    %dma_wait3A_20 = arith.constant 0 : i32
    %dma_wait3A_21 = arith.constant 0 : i32
    %dma_wait3A_22 = tpu.memref_slice %arg7[%dma_wait3A_20, %dma_wait3A_21] : memref<5632x128xf32, #tpu.memory_space<vmem_shared>> -> memref<5632x128xf32, #tpu.memory_space<vmem_shared>>
    tpu.wait_indirect_dma semaphore(%arg8 : memref<!tpu.dma_semaphore, #tpu.memory_space<semaphore_mem>>) src(%dma_wait3A_22 : memref<5632x128xf32, #tpu.memory_space<vmem_shared>>) dst(%dma_wait3A_17 : memref<200x128xf32, #tpu.memory_space<vmem>>)
    %add3A_23 = arith.constant 0 : i32
    %add3A_24 = arith.addi %mul3A_2, %add3A_23 : i32
    %dma_start3A_25 = arith.constant 0 : i32
    %dma_start3A_26 = arith.constant 0 : i32
    %dma_start3A_27 = arith.constant 0 : i32
    %dma_start3A_28 = tpu.memref_slice %arg6[%dma_start3A_25, %dma_start3A_26, %dma_start3A_27] : memref<2x200x128xf32, #tpu.memory_space<vmem>> -> memref<1x200x128xf32, #tpu.memory_space<vmem>>
    %dma_start3A_29 = tpu.memref_squeeze %dma_start3A_28 : memref<1x200x128xf32, #tpu.memory_space<vmem>> -> memref<200x128xf32, #tpu.memory_space<vmem>>
    %dma_start3A_30 = arith.constant 0 : i32
    %dma_start3A_31 = tpu.memref_slice %arg4[%add3A_24, %dma_start3A_30] : memref<320000x128xf32, #tpu.memory_space<hbm>> -> memref<200x128xf32, #tpu.memory_space<hbm>>
    %dma_start3A_32 = arith.constant 0 : i32
    %dma_start3A_33 = tpu.memref_slice %arg4[%add3A_24, %dma_start3A_32] : memref<320000x128xf32, #tpu.memory_space<hbm>> -> memref<200x128xf32, #tpu.memory_space<hbm>>
    %dma_start3A_34 = arith.constant 0 : i32
    %dma_start3A_35 = arith.constant 0 : i32
    %dma_start3A_36 = tpu.memref_slice %arg6[%dma_start3A_25, %dma_start3A_34, %dma_start3A_35] : memref<2x200x128xf32, #tpu.memory_space<vmem>> -> memref<1x200x128xf32, #tpu.memory_space<vmem>>
    %dma_start3A_37 = tpu.memref_squeeze %dma_start3A_36 : memref<1x200x128xf32, #tpu.memory_space<vmem>> -> memref<200x128xf32, #tpu.memory_space<vmem>>
    tpu.enqueue_dma source(%dma_start3A_37 : memref<200x128xf32, #tpu.memory_space<vmem>>) target(%dma_start3A_33 : memref<200x128xf32, #tpu.memory_space<hbm>>) target_semaphore(%arg10 : memref<!tpu.dma_semaphore, #tpu.memory_space<semaphore_mem>>)
    %dma_start3A_38 = arith.constant 1 : i32
    %dma_start3A_39 = arith.constant 0 : i32
    %dma_start3A_40 = arith.constant 0 : i32
    %dma_start3A_41 = tpu.memref_slice %arg6[%dma_start3A_38, %dma_start3A_39, %dma_start3A_40] : memref<2x200x128xf32, #tpu.memory_space<vmem>> -> memref<1x200x128xf32, #tpu.memory_space<vmem>>
    %dma_start3A_42 = tpu.memref_squeeze %dma_start3A_41 : memref<1x200x128xf32, #tpu.memory_space<vmem>> -> memref<200x128xf32, #tpu.memory_space<vmem>>
    %dma_start3A_43 = arith.constant 200 : i32
    %dma_start3A_44 = tpu.memref_slice %arg5[%dma_start3A_43] : memref<10000xi32, #tpu.memory_space<vmem>> -> memref<200xi32, #tpu.memory_space<vmem>>
    %dma_start3A_45 = arith.constant 0 : i32
    %dma_start3A_46 = arith.constant 0 : i32
    %dma_start3A_47 = tpu.memref_slice %arg7[%dma_start3A_45, %dma_start3A_46] : memref<5632x128xf32, #tpu.memory_space<vmem_shared>> -> memref<5632x128xf32, #tpu.memory_space<vmem_shared>>
    tpu.enqueue_indirect_dma source(%dma_start3A_47 : memref<5632x128xf32, #tpu.memory_space<vmem_shared>>) target(%dma_start3A_42 : memref<200x128xf32, #tpu.memory_space<vmem>>) offsets(%dma_start3A_44 : memref<200xi32, #tpu.memory_space<vmem>>) semaphore(%arg9 : memref<!tpu.dma_semaphore, #tpu.memory_space<semaphore_mem>>)
    %scan3A = arith.constant 0 : i32
    %scan3A_48 = arith.constant 24 : i32
    %scan3A_49 = arith.addi %scan3A, %scan3A_48 : i32
    %scan3A_50 = arith.constant 1 : i32
    scf.for %scan3A_107 = %scan3A to %scan3A_49 step %scan3A_50  : i32 {
      %mul3A_108 = arith.constant 2 : i32
      %mul3A_109 = arith.muli %scan3A_107, %mul3A_108 : i32
      %add3A_110 = arith.constant 1 : i32
      %add3A_111 = arith.addi %add3A_110, %mul3A_109 : i32
      %mul3A_112 = arith.constant 200 : i32
      %mul3A_113 = arith.muli %add3A_111, %mul3A_112 : i32
      %dma_wait3A_114 = arith.constant 1 : i32
      %dma_wait3A_115 = arith.constant 0 : i32
      %dma_wait3A_116 = arith.constant 0 : i32
      %dma_wait3A_117 = tpu.memref_slice %arg6[%dma_wait3A_114, %dma_wait3A_115, %dma_wait3A_116] : memref<2x200x128xf32, #tpu.memory_space<vmem>> -> memref<1x200x128xf32, #tpu.memory_space<vmem>>
      %dma_wait3A_118 = tpu.memref_squeeze %dma_wait3A_117 : memref<1x200x128xf32, #tpu.memory_space<vmem>> -> memref<200x128xf32, #tpu.memory_space<vmem>>
      %dma_wait3A_119 = tpu.memref_slice %arg5[%mul3A_113] : memref<10000xi32, #tpu.memory_space<vmem>> -> memref<200xi32, #tpu.memory_space<vmem>>
      %dma_wait3A_120 = arith.constant 0 : i32
      %dma_wait3A_121 = arith.constant 0 : i32
      %dma_wait3A_122 = tpu.memref_slice %arg7[%dma_wait3A_120, %dma_wait3A_121] : memref<5632x128xf32, #tpu.memory_space<vmem_shared>> -> memref<5632x128xf32, #tpu.memory_space<vmem_shared>>
      tpu.wait_indirect_dma semaphore(%arg9 : memref<!tpu.dma_semaphore, #tpu.memory_space<semaphore_mem>>) src(%dma_wait3A_122 : memref<5632x128xf32, #tpu.memory_space<vmem_shared>>) dst(%dma_wait3A_118 : memref<200x128xf32, #tpu.memory_space<vmem>>)
      %mul3A_123 = arith.constant 200 : i32
      %mul3A_124 = arith.muli %add3A_111, %mul3A_123 : i32
      %add3A_125 = arith.addi %mul3A_2, %mul3A_124 : i32
      %dma_start3A_126 = arith.constant 1 : i32
      %dma_start3A_127 = arith.constant 0 : i32
      %dma_start3A_128 = arith.constant 0 : i32
      %dma_start3A_129 = tpu.memref_slice %arg6[%dma_start3A_126, %dma_start3A_127, %dma_start3A_128] : memref<2x200x128xf32, #tpu.memory_space<vmem>> -> memref<1x200x128xf32, #tpu.memory_space<vmem>>
      %dma_start3A_130 = tpu.memref_squeeze %dma_start3A_129 : memref<1x200x128xf32, #tpu.memory_space<vmem>> -> memref<200x128xf32, #tpu.memory_space<vmem>>
      %dma_start3A_131 = arith.constant 0 : i32
      %dma_start3A_132 = tpu.memref_slice %arg4[%add3A_125, %dma_start3A_131] : memref<320000x128xf32, #tpu.memory_space<hbm>> -> memref<200x128xf32, #tpu.memory_space<hbm>>
      %dma_start3A_133 = arith.constant 0 : i32
      %dma_start3A_134 = tpu.memref_slice %arg4[%add3A_125, %dma_start3A_133] : memref<320000x128xf32, #tpu.memory_space<hbm>> -> memref<200x128xf32, #tpu.memory_space<hbm>>
      %dma_start3A_135 = arith.constant 0 : i32
      %dma_start3A_136 = arith.constant 0 : i32
      %dma_start3A_137 = tpu.memref_slice %arg6[%dma_start3A_126, %dma_start3A_135, %dma_start3A_136] : memref<2x200x128xf32, #tpu.memory_space<vmem>> -> memref<1x200x128xf32, #tpu.memory_space<vmem>>
      %dma_start3A_138 = tpu.memref_squeeze %dma_start3A_137 : memref<1x200x128xf32, #tpu.memory_space<vmem>> -> memref<200x128xf32, #tpu.memory_space<vmem>>
      tpu.enqueue_dma source(%dma_start3A_138 : memref<200x128xf32, #tpu.memory_space<vmem>>) target(%dma_start3A_134 : memref<200x128xf32, #tpu.memory_space<hbm>>) target_semaphore(%arg11 : memref<!tpu.dma_semaphore, #tpu.memory_space<semaphore_mem>>)
      %sub3A = arith.constant 1 : i32
      %sub3A_139 = arith.subi %add3A_111, %sub3A : i32
      %mul3A_140 = arith.constant 200 : i32
      %mul3A_141 = arith.muli %sub3A_139, %mul3A_140 : i32
      %add3A_142 = arith.addi %mul3A_2, %mul3A_141 : i32
      %dma_wait3A_143 = arith.constant 0 : i32
      %dma_wait3A_144 = arith.constant 0 : i32
      %dma_wait3A_145 = arith.constant 0 : i32
      %dma_wait3A_146 = tpu.memref_slice %arg6[%dma_wait3A_143, %dma_wait3A_144, %dma_wait3A_145] : memref<2x200x128xf32, #tpu.memory_space<vmem>> -> memref<1x200x128xf32, #tpu.memory_space<vmem>>
      %dma_wait3A_147 = tpu.memref_squeeze %dma_wait3A_146 : memref<1x200x128xf32, #tpu.memory_space<vmem>> -> memref<200x128xf32, #tpu.memory_space<vmem>>
      %dma_wait3A_148 = arith.constant 0 : i32
      %dma_wait3A_149 = tpu.memref_slice %arg4[%add3A_142, %dma_wait3A_148] : memref<320000x128xf32, #tpu.memory_space<hbm>> -> memref<200x128xf32, #tpu.memory_space<hbm>>
      %dma_wait3A_150 = arith.constant 0 : i32
      %dma_wait3A_151 = tpu.memref_slice %arg4[%add3A_142, %dma_wait3A_150] : memref<320000x128xf32, #tpu.memory_space<hbm>> -> memref<200x128xf32, #tpu.memory_space<hbm>>
      %dma_wait3A_152 = arith.constant 0 : i32
      %dma_wait3A_153 = arith.constant 0 : i32
      %dma_wait3A_154 = tpu.memref_slice %arg6[%dma_wait3A_143, %dma_wait3A_152, %dma_wait3A_153] : memref<2x200x128xf32, #tpu.memory_space<vmem>> -> memref<1x200x128xf32, #tpu.memory_space<vmem>>
      %dma_wait3A_155 = tpu.memref_squeeze %dma_wait3A_154 : memref<1x200x128xf32, #tpu.memory_space<vmem>> -> memref<200x128xf32, #tpu.memory_space<vmem>>
      tpu.wait_dma2 semaphore(%arg10 : memref<!tpu.dma_semaphore, #tpu.memory_space<semaphore_mem>>) src(%dma_wait3A_155 : memref<200x128xf32, #tpu.memory_space<vmem>>) dst(%dma_wait3A_151 : memref<200x128xf32, #tpu.memory_space<hbm>>)
      %add3A_156 = arith.constant 1 : i32
      %add3A_157 = arith.addi %add3A_111, %add3A_156 : i32
      %mul3A_158 = arith.constant 200 : i32
      %mul3A_159 = arith.muli %add3A_157, %mul3A_158 : i32
      %dma_start3A_160 = arith.constant 0 : i32
      %dma_start3A_161 = arith.constant 0 : i32
      %dma_start3A_162 = arith.constant 0 : i32
      %dma_start3A_163 = tpu.memref_slice %arg6[%dma_start3A_160, %dma_start3A_161, %dma_start3A_162] : memref<2x200x128xf32, #tpu.memory_space<vmem>> -> memref<1x200x128xf32, #tpu.memory_space<vmem>>
      %dma_start3A_164 = tpu.memref_squeeze %dma_start3A_163 : memref<1x200x128xf32, #tpu.memory_space<vmem>> -> memref<200x128xf32, #tpu.memory_space<vmem>>
      %dma_start3A_165 = tpu.memref_slice %arg5[%mul3A_159] : memref<10000xi32, #tpu.memory_space<vmem>> -> memref<200xi32, #tpu.memory_space<vmem>>
      %dma_start3A_166 = arith.constant 0 : i32
      %dma_start3A_167 = arith.constant 0 : i32
      %dma_start3A_168 = tpu.memref_slice %arg7[%dma_start3A_166, %dma_start3A_167] : memref<5632x128xf32, #tpu.memory_space<vmem_shared>> -> memref<5632x128xf32, #tpu.memory_space<vmem_shared>>
      tpu.enqueue_indirect_dma source(%dma_start3A_168 : memref<5632x128xf32, #tpu.memory_space<vmem_shared>>) target(%dma_start3A_164 : memref<200x128xf32, #tpu.memory_space<vmem>>) offsets(%dma_start3A_165 : memref<200xi32, #tpu.memory_space<vmem>>) semaphore(%arg8 : memref<!tpu.dma_semaphore, #tpu.memory_space<semaphore_mem>>)
      %add3A_169 = arith.constant 1 : i32
      %add3A_170 = arith.addi %add3A_111, %add3A_169 : i32
      %mul3A_171 = arith.constant 200 : i32
      %mul3A_172 = arith.muli %add3A_170, %mul3A_171 : i32
      %dma_wait3A_173 = arith.constant 0 : i32
      %dma_wait3A_174 = arith.constant 0 : i32
      %dma_wait3A_175 = arith.constant 0 : i32
      %dma_wait3A_176 = tpu.memref_slice %arg6[%dma_wait3A_173, %dma_wait3A_174, %dma_wait3A_175] : memref<2x200x128xf32, #tpu.memory_space<vmem>> -> memref<1x200x128xf32, #tpu.memory_space<vmem>>
      %dma_wait3A_177 = tpu.memref_squeeze %dma_wait3A_176 : memref<1x200x128xf32, #tpu.memory_space<vmem>> -> memref<200x128xf32, #tpu.memory_space<vmem>>
      %dma_wait3A_178 = tpu.memref_slice %arg5[%mul3A_172] : memref<10000xi32, #tpu.memory_space<vmem>> -> memref<200xi32, #tpu.memory_space<vmem>>
      %dma_wait3A_179 = arith.constant 0 : i32
      %dma_wait3A_180 = arith.constant 0 : i32
      %dma_wait3A_181 = tpu.memref_slice %arg7[%dma_wait3A_179, %dma_wait3A_180] : memref<5632x128xf32, #tpu.memory_space<vmem_shared>> -> memref<5632x128xf32, #tpu.memory_space<vmem_shared>>
      tpu.wait_indirect_dma semaphore(%arg8 : memref<!tpu.dma_semaphore, #tpu.memory_space<semaphore_mem>>) src(%dma_wait3A_181 : memref<5632x128xf32, #tpu.memory_space<vmem_shared>>) dst(%dma_wait3A_177 : memref<200x128xf32, #tpu.memory_space<vmem>>)
      %add3A_182 = arith.constant 1 : i32
      %add3A_183 = arith.addi %add3A_111, %add3A_182 : i32
      %mul3A_184 = arith.constant 200 : i32
      %mul3A_185 = arith.muli %add3A_183, %mul3A_184 : i32
      %add3A_186 = arith.addi %mul3A_2, %mul3A_185 : i32
      %dma_start3A_187 = arith.constant 0 : i32
      %dma_start3A_188 = arith.constant 0 : i32
      %dma_start3A_189 = arith.constant 0 : i32
      %dma_start3A_190 = tpu.memref_slice %arg6[%dma_start3A_187, %dma_start3A_188, %dma_start3A_189] : memref<2x200x128xf32, #tpu.memory_space<vmem>> -> memref<1x200x128xf32, #tpu.memory_space<vmem>>
      %dma_start3A_191 = tpu.memref_squeeze %dma_start3A_190 : memref<1x200x128xf32, #tpu.memory_space<vmem>> -> memref<200x128xf32, #tpu.memory_space<vmem>>
      %dma_start3A_192 = arith.constant 0 : i32
      %dma_start3A_193 = tpu.memref_slice %arg4[%add3A_186, %dma_start3A_192] : memref<320000x128xf32, #tpu.memory_space<hbm>> -> memref<200x128xf32, #tpu.memory_space<hbm>>
      %dma_start3A_194 = arith.constant 0 : i32
      %dma_start3A_195 = tpu.memref_slice %arg4[%add3A_186, %dma_start3A_194] : memref<320000x128xf32, #tpu.memory_space<hbm>> -> memref<200x128xf32, #tpu.memory_space<hbm>>
      %dma_start3A_196 = arith.constant 0 : i32
      %dma_start3A_197 = arith.constant 0 : i32
      %dma_start3A_198 = tpu.memref_slice %arg6[%dma_start3A_187, %dma_start3A_196, %dma_start3A_197] : memref<2x200x128xf32, #tpu.memory_space<vmem>> -> memref<1x200x128xf32, #tpu.memory_space<vmem>>
      %dma_start3A_199 = tpu.memref_squeeze %dma_start3A_198 : memref<1x200x128xf32, #tpu.memory_space<vmem>> -> memref<200x128xf32, #tpu.memory_space<vmem>>
      tpu.enqueue_dma source(%dma_start3A_199 : memref<200x128xf32, #tpu.memory_space<vmem>>) target(%dma_start3A_195 : memref<200x128xf32, #tpu.memory_space<hbm>>) target_semaphore(%arg10 : memref<!tpu.dma_semaphore, #tpu.memory_space<semaphore_mem>>)
      %mul3A_200 = arith.constant 200 : i32
      %mul3A_201 = arith.muli %add3A_111, %mul3A_200 : i32
      %add3A_202 = arith.addi %mul3A_2, %mul3A_201 : i32
      %dma_wait3A_203 = arith.constant 1 : i32
      %dma_wait3A_204 = arith.constant 0 : i32
      %dma_wait3A_205 = arith.constant 0 : i32
      %dma_wait3A_206 = tpu.memref_slice %arg6[%dma_wait3A_203, %dma_wait3A_204, %dma_wait3A_205] : memref<2x200x128xf32, #tpu.memory_space<vmem>> -> memref<1x200x128xf32, #tpu.memory_space<vmem>>
      %dma_wait3A_207 = tpu.memref_squeeze %dma_wait3A_206 : memref<1x200x128xf32, #tpu.memory_space<vmem>> -> memref<200x128xf32, #tpu.memory_space<vmem>>
      %dma_wait3A_208 = arith.constant 0 : i32
      %dma_wait3A_209 = tpu.memref_slice %arg4[%add3A_202, %dma_wait3A_208] : memref<320000x128xf32, #tpu.memory_space<hbm>> -> memref<200x128xf32, #tpu.memory_space<hbm>>
      %dma_wait3A_210 = arith.constant 0 : i32
      %dma_wait3A_211 = tpu.memref_slice %arg4[%add3A_202, %dma_wait3A_210] : memref<320000x128xf32, #tpu.memory_space<hbm>> -> memref<200x128xf32, #tpu.memory_space<hbm>>
      %dma_wait3A_212 = arith.constant 0 : i32
      %dma_wait3A_213 = arith.constant 0 : i32
      %dma_wait3A_214 = tpu.memref_slice %arg6[%dma_wait3A_203, %dma_wait3A_212, %dma_wait3A_213] : memref<2x200x128xf32, #tpu.memory_space<vmem>> -> memref<1x200x128xf32, #tpu.memory_space<vmem>>
      %dma_wait3A_215 = tpu.memref_squeeze %dma_wait3A_214 : memref<1x200x128xf32, #tpu.memory_space<vmem>> -> memref<200x128xf32, #tpu.memory_space<vmem>>
      tpu.wait_dma2 semaphore(%arg11 : memref<!tpu.dma_semaphore, #tpu.memory_space<semaphore_mem>>) src(%dma_wait3A_215 : memref<200x128xf32, #tpu.memory_space<vmem>>) dst(%dma_wait3A_211 : memref<200x128xf32, #tpu.memory_space<hbm>>)
      %add3A_216 = arith.constant 2 : i32
      %add3A_217 = arith.addi %add3A_111, %add3A_216 : i32
      %mul3A_218 = arith.constant 200 : i32
      %mul3A_219 = arith.muli %add3A_217, %mul3A_218 : i32
      %dma_start3A_220 = arith.constant 1 : i32
      %dma_start3A_221 = arith.constant 0 : i32
      %dma_start3A_222 = arith.constant 0 : i32
      %dma_start3A_223 = tpu.memref_slice %arg6[%dma_start3A_220, %dma_start3A_221, %dma_start3A_222] : memref<2x200x128xf32, #tpu.memory_space<vmem>> -> memref<1x200x128xf32, #tpu.memory_space<vmem>>
      %dma_start3A_224 = tpu.memref_squeeze %dma_start3A_223 : memref<1x200x128xf32, #tpu.memory_space<vmem>> -> memref<200x128xf32, #tpu.memory_space<vmem>>
      %dma_start3A_225 = tpu.memref_slice %arg5[%mul3A_219] : memref<10000xi32, #tpu.memory_space<vmem>> -> memref<200xi32, #tpu.memory_space<vmem>>
      %dma_start3A_226 = arith.constant 0 : i32
      %dma_start3A_227 = arith.constant 0 : i32
      %dma_start3A_228 = tpu.memref_slice %arg7[%dma_start3A_226, %dma_start3A_227] : memref<5632x128xf32, #tpu.memory_space<vmem_shared>> -> memref<5632x128xf32, #tpu.memory_space<vmem_shared>>
      tpu.enqueue_indirect_dma source(%dma_start3A_228 : memref<5632x128xf32, #tpu.memory_space<vmem_shared>>) target(%dma_start3A_224 : memref<200x128xf32, #tpu.memory_space<vmem>>) offsets(%dma_start3A_225 : memref<200xi32, #tpu.memory_space<vmem>>) semaphore(%arg9 : memref<!tpu.dma_semaphore, #tpu.memory_space<semaphore_mem>>)
    }
    %scan3A_51 = arith.constant 24 : i32
    %dma_wait3A_52 = arith.constant 1 : i32
    %dma_wait3A_53 = arith.constant 0 : i32
    %dma_wait3A_54 = arith.constant 0 : i32
    %dma_wait3A_55 = tpu.memref_slice %arg6[%dma_wait3A_52, %dma_wait3A_53, %dma_wait3A_54] : memref<2x200x128xf32, #tpu.memory_space<vmem>> -> memref<1x200x128xf32, #tpu.memory_space<vmem>>
    %dma_wait3A_56 = tpu.memref_squeeze %dma_wait3A_55 : memref<1x200x128xf32, #tpu.memory_space<vmem>> -> memref<200x128xf32, #tpu.memory_space<vmem>>
    %dma_wait3A_57 = arith.constant 9800 : i32
    %dma_wait3A_58 = tpu.memref_slice %arg5[%dma_wait3A_57] : memref<10000xi32, #tpu.memory_space<vmem>> -> memref<200xi32, #tpu.memory_space<vmem>>
    %dma_wait3A_59 = arith.constant 0 : i32
    %dma_wait3A_60 = arith.constant 0 : i32
    %dma_wait3A_61 = tpu.memref_slice %arg7[%dma_wait3A_59, %dma_wait3A_60] : memref<5632x128xf32, #tpu.memory_space<vmem_shared>> -> memref<5632x128xf32, #tpu.memory_space<vmem_shared>>
    tpu.wait_indirect_dma semaphore(%arg9 : memref<!tpu.dma_semaphore, #tpu.memory_space<semaphore_mem>>) src(%dma_wait3A_61 : memref<5632x128xf32, #tpu.memory_space<vmem_shared>>) dst(%dma_wait3A_56 : memref<200x128xf32, #tpu.memory_space<vmem>>)
    %add3A_62 = arith.constant 9800 : i32
    %add3A_63 = arith.addi %mul3A_2, %add3A_62 : i32
    %dma_start3A_64 = arith.constant 1 : i32
    %dma_start3A_65 = arith.constant 0 : i32
    %dma_start3A_66 = arith.constant 0 : i32
    %dma_start3A_67 = tpu.memref_slice %arg6[%dma_start3A_64, %dma_start3A_65, %dma_start3A_66] : memref<2x200x128xf32, #tpu.memory_space<vmem>> -> memref<1x200x128xf32, #tpu.memory_space<vmem>>
    %dma_start3A_68 = tpu.memref_squeeze %dma_start3A_67 : memref<1x200x128xf32, #tpu.memory_space<vmem>> -> memref<200x128xf32, #tpu.memory_space<vmem>>
    %dma_start3A_69 = arith.constant 0 : i32
    %dma_start3A_70 = tpu.memref_slice %arg4[%add3A_63, %dma_start3A_69] : memref<320000x128xf32, #tpu.memory_space<hbm>> -> memref<200x128xf32, #tpu.memory_space<hbm>>
    %dma_start3A_71 = arith.constant 0 : i32
    %dma_start3A_72 = tpu.memref_slice %arg4[%add3A_63, %dma_start3A_71] : memref<320000x128xf32, #tpu.memory_space<hbm>> -> memref<200x128xf32, #tpu.memory_space<hbm>>
    %dma_start3A_73 = arith.constant 0 : i32
    %dma_start3A_74 = arith.constant 0 : i32
    %dma_start3A_75 = tpu.memref_slice %arg6[%dma_start3A_64, %dma_start3A_73, %dma_start3A_74] : memref<2x200x128xf32, #tpu.memory_space<vmem>> -> memref<1x200x128xf32, #tpu.memory_space<vmem>>
    %dma_start3A_76 = tpu.memref_squeeze %dma_start3A_75 : memref<1x200x128xf32, #tpu.memory_space<vmem>> -> memref<200x128xf32, #tpu.memory_space<vmem>>
    tpu.enqueue_dma source(%dma_start3A_76 : memref<200x128xf32, #tpu.memory_space<vmem>>) target(%dma_start3A_72 : memref<200x128xf32, #tpu.memory_space<hbm>>) target_semaphore(%arg11 : memref<!tpu.dma_semaphore, #tpu.memory_space<semaphore_mem>>)
    %add3A_77 = arith.constant 9600 : i32
    %add3A_78 = arith.addi %mul3A_2, %add3A_77 : i32
    %dma_wait3A_79 = arith.constant 0 : i32
    %dma_wait3A_80 = arith.constant 0 : i32
    %dma_wait3A_81 = arith.constant 0 : i32
    %dma_wait3A_82 = tpu.memref_slice %arg6[%dma_wait3A_79, %dma_wait3A_80, %dma_wait3A_81] : memref<2x200x128xf32, #tpu.memory_space<vmem>> -> memref<1x200x128xf32, #tpu.memory_space<vmem>>
    %dma_wait3A_83 = tpu.memref_squeeze %dma_wait3A_82 : memref<1x200x128xf32, #tpu.memory_space<vmem>> -> memref<200x128xf32, #tpu.memory_space<vmem>>
    %dma_wait3A_84 = arith.constant 0 : i32
    %dma_wait3A_85 = tpu.memref_slice %arg4[%add3A_78, %dma_wait3A_84] : memref<320000x128xf32, #tpu.memory_space<hbm>> -> memref<200x128xf32, #tpu.memory_space<hbm>>
    %dma_wait3A_86 = arith.constant 0 : i32
    %dma_wait3A_87 = tpu.memref_slice %arg4[%add3A_78, %dma_wait3A_86] : memref<320000x128xf32, #tpu.memory_space<hbm>> -> memref<200x128xf32, #tpu.memory_space<hbm>>
    %dma_wait3A_88 = arith.constant 0 : i32
    %dma_wait3A_89 = arith.constant 0 : i32
    %dma_wait3A_90 = tpu.memref_slice %arg6[%dma_wait3A_79, %dma_wait3A_88, %dma_wait3A_89] : memref<2x200x128xf32, #tpu.memory_space<vmem>> -> memref<1x200x128xf32, #tpu.memory_space<vmem>>
    %dma_wait3A_91 = tpu.memref_squeeze %dma_wait3A_90 : memref<1x200x128xf32, #tpu.memory_space<vmem>> -> memref<200x128xf32, #tpu.memory_space<vmem>>
    tpu.wait_dma2 semaphore(%arg10 : memref<!tpu.dma_semaphore, #tpu.memory_space<semaphore_mem>>) src(%dma_wait3A_91 : memref<200x128xf32, #tpu.memory_space<vmem>>) dst(%dma_wait3A_87 : memref<200x128xf32, #tpu.memory_space<hbm>>)
    %add3A_92 = arith.constant 9800 : i32
    %add3A_93 = arith.addi %mul3A_2, %add3A_92 : i32
    %dma_wait3A_94 = arith.constant 1 : i32
    %dma_wait3A_95 = arith.constant 0 : i32
    %dma_wait3A_96 = arith.constant 0 : i32
    %dma_wait3A_97 = tpu.memref_slice %arg6[%dma_wait3A_94, %dma_wait3A_95, %dma_wait3A_96] : memref<2x200x128xf32, #tpu.memory_space<vmem>> -> memref<1x200x128xf32, #tpu.memory_space<vmem>>
    %dma_wait3A_98 = tpu.memref_squeeze %dma_wait3A_97 : memref<1x200x128xf32, #tpu.memory_space<vmem>> -> memref<200x128xf32, #tpu.memory_space<vmem>>
    %dma_wait3A_99 = arith.constant 0 : i32
    %dma_wait3A_100 = tpu.memref_slice %arg4[%add3A_93, %dma_wait3A_99] : memref<320000x128xf32, #tpu.memory_space<hbm>> -> memref<200x128xf32, #tpu.memory_space<hbm>>
    %dma_wait3A_101 = arith.constant 0 : i32
    %dma_wait3A_102 = tpu.memref_slice %arg4[%add3A_93, %dma_wait3A_101] : memref<320000x128xf32, #tpu.memory_space<hbm>> -> memref<200x128xf32, #tpu.memory_space<hbm>>
    %dma_wait3A_103 = arith.constant 0 : i32
    %dma_wait3A_104 = arith.constant 0 : i32
    %dma_wait3A_105 = tpu.memref_slice %arg6[%dma_wait3A_94, %dma_wait3A_103, %dma_wait3A_104] : memref<2x200x128xf32, #tpu.memory_space<vmem>> -> memref<1x200x128xf32, #tpu.memory_space<vmem>>
    %dma_wait3A_106 = tpu.memref_squeeze %dma_wait3A_105 : memref<1x200x128xf32, #tpu.memory_space<vmem>> -> memref<200x128xf32, #tpu.memory_space<vmem>>
    tpu.wait_dma2 semaphore(%arg11 : memref<!tpu.dma_semaphore, #tpu.memory_space<semaphore_mem>>) src(%dma_wait3A_106 : memref<200x128xf32, #tpu.memory_space<vmem>>) dst(%dma_wait3A_102 : memref<200x128xf32, #tpu.memory_space<hbm>>)
    return
  }
}

#map = affine_map<(d0, d1) -> (0, 0)>
#map1 = affine_map<(d0, d1) -> (0)>
module attributes {stable_mosaic.version = 14 : i64} {
  func.func @k(%arg0: i32, %arg1: i32, %arg2: memref<10240x128xf32, #tpu.memory_space<hbm>>, %arg3: memref<320000xi32, #tpu.memory_space<hbm>>, %arg4: memref<320000x128xf32, #tpu.memory_space<hbm>>, %arg5: memref<10000xi32, #tpu.memory_space<vmem>>, %arg6: memref<2x200x128xf32, #tpu.memory_space<vmem>>, %arg7: memref<5632x128xf32, #tpu.memory_space<vmem_shared>>, %arg8: memref<!tpu.dma_semaphore, #tpu.memory_space<semaphore_mem>>, %arg9: memref<!tpu.dma_semaphore, #tpu.memory_space<semaphore_mem>>, %arg10: memref<!tpu.dma_semaphore, #tpu.memory_space<semaphore_mem>>, %arg11: memref<!tpu.dma_semaphore, #tpu.memory_space<semaphore_mem>>) attributes {dimension_semantics = [#tpu.dimension_semantics<core_parallel>, #tpu.dimension_semantics<subcore_parallel>], iteration_bounds = array<i64: 2, 16>, scalar_prefetch = 0 : i64, scratch_operands = 7 : i64, tpu.core_type = #tpu.core_type<sc_vector_subcore>, window_params = [{transform_indices = #map}, {transform_indices = #map1}, {transform_indices = #map}]} {
    %mul3A = arith.constant 16 : i32
    %mul3A_0 = arith.muli %arg0, %mul3A : i32
    %add3A = arith.addi %mul3A_0, %arg1 : i32
    %mul3A_1 = arith.constant 10000 : i32
    %mul3A_2 = arith.muli %add3A, %mul3A_1 : i32
    %eq3A = arith.constant 0 : i32
    %eq3A_3 = arith.cmpi eq, %arg1, %eq3A : i32
    %convert_element_type3A = arith.extui %eq3A_3 : i1 to i32
    %cond3A = arith.constant 0 : i32
    %cond3A_4 = arith.cmpi ne, %convert_element_type3A, %cond3A : i32
    scf.if %cond3A_4 {
      %mul3A_107 = arith.constant 4608 : i32
      %mul3A_108 = arith.muli %arg0, %mul3A_107 : i32
      "tpu.region"() ({
        %run_scoped3A = tpu.sem_alloc : memref<!tpu.dma_semaphore, #tpu.memory_space<semaphore_mem>>
        %dma_start3A_109 = arith.constant 0 : i32
        %dma_start3A_110 = tpu.memref_slice %arg2[%mul3A_108, %dma_start3A_109] : memref<10240x128xf32, #tpu.memory_space<hbm>> -> memref<5632x128xf32, #tpu.memory_space<hbm>>
        tpu.enqueue_dma source(%dma_start3A_110 : memref<5632x128xf32, #tpu.memory_space<hbm>>) target(%arg7 : memref<5632x128xf32, #tpu.memory_space<vmem_shared>>) target_semaphore(%run_scoped3A : memref<!tpu.dma_semaphore, #tpu.memory_space<semaphore_mem>>)
        %dma_wait3A_111 = arith.constant 0 : i32
        %dma_wait3A_112 = tpu.memref_slice %arg2[%mul3A_108, %dma_wait3A_111] : memref<10240x128xf32, #tpu.memory_space<hbm>> -> memref<5632x128xf32, #tpu.memory_space<hbm>>
        tpu.wait_dma2 semaphore(%run_scoped3A : memref<!tpu.dma_semaphore, #tpu.memory_space<semaphore_mem>>) src(%dma_wait3A_112 : memref<5632x128xf32, #tpu.memory_space<hbm>>) dst(%arg7 : memref<5632x128xf32, #tpu.memory_space<vmem_shared>>)
        tpu.yield
      }) : () -> ()
    } else {
    }
    %barrier3A = arith.constant 0 : index
    tpu.barrier barrier_id(%barrier3A)
    "tpu.region"() ({
      %run_scoped3A = tpu.sem_alloc : memref<!tpu.dma_semaphore, #tpu.memory_space<semaphore_mem>>
      %dma_start3A_107 = tpu.memref_slice %arg3[%mul3A_2] : memref<320000xi32, #tpu.memory_space<hbm>> -> memref<10000xi32, #tpu.memory_space<hbm>>
      %dma_start3A_108 = tpu.memref_slice %arg3[%mul3A_2] : memref<320000xi32, #tpu.memory_space<hbm>> -> memref<10000xi32, #tpu.memory_space<hbm>>
      tpu.enqueue_dma source(%dma_start3A_108 : memref<10000xi32, #tpu.memory_space<hbm>>) target(%arg5 : memref<10000xi32, #tpu.memory_space<vmem>>) target_semaphore(%run_scoped3A : memref<!tpu.dma_semaphore, #tpu.memory_space<semaphore_mem>>)
      %dma_wait3A_109 = tpu.memref_slice %arg3[%mul3A_2] : memref<320000xi32, #tpu.memory_space<hbm>> -> memref<10000xi32, #tpu.memory_space<hbm>>
      %dma_wait3A_110 = tpu.memref_slice %arg3[%mul3A_2] : memref<320000xi32, #tpu.memory_space<hbm>> -> memref<10000xi32, #tpu.memory_space<hbm>>
      tpu.wait_dma2 semaphore(%run_scoped3A : memref<!tpu.dma_semaphore, #tpu.memory_space<semaphore_mem>>) src(%dma_wait3A_110 : memref<10000xi32, #tpu.memory_space<hbm>>) dst(%arg5 : memref<10000xi32, #tpu.memory_space<vmem>>)
      tpu.yield
    }) : () -> ()
    %dma_start3A = arith.constant 0 : i32
    %dma_start3A_5 = arith.constant 0 : i32
    %dma_start3A_6 = arith.constant 0 : i32
    %dma_start3A_7 = tpu.memref_slice %arg6[%dma_start3A, %dma_start3A_5, %dma_start3A_6] : memref<2x200x128xf32, #tpu.memory_space<vmem>> -> memref<1x200x128xf32, #tpu.memory_space<vmem>>
    %dma_start3A_8 = tpu.memref_squeeze %dma_start3A_7 : memref<1x200x128xf32, #tpu.memory_space<vmem>> -> memref<200x128xf32, #tpu.memory_space<vmem>>
    %dma_start3A_9 = arith.constant 0 : i32
    %dma_start3A_10 = tpu.memref_slice %arg5[%dma_start3A_9] : memref<10000xi32, #tpu.memory_space<vmem>> -> memref<200xi32, #tpu.memory_space<vmem>>
    %dma_start3A_11 = arith.constant 0 : i32
    %dma_start3A_12 = arith.constant 0 : i32
    %dma_start3A_13 = tpu.memref_slice %arg7[%dma_start3A_11, %dma_start3A_12] : memref<5632x128xf32, #tpu.memory_space<vmem_shared>> -> memref<5632x128xf32, #tpu.memory_space<vmem_shared>>
    tpu.enqueue_indirect_dma source(%dma_start3A_13 : memref<5632x128xf32, #tpu.memory_space<vmem_shared>>) target(%dma_start3A_8 : memref<200x128xf32, #tpu.memory_space<vmem>>) offsets(%dma_start3A_10 : memref<200xi32, #tpu.memory_space<vmem>>) semaphore(%arg8 : memref<!tpu.dma_semaphore, #tpu.memory_space<semaphore_mem>>)
    %dma_wait3A = arith.constant 0 : i32
    %dma_wait3A_14 = arith.constant 0 : i32
    %dma_wait3A_15 = arith.constant 0 : i32
    %dma_wait3A_16 = tpu.memref_slice %arg6[%dma_wait3A, %dma_wait3A_14, %dma_wait3A_15] : memref<2x200x128xf32, #tpu.memory_space<vmem>> -> memref<1x200x128xf32, #tpu.memory_space<vmem>>
    %dma_wait3A_17 = tpu.memref_squeeze %dma_wait3A_16 : memref<1x200x128xf32, #tpu.memory_space<vmem>> -> memref<200x128xf32, #tpu.memory_space<vmem>>
    %dma_wait3A_18 = arith.constant 0 : i32
    %dma_wait3A_19 = tpu.memref_slice %arg5[%dma_wait3A_18] : memref<10000xi32, #tpu.memory_space<vmem>> -> memref<200xi32, #tpu.memory_space<vmem>>
    %dma_wait3A_20 = arith.constant 0 : i32
    %dma_wait3A_21 = arith.constant 0 : i32
    %dma_wait3A_22 = tpu.memref_slice %arg7[%dma_wait3A_20, %dma_wait3A_21] : memref<5632x128xf32, #tpu.memory_space<vmem_shared>> -> memref<5632x128xf32, #tpu.memory_space<vmem_shared>>
    tpu.wait_indirect_dma semaphore(%arg8 : memref<!tpu.dma_semaphore, #tpu.memory_space<semaphore_mem>>) src(%dma_wait3A_22 : memref<5632x128xf32, #tpu.memory_space<vmem_shared>>) dst(%dma_wait3A_17 : memref<200x128xf32, #tpu.memory_space<vmem>>)
    %add3A_23 = arith.constant 0 : i32
    %add3A_24 = arith.addi %mul3A_2, %add3A_23 : i32
    %dma_start3A_25 = arith.constant 0 : i32
    %dma_start3A_26 = arith.constant 0 : i32
    %dma_start3A_27 = arith.constant 0 : i32
    %dma_start3A_28 = tpu.memref_slice %arg6[%dma_start3A_25, %dma_start3A_26, %dma_start3A_27] : memref<2x200x128xf32, #tpu.memory_space<vmem>> -> memref<1x200x128xf32, #tpu.memory_space<vmem>>
    %dma_start3A_29 = tpu.memref_squeeze %dma_start3A_28 : memref<1x200x128xf32, #tpu.memory_space<vmem>> -> memref<200x128xf32, #tpu.memory_space<vmem>>
    %dma_start3A_30 = arith.constant 0 : i32
    %dma_start3A_31 = tpu.memref_slice %arg4[%add3A_24, %dma_start3A_30] : memref<320000x128xf32, #tpu.memory_space<hbm>> -> memref<200x128xf32, #tpu.memory_space<hbm>>
    %dma_start3A_32 = arith.constant 0 : i32
    %dma_start3A_33 = tpu.memref_slice %arg4[%add3A_24, %dma_start3A_32] : memref<320000x128xf32, #tpu.memory_space<hbm>> -> memref<200x128xf32, #tpu.memory_space<hbm>>
    %dma_start3A_34 = arith.constant 0 : i32
    %dma_start3A_35 = arith.constant 0 : i32
    %dma_start3A_36 = tpu.memref_slice %arg6[%dma_start3A_25, %dma_start3A_34, %dma_start3A_35] : memref<2x200x128xf32, #tpu.memory_space<vmem>> -> memref<1x200x128xf32, #tpu.memory_space<vmem>>
    %dma_start3A_37 = tpu.memref_squeeze %dma_start3A_36 : memref<1x200x128xf32, #tpu.memory_space<vmem>> -> memref<200x128xf32, #tpu.memory_space<vmem>>
    tpu.enqueue_dma source(%dma_start3A_37 : memref<200x128xf32, #tpu.memory_space<vmem>>) target(%dma_start3A_33 : memref<200x128xf32, #tpu.memory_space<hbm>>) target_semaphore(%arg10 : memref<!tpu.dma_semaphore, #tpu.memory_space<semaphore_mem>>)
    %dma_start3A_38 = arith.constant 1 : i32
    %dma_start3A_39 = arith.constant 0 : i32
    %dma_start3A_40 = arith.constant 0 : i32
    %dma_start3A_41 = tpu.memref_slice %arg6[%dma_start3A_38, %dma_start3A_39, %dma_start3A_40] : memref<2x200x128xf32, #tpu.memory_space<vmem>> -> memref<1x200x128xf32, #tpu.memory_space<vmem>>
    %dma_start3A_42 = tpu.memref_squeeze %dma_start3A_41 : memref<1x200x128xf32, #tpu.memory_space<vmem>> -> memref<200x128xf32, #tpu.memory_space<vmem>>
    %dma_start3A_43 = arith.constant 200 : i32
    %dma_start3A_44 = tpu.memref_slice %arg5[%dma_start3A_43] : memref<10000xi32, #tpu.memory_space<vmem>> -> memref<200xi32, #tpu.memory_space<vmem>>
    %dma_start3A_45 = arith.constant 0 : i32
    %dma_start3A_46 = arith.constant 0 : i32
    %dma_start3A_47 = tpu.memref_slice %arg7[%dma_start3A_45, %dma_start3A_46] : memref<5632x128xf32, #tpu.memory_space<vmem_shared>> -> memref<5632x128xf32, #tpu.memory_space<vmem_shared>>
    tpu.enqueue_indirect_dma source(%dma_start3A_47 : memref<5632x128xf32, #tpu.memory_space<vmem_shared>>) target(%dma_start3A_42 : memref<200x128xf32, #tpu.memory_space<vmem>>) offsets(%dma_start3A_44 : memref<200xi32, #tpu.memory_space<vmem>>) semaphore(%arg9 : memref<!tpu.dma_semaphore, #tpu.memory_space<semaphore_mem>>)
    %scan3A = arith.constant 0 : i32
    %scan3A_48 = arith.constant 24 : i32
    %scan3A_49 = arith.addi %scan3A, %scan3A_48 : i32
    %scan3A_50 = arith.constant 1 : i32
    scf.for %scan3A_107 = %scan3A to %scan3A_49 step %scan3A_50  : i32 {
      %mul3A_108 = arith.constant 2 : i32
      %mul3A_109 = arith.muli %scan3A_107, %mul3A_108 : i32
      %add3A_110 = arith.constant 1 : i32
      %add3A_111 = arith.addi %add3A_110, %mul3A_109 : i32
      %mul3A_112 = arith.constant 200 : i32
      %mul3A_113 = arith.muli %add3A_111, %mul3A_112 : i32
      %dma_wait3A_114 = arith.constant 1 : i32
      %dma_wait3A_115 = arith.constant 0 : i32
      %dma_wait3A_116 = arith.constant 0 : i32
      %dma_wait3A_117 = tpu.memref_slice %arg6[%dma_wait3A_114, %dma_wait3A_115, %dma_wait3A_116] : memref<2x200x128xf32, #tpu.memory_space<vmem>> -> memref<1x200x128xf32, #tpu.memory_space<vmem>>
      %dma_wait3A_118 = tpu.memref_squeeze %dma_wait3A_117 : memref<1x200x128xf32, #tpu.memory_space<vmem>> -> memref<200x128xf32, #tpu.memory_space<vmem>>
      %dma_wait3A_119 = tpu.memref_slice %arg5[%mul3A_113] : memref<10000xi32, #tpu.memory_space<vmem>> -> memref<200xi32, #tpu.memory_space<vmem>>
      %dma_wait3A_120 = arith.constant 0 : i32
      %dma_wait3A_121 = arith.constant 0 : i32
      %dma_wait3A_122 = tpu.memref_slice %arg7[%dma_wait3A_120, %dma_wait3A_121] : memref<5632x128xf32, #tpu.memory_space<vmem_shared>> -> memref<5632x128xf32, #tpu.memory_space<vmem_shared>>
      tpu.wait_indirect_dma semaphore(%arg9 : memref<!tpu.dma_semaphore, #tpu.memory_space<semaphore_mem>>) src(%dma_wait3A_122 : memref<5632x128xf32, #tpu.memory_space<vmem_shared>>) dst(%dma_wait3A_118 : memref<200x128xf32, #tpu.memory_space<vmem>>)
      %mul3A_123 = arith.constant 200 : i32
      %mul3A_124 = arith.muli %add3A_111, %mul3A_123 : i32
      %add3A_125 = arith.addi %mul3A_2, %mul3A_124 : i32
      %dma_start3A_126 = arith.constant 1 : i32
      %dma_start3A_127 = arith.constant 0 : i32
      %dma_start3A_128 = arith.constant 0 : i32
      %dma_start3A_129 = tpu.memref_slice %arg6[%dma_start3A_126, %dma_start3A_127, %dma_start3A_128] : memref<2x200x128xf32, #tpu.memory_space<vmem>> -> memref<1x200x128xf32, #tpu.memory_space<vmem>>
      %dma_start3A_130 = tpu.memref_squeeze %dma_start3A_129 : memref<1x200x128xf32, #tpu.memory_space<vmem>> -> memref<200x128xf32, #tpu.memory_space<vmem>>
      %dma_start3A_131 = arith.constant 0 : i32
      %dma_start3A_132 = tpu.memref_slice %arg4[%add3A_125, %dma_start3A_131] : memref<320000x128xf32, #tpu.memory_space<hbm>> -> memref<200x128xf32, #tpu.memory_space<hbm>>
      %dma_start3A_133 = arith.constant 0 : i32
      %dma_start3A_134 = tpu.memref_slice %arg4[%add3A_125, %dma_start3A_133] : memref<320000x128xf32, #tpu.memory_space<hbm>> -> memref<200x128xf32, #tpu.memory_space<hbm>>
      %dma_start3A_135 = arith.constant 0 : i32
      %dma_start3A_136 = arith.constant 0 : i32
      %dma_start3A_137 = tpu.memref_slice %arg6[%dma_start3A_126, %dma_start3A_135, %dma_start3A_136] : memref<2x200x128xf32, #tpu.memory_space<vmem>> -> memref<1x200x128xf32, #tpu.memory_space<vmem>>
      %dma_start3A_138 = tpu.memref_squeeze %dma_start3A_137 : memref<1x200x128xf32, #tpu.memory_space<vmem>> -> memref<200x128xf32, #tpu.memory_space<vmem>>
      tpu.enqueue_dma source(%dma_start3A_138 : memref<200x128xf32, #tpu.memory_space<vmem>>) target(%dma_start3A_134 : memref<200x128xf32, #tpu.memory_space<hbm>>) target_semaphore(%arg11 : memref<!tpu.dma_semaphore, #tpu.memory_space<semaphore_mem>>)
      %sub3A = arith.constant 1 : i32
      %sub3A_139 = arith.subi %add3A_111, %sub3A : i32
      %mul3A_140 = arith.constant 200 : i32
      %mul3A_141 = arith.muli %sub3A_139, %mul3A_140 : i32
      %add3A_142 = arith.addi %mul3A_2, %mul3A_141 : i32
      %dma_wait3A_143 = arith.constant 0 : i32
      %dma_wait3A_144 = arith.constant 0 : i32
      %dma_wait3A_145 = arith.constant 0 : i32
      %dma_wait3A_146 = tpu.memref_slice %arg6[%dma_wait3A_143, %dma_wait3A_144, %dma_wait3A_145] : memref<2x200x128xf32, #tpu.memory_space<vmem>> -> memref<1x200x128xf32, #tpu.memory_space<vmem>>
      %dma_wait3A_147 = tpu.memref_squeeze %dma_wait3A_146 : memref<1x200x128xf32, #tpu.memory_space<vmem>> -> memref<200x128xf32, #tpu.memory_space<vmem>>
      %dma_wait3A_148 = arith.constant 0 : i32
      %dma_wait3A_149 = tpu.memref_slice %arg4[%add3A_142, %dma_wait3A_148] : memref<320000x128xf32, #tpu.memory_space<hbm>> -> memref<200x128xf32, #tpu.memory_space<hbm>>
      %dma_wait3A_150 = arith.constant 0 : i32
      %dma_wait3A_151 = tpu.memref_slice %arg4[%add3A_142, %dma_wait3A_150] : memref<320000x128xf32, #tpu.memory_space<hbm>> -> memref<200x128xf32, #tpu.memory_space<hbm>>
      %dma_wait3A_152 = arith.constant 0 : i32
      %dma_wait3A_153 = arith.constant 0 : i32
      %dma_wait3A_154 = tpu.memref_slice %arg6[%dma_wait3A_143, %dma_wait3A_152, %dma_wait3A_153] : memref<2x200x128xf32, #tpu.memory_space<vmem>> -> memref<1x200x128xf32, #tpu.memory_space<vmem>>
      %dma_wait3A_155 = tpu.memref_squeeze %dma_wait3A_154 : memref<1x200x128xf32, #tpu.memory_space<vmem>> -> memref<200x128xf32, #tpu.memory_space<vmem>>
      tpu.wait_dma2 semaphore(%arg10 : memref<!tpu.dma_semaphore, #tpu.memory_space<semaphore_mem>>) src(%dma_wait3A_155 : memref<200x128xf32, #tpu.memory_space<vmem>>) dst(%dma_wait3A_151 : memref<200x128xf32, #tpu.memory_space<hbm>>)
      %add3A_156 = arith.constant 1 : i32
      %add3A_157 = arith.addi %add3A_111, %add3A_156 : i32
      %mul3A_158 = arith.constant 200 : i32
      %mul3A_159 = arith.muli %add3A_157, %mul3A_158 : i32
      %dma_start3A_160 = arith.constant 0 : i32
      %dma_start3A_161 = arith.constant 0 : i32
      %dma_start3A_162 = arith.constant 0 : i32
      %dma_start3A_163 = tpu.memref_slice %arg6[%dma_start3A_160, %dma_start3A_161, %dma_start3A_162] : memref<2x200x128xf32, #tpu.memory_space<vmem>> -> memref<1x200x128xf32, #tpu.memory_space<vmem>>
      %dma_start3A_164 = tpu.memref_squeeze %dma_start3A_163 : memref<1x200x128xf32, #tpu.memory_space<vmem>> -> memref<200x128xf32, #tpu.memory_space<vmem>>
      %dma_start3A_165 = tpu.memref_slice %arg5[%mul3A_159] : memref<10000xi32, #tpu.memory_space<vmem>> -> memref<200xi32, #tpu.memory_space<vmem>>
      %dma_start3A_166 = arith.constant 0 : i32
      %dma_start3A_167 = arith.constant 0 : i32
      %dma_start3A_168 = tpu.memref_slice %arg7[%dma_start3A_166, %dma_start3A_167] : memref<5632x128xf32, #tpu.memory_space<vmem_shared>> -> memref<5632x128xf32, #tpu.memory_space<vmem_shared>>
      tpu.enqueue_indirect_dma source(%dma_start3A_168 : memref<5632x128xf32, #tpu.memory_space<vmem_shared>>) target(%dma_start3A_164 : memref<200x128xf32, #tpu.memory_space<vmem>>) offsets(%dma_start3A_165 : memref<200xi32, #tpu.memory_space<vmem>>) semaphore(%arg8 : memref<!tpu.dma_semaphore, #tpu.memory_space<semaphore_mem>>)
      %add3A_169 = arith.constant 1 : i32
      %add3A_170 = arith.addi %add3A_111, %add3A_169 : i32
      %mul3A_171 = arith.constant 200 : i32
      %mul3A_172 = arith.muli %add3A_170, %mul3A_171 : i32
      %dma_wait3A_173 = arith.constant 0 : i32
      %dma_wait3A_174 = arith.constant 0 : i32
      %dma_wait3A_175 = arith.constant 0 : i32
      %dma_wait3A_176 = tpu.memref_slice %arg6[%dma_wait3A_173, %dma_wait3A_174, %dma_wait3A_175] : memref<2x200x128xf32, #tpu.memory_space<vmem>> -> memref<1x200x128xf32, #tpu.memory_space<vmem>>
      %dma_wait3A_177 = tpu.memref_squeeze %dma_wait3A_176 : memref<1x200x128xf32, #tpu.memory_space<vmem>> -> memref<200x128xf32, #tpu.memory_space<vmem>>
      %dma_wait3A_178 = tpu.memref_slice %arg5[%mul3A_172] : memref<10000xi32, #tpu.memory_space<vmem>> -> memref<200xi32, #tpu.memory_space<vmem>>
      %dma_wait3A_179 = arith.constant 0 : i32
      %dma_wait3A_180 = arith.constant 0 : i32
      %dma_wait3A_181 = tpu.memref_slice %arg7[%dma_wait3A_179, %dma_wait3A_180] : memref<5632x128xf32, #tpu.memory_space<vmem_shared>> -> memref<5632x128xf32, #tpu.memory_space<vmem_shared>>
      tpu.wait_indirect_dma semaphore(%arg8 : memref<!tpu.dma_semaphore, #tpu.memory_space<semaphore_mem>>) src(%dma_wait3A_181 : memref<5632x128xf32, #tpu.memory_space<vmem_shared>>) dst(%dma_wait3A_177 : memref<200x128xf32, #tpu.memory_space<vmem>>)
      %add3A_182 = arith.constant 1 : i32
      %add3A_183 = arith.addi %add3A_111, %add3A_182 : i32
      %mul3A_184 = arith.constant 200 : i32
      %mul3A_185 = arith.muli %add3A_183, %mul3A_184 : i32
      %add3A_186 = arith.addi %mul3A_2, %mul3A_185 : i32
      %dma_start3A_187 = arith.constant 0 : i32
      %dma_start3A_188 = arith.constant 0 : i32
      %dma_start3A_189 = arith.constant 0 : i32
      %dma_start3A_190 = tpu.memref_slice %arg6[%dma_start3A_187, %dma_start3A_188, %dma_start3A_189] : memref<2x200x128xf32, #tpu.memory_space<vmem>> -> memref<1x200x128xf32, #tpu.memory_space<vmem>>
      %dma_start3A_191 = tpu.memref_squeeze %dma_start3A_190 : memref<1x200x128xf32, #tpu.memory_space<vmem>> -> memref<200x128xf32, #tpu.memory_space<vmem>>
      %dma_start3A_192 = arith.constant 0 : i32
      %dma_start3A_193 = tpu.memref_slice %arg4[%add3A_186, %dma_start3A_192] : memref<320000x128xf32, #tpu.memory_space<hbm>> -> memref<200x128xf32, #tpu.memory_space<hbm>>
      %dma_start3A_194 = arith.constant 0 : i32
      %dma_start3A_195 = tpu.memref_slice %arg4[%add3A_186, %dma_start3A_194] : memref<320000x128xf32, #tpu.memory_space<hbm>> -> memref<200x128xf32, #tpu.memory_space<hbm>>
      %dma_start3A_196 = arith.constant 0 : i32
      %dma_start3A_197 = arith.constant 0 : i32
      %dma_start3A_198 = tpu.memref_slice %arg6[%dma_start3A_187, %dma_start3A_196, %dma_start3A_197] : memref<2x200x128xf32, #tpu.memory_space<vmem>> -> memref<1x200x128xf32, #tpu.memory_space<vmem>>
      %dma_start3A_199 = tpu.memref_squeeze %dma_start3A_198 : memref<1x200x128xf32, #tpu.memory_space<vmem>> -> memref<200x128xf32, #tpu.memory_space<vmem>>
      tpu.enqueue_dma source(%dma_start3A_199 : memref<200x128xf32, #tpu.memory_space<vmem>>) target(%dma_start3A_195 : memref<200x128xf32, #tpu.memory_space<hbm>>) target_semaphore(%arg10 : memref<!tpu.dma_semaphore, #tpu.memory_space<semaphore_mem>>)
      %mul3A_200 = arith.constant 200 : i32
      %mul3A_201 = arith.muli %add3A_111, %mul3A_200 : i32
      %add3A_202 = arith.addi %mul3A_2, %mul3A_201 : i32
      %dma_wait3A_203 = arith.constant 1 : i32
      %dma_wait3A_204 = arith.constant 0 : i32
      %dma_wait3A_205 = arith.constant 0 : i32
      %dma_wait3A_206 = tpu.memref_slice %arg6[%dma_wait3A_203, %dma_wait3A_204, %dma_wait3A_205] : memref<2x200x128xf32, #tpu.memory_space<vmem>> -> memref<1x200x128xf32, #tpu.memory_space<vmem>>
      %dma_wait3A_207 = tpu.memref_squeeze %dma_wait3A_206 : memref<1x200x128xf32, #tpu.memory_space<vmem>> -> memref<200x128xf32, #tpu.memory_space<vmem>>
      %dma_wait3A_208 = arith.constant 0 : i32
      %dma_wait3A_209 = tpu.memref_slice %arg4[%add3A_202, %dma_wait3A_208] : memref<320000x128xf32, #tpu.memory_space<hbm>> -> memref<200x128xf32, #tpu.memory_space<hbm>>
      %dma_wait3A_210 = arith.constant 0 : i32
      %dma_wait3A_211 = tpu.memref_slice %arg4[%add3A_202, %dma_wait3A_210] : memref<320000x128xf32, #tpu.memory_space<hbm>> -> memref<200x128xf32, #tpu.memory_space<hbm>>
      %dma_wait3A_212 = arith.constant 0 : i32
      %dma_wait3A_213 = arith.constant 0 : i32
      %dma_wait3A_214 = tpu.memref_slice %arg6[%dma_wait3A_203, %dma_wait3A_212, %dma_wait3A_213] : memref<2x200x128xf32, #tpu.memory_space<vmem>> -> memref<1x200x128xf32, #tpu.memory_space<vmem>>
      %dma_wait3A_215 = tpu.memref_squeeze %dma_wait3A_214 : memref<1x200x128xf32, #tpu.memory_space<vmem>> -> memref<200x128xf32, #tpu.memory_space<vmem>>
      tpu.wait_dma2 semaphore(%arg11 : memref<!tpu.dma_semaphore, #tpu.memory_space<semaphore_mem>>) src(%dma_wait3A_215 : memref<200x128xf32, #tpu.memory_space<vmem>>) dst(%dma_wait3A_211 : memref<200x128xf32, #tpu.memory_space<hbm>>)
      %add3A_216 = arith.constant 2 : i32
      %add3A_217 = arith.addi %add3A_111, %add3A_216 : i32
      %mul3A_218 = arith.constant 200 : i32
      %mul3A_219 = arith.muli %add3A_217, %mul3A_218 : i32
      %dma_start3A_220 = arith.constant 1 : i32
      %dma_start3A_221 = arith.constant 0 : i32
      %dma_start3A_222 = arith.constant 0 : i32
      %dma_start3A_223 = tpu.memref_slice %arg6[%dma_start3A_220, %dma_start3A_221, %dma_start3A_222] : memref<2x200x128xf32, #tpu.memory_space<vmem>> -> memref<1x200x128xf32, #tpu.memory_space<vmem>>
      %dma_start3A_224 = tpu.memref_squeeze %dma_start3A_223 : memref<1x200x128xf32, #tpu.memory_space<vmem>> -> memref<200x128xf32, #tpu.memory_space<vmem>>
      %dma_start3A_225 = tpu.memref_slice %arg5[%mul3A_219] : memref<10000xi32, #tpu.memory_space<vmem>> -> memref<200xi32, #tpu.memory_space<vmem>>
      %dma_start3A_226 = arith.constant 0 : i32
      %dma_start3A_227 = arith.constant 0 : i32
      %dma_start3A_228 = tpu.memref_slice %arg7[%dma_start3A_226, %dma_start3A_227] : memref<5632x128xf32, #tpu.memory_space<vmem_shared>> -> memref<5632x128xf32, #tpu.memory_space<vmem_shared>>
      tpu.enqueue_indirect_dma source(%dma_start3A_228 : memref<5632x128xf32, #tpu.memory_space<vmem_shared>>) target(%dma_start3A_224 : memref<200x128xf32, #tpu.memory_space<vmem>>) offsets(%dma_start3A_225 : memref<200xi32, #tpu.memory_space<vmem>>) semaphore(%arg9 : memref<!tpu.dma_semaphore, #tpu.memory_space<semaphore_mem>>)
    }
    %scan3A_51 = arith.constant 24 : i32
    %dma_wait3A_52 = arith.constant 1 : i32
    %dma_wait3A_53 = arith.constant 0 : i32
    %dma_wait3A_54 = arith.constant 0 : i32
    %dma_wait3A_55 = tpu.memref_slice %arg6[%dma_wait3A_52, %dma_wait3A_53, %dma_wait3A_54] : memref<2x200x128xf32, #tpu.memory_space<vmem>> -> memref<1x200x128xf32, #tpu.memory_space<vmem>>
    %dma_wait3A_56 = tpu.memref_squeeze %dma_wait3A_55 : memref<1x200x128xf32, #tpu.memory_space<vmem>> -> memref<200x128xf32, #tpu.memory_space<vmem>>
    %dma_wait3A_57 = arith.constant 9800 : i32
    %dma_wait3A_58 = tpu.memref_slice %arg5[%dma_wait3A_57] : memref<10000xi32, #tpu.memory_space<vmem>> -> memref<200xi32, #tpu.memory_space<vmem>>
    %dma_wait3A_59 = arith.constant 0 : i32
    %dma_wait3A_60 = arith.constant 0 : i32
    %dma_wait3A_61 = tpu.memref_slice %arg7[%dma_wait3A_59, %dma_wait3A_60] : memref<5632x128xf32, #tpu.memory_space<vmem_shared>> -> memref<5632x128xf32, #tpu.memory_space<vmem_shared>>
    tpu.wait_indirect_dma semaphore(%arg9 : memref<!tpu.dma_semaphore, #tpu.memory_space<semaphore_mem>>) src(%dma_wait3A_61 : memref<5632x128xf32, #tpu.memory_space<vmem_shared>>) dst(%dma_wait3A_56 : memref<200x128xf32, #tpu.memory_space<vmem>>)
    %add3A_62 = arith.constant 9800 : i32
    %add3A_63 = arith.addi %mul3A_2, %add3A_62 : i32
    %dma_start3A_64 = arith.constant 1 : i32
    %dma_start3A_65 = arith.constant 0 : i32
    %dma_start3A_66 = arith.constant 0 : i32
    %dma_start3A_67 = tpu.memref_slice %arg6[%dma_start3A_64, %dma_start3A_65, %dma_start3A_66] : memref<2x200x128xf32, #tpu.memory_space<vmem>> -> memref<1x200x128xf32, #tpu.memory_space<vmem>>
    %dma_start3A_68 = tpu.memref_squeeze %dma_start3A_67 : memref<1x200x128xf32, #tpu.memory_space<vmem>> -> memref<200x128xf32, #tpu.memory_space<vmem>>
    %dma_start3A_69 = arith.constant 0 : i32
    %dma_start3A_70 = tpu.memref_slice %arg4[%add3A_63, %dma_start3A_69] : memref<320000x128xf32, #tpu.memory_space<hbm>> -> memref<200x128xf32, #tpu.memory_space<hbm>>
    %dma_start3A_71 = arith.constant 0 : i32
    %dma_start3A_72 = tpu.memref_slice %arg4[%add3A_63, %dma_start3A_71] : memref<320000x128xf32, #tpu.memory_space<hbm>> -> memref<200x128xf32, #tpu.memory_space<hbm>>
    %dma_start3A_73 = arith.constant 0 : i32
    %dma_start3A_74 = arith.constant 0 : i32
    %dma_start3A_75 = tpu.memref_slice %arg6[%dma_start3A_64, %dma_start3A_73, %dma_start3A_74] : memref<2x200x128xf32, #tpu.memory_space<vmem>> -> memref<1x200x128xf32, #tpu.memory_space<vmem>>
    %dma_start3A_76 = tpu.memref_squeeze %dma_start3A_75 : memref<1x200x128xf32, #tpu.memory_space<vmem>> -> memref<200x128xf32, #tpu.memory_space<vmem>>
    tpu.enqueue_dma source(%dma_start3A_76 : memref<200x128xf32, #tpu.memory_space<vmem>>) target(%dma_start3A_72 : memref<200x128xf32, #tpu.memory_space<hbm>>) target_semaphore(%arg11 : memref<!tpu.dma_semaphore, #tpu.memory_space<semaphore_mem>>)
    %add3A_77 = arith.constant 9600 : i32
    %add3A_78 = arith.addi %mul3A_2, %add3A_77 : i32
    %dma_wait3A_79 = arith.constant 0 : i32
    %dma_wait3A_80 = arith.constant 0 : i32
    %dma_wait3A_81 = arith.constant 0 : i32
    %dma_wait3A_82 = tpu.memref_slice %arg6[%dma_wait3A_79, %dma_wait3A_80, %dma_wait3A_81] : memref<2x200x128xf32, #tpu.memory_space<vmem>> -> memref<1x200x128xf32, #tpu.memory_space<vmem>>
    %dma_wait3A_83 = tpu.memref_squeeze %dma_wait3A_82 : memref<1x200x128xf32, #tpu.memory_space<vmem>> -> memref<200x128xf32, #tpu.memory_space<vmem>>
    %dma_wait3A_84 = arith.constant 0 : i32
    %dma_wait3A_85 = tpu.memref_slice %arg4[%add3A_78, %dma_wait3A_84] : memref<320000x128xf32, #tpu.memory_space<hbm>> -> memref<200x128xf32, #tpu.memory_space<hbm>>
    %dma_wait3A_86 = arith.constant 0 : i32
    %dma_wait3A_87 = tpu.memref_slice %arg4[%add3A_78, %dma_wait3A_86] : memref<320000x128xf32, #tpu.memory_space<hbm>> -> memref<200x128xf32, #tpu.memory_space<hbm>>
    %dma_wait3A_88 = arith.constant 0 : i32
    %dma_wait3A_89 = arith.constant 0 : i32
    %dma_wait3A_90 = tpu.memref_slice %arg6[%dma_wait3A_79, %dma_wait3A_88, %dma_wait3A_89] : memref<2x200x128xf32, #tpu.memory_space<vmem>> -> memref<1x200x128xf32, #tpu.memory_space<vmem>>
    %dma_wait3A_91 = tpu.memref_squeeze %dma_wait3A_90 : memref<1x200x128xf32, #tpu.memory_space<vmem>> -> memref<200x128xf32, #tpu.memory_space<vmem>>
    tpu.wait_dma2 semaphore(%arg10 : memref<!tpu.dma_semaphore, #tpu.memory_space<semaphore_mem>>) src(%dma_wait3A_91 : memref<200x128xf32, #tpu.memory_space<vmem>>) dst(%dma_wait3A_87 : memref<200x128xf32, #tpu.memory_space<hbm>>)
    %add3A_92 = arith.constant 9800 : i32
    %add3A_93 = arith.addi %mul3A_2, %add3A_92 : i32
    %dma_wait3A_94 = arith.constant 1 : i32
    %dma_wait3A_95 = arith.constant 0 : i32
    %dma_wait3A_96 = arith.constant 0 : i32
    %dma_wait3A_97 = tpu.memref_slice %arg6[%dma_wait3A_94, %dma_wait3A_95, %dma_wait3A_96] : memref<2x200x128xf32, #tpu.memory_space<vmem>> -> memref<1x200x128xf32, #tpu.memory_space<vmem>>
    %dma_wait3A_98 = tpu.memref_squeeze %dma_wait3A_97 : memref<1x200x128xf32, #tpu.memory_space<vmem>> -> memref<200x128xf32, #tpu.memory_space<vmem>>
    %dma_wait3A_99 = arith.constant 0 : i32
    %dma_wait3A_100 = tpu.memref_slice %arg4[%add3A_93, %dma_wait3A_99] : memref<320000x128xf32, #tpu.memory_space<hbm>> -> memref<200x128xf32, #tpu.memory_space<hbm>>
    %dma_wait3A_101 = arith.constant 0 : i32
    %dma_wait3A_102 = tpu.memref_slice %arg4[%add3A_93, %dma_wait3A_101] : memref<320000x128xf32, #tpu.memory_space<hbm>> -> memref<200x128xf32, #tpu.memory_space<hbm>>
    %dma_wait3A_103 = arith.constant 0 : i32
    %dma_wait3A_104 = arith.constant 0 : i32
    %dma_wait3A_105 = tpu.memref_slice %arg6[%dma_wait3A_94, %dma_wait3A_103, %dma_wait3A_104] : memref<2x200x128xf32, #tpu.memory_space<vmem>> -> memref<1x200x128xf32, #tpu.memory_space<vmem>>
    %dma_wait3A_106 = tpu.memref_squeeze %dma_wait3A_105 : memref<1x200x128xf32, #tpu.memory_space<vmem>> -> memref<200x128xf32, #tpu.memory_space<vmem>>
    tpu.wait_dma2 semaphore(%arg11 : memref<!tpu.dma_semaphore, #tpu.memory_space<semaphore_mem>>) src(%dma_wait3A_106 : memref<200x128xf32, #tpu.memory_space<vmem>>) dst(%dma_wait3A_102 : memref<200x128xf32, #tpu.memory_space<hbm>>)
    return
  }
}

module attributes {stable_mosaic.version = 14 : i64} {
  func.func @_embed_body(%arg0: i32, %arg1: memref<200x1xi32, #tpu.memory_space<vmem>>, %arg2: memref<100x128xf32, #tpu.memory_space<vmem>>, %arg3: memref<128x128xf32, #tpu.memory_space<vmem>>, %arg4: memref<200x128xf32, #tpu.memory_space<vmem>>, %arg5: memref<200x128xf32, #tpu.memory_space<vmem>>) attributes {dimension_semantics = [#tpu.dimension_semantics<arbitrary>], iteration_bounds = array<i64: 50>, scalar_prefetch = 0 : i64, scratch_operands = 0 : i64, tpu.core_type = #tpu.core_type<tc>, window_params = [{transform_indices = @transform_0, window_bounds = array<i64: 200, 1>}, {pipeline_mode = #tpu.pipeline_mode<synchronous>, transform_indices = @transform_1, window_bounds = array<i64: 100, 128>}, {pipeline_mode = #tpu.pipeline_mode<synchronous>, transform_indices = @transform_2, window_bounds = array<i64: 128, 128>}, {transform_indices = @transform_3, window_bounds = array<i64: 200, 128>}, {transform_indices = @transform_4, window_bounds = array<i64: 200, 128>}]} {
    %get3A = arith.constant 0 : index
    %get3A_0 = arith.constant 0 : index
    %get3A_1 = vector.load %arg1[%get3A, %get3A_0] : memref<200x1xi32, #tpu.memory_space<vmem>>, vector<200x1xi32>
    %iota3A = tpu.iota {dimensions = array<i32: 1>} : vector<1x100xi32>
    %eq3A = vector.broadcast %get3A_1 : vector<200x1xi32> to vector<200x100xi32>
    %eq3A_2 = vector.broadcast %iota3A : vector<1x100xi32> to vector<200x100xi32>
    %eq3A_3 = arith.cmpi eq, %eq3A, %eq3A_2 : vector<200x100xi32>
    %convert_element_type3A = arith.extui %eq3A_3 : vector<200x100xi1> to vector<200x100xi32>
    %convert_element_type3A_4 = arith.sitofp %convert_element_type3A : vector<200x100xi32> to vector<200x100xf32>
    %get3A_5 = arith.constant 0 : index
    %get3A_6 = arith.constant 0 : index
    %get3A_7 = vector.load %arg2[%get3A_5, %get3A_6] : memref<100x128xf32, #tpu.memory_space<vmem>>, vector<100x128xf32>
    %dot_general3A = arith.constant dense<0.000000e+00> : vector<200x128xf32>
    %dot_general3A_8 = tpu.matmul %convert_element_type3A_4, %get3A_7, %dot_general3A {dimension_numbers = #tpu.dot_dimension_numbers<[1], [0], [0], [1], [0, 0, 1, 1], [], []>, transpose_lhs_hint = false} : vector<200x100xf32>, vector<100x128xf32>, vector<200x128xf32> -> vector<200x128xf32>
    %swap3A = arith.constant 0 : index
    %swap3A_9 = arith.constant 0 : index
    %swap3A_10 = vector.load %arg4[%swap3A, %swap3A_9] : memref<200x128xf32, #tpu.memory_space<vmem>>, vector<200x128xf32>
    tpu.vector_store %arg4[%swap3A, %swap3A_9], %dot_general3A_8 {strides = array<i32>} : memref<200x128xf32, #tpu.memory_space<vmem>>, vector<200x128xf32>,
    %get3A_11 = arith.constant 0 : index
    %get3A_12 = arith.constant 0 : index
    %get3A_13 = vector.load %arg3[%get3A_11, %get3A_12] : memref<128x128xf32, #tpu.memory_space<vmem>>, vector<128x128xf32>
    %dot_general3A_14 = arith.constant dense<0.000000e+00> : vector<200x128xf32>
    %dot_general3A_15 = tpu.matmul %dot_general3A_8, %get3A_13, %dot_general3A_14 {dimension_numbers = #tpu.dot_dimension_numbers<[1], [0], [0], [1], [0, 0, 1, 1], [], []>, transpose_lhs_hint = false} : vector<200x128xf32>, vector<128x128xf32>, vector<200x128xf32> -> vector<200x128xf32>
    %swap3A_16 = arith.constant 0 : index
    %swap3A_17 = arith.constant 0 : index
    %swap3A_18 = vector.load %arg5[%swap3A_16, %swap3A_17] : memref<200x128xf32, #tpu.memory_space<vmem>>, vector<200x128xf32>
    tpu.vector_store %arg5[%swap3A_16, %swap3A_17], %dot_general3A_15 {strides = array<i32>} : memref<200x128xf32, #tpu.memory_space<vmem>>, vector<200x128xf32>,
    return
  }
  func.func @transform_0(%arg0: i32) -> (i32, i32) {
    %c0_i32 = arith.constant 0 : i32
    %c0_i32_0 = arith.constant 0 : i32
    return %arg0, %c0_i32 : i32, i32
  }
  func.func @transform_1(%arg0: i32) -> (i32, i32) {
    %c0_i32 = arith.constant 0 : i32
    %c0_i32_0 = arith.constant 0 : i32
    %c0_i32_1 = arith.constant 0 : i32
    return %c0_i32, %c0_i32_0 : i32, i32
  }
  func.func @transform_2(%arg0: i32) -> (i32, i32) {
    %c0_i32 = arith.constant 0 : i32
    %c0_i32_0 = arith.constant 0 : i32
    %c0_i32_1 = arith.constant 0 : i32
    return %c0_i32, %c0_i32_0 : i32, i32
  }
  func.func @transform_3(%arg0: i32) -> (i32, i32) {
    %c0_i32 = arith.constant 0 : i32
    %c0_i32_0 = arith.constant 0 : i32
    return %arg0, %c0_i32 : i32, i32
  }
  func.func @transform_4(%arg0: i32) -> (i32, i32) {
    %c0_i32 = arith.constant 0 : i32
    %c0_i32_0 = arith.constant 0 : i32
    return %arg0, %c0_i32 : i32, i32
  }
}

module attributes {stable_mosaic.version = 14 : i64} {
  func.func @_radius_body(%arg0: i32, %arg1: memref<1x1x1xi32, #tpu.memory_space<vmem>>, %arg2: memref<3x128xf32, #tpu.memory_space<vmem>>, %arg3: memref<1x128xf32, #tpu.memory_space<vmem>>, %arg4: memref<1x128xi32, #tpu.memory_space<vmem>>, %arg5: memref<10240x3xf32, #tpu.memory_space<vmem>>, %arg6: memref<10240x1xf32, #tpu.memory_space<vmem>>, %arg7: memref<10240x1xi32, #tpu.memory_space<vmem>>, %arg8: memref<32x128xi32, #tpu.memory_space<vmem>>, %arg9: memref<32x128xf32, #tpu.memory_space<vmem>>, %arg10: memref<32x128xf32, #tpu.memory_space<vmem>>) attributes {dimension_semantics = [#tpu.dimension_semantics<arbitrary>], iteration_bounds = array<i64: 80>, scalar_prefetch = 0 : i64, scratch_operands = 0 : i64, tpu.core_type = #tpu.core_type<tc>, window_params = [{transform_indices = @transform_0, window_bounds = array<i64: 1, 1, 1>}, {transform_indices = @transform_1, window_bounds = array<i64: 3, 128>}, {transform_indices = @transform_2, window_bounds = array<i64: 1, 128>}, {transform_indices = @transform_3, window_bounds = array<i64: 1, 128>}, {pipeline_mode = #tpu.pipeline_mode<synchronous>, transform_indices = @transform_4, window_bounds = array<i64: 10240, 3>}, {pipeline_mode = #tpu.pipeline_mode<synchronous>, transform_indices = @transform_5, window_bounds = array<i64: 10240, 1>}, {pipeline_mode = #tpu.pipeline_mode<synchronous>, transform_indices = @transform_6, window_bounds = array<i64: 10240, 1>}, {transform_indices = @transform_7, window_bounds = array<i64: 32, 128>}, {transform_indices = @transform_8, window_bounds = array<i64: 32, 128>}, {transform_indices = @transform_9, window_bounds = array<i64: 32, 128>}]} {
    %get3A = arith.constant 0 : index
    %get3A_0 = arith.constant 0 : index
    %get3A_1 = arith.constant 0 : index
    %get3A_2 = vector.load %arg1[%get3A, %get3A_0, %get3A_1] : memref<1x1x1xi32, #tpu.memory_space<vmem>>, vector<1x1x1xi32>
    %get3A_3 = vector.extract %get3A_2[0, 0, 0] : i32 from vector<1x1x1xi32>
    %multiple_of3A = tpu.assume_multiple %get3A_3, 128 : i32
    %get3A_4 = arith.constant 0 : index
    %get3A_5 = arith.constant 0 : index
    %get3A_6 = vector.load %arg2[%get3A_4, %get3A_5] : memref<3x128xf32, #tpu.memory_space<vmem>>, vector<3x128xf32>
    %get3A_7 = arith.index_cast %multiple_of3A : i32 to index
    %get3A_8 = arith.constant 0 : index
    %get3A_9 = vector.load %arg5[%get3A_7, %get3A_8] : memref<10240x3xf32, #tpu.memory_space<vmem>>, vector<512x3xf32>
    %get3A_10 = arith.index_cast %multiple_of3A : i32 to index
    %get3A_11 = arith.constant 0 : index
    %get3A_12 = vector.load %arg6[%get3A_10, %get3A_11] : memref<10240x1xf32, #tpu.memory_space<vmem>>, vector<512x1xf32>
    %get3A_13 = arith.index_cast %multiple_of3A : i32 to index
    %get3A_14 = arith.constant 0 : index
    %get3A_15 = vector.load %arg7[%get3A_13, %get3A_14] : memref<10240x1xi32, #tpu.memory_space<vmem>>, vector<512x1xi32>
    %get3A_16 = arith.constant 0 : index
    %get3A_17 = arith.constant 0 : index
    %get3A_18 = vector.load %arg4[%get3A_16, %get3A_17] : memref<1x128xi32, #tpu.memory_space<vmem>>, vector<1x128xi32>
    %get3A_19 = arith.constant 0 : index
    %get3A_20 = arith.constant 0 : index
    %get3A_21 = vector.load %arg3[%get3A_19, %get3A_20] : memref<1x128xf32, #tpu.memory_space<vmem>>, vector<1x128xf32>
    %add3A = vector.broadcast %get3A_12 : vector<512x1xf32> to vector<512x128xf32>
    %add3A_22 = vector.broadcast %get3A_21 : vector<1x128xf32> to vector<512x128xf32>
    %add3A_23 = arith.addf %add3A, %add3A_22 : vector<512x128xf32>
    %dot_general3A = arith.constant dense<0.000000e+00> : vector<512x128xf32>
    %dot_general3A_24 = tpu.matmul %get3A_9, %get3A_6, %dot_general3A {dimension_numbers = #tpu.dot_dimension_numbers<[1], [0], [0], [1], [0, 0, 1, 1], [], []>, transpose_lhs_hint = false} : vector<512x3xf32>, vector<3x128xf32>, vector<512x128xf32> -> vector<512x128xf32>
    %mul3A = arith.constant 2.000000e+00 : f32
    %mul3A_25 = vector.broadcast %mul3A : f32 to vector<512x128xf32>
    %mul3A_26 = arith.mulf %mul3A_25, %dot_general3A_24 : vector<512x128xf32>
    %sub3A = arith.subf %add3A_23, %mul3A_26 : vector<512x128xf32>
    %max3A = arith.constant 0.000000e+00 : f32
    %max3A_27 = vector.broadcast %max3A : f32 to vector<512x128xf32>
    %max3A_28 = arith.maximumf %sub3A, %max3A_27 : vector<512x128xf32>
    %mul3A_29 = arith.constant 128 : i32
    %mul3A_30 = arith.muli %arg0, %mul3A_29 : i32
    %iota3A = tpu.iota {dimensions = array<i32: 1>} : vector<1x128xi32>
    %add3A_31 = vector.broadcast %mul3A_30 : i32 to vector<1x128xi32>
    %add3A_32 = arith.addi %add3A_31, %iota3A : vector<1x128xi32>
    %iota3A_33 = tpu.iota {dimensions = array<i32: 0>} : vector<512x1xi32>
    %add3A_34 = vector.broadcast %multiple_of3A : i32 to vector<512x1xi32>
    %add3A_35 = arith.addi %add3A_34, %iota3A_33 : vector<512x1xi32>
    %eq3A = vector.broadcast %get3A_15 : vector<512x1xi32> to vector<512x128xi32>
    %eq3A_36 = vector.broadcast %get3A_18 : vector<1x128xi32> to vector<512x128xi32>
    %eq3A_37 = arith.cmpi eq, %eq3A, %eq3A_36 : vector<512x128xi32>
    %ne3A = vector.broadcast %add3A_35 : vector<512x1xi32> to vector<512x128xi32>
    %ne3A_38 = vector.broadcast %add3A_32 : vector<1x128xi32> to vector<512x128xi32>
    %ne3A_39 = arith.cmpi ne, %ne3A, %ne3A_38 : vector<512x128xi32>
    %and3A = arith.andi %eq3A_37, %ne3A_39 : vector<512x128xi1>
    %le3A = arith.constant 1.000000e+02 : f32
    %le3A_40 = vector.broadcast %le3A : f32 to vector<512x128xf32>
    %le3A_41 = arith.cmpf ole, %max3A_28, %le3A_40 : vector<512x128xf32>
    %and3A_42 = arith.andi %and3A, %le3A_41 : vector<512x128xi1>
    %jit3A = arith.constant 0x7F800000 : f32
    %broadcast_in_dim3A = vector.broadcast %jit3A : f32 to vector<512x128xf32>
    %select_n3A = arith.select %and3A_42, %max3A_28, %broadcast_in_dim3A : vector<512x128xi1>, vector<512x128xf32>
    %iota3A_43 = tpu.iota {dimensions = array<i32: 0>} : vector<512x1xi32>
    %convert_element_type3A = arith.sitofp %iota3A_43 : vector<512x1xi32> to vector<512x1xf32>
    %reduce_min3A = arith.constant dense<0x7F800000> : vector<128xf32>
    %reduce_min3A_44 = vector.multi_reduction <minimumf>, %select_n3A, %reduce_min3A [0] : vector<512x128xf32> to vector<128xf32>
    %broadcast_in_dim3A_45 = vector.shape_cast %reduce_min3A_44 : vector<128xf32> to vector<1x128xf32>
    %eq3A_46 = vector.broadcast %broadcast_in_dim3A_45 : vector<1x128xf32> to vector<512x128xf32>
    %eq3A_47 = arith.cmpf oeq, %select_n3A, %eq3A_46 : vector<512x128xf32>
    %jit3A_48 = arith.constant 1.000000e+09 : f32
    %broadcast_in_dim3A_49 = vector.shape_cast %convert_element_type3A : vector<512x1xf32> to vector<512x1xf32>
    %broadcast_in_dim3A_50 = vector.broadcast %broadcast_in_dim3A_49 : vector<512x1xf32> to vector<512x128xf32>
    %broadcast_in_dim3A_51 = vector.broadcast %jit3A_48 : f32 to vector<512x128xf32>
    %select_n3A_52 = arith.select %eq3A_47, %broadcast_in_dim3A_50, %broadcast_in_dim3A_51 : vector<512x128xi1>, vector<512x128xf32>
    %reduce_min3A_53 = arith.constant dense<0x7F800000> : vector<128xf32>
    %reduce_min3A_54 = vector.multi_reduction <minimumf>, %select_n3A_52, %reduce_min3A_53 [0] : vector<512x128xf32> to vector<128xf32>
    %broadcast_in_dim3A_55 = vector.shape_cast %reduce_min3A_54 : vector<128xf32> to vector<1x128xf32>
    %convert_element_type3A_56 = arith.fptosi %broadcast_in_dim3A_55 : vector<1x128xf32> to vector<1x128xi32>
    %add3A_57 = vector.broadcast %multiple_of3A : i32 to vector<1x128xi32>
    %add3A_58 = arith.addi %add3A_57, %convert_element_type3A_56 : vector<1x128xi32>
    %eq3A_59 = vector.broadcast %convert_element_type3A : vector<512x1xf32> to vector<512x128xf32>
    %eq3A_60 = vector.broadcast %broadcast_in_dim3A_55 : vector<1x128xf32> to vector<512x128xf32>
    %eq3A_61 = arith.cmpf oeq, %eq3A_59, %eq3A_60 : vector<512x128xf32>
    %jit3A_62 = arith.constant 0x7F800000 : f32
    %broadcast_in_dim3A_63 = vector.broadcast %jit3A_62 : f32 to vector<512x128xf32>
    %select_n3A_64 = arith.select %eq3A_61, %broadcast_in_dim3A_63, %select_n3A : vector<512x128xi1>, vector<512x128xf32>
    %reduce_min3A_65 = arith.constant dense<0x7F800000> : vector<128xf32>
    %reduce_min3A_66 = vector.multi_reduction <minimumf>, %select_n3A_64, %reduce_min3A_65 [0] : vector<512x128xf32> to vector<128xf32>
    %broadcast_in_dim3A_67 = vector.shape_cast %reduce_min3A_66 : vector<128xf32> to vector<1x128xf32>
    %eq3A_68 = vector.broadcast %broadcast_in_dim3A_67 : vector<1x128xf32> to vector<512x128xf32>
    %eq3A_69 = arith.cmpf oeq, %select_n3A_64, %eq3A_68 : vector<512x128xf32>
    %jit3A_70 = arith.constant 1.000000e+09 : f32
    %broadcast_in_dim3A_71 = vector.shape_cast %convert_element_type3A : vector<512x1xf32> to vector<512x1xf32>
    %broadcast_in_dim3A_72 = vector.broadcast %broadcast_in_dim3A_71 : vector<512x1xf32> to vector<512x128xf32>
    %broadcast_in_dim3A_73 = vector.broadcast %jit3A_70 : f32 to vector<512x128xf32>
    %select_n3A_74 = arith.select %eq3A_69, %broadcast_in_dim3A_72, %broadcast_in_dim3A_73 : vector<512x128xi1>, vector<512x128xf32>
    %reduce_min3A_75 = arith.constant dense<0x7F800000> : vector<128xf32>
    %reduce_min3A_76 = vector.multi_reduction <minimumf>, %select_n3A_74, %reduce_min3A_75 [0] : vector<512x128xf32> to vector<128xf32>
    %broadcast_in_dim3A_77 = vector.shape_cast %reduce_min3A_76 : vector<128xf32> to vector<1x128xf32>
    %convert_element_type3A_78 = arith.fptosi %broadcast_in_dim3A_77 : vector<1x128xf32> to vector<1x128xi32>
    %add3A_79 = vector.broadcast %multiple_of3A : i32 to vector<1x128xi32>
    %add3A_80 = arith.addi %add3A_79, %convert_element_type3A_78 : vector<1x128xi32>
    %eq3A_81 = vector.broadcast %convert_element_type3A : vector<512x1xf32> to vector<512x128xf32>
    %eq3A_82 = vector.broadcast %broadcast_in_dim3A_77 : vector<1x128xf32> to vector<512x128xf32>
    %eq3A_83 = arith.cmpf oeq, %eq3A_81, %eq3A_82 : vector<512x128xf32>
    %jit3A_84 = arith.constant 0x7F800000 : f32
    %broadcast_in_dim3A_85 = vector.broadcast %jit3A_84 : f32 to vector<512x128xf32>
    %select_n3A_86 = arith.select %eq3A_83, %broadcast_in_dim3A_85, %select_n3A_64 : vector<512x128xi1>, vector<512x128xf32>
    %reduce_min3A_87 = arith.constant dense<0x7F800000> : vector<128xf32>
    %reduce_min3A_88 = vector.multi_reduction <minimumf>, %select_n3A_86, %reduce_min3A_87 [0] : vector<512x128xf32> to vector<128xf32>
    %broadcast_in_dim3A_89 = vector.shape_cast %reduce_min3A_88 : vector<128xf32> to vector<1x128xf32>
    %eq3A_90 = vector.broadcast %broadcast_in_dim3A_89 : vector<1x128xf32> to vector<512x128xf32>
    %eq3A_91 = arith.cmpf oeq, %select_n3A_86, %eq3A_90 : vector<512x128xf32>
    %jit3A_92 = arith.constant 1.000000e+09 : f32
    %broadcast_in_dim3A_93 = vector.shape_cast %convert_element_type3A : vector<512x1xf32> to vector<512x1xf32>
    %broadcast_in_dim3A_94 = vector.broadcast %broadcast_in_dim3A_93 : vector<512x1xf32> to vector<512x128xf32>
    %broadcast_in_dim3A_95 = vector.broadcast %jit3A_92 : f32 to vector<512x128xf32>
    %select_n3A_96 = arith.select %eq3A_91, %broadcast_in_dim3A_94, %broadcast_in_dim3A_95 : vector<512x128xi1>, vector<512x128xf32>
    %reduce_min3A_97 = arith.constant dense<0x7F800000> : vector<128xf32>
    %reduce_min3A_98 = vector.multi_reduction <minimumf>, %select_n3A_96, %reduce_min3A_97 [0] : vector<512x128xf32> to vector<128xf32>
    %broadcast_in_dim3A_99 = vector.shape_cast %reduce_min3A_98 : vector<128xf32> to vector<1x128xf32>
    %convert_element_type3A_100 = arith.fptosi %broadcast_in_dim3A_99 : vector<1x128xf32> to vector<1x128xi32>
    %add3A_101 = vector.broadcast %multiple_of3A : i32 to vector<1x128xi32>
    %add3A_102 = arith.addi %add3A_101, %convert_element_type3A_100 : vector<1x128xi32>
    %eq3A_103 = vector.broadcast %convert_element_type3A : vector<512x1xf32> to vector<512x128xf32>
    %eq3A_104 = vector.broadcast %broadcast_in_dim3A_99 : vector<1x128xf32> to vector<512x128xf32>
    %eq3A_105 = arith.cmpf oeq, %eq3A_103, %eq3A_104 : vector<512x128xf32>
    %jit3A_106 = arith.constant 0x7F800000 : f32
    %broadcast_in_dim3A_107 = vector.broadcast %jit3A_106 : f32 to vector<512x128xf32>
    %select_n3A_108 = arith.select %eq3A_105, %broadcast_in_dim3A_107, %select_n3A_86 : vector<512x128xi1>, vector<512x128xf32>
    %reduce_min3A_109 = arith.constant dense<0x7F800000> : vector<128xf32>
    %reduce_min3A_110 = vector.multi_reduction <minimumf>, %select_n3A_108, %reduce_min3A_109 [0] : vector<512x128xf32> to vector<128xf32>
    %broadcast_in_dim3A_111 = vector.shape_cast %reduce_min3A_110 : vector<128xf32> to vector<1x128xf32>
    %eq3A_112 = vector.broadcast %broadcast_in_dim3A_111 : vector<1x128xf32> to vector<512x128xf32>
    %eq3A_113 = arith.cmpf oeq, %select_n3A_108, %eq3A_112 : vector<512x128xf32>
    %jit3A_114 = arith.constant 1.000000e+09 : f32
    %broadcast_in_dim3A_115 = vector.shape_cast %convert_element_type3A : vector<512x1xf32> to vector<512x1xf32>
    %broadcast_in_dim3A_116 = vector.broadcast %broadcast_in_dim3A_115 : vector<512x1xf32> to vector<512x128xf32>
    %broadcast_in_dim3A_117 = vector.broadcast %jit3A_114 : f32 to vector<512x128xf32>
    %select_n3A_118 = arith.select %eq3A_113, %broadcast_in_dim3A_116, %broadcast_in_dim3A_117 : vector<512x128xi1>, vector<512x128xf32>
    %reduce_min3A_119 = arith.constant dense<0x7F800000> : vector<128xf32>
    %reduce_min3A_120 = vector.multi_reduction <minimumf>, %select_n3A_118, %reduce_min3A_119 [0] : vector<512x128xf32> to vector<128xf32>
    %broadcast_in_dim3A_121 = vector.shape_cast %reduce_min3A_120 : vector<128xf32> to vector<1x128xf32>
    %convert_element_type3A_122 = arith.fptosi %broadcast_in_dim3A_121 : vector<1x128xf32> to vector<1x128xi32>
    %add3A_123 = vector.broadcast %multiple_of3A : i32 to vector<1x128xi32>
    %add3A_124 = arith.addi %add3A_123, %convert_element_type3A_122 : vector<1x128xi32>
    %eq3A_125 = vector.broadcast %convert_element_type3A : vector<512x1xf32> to vector<512x128xf32>
    %eq3A_126 = vector.broadcast %broadcast_in_dim3A_121 : vector<1x128xf32> to vector<512x128xf32>
    %eq3A_127 = arith.cmpf oeq, %eq3A_125, %eq3A_126 : vector<512x128xf32>
    %jit3A_128 = arith.constant 0x7F800000 : f32
    %broadcast_in_dim3A_129 = vector.broadcast %jit3A_128 : f32 to vector<512x128xf32>
    %select_n3A_130 = arith.select %eq3A_127, %broadcast_in_dim3A_129, %select_n3A_108 : vector<512x128xi1>, vector<512x128xf32>
    %reduce_min3A_131 = arith.constant dense<0x7F800000> : vector<128xf32>
    %reduce_min3A_132 = vector.multi_reduction <minimumf>, %select_n3A_130, %reduce_min3A_131 [0] : vector<512x128xf32> to vector<128xf32>
    %broadcast_in_dim3A_133 = vector.shape_cast %reduce_min3A_132 : vector<128xf32> to vector<1x128xf32>
    %eq3A_134 = vector.broadcast %broadcast_in_dim3A_133 : vector<1x128xf32> to vector<512x128xf32>
    %eq3A_135 = arith.cmpf oeq, %select_n3A_130, %eq3A_134 : vector<512x128xf32>
    %jit3A_136 = arith.constant 1.000000e+09 : f32
    %broadcast_in_dim3A_137 = vector.shape_cast %convert_element_type3A : vector<512x1xf32> to vector<512x1xf32>
    %broadcast_in_dim3A_138 = vector.broadcast %broadcast_in_dim3A_137 : vector<512x1xf32> to vector<512x128xf32>
    %broadcast_in_dim3A_139 = vector.broadcast %jit3A_136 : f32 to vector<512x128xf32>
    %select_n3A_140 = arith.select %eq3A_135, %broadcast_in_dim3A_138, %broadcast_in_dim3A_139 : vector<512x128xi1>, vector<512x128xf32>
    %reduce_min3A_141 = arith.constant dense<0x7F800000> : vector<128xf32>
    %reduce_min3A_142 = vector.multi_reduction <minimumf>, %select_n3A_140, %reduce_min3A_141 [0] : vector<512x128xf32> to vector<128xf32>
    %broadcast_in_dim3A_143 = vector.shape_cast %reduce_min3A_142 : vector<128xf32> to vector<1x128xf32>
    %convert_element_type3A_144 = arith.fptosi %broadcast_in_dim3A_143 : vector<1x128xf32> to vector<1x128xi32>
    %add3A_145 = vector.broadcast %multiple_of3A : i32 to vector<1x128xi32>
    %add3A_146 = arith.addi %add3A_145, %convert_element_type3A_144 : vector<1x128xi32>
    %eq3A_147 = vector.broadcast %convert_element_type3A : vector<512x1xf32> to vector<512x128xf32>
    %eq3A_148 = vector.broadcast %broadcast_in_dim3A_143 : vector<1x128xf32> to vector<512x128xf32>
    %eq3A_149 = arith.cmpf oeq, %eq3A_147, %eq3A_148 : vector<512x128xf32>
    %jit3A_150 = arith.constant 0x7F800000 : f32
    %broadcast_in_dim3A_151 = vector.broadcast %jit3A_150 : f32 to vector<512x128xf32>
    %select_n3A_152 = arith.select %eq3A_149, %broadcast_in_dim3A_151, %select_n3A_130 : vector<512x128xi1>, vector<512x128xf32>
    %reduce_min3A_153 = arith.constant dense<0x7F800000> : vector<128xf32>
    %reduce_min3A_154 = vector.multi_reduction <minimumf>, %select_n3A_152, %reduce_min3A_153 [0] : vector<512x128xf32> to vector<128xf32>
    %broadcast_in_dim3A_155 = vector.shape_cast %reduce_min3A_154 : vector<128xf32> to vector<1x128xf32>
    %eq3A_156 = vector.broadcast %broadcast_in_dim3A_155 : vector<1x128xf32> to vector<512x128xf32>
    %eq3A_157 = arith.cmpf oeq, %select_n3A_152, %eq3A_156 : vector<512x128xf32>
    %jit3A_158 = arith.constant 1.000000e+09 : f32
    %broadcast_in_dim3A_159 = vector.shape_cast %convert_element_type3A : vector<512x1xf32> to vector<512x1xf32>
    %broadcast_in_dim3A_160 = vector.broadcast %broadcast_in_dim3A_159 : vector<512x1xf32> to vector<512x128xf32>
    %broadcast_in_dim3A_161 = vector.broadcast %jit3A_158 : f32 to vector<512x128xf32>
    %select_n3A_162 = arith.select %eq3A_157, %broadcast_in_dim3A_160, %broadcast_in_dim3A_161 : vector<512x128xi1>, vector<512x128xf32>
    %reduce_min3A_163 = arith.constant dense<0x7F800000> : vector<128xf32>
    %reduce_min3A_164 = vector.multi_reduction <minimumf>, %select_n3A_162, %reduce_min3A_163 [0] : vector<512x128xf32> to vector<128xf32>
    %broadcast_in_dim3A_165 = vector.shape_cast %reduce_min3A_164 : vector<128xf32> to vector<1x128xf32>
    %convert_element_type3A_166 = arith.fptosi %broadcast_in_dim3A_165 : vector<1x128xf32> to vector<1x128xi32>
    %add3A_167 = vector.broadcast %multiple_of3A : i32 to vector<1x128xi32>
    %add3A_168 = arith.addi %add3A_167, %convert_element_type3A_166 : vector<1x128xi32>
    %eq3A_169 = vector.broadcast %convert_element_type3A : vector<512x1xf32> to vector<512x128xf32>
    %eq3A_170 = vector.broadcast %broadcast_in_dim3A_165 : vector<1x128xf32> to vector<512x128xf32>
    %eq3A_171 = arith.cmpf oeq, %eq3A_169, %eq3A_170 : vector<512x128xf32>
    %jit3A_172 = arith.constant 0x7F800000 : f32
    %broadcast_in_dim3A_173 = vector.broadcast %jit3A_172 : f32 to vector<512x128xf32>
    %select_n3A_174 = arith.select %eq3A_171, %broadcast_in_dim3A_173, %select_n3A_152 : vector<512x128xi1>, vector<512x128xf32>
    %reduce_min3A_175 = arith.constant dense<0x7F800000> : vector<128xf32>
    %reduce_min3A_176 = vector.multi_reduction <minimumf>, %select_n3A_174, %reduce_min3A_175 [0] : vector<512x128xf32> to vector<128xf32>
    %broadcast_in_dim3A_177 = vector.shape_cast %reduce_min3A_176 : vector<128xf32> to vector<1x128xf32>
    %eq3A_178 = vector.broadcast %broadcast_in_dim3A_177 : vector<1x128xf32> to vector<512x128xf32>
    %eq3A_179 = arith.cmpf oeq, %select_n3A_174, %eq3A_178 : vector<512x128xf32>
    %jit3A_180 = arith.constant 1.000000e+09 : f32
    %broadcast_in_dim3A_181 = vector.shape_cast %convert_element_type3A : vector<512x1xf32> to vector<512x1xf32>
    %broadcast_in_dim3A_182 = vector.broadcast %broadcast_in_dim3A_181 : vector<512x1xf32> to vector<512x128xf32>
    %broadcast_in_dim3A_183 = vector.broadcast %jit3A_180 : f32 to vector<512x128xf32>
    %select_n3A_184 = arith.select %eq3A_179, %broadcast_in_dim3A_182, %broadcast_in_dim3A_183 : vector<512x128xi1>, vector<512x128xf32>
    %reduce_min3A_185 = arith.constant dense<0x7F800000> : vector<128xf32>
    %reduce_min3A_186 = vector.multi_reduction <minimumf>, %select_n3A_184, %reduce_min3A_185 [0] : vector<512x128xf32> to vector<128xf32>
    %broadcast_in_dim3A_187 = vector.shape_cast %reduce_min3A_186 : vector<128xf32> to vector<1x128xf32>
    %convert_element_type3A_188 = arith.fptosi %broadcast_in_dim3A_187 : vector<1x128xf32> to vector<1x128xi32>
    %add3A_189 = vector.broadcast %multiple_of3A : i32 to vector<1x128xi32>
    %add3A_190 = arith.addi %add3A_189, %convert_element_type3A_188 : vector<1x128xi32>
    %eq3A_191 = vector.broadcast %convert_element_type3A : vector<512x1xf32> to vector<512x128xf32>
    %eq3A_192 = vector.broadcast %broadcast_in_dim3A_187 : vector<1x128xf32> to vector<512x128xf32>
    %eq3A_193 = arith.cmpf oeq, %eq3A_191, %eq3A_192 : vector<512x128xf32>
    %jit3A_194 = arith.constant 0x7F800000 : f32
    %broadcast_in_dim3A_195 = vector.broadcast %jit3A_194 : f32 to vector<512x128xf32>
    %select_n3A_196 = arith.select %eq3A_193, %broadcast_in_dim3A_195, %select_n3A_174 : vector<512x128xi1>, vector<512x128xf32>
    %reduce_min3A_197 = arith.constant dense<0x7F800000> : vector<128xf32>
    %reduce_min3A_198 = vector.multi_reduction <minimumf>, %select_n3A_196, %reduce_min3A_197 [0] : vector<512x128xf32> to vector<128xf32>
    %broadcast_in_dim3A_199 = vector.shape_cast %reduce_min3A_198 : vector<128xf32> to vector<1x128xf32>
    %eq3A_200 = vector.broadcast %broadcast_in_dim3A_199 : vector<1x128xf32> to vector<512x128xf32>
    %eq3A_201 = arith.cmpf oeq, %select_n3A_196, %eq3A_200 : vector<512x128xf32>
    %jit3A_202 = arith.constant 1.000000e+09 : f32
    %broadcast_in_dim3A_203 = vector.shape_cast %convert_element_type3A : vector<512x1xf32> to vector<512x1xf32>
    %broadcast_in_dim3A_204 = vector.broadcast %broadcast_in_dim3A_203 : vector<512x1xf32> to vector<512x128xf32>
    %broadcast_in_dim3A_205 = vector.broadcast %jit3A_202 : f32 to vector<512x128xf32>
    %select_n3A_206 = arith.select %eq3A_201, %broadcast_in_dim3A_204, %broadcast_in_dim3A_205 : vector<512x128xi1>, vector<512x128xf32>
    %reduce_min3A_207 = arith.constant dense<0x7F800000> : vector<128xf32>
    %reduce_min3A_208 = vector.multi_reduction <minimumf>, %select_n3A_206, %reduce_min3A_207 [0] : vector<512x128xf32> to vector<128xf32>
    %broadcast_in_dim3A_209 = vector.shape_cast %reduce_min3A_208 : vector<128xf32> to vector<1x128xf32>
    %convert_element_type3A_210 = arith.fptosi %broadcast_in_dim3A_209 : vector<1x128xf32> to vector<1x128xi32>
    %add3A_211 = vector.broadcast %multiple_of3A : i32 to vector<1x128xi32>
    %add3A_212 = arith.addi %add3A_211, %convert_element_type3A_210 : vector<1x128xi32>
    %eq3A_213 = vector.broadcast %convert_element_type3A : vector<512x1xf32> to vector<512x128xf32>
    %eq3A_214 = vector.broadcast %broadcast_in_dim3A_209 : vector<1x128xf32> to vector<512x128xf32>
    %eq3A_215 = arith.cmpf oeq, %eq3A_213, %eq3A_214 : vector<512x128xf32>
    %jit3A_216 = arith.constant 0x7F800000 : f32
    %broadcast_in_dim3A_217 = vector.broadcast %jit3A_216 : f32 to vector<512x128xf32>
    %select_n3A_218 = arith.select %eq3A_215, %broadcast_in_dim3A_217, %select_n3A_196 : vector<512x128xi1>, vector<512x128xf32>
    %reduce_min3A_219 = arith.constant dense<0x7F800000> : vector<128xf32>
    %reduce_min3A_220 = vector.multi_reduction <minimumf>, %select_n3A_218, %reduce_min3A_219 [0] : vector<512x128xf32> to vector<128xf32>
    %broadcast_in_dim3A_221 = vector.shape_cast %reduce_min3A_220 : vector<128xf32> to vector<1x128xf32>
    %eq3A_222 = vector.broadcast %broadcast_in_dim3A_221 : vector<1x128xf32> to vector<512x128xf32>
    %eq3A_223 = arith.cmpf oeq, %select_n3A_218, %eq3A_222 : vector<512x128xf32>
    %jit3A_224 = arith.constant 1.000000e+09 : f32
    %broadcast_in_dim3A_225 = vector.shape_cast %convert_element_type3A : vector<512x1xf32> to vector<512x1xf32>
    %broadcast_in_dim3A_226 = vector.broadcast %broadcast_in_dim3A_225 : vector<512x1xf32> to vector<512x128xf32>
    %broadcast_in_dim3A_227 = vector.broadcast %jit3A_224 : f32 to vector<512x128xf32>
    %select_n3A_228 = arith.select %eq3A_223, %broadcast_in_dim3A_226, %broadcast_in_dim3A_227 : vector<512x128xi1>, vector<512x128xf32>
    %reduce_min3A_229 = arith.constant dense<0x7F800000> : vector<128xf32>
    %reduce_min3A_230 = vector.multi_reduction <minimumf>, %select_n3A_228, %reduce_min3A_229 [0] : vector<512x128xf32> to vector<128xf32>
    %broadcast_in_dim3A_231 = vector.shape_cast %reduce_min3A_230 : vector<128xf32> to vector<1x128xf32>
    %convert_element_type3A_232 = arith.fptosi %broadcast_in_dim3A_231 : vector<1x128xf32> to vector<1x128xi32>
    %add3A_233 = vector.broadcast %multiple_of3A : i32 to vector<1x128xi32>
    %add3A_234 = arith.addi %add3A_233, %convert_element_type3A_232 : vector<1x128xi32>
    %eq3A_235 = vector.broadcast %convert_element_type3A : vector<512x1xf32> to vector<512x128xf32>
    %eq3A_236 = vector.broadcast %broadcast_in_dim3A_231 : vector<1x128xf32> to vector<512x128xf32>
    %eq3A_237 = arith.cmpf oeq, %eq3A_235, %eq3A_236 : vector<512x128xf32>
    %jit3A_238 = arith.constant 0x7F800000 : f32
    %broadcast_in_dim3A_239 = vector.broadcast %jit3A_238 : f32 to vector<512x128xf32>
    %select_n3A_240 = arith.select %eq3A_237, %broadcast_in_dim3A_239, %select_n3A_218 : vector<512x128xi1>, vector<512x128xf32>
    %reduce_min3A_241 = arith.constant dense<0x7F800000> : vector<128xf32>
    %reduce_min3A_242 = vector.multi_reduction <minimumf>, %select_n3A_240, %reduce_min3A_241 [0] : vector<512x128xf32> to vector<128xf32>
    %broadcast_in_dim3A_243 = vector.shape_cast %reduce_min3A_242 : vector<128xf32> to vector<1x128xf32>
    %eq3A_244 = vector.broadcast %broadcast_in_dim3A_243 : vector<1x128xf32> to vector<512x128xf32>
    %eq3A_245 = arith.cmpf oeq, %select_n3A_240, %eq3A_244 : vector<512x128xf32>
    %jit3A_246 = arith.constant 1.000000e+09 : f32
    %broadcast_in_dim3A_247 = vector.shape_cast %convert_element_type3A : vector<512x1xf32> to vector<512x1xf32>
    %broadcast_in_dim3A_248 = vector.broadcast %broadcast_in_dim3A_247 : vector<512x1xf32> to vector<512x128xf32>
    %broadcast_in_dim3A_249 = vector.broadcast %jit3A_246 : f32 to vector<512x128xf32>
    %select_n3A_250 = arith.select %eq3A_245, %broadcast_in_dim3A_248, %broadcast_in_dim3A_249 : vector<512x128xi1>, vector<512x128xf32>
    %reduce_min3A_251 = arith.constant dense<0x7F800000> : vector<128xf32>
    %reduce_min3A_252 = vector.multi_reduction <minimumf>, %select_n3A_250, %reduce_min3A_251 [0] : vector<512x128xf32> to vector<128xf32>
    %broadcast_in_dim3A_253 = vector.shape_cast %reduce_min3A_252 : vector<128xf32> to vector<1x128xf32>
    %convert_element_type3A_254 = arith.fptosi %broadcast_in_dim3A_253 : vector<1x128xf32> to vector<1x128xi32>
    %add3A_255 = vector.broadcast %multiple_of3A : i32 to vector<1x128xi32>
    %add3A_256 = arith.addi %add3A_255, %convert_element_type3A_254 : vector<1x128xi32>
    %eq3A_257 = vector.broadcast %convert_element_type3A : vector<512x1xf32> to vector<512x128xf32>
    %eq3A_258 = vector.broadcast %broadcast_in_dim3A_253 : vector<1x128xf32> to vector<512x128xf32>
    %eq3A_259 = arith.cmpf oeq, %eq3A_257, %eq3A_258 : vector<512x128xf32>
    %jit3A_260 = arith.constant 0x7F800000 : f32
    %broadcast_in_dim3A_261 = vector.broadcast %jit3A_260 : f32 to vector<512x128xf32>
    %select_n3A_262 = arith.select %eq3A_259, %broadcast_in_dim3A_261, %select_n3A_240 : vector<512x128xi1>, vector<512x128xf32>
    %reduce_min3A_263 = arith.constant dense<0x7F800000> : vector<128xf32>
    %reduce_min3A_264 = vector.multi_reduction <minimumf>, %select_n3A_262, %reduce_min3A_263 [0] : vector<512x128xf32> to vector<128xf32>
    %broadcast_in_dim3A_265 = vector.shape_cast %reduce_min3A_264 : vector<128xf32> to vector<1x128xf32>
    %eq3A_266 = vector.broadcast %broadcast_in_dim3A_265 : vector<1x128xf32> to vector<512x128xf32>
    %eq3A_267 = arith.cmpf oeq, %select_n3A_262, %eq3A_266 : vector<512x128xf32>
    %jit3A_268 = arith.constant 1.000000e+09 : f32
    %broadcast_in_dim3A_269 = vector.shape_cast %convert_element_type3A : vector<512x1xf32> to vector<512x1xf32>
    %broadcast_in_dim3A_270 = vector.broadcast %broadcast_in_dim3A_269 : vector<512x1xf32> to vector<512x128xf32>
    %broadcast_in_dim3A_271 = vector.broadcast %jit3A_268 : f32 to vector<512x128xf32>
    %select_n3A_272 = arith.select %eq3A_267, %broadcast_in_dim3A_270, %broadcast_in_dim3A_271 : vector<512x128xi1>, vector<512x128xf32>
    %reduce_min3A_273 = arith.constant dense<0x7F800000> : vector<128xf32>
    %reduce_min3A_274 = vector.multi_reduction <minimumf>, %select_n3A_272, %reduce_min3A_273 [0] : vector<512x128xf32> to vector<128xf32>
    %broadcast_in_dim3A_275 = vector.shape_cast %reduce_min3A_274 : vector<128xf32> to vector<1x128xf32>
    %convert_element_type3A_276 = arith.fptosi %broadcast_in_dim3A_275 : vector<1x128xf32> to vector<1x128xi32>
    %add3A_277 = vector.broadcast %multiple_of3A : i32 to vector<1x128xi32>
    %add3A_278 = arith.addi %add3A_277, %convert_element_type3A_276 : vector<1x128xi32>
    %eq3A_279 = vector.broadcast %convert_element_type3A : vector<512x1xf32> to vector<512x128xf32>
    %eq3A_280 = vector.broadcast %broadcast_in_dim3A_275 : vector<1x128xf32> to vector<512x128xf32>
    %eq3A_281 = arith.cmpf oeq, %eq3A_279, %eq3A_280 : vector<512x128xf32>
    %jit3A_282 = arith.constant 0x7F800000 : f32
    %broadcast_in_dim3A_283 = vector.broadcast %jit3A_282 : f32 to vector<512x128xf32>
    %select_n3A_284 = arith.select %eq3A_281, %broadcast_in_dim3A_283, %select_n3A_262 : vector<512x128xi1>, vector<512x128xf32>
    %reduce_min3A_285 = arith.constant dense<0x7F800000> : vector<128xf32>
    %reduce_min3A_286 = vector.multi_reduction <minimumf>, %select_n3A_284, %reduce_min3A_285 [0] : vector<512x128xf32> to vector<128xf32>
    %broadcast_in_dim3A_287 = vector.shape_cast %reduce_min3A_286 : vector<128xf32> to vector<1x128xf32>
    %eq3A_288 = vector.broadcast %broadcast_in_dim3A_287 : vector<1x128xf32> to vector<512x128xf32>
    %eq3A_289 = arith.cmpf oeq, %select_n3A_284, %eq3A_288 : vector<512x128xf32>
    %jit3A_290 = arith.constant 1.000000e+09 : f32
    %broadcast_in_dim3A_291 = vector.shape_cast %convert_element_type3A : vector<512x1xf32> to vector<512x1xf32>
    %broadcast_in_dim3A_292 = vector.broadcast %broadcast_in_dim3A_291 : vector<512x1xf32> to vector<512x128xf32>
    %broadcast_in_dim3A_293 = vector.broadcast %jit3A_290 : f32 to vector<512x128xf32>
    %select_n3A_294 = arith.select %eq3A_289, %broadcast_in_dim3A_292, %broadcast_in_dim3A_293 : vector<512x128xi1>, vector<512x128xf32>
    %reduce_min3A_295 = arith.constant dense<0x7F800000> : vector<128xf32>
    %reduce_min3A_296 = vector.multi_reduction <minimumf>, %select_n3A_294, %reduce_min3A_295 [0] : vector<512x128xf32> to vector<128xf32>
    %broadcast_in_dim3A_297 = vector.shape_cast %reduce_min3A_296 : vector<128xf32> to vector<1x128xf32>
    %convert_element_type3A_298 = arith.fptosi %broadcast_in_dim3A_297 : vector<1x128xf32> to vector<1x128xi32>
    %add3A_299 = vector.broadcast %multiple_of3A : i32 to vector<1x128xi32>
    %add3A_300 = arith.addi %add3A_299, %convert_element_type3A_298 : vector<1x128xi32>
    %eq3A_301 = vector.broadcast %convert_element_type3A : vector<512x1xf32> to vector<512x128xf32>
    %eq3A_302 = vector.broadcast %broadcast_in_dim3A_297 : vector<1x128xf32> to vector<512x128xf32>
    %eq3A_303 = arith.cmpf oeq, %eq3A_301, %eq3A_302 : vector<512x128xf32>
    %jit3A_304 = arith.constant 0x7F800000 : f32
    %broadcast_in_dim3A_305 = vector.broadcast %jit3A_304 : f32 to vector<512x128xf32>
    %select_n3A_306 = arith.select %eq3A_303, %broadcast_in_dim3A_305, %select_n3A_284 : vector<512x128xi1>, vector<512x128xf32>
    %reduce_min3A_307 = arith.constant dense<0x7F800000> : vector<128xf32>
    %reduce_min3A_308 = vector.multi_reduction <minimumf>, %select_n3A_306, %reduce_min3A_307 [0] : vector<512x128xf32> to vector<128xf32>
    %broadcast_in_dim3A_309 = vector.shape_cast %reduce_min3A_308 : vector<128xf32> to vector<1x128xf32>
    %eq3A_310 = vector.broadcast %broadcast_in_dim3A_309 : vector<1x128xf32> to vector<512x128xf32>
    %eq3A_311 = arith.cmpf oeq, %select_n3A_306, %eq3A_310 : vector<512x128xf32>
    %jit3A_312 = arith.constant 1.000000e+09 : f32
    %broadcast_in_dim3A_313 = vector.shape_cast %convert_element_type3A : vector<512x1xf32> to vector<512x1xf32>
    %broadcast_in_dim3A_314 = vector.broadcast %broadcast_in_dim3A_313 : vector<512x1xf32> to vector<512x128xf32>
    %broadcast_in_dim3A_315 = vector.broadcast %jit3A_312 : f32 to vector<512x128xf32>
    %select_n3A_316 = arith.select %eq3A_311, %broadcast_in_dim3A_314, %broadcast_in_dim3A_315 : vector<512x128xi1>, vector<512x128xf32>
    %reduce_min3A_317 = arith.constant dense<0x7F800000> : vector<128xf32>
    %reduce_min3A_318 = vector.multi_reduction <minimumf>, %select_n3A_316, %reduce_min3A_317 [0] : vector<512x128xf32> to vector<128xf32>
    %broadcast_in_dim3A_319 = vector.shape_cast %reduce_min3A_318 : vector<128xf32> to vector<1x128xf32>
    %convert_element_type3A_320 = arith.fptosi %broadcast_in_dim3A_319 : vector<1x128xf32> to vector<1x128xi32>
    %add3A_321 = vector.broadcast %multiple_of3A : i32 to vector<1x128xi32>
    %add3A_322 = arith.addi %add3A_321, %convert_element_type3A_320 : vector<1x128xi32>
    %eq3A_323 = vector.broadcast %convert_element_type3A : vector<512x1xf32> to vector<512x128xf32>
    %eq3A_324 = vector.broadcast %broadcast_in_dim3A_319 : vector<1x128xf32> to vector<512x128xf32>
    %eq3A_325 = arith.cmpf oeq, %eq3A_323, %eq3A_324 : vector<512x128xf32>
    %jit3A_326 = arith.constant 0x7F800000 : f32
    %broadcast_in_dim3A_327 = vector.broadcast %jit3A_326 : f32 to vector<512x128xf32>
    %select_n3A_328 = arith.select %eq3A_325, %broadcast_in_dim3A_327, %select_n3A_306 : vector<512x128xi1>, vector<512x128xf32>
    %reduce_min3A_329 = arith.constant dense<0x7F800000> : vector<128xf32>
    %reduce_min3A_330 = vector.multi_reduction <minimumf>, %select_n3A_328, %reduce_min3A_329 [0] : vector<512x128xf32> to vector<128xf32>
    %broadcast_in_dim3A_331 = vector.shape_cast %reduce_min3A_330 : vector<128xf32> to vector<1x128xf32>
    %eq3A_332 = vector.broadcast %broadcast_in_dim3A_331 : vector<1x128xf32> to vector<512x128xf32>
    %eq3A_333 = arith.cmpf oeq, %select_n3A_328, %eq3A_332 : vector<512x128xf32>
    %jit3A_334 = arith.constant 1.000000e+09 : f32
    %broadcast_in_dim3A_335 = vector.shape_cast %convert_element_type3A : vector<512x1xf32> to vector<512x1xf32>
    %broadcast_in_dim3A_336 = vector.broadcast %broadcast_in_dim3A_335 : vector<512x1xf32> to vector<512x128xf32>
    %broadcast_in_dim3A_337 = vector.broadcast %jit3A_334 : f32 to vector<512x128xf32>
    %select_n3A_338 = arith.select %eq3A_333, %broadcast_in_dim3A_336, %broadcast_in_dim3A_337 : vector<512x128xi1>, vector<512x128xf32>
    %reduce_min3A_339 = arith.constant dense<0x7F800000> : vector<128xf32>
    %reduce_min3A_340 = vector.multi_reduction <minimumf>, %select_n3A_338, %reduce_min3A_339 [0] : vector<512x128xf32> to vector<128xf32>
    %broadcast_in_dim3A_341 = vector.shape_cast %reduce_min3A_340 : vector<128xf32> to vector<1x128xf32>
    %convert_element_type3A_342 = arith.fptosi %broadcast_in_dim3A_341 : vector<1x128xf32> to vector<1x128xi32>
    %add3A_343 = vector.broadcast %multiple_of3A : i32 to vector<1x128xi32>
    %add3A_344 = arith.addi %add3A_343, %convert_element_type3A_342 : vector<1x128xi32>
    %eq3A_345 = vector.broadcast %convert_element_type3A : vector<512x1xf32> to vector<512x128xf32>
    %eq3A_346 = vector.broadcast %broadcast_in_dim3A_341 : vector<1x128xf32> to vector<512x128xf32>
    %eq3A_347 = arith.cmpf oeq, %eq3A_345, %eq3A_346 : vector<512x128xf32>
    %jit3A_348 = arith.constant 0x7F800000 : f32
    %broadcast_in_dim3A_349 = vector.broadcast %jit3A_348 : f32 to vector<512x128xf32>
    %select_n3A_350 = arith.select %eq3A_347, %broadcast_in_dim3A_349, %select_n3A_328 : vector<512x128xi1>, vector<512x128xf32>
    %reduce_min3A_351 = arith.constant dense<0x7F800000> : vector<128xf32>
    %reduce_min3A_352 = vector.multi_reduction <minimumf>, %select_n3A_350, %reduce_min3A_351 [0] : vector<512x128xf32> to vector<128xf32>
    %broadcast_in_dim3A_353 = vector.shape_cast %reduce_min3A_352 : vector<128xf32> to vector<1x128xf32>
    %eq3A_354 = vector.broadcast %broadcast_in_dim3A_353 : vector<1x128xf32> to vector<512x128xf32>
    %eq3A_355 = arith.cmpf oeq, %select_n3A_350, %eq3A_354 : vector<512x128xf32>
    %jit3A_356 = arith.constant 1.000000e+09 : f32
    %broadcast_in_dim3A_357 = vector.shape_cast %convert_element_type3A : vector<512x1xf32> to vector<512x1xf32>
    %broadcast_in_dim3A_358 = vector.broadcast %broadcast_in_dim3A_357 : vector<512x1xf32> to vector<512x128xf32>
    %broadcast_in_dim3A_359 = vector.broadcast %jit3A_356 : f32 to vector<512x128xf32>
    %select_n3A_360 = arith.select %eq3A_355, %broadcast_in_dim3A_358, %broadcast_in_dim3A_359 : vector<512x128xi1>, vector<512x128xf32>
    %reduce_min3A_361 = arith.constant dense<0x7F800000> : vector<128xf32>
    %reduce_min3A_362 = vector.multi_reduction <minimumf>, %select_n3A_360, %reduce_min3A_361 [0] : vector<512x128xf32> to vector<128xf32>
    %broadcast_in_dim3A_363 = vector.shape_cast %reduce_min3A_362 : vector<128xf32> to vector<1x128xf32>
    %convert_element_type3A_364 = arith.fptosi %broadcast_in_dim3A_363 : vector<1x128xf32> to vector<1x128xi32>
    %add3A_365 = vector.broadcast %multiple_of3A : i32 to vector<1x128xi32>
    %add3A_366 = arith.addi %add3A_365, %convert_element_type3A_364 : vector<1x128xi32>
    %eq3A_367 = vector.broadcast %convert_element_type3A : vector<512x1xf32> to vector<512x128xf32>
    %eq3A_368 = vector.broadcast %broadcast_in_dim3A_363 : vector<1x128xf32> to vector<512x128xf32>
    %eq3A_369 = arith.cmpf oeq, %eq3A_367, %eq3A_368 : vector<512x128xf32>
    %jit3A_370 = arith.constant 0x7F800000 : f32
    %broadcast_in_dim3A_371 = vector.broadcast %jit3A_370 : f32 to vector<512x128xf32>
    %select_n3A_372 = arith.select %eq3A_369, %broadcast_in_dim3A_371, %select_n3A_350 : vector<512x128xi1>, vector<512x128xf32>
    %reduce_min3A_373 = arith.constant dense<0x7F800000> : vector<128xf32>
    %reduce_min3A_374 = vector.multi_reduction <minimumf>, %select_n3A_372, %reduce_min3A_373 [0] : vector<512x128xf32> to vector<128xf32>
    %broadcast_in_dim3A_375 = vector.shape_cast %reduce_min3A_374 : vector<128xf32> to vector<1x128xf32>
    %eq3A_376 = vector.broadcast %broadcast_in_dim3A_375 : vector<1x128xf32> to vector<512x128xf32>
    %eq3A_377 = arith.cmpf oeq, %select_n3A_372, %eq3A_376 : vector<512x128xf32>
    %jit3A_378 = arith.constant 1.000000e+09 : f32
    %broadcast_in_dim3A_379 = vector.shape_cast %convert_element_type3A : vector<512x1xf32> to vector<512x1xf32>
    %broadcast_in_dim3A_380 = vector.broadcast %broadcast_in_dim3A_379 : vector<512x1xf32> to vector<512x128xf32>
    %broadcast_in_dim3A_381 = vector.broadcast %jit3A_378 : f32 to vector<512x128xf32>
    %select_n3A_382 = arith.select %eq3A_377, %broadcast_in_dim3A_380, %broadcast_in_dim3A_381 : vector<512x128xi1>, vector<512x128xf32>
    %reduce_min3A_383 = arith.constant dense<0x7F800000> : vector<128xf32>
    %reduce_min3A_384 = vector.multi_reduction <minimumf>, %select_n3A_382, %reduce_min3A_383 [0] : vector<512x128xf32> to vector<128xf32>
    %broadcast_in_dim3A_385 = vector.shape_cast %reduce_min3A_384 : vector<128xf32> to vector<1x128xf32>
    %convert_element_type3A_386 = arith.fptosi %broadcast_in_dim3A_385 : vector<1x128xf32> to vector<1x128xi32>
    %add3A_387 = vector.broadcast %multiple_of3A : i32 to vector<1x128xi32>
    %add3A_388 = arith.addi %add3A_387, %convert_element_type3A_386 : vector<1x128xi32>
    %eq3A_389 = vector.broadcast %convert_element_type3A : vector<512x1xf32> to vector<512x128xf32>
    %eq3A_390 = vector.broadcast %broadcast_in_dim3A_385 : vector<1x128xf32> to vector<512x128xf32>
    %eq3A_391 = arith.cmpf oeq, %eq3A_389, %eq3A_390 : vector<512x128xf32>
    %jit3A_392 = arith.constant 0x7F800000 : f32
    %broadcast_in_dim3A_393 = vector.broadcast %jit3A_392 : f32 to vector<512x128xf32>
    %select_n3A_394 = arith.select %eq3A_391, %broadcast_in_dim3A_393, %select_n3A_372 : vector<512x128xi1>, vector<512x128xf32>
    %reduce_min3A_395 = arith.constant dense<0x7F800000> : vector<128xf32>
    %reduce_min3A_396 = vector.multi_reduction <minimumf>, %select_n3A_394, %reduce_min3A_395 [0] : vector<512x128xf32> to vector<128xf32>
    %broadcast_in_dim3A_397 = vector.shape_cast %reduce_min3A_396 : vector<128xf32> to vector<1x128xf32>
    %eq3A_398 = vector.broadcast %broadcast_in_dim3A_397 : vector<1x128xf32> to vector<512x128xf32>
    %eq3A_399 = arith.cmpf oeq, %select_n3A_394, %eq3A_398 : vector<512x128xf32>
    %jit3A_400 = arith.constant 1.000000e+09 : f32
    %broadcast_in_dim3A_401 = vector.shape_cast %convert_element_type3A : vector<512x1xf32> to vector<512x1xf32>
    %broadcast_in_dim3A_402 = vector.broadcast %broadcast_in_dim3A_401 : vector<512x1xf32> to vector<512x128xf32>
    %broadcast_in_dim3A_403 = vector.broadcast %jit3A_400 : f32 to vector<512x128xf32>
    %select_n3A_404 = arith.select %eq3A_399, %broadcast_in_dim3A_402, %broadcast_in_dim3A_403 : vector<512x128xi1>, vector<512x128xf32>
    %reduce_min3A_405 = arith.constant dense<0x7F800000> : vector<128xf32>
    %reduce_min3A_406 = vector.multi_reduction <minimumf>, %select_n3A_404, %reduce_min3A_405 [0] : vector<512x128xf32> to vector<128xf32>
    %broadcast_in_dim3A_407 = vector.shape_cast %reduce_min3A_406 : vector<128xf32> to vector<1x128xf32>
    %convert_element_type3A_408 = arith.fptosi %broadcast_in_dim3A_407 : vector<1x128xf32> to vector<1x128xi32>
    %add3A_409 = vector.broadcast %multiple_of3A : i32 to vector<1x128xi32>
    %add3A_410 = arith.addi %add3A_409, %convert_element_type3A_408 : vector<1x128xi32>
    %eq3A_411 = vector.broadcast %convert_element_type3A : vector<512x1xf32> to vector<512x128xf32>
    %eq3A_412 = vector.broadcast %broadcast_in_dim3A_407 : vector<1x128xf32> to vector<512x128xf32>
    %eq3A_413 = arith.cmpf oeq, %eq3A_411, %eq3A_412 : vector<512x128xf32>
    %jit3A_414 = arith.constant 0x7F800000 : f32
    %broadcast_in_dim3A_415 = vector.broadcast %jit3A_414 : f32 to vector<512x128xf32>
    %select_n3A_416 = arith.select %eq3A_413, %broadcast_in_dim3A_415, %select_n3A_394 : vector<512x128xi1>, vector<512x128xf32>
    %reduce_min3A_417 = arith.constant dense<0x7F800000> : vector<128xf32>
    %reduce_min3A_418 = vector.multi_reduction <minimumf>, %select_n3A_416, %reduce_min3A_417 [0] : vector<512x128xf32> to vector<128xf32>
    %broadcast_in_dim3A_419 = vector.shape_cast %reduce_min3A_418 : vector<128xf32> to vector<1x128xf32>
    %eq3A_420 = vector.broadcast %broadcast_in_dim3A_419 : vector<1x128xf32> to vector<512x128xf32>
    %eq3A_421 = arith.cmpf oeq, %select_n3A_416, %eq3A_420 : vector<512x128xf32>
    %jit3A_422 = arith.constant 1.000000e+09 : f32
    %broadcast_in_dim3A_423 = vector.shape_cast %convert_element_type3A : vector<512x1xf32> to vector<512x1xf32>
    %broadcast_in_dim3A_424 = vector.broadcast %broadcast_in_dim3A_423 : vector<512x1xf32> to vector<512x128xf32>
    %broadcast_in_dim3A_425 = vector.broadcast %jit3A_422 : f32 to vector<512x128xf32>
    %select_n3A_426 = arith.select %eq3A_421, %broadcast_in_dim3A_424, %broadcast_in_dim3A_425 : vector<512x128xi1>, vector<512x128xf32>
    %reduce_min3A_427 = arith.constant dense<0x7F800000> : vector<128xf32>
    %reduce_min3A_428 = vector.multi_reduction <minimumf>, %select_n3A_426, %reduce_min3A_427 [0] : vector<512x128xf32> to vector<128xf32>
    %broadcast_in_dim3A_429 = vector.shape_cast %reduce_min3A_428 : vector<128xf32> to vector<1x128xf32>
    %convert_element_type3A_430 = arith.fptosi %broadcast_in_dim3A_429 : vector<1x128xf32> to vector<1x128xi32>
    %add3A_431 = vector.broadcast %multiple_of3A : i32 to vector<1x128xi32>
    %add3A_432 = arith.addi %add3A_431, %convert_element_type3A_430 : vector<1x128xi32>
    %eq3A_433 = vector.broadcast %convert_element_type3A : vector<512x1xf32> to vector<512x128xf32>
    %eq3A_434 = vector.broadcast %broadcast_in_dim3A_429 : vector<1x128xf32> to vector<512x128xf32>
    %eq3A_435 = arith.cmpf oeq, %eq3A_433, %eq3A_434 : vector<512x128xf32>
    %jit3A_436 = arith.constant 0x7F800000 : f32
    %broadcast_in_dim3A_437 = vector.broadcast %jit3A_436 : f32 to vector<512x128xf32>
    %select_n3A_438 = arith.select %eq3A_435, %broadcast_in_dim3A_437, %select_n3A_416 : vector<512x128xi1>, vector<512x128xf32>
    %reduce_min3A_439 = arith.constant dense<0x7F800000> : vector<128xf32>
    %reduce_min3A_440 = vector.multi_reduction <minimumf>, %select_n3A_438, %reduce_min3A_439 [0] : vector<512x128xf32> to vector<128xf32>
    %broadcast_in_dim3A_441 = vector.shape_cast %reduce_min3A_440 : vector<128xf32> to vector<1x128xf32>
    %eq3A_442 = vector.broadcast %broadcast_in_dim3A_441 : vector<1x128xf32> to vector<512x128xf32>
    %eq3A_443 = arith.cmpf oeq, %select_n3A_438, %eq3A_442 : vector<512x128xf32>
    %jit3A_444 = arith.constant 1.000000e+09 : f32
    %broadcast_in_dim3A_445 = vector.shape_cast %convert_element_type3A : vector<512x1xf32> to vector<512x1xf32>
    %broadcast_in_dim3A_446 = vector.broadcast %broadcast_in_dim3A_445 : vector<512x1xf32> to vector<512x128xf32>
    %broadcast_in_dim3A_447 = vector.broadcast %jit3A_444 : f32 to vector<512x128xf32>
    %select_n3A_448 = arith.select %eq3A_443, %broadcast_in_dim3A_446, %broadcast_in_dim3A_447 : vector<512x128xi1>, vector<512x128xf32>
    %reduce_min3A_449 = arith.constant dense<0x7F800000> : vector<128xf32>
    %reduce_min3A_450 = vector.multi_reduction <minimumf>, %select_n3A_448, %reduce_min3A_449 [0] : vector<512x128xf32> to vector<128xf32>
    %broadcast_in_dim3A_451 = vector.shape_cast %reduce_min3A_450 : vector<128xf32> to vector<1x128xf32>
    %convert_element_type3A_452 = arith.fptosi %broadcast_in_dim3A_451 : vector<1x128xf32> to vector<1x128xi32>
    %add3A_453 = vector.broadcast %multiple_of3A : i32 to vector<1x128xi32>
    %add3A_454 = arith.addi %add3A_453, %convert_element_type3A_452 : vector<1x128xi32>
    %eq3A_455 = vector.broadcast %convert_element_type3A : vector<512x1xf32> to vector<512x128xf32>
    %eq3A_456 = vector.broadcast %broadcast_in_dim3A_451 : vector<1x128xf32> to vector<512x128xf32>
    %eq3A_457 = arith.cmpf oeq, %eq3A_455, %eq3A_456 : vector<512x128xf32>
    %jit3A_458 = arith.constant 0x7F800000 : f32
    %broadcast_in_dim3A_459 = vector.broadcast %jit3A_458 : f32 to vector<512x128xf32>
    %select_n3A_460 = arith.select %eq3A_457, %broadcast_in_dim3A_459, %select_n3A_438 : vector<512x128xi1>, vector<512x128xf32>
    %reduce_min3A_461 = arith.constant dense<0x7F800000> : vector<128xf32>
    %reduce_min3A_462 = vector.multi_reduction <minimumf>, %select_n3A_460, %reduce_min3A_461 [0] : vector<512x128xf32> to vector<128xf32>
    %broadcast_in_dim3A_463 = vector.shape_cast %reduce_min3A_462 : vector<128xf32> to vector<1x128xf32>
    %eq3A_464 = vector.broadcast %broadcast_in_dim3A_463 : vector<1x128xf32> to vector<512x128xf32>
    %eq3A_465 = arith.cmpf oeq, %select_n3A_460, %eq3A_464 : vector<512x128xf32>
    %jit3A_466 = arith.constant 1.000000e+09 : f32
    %broadcast_in_dim3A_467 = vector.shape_cast %convert_element_type3A : vector<512x1xf32> to vector<512x1xf32>
    %broadcast_in_dim3A_468 = vector.broadcast %broadcast_in_dim3A_467 : vector<512x1xf32> to vector<512x128xf32>
    %broadcast_in_dim3A_469 = vector.broadcast %jit3A_466 : f32 to vector<512x128xf32>
    %select_n3A_470 = arith.select %eq3A_465, %broadcast_in_dim3A_468, %broadcast_in_dim3A_469 : vector<512x128xi1>, vector<512x128xf32>
    %reduce_min3A_471 = arith.constant dense<0x7F800000> : vector<128xf32>
    %reduce_min3A_472 = vector.multi_reduction <minimumf>, %select_n3A_470, %reduce_min3A_471 [0] : vector<512x128xf32> to vector<128xf32>
    %broadcast_in_dim3A_473 = vector.shape_cast %reduce_min3A_472 : vector<128xf32> to vector<1x128xf32>
    %convert_element_type3A_474 = arith.fptosi %broadcast_in_dim3A_473 : vector<1x128xf32> to vector<1x128xi32>
    %add3A_475 = vector.broadcast %multiple_of3A : i32 to vector<1x128xi32>
    %add3A_476 = arith.addi %add3A_475, %convert_element_type3A_474 : vector<1x128xi32>
    %eq3A_477 = vector.broadcast %convert_element_type3A : vector<512x1xf32> to vector<512x128xf32>
    %eq3A_478 = vector.broadcast %broadcast_in_dim3A_473 : vector<1x128xf32> to vector<512x128xf32>
    %eq3A_479 = arith.cmpf oeq, %eq3A_477, %eq3A_478 : vector<512x128xf32>
    %jit3A_480 = arith.constant 0x7F800000 : f32
    %broadcast_in_dim3A_481 = vector.broadcast %jit3A_480 : f32 to vector<512x128xf32>
    %select_n3A_482 = arith.select %eq3A_479, %broadcast_in_dim3A_481, %select_n3A_460 : vector<512x128xi1>, vector<512x128xf32>
    %reduce_min3A_483 = arith.constant dense<0x7F800000> : vector<128xf32>
    %reduce_min3A_484 = vector.multi_reduction <minimumf>, %select_n3A_482, %reduce_min3A_483 [0] : vector<512x128xf32> to vector<128xf32>
    %broadcast_in_dim3A_485 = vector.shape_cast %reduce_min3A_484 : vector<128xf32> to vector<1x128xf32>
    %eq3A_486 = vector.broadcast %broadcast_in_dim3A_485 : vector<1x128xf32> to vector<512x128xf32>
    %eq3A_487 = arith.cmpf oeq, %select_n3A_482, %eq3A_486 : vector<512x128xf32>
    %jit3A_488 = arith.constant 1.000000e+09 : f32
    %broadcast_in_dim3A_489 = vector.shape_cast %convert_element_type3A : vector<512x1xf32> to vector<512x1xf32>
    %broadcast_in_dim3A_490 = vector.broadcast %broadcast_in_dim3A_489 : vector<512x1xf32> to vector<512x128xf32>
    %broadcast_in_dim3A_491 = vector.broadcast %jit3A_488 : f32 to vector<512x128xf32>
    %select_n3A_492 = arith.select %eq3A_487, %broadcast_in_dim3A_490, %broadcast_in_dim3A_491 : vector<512x128xi1>, vector<512x128xf32>
    %reduce_min3A_493 = arith.constant dense<0x7F800000> : vector<128xf32>
    %reduce_min3A_494 = vector.multi_reduction <minimumf>, %select_n3A_492, %reduce_min3A_493 [0] : vector<512x128xf32> to vector<128xf32>
    %broadcast_in_dim3A_495 = vector.shape_cast %reduce_min3A_494 : vector<128xf32> to vector<1x128xf32>
    %convert_element_type3A_496 = arith.fptosi %broadcast_in_dim3A_495 : vector<1x128xf32> to vector<1x128xi32>
    %add3A_497 = vector.broadcast %multiple_of3A : i32 to vector<1x128xi32>
    %add3A_498 = arith.addi %add3A_497, %convert_element_type3A_496 : vector<1x128xi32>
    %eq3A_499 = vector.broadcast %convert_element_type3A : vector<512x1xf32> to vector<512x128xf32>
    %eq3A_500 = vector.broadcast %broadcast_in_dim3A_495 : vector<1x128xf32> to vector<512x128xf32>
    %eq3A_501 = arith.cmpf oeq, %eq3A_499, %eq3A_500 : vector<512x128xf32>
    %jit3A_502 = arith.constant 0x7F800000 : f32
    %broadcast_in_dim3A_503 = vector.broadcast %jit3A_502 : f32 to vector<512x128xf32>
    %select_n3A_504 = arith.select %eq3A_501, %broadcast_in_dim3A_503, %select_n3A_482 : vector<512x128xi1>, vector<512x128xf32>
    %reduce_min3A_505 = arith.constant dense<0x7F800000> : vector<128xf32>
    %reduce_min3A_506 = vector.multi_reduction <minimumf>, %select_n3A_504, %reduce_min3A_505 [0] : vector<512x128xf32> to vector<128xf32>
    %broadcast_in_dim3A_507 = vector.shape_cast %reduce_min3A_506 : vector<128xf32> to vector<1x128xf32>
    %eq3A_508 = vector.broadcast %broadcast_in_dim3A_507 : vector<1x128xf32> to vector<512x128xf32>
    %eq3A_509 = arith.cmpf oeq, %select_n3A_504, %eq3A_508 : vector<512x128xf32>
    %jit3A_510 = arith.constant 1.000000e+09 : f32
    %broadcast_in_dim3A_511 = vector.shape_cast %convert_element_type3A : vector<512x1xf32> to vector<512x1xf32>
    %broadcast_in_dim3A_512 = vector.broadcast %broadcast_in_dim3A_511 : vector<512x1xf32> to vector<512x128xf32>
    %broadcast_in_dim3A_513 = vector.broadcast %jit3A_510 : f32 to vector<512x128xf32>
    %select_n3A_514 = arith.select %eq3A_509, %broadcast_in_dim3A_512, %broadcast_in_dim3A_513 : vector<512x128xi1>, vector<512x128xf32>
    %reduce_min3A_515 = arith.constant dense<0x7F800000> : vector<128xf32>
    %reduce_min3A_516 = vector.multi_reduction <minimumf>, %select_n3A_514, %reduce_min3A_515 [0] : vector<512x128xf32> to vector<128xf32>
    %broadcast_in_dim3A_517 = vector.shape_cast %reduce_min3A_516 : vector<128xf32> to vector<1x128xf32>
    %convert_element_type3A_518 = arith.fptosi %broadcast_in_dim3A_517 : vector<1x128xf32> to vector<1x128xi32>
    %add3A_519 = vector.broadcast %multiple_of3A : i32 to vector<1x128xi32>
    %add3A_520 = arith.addi %add3A_519, %convert_element_type3A_518 : vector<1x128xi32>
    %eq3A_521 = vector.broadcast %convert_element_type3A : vector<512x1xf32> to vector<512x128xf32>
    %eq3A_522 = vector.broadcast %broadcast_in_dim3A_517 : vector<1x128xf32> to vector<512x128xf32>
    %eq3A_523 = arith.cmpf oeq, %eq3A_521, %eq3A_522 : vector<512x128xf32>
    %jit3A_524 = arith.constant 0x7F800000 : f32
    %broadcast_in_dim3A_525 = vector.broadcast %jit3A_524 : f32 to vector<512x128xf32>
    %select_n3A_526 = arith.select %eq3A_523, %broadcast_in_dim3A_525, %select_n3A_504 : vector<512x128xi1>, vector<512x128xf32>
    %reduce_min3A_527 = arith.constant dense<0x7F800000> : vector<128xf32>
    %reduce_min3A_528 = vector.multi_reduction <minimumf>, %select_n3A_526, %reduce_min3A_527 [0] : vector<512x128xf32> to vector<128xf32>
    %broadcast_in_dim3A_529 = vector.shape_cast %reduce_min3A_528 : vector<128xf32> to vector<1x128xf32>
    %eq3A_530 = vector.broadcast %broadcast_in_dim3A_529 : vector<1x128xf32> to vector<512x128xf32>
    %eq3A_531 = arith.cmpf oeq, %select_n3A_526, %eq3A_530 : vector<512x128xf32>
    %jit3A_532 = arith.constant 1.000000e+09 : f32
    %broadcast_in_dim3A_533 = vector.shape_cast %convert_element_type3A : vector<512x1xf32> to vector<512x1xf32>
    %broadcast_in_dim3A_534 = vector.broadcast %broadcast_in_dim3A_533 : vector<512x1xf32> to vector<512x128xf32>
    %broadcast_in_dim3A_535 = vector.broadcast %jit3A_532 : f32 to vector<512x128xf32>
    %select_n3A_536 = arith.select %eq3A_531, %broadcast_in_dim3A_534, %broadcast_in_dim3A_535 : vector<512x128xi1>, vector<512x128xf32>
    %reduce_min3A_537 = arith.constant dense<0x7F800000> : vector<128xf32>
    %reduce_min3A_538 = vector.multi_reduction <minimumf>, %select_n3A_536, %reduce_min3A_537 [0] : vector<512x128xf32> to vector<128xf32>
    %broadcast_in_dim3A_539 = vector.shape_cast %reduce_min3A_538 : vector<128xf32> to vector<1x128xf32>
    %convert_element_type3A_540 = arith.fptosi %broadcast_in_dim3A_539 : vector<1x128xf32> to vector<1x128xi32>
    %add3A_541 = vector.broadcast %multiple_of3A : i32 to vector<1x128xi32>
    %add3A_542 = arith.addi %add3A_541, %convert_element_type3A_540 : vector<1x128xi32>
    %eq3A_543 = vector.broadcast %convert_element_type3A : vector<512x1xf32> to vector<512x128xf32>
    %eq3A_544 = vector.broadcast %broadcast_in_dim3A_539 : vector<1x128xf32> to vector<512x128xf32>
    %eq3A_545 = arith.cmpf oeq, %eq3A_543, %eq3A_544 : vector<512x128xf32>
    %jit3A_546 = arith.constant 0x7F800000 : f32
    %broadcast_in_dim3A_547 = vector.broadcast %jit3A_546 : f32 to vector<512x128xf32>
    %select_n3A_548 = arith.select %eq3A_545, %broadcast_in_dim3A_547, %select_n3A_526 : vector<512x128xi1>, vector<512x128xf32>
    %reduce_min3A_549 = arith.constant dense<0x7F800000> : vector<128xf32>
    %reduce_min3A_550 = vector.multi_reduction <minimumf>, %select_n3A_548, %reduce_min3A_549 [0] : vector<512x128xf32> to vector<128xf32>
    %broadcast_in_dim3A_551 = vector.shape_cast %reduce_min3A_550 : vector<128xf32> to vector<1x128xf32>
    %eq3A_552 = vector.broadcast %broadcast_in_dim3A_551 : vector<1x128xf32> to vector<512x128xf32>
    %eq3A_553 = arith.cmpf oeq, %select_n3A_548, %eq3A_552 : vector<512x128xf32>
    %jit3A_554 = arith.constant 1.000000e+09 : f32
    %broadcast_in_dim3A_555 = vector.shape_cast %convert_element_type3A : vector<512x1xf32> to vector<512x1xf32>
    %broadcast_in_dim3A_556 = vector.broadcast %broadcast_in_dim3A_555 : vector<512x1xf32> to vector<512x128xf32>
    %broadcast_in_dim3A_557 = vector.broadcast %jit3A_554 : f32 to vector<512x128xf32>
    %select_n3A_558 = arith.select %eq3A_553, %broadcast_in_dim3A_556, %broadcast_in_dim3A_557 : vector<512x128xi1>, vector<512x128xf32>
    %reduce_min3A_559 = arith.constant dense<0x7F800000> : vector<128xf32>
    %reduce_min3A_560 = vector.multi_reduction <minimumf>, %select_n3A_558, %reduce_min3A_559 [0] : vector<512x128xf32> to vector<128xf32>
    %broadcast_in_dim3A_561 = vector.shape_cast %reduce_min3A_560 : vector<128xf32> to vector<1x128xf32>
    %convert_element_type3A_562 = arith.fptosi %broadcast_in_dim3A_561 : vector<1x128xf32> to vector<1x128xi32>
    %add3A_563 = vector.broadcast %multiple_of3A : i32 to vector<1x128xi32>
    %add3A_564 = arith.addi %add3A_563, %convert_element_type3A_562 : vector<1x128xi32>
    %eq3A_565 = vector.broadcast %convert_element_type3A : vector<512x1xf32> to vector<512x128xf32>
    %eq3A_566 = vector.broadcast %broadcast_in_dim3A_561 : vector<1x128xf32> to vector<512x128xf32>
    %eq3A_567 = arith.cmpf oeq, %eq3A_565, %eq3A_566 : vector<512x128xf32>
    %jit3A_568 = arith.constant 0x7F800000 : f32
    %broadcast_in_dim3A_569 = vector.broadcast %jit3A_568 : f32 to vector<512x128xf32>
    %select_n3A_570 = arith.select %eq3A_567, %broadcast_in_dim3A_569, %select_n3A_548 : vector<512x128xi1>, vector<512x128xf32>
    %reduce_min3A_571 = arith.constant dense<0x7F800000> : vector<128xf32>
    %reduce_min3A_572 = vector.multi_reduction <minimumf>, %select_n3A_570, %reduce_min3A_571 [0] : vector<512x128xf32> to vector<128xf32>
    %broadcast_in_dim3A_573 = vector.shape_cast %reduce_min3A_572 : vector<128xf32> to vector<1x128xf32>
    %eq3A_574 = vector.broadcast %broadcast_in_dim3A_573 : vector<1x128xf32> to vector<512x128xf32>
    %eq3A_575 = arith.cmpf oeq, %select_n3A_570, %eq3A_574 : vector<512x128xf32>
    %jit3A_576 = arith.constant 1.000000e+09 : f32
    %broadcast_in_dim3A_577 = vector.shape_cast %convert_element_type3A : vector<512x1xf32> to vector<512x1xf32>
    %broadcast_in_dim3A_578 = vector.broadcast %broadcast_in_dim3A_577 : vector<512x1xf32> to vector<512x128xf32>
    %broadcast_in_dim3A_579 = vector.broadcast %jit3A_576 : f32 to vector<512x128xf32>
    %select_n3A_580 = arith.select %eq3A_575, %broadcast_in_dim3A_578, %broadcast_in_dim3A_579 : vector<512x128xi1>, vector<512x128xf32>
    %reduce_min3A_581 = arith.constant dense<0x7F800000> : vector<128xf32>
    %reduce_min3A_582 = vector.multi_reduction <minimumf>, %select_n3A_580, %reduce_min3A_581 [0] : vector<512x128xf32> to vector<128xf32>
    %broadcast_in_dim3A_583 = vector.shape_cast %reduce_min3A_582 : vector<128xf32> to vector<1x128xf32>
    %convert_element_type3A_584 = arith.fptosi %broadcast_in_dim3A_583 : vector<1x128xf32> to vector<1x128xi32>
    %add3A_585 = vector.broadcast %multiple_of3A : i32 to vector<1x128xi32>
    %add3A_586 = arith.addi %add3A_585, %convert_element_type3A_584 : vector<1x128xi32>
    %eq3A_587 = vector.broadcast %convert_element_type3A : vector<512x1xf32> to vector<512x128xf32>
    %eq3A_588 = vector.broadcast %broadcast_in_dim3A_583 : vector<1x128xf32> to vector<512x128xf32>
    %eq3A_589 = arith.cmpf oeq, %eq3A_587, %eq3A_588 : vector<512x128xf32>
    %jit3A_590 = arith.constant 0x7F800000 : f32
    %broadcast_in_dim3A_591 = vector.broadcast %jit3A_590 : f32 to vector<512x128xf32>
    %select_n3A_592 = arith.select %eq3A_589, %broadcast_in_dim3A_591, %select_n3A_570 : vector<512x128xi1>, vector<512x128xf32>
    %reduce_min3A_593 = arith.constant dense<0x7F800000> : vector<128xf32>
    %reduce_min3A_594 = vector.multi_reduction <minimumf>, %select_n3A_592, %reduce_min3A_593 [0] : vector<512x128xf32> to vector<128xf32>
    %broadcast_in_dim3A_595 = vector.shape_cast %reduce_min3A_594 : vector<128xf32> to vector<1x128xf32>
    %eq3A_596 = vector.broadcast %broadcast_in_dim3A_595 : vector<1x128xf32> to vector<512x128xf32>
    %eq3A_597 = arith.cmpf oeq, %select_n3A_592, %eq3A_596 : vector<512x128xf32>
    %jit3A_598 = arith.constant 1.000000e+09 : f32
    %broadcast_in_dim3A_599 = vector.shape_cast %convert_element_type3A : vector<512x1xf32> to vector<512x1xf32>
    %broadcast_in_dim3A_600 = vector.broadcast %broadcast_in_dim3A_599 : vector<512x1xf32> to vector<512x128xf32>
    %broadcast_in_dim3A_601 = vector.broadcast %jit3A_598 : f32 to vector<512x128xf32>
    %select_n3A_602 = arith.select %eq3A_597, %broadcast_in_dim3A_600, %broadcast_in_dim3A_601 : vector<512x128xi1>, vector<512x128xf32>
    %reduce_min3A_603 = arith.constant dense<0x7F800000> : vector<128xf32>
    %reduce_min3A_604 = vector.multi_reduction <minimumf>, %select_n3A_602, %reduce_min3A_603 [0] : vector<512x128xf32> to vector<128xf32>
    %broadcast_in_dim3A_605 = vector.shape_cast %reduce_min3A_604 : vector<128xf32> to vector<1x128xf32>
    %convert_element_type3A_606 = arith.fptosi %broadcast_in_dim3A_605 : vector<1x128xf32> to vector<1x128xi32>
    %add3A_607 = vector.broadcast %multiple_of3A : i32 to vector<1x128xi32>
    %add3A_608 = arith.addi %add3A_607, %convert_element_type3A_606 : vector<1x128xi32>
    %eq3A_609 = vector.broadcast %convert_element_type3A : vector<512x1xf32> to vector<512x128xf32>
    %eq3A_610 = vector.broadcast %broadcast_in_dim3A_605 : vector<1x128xf32> to vector<512x128xf32>
    %eq3A_611 = arith.cmpf oeq, %eq3A_609, %eq3A_610 : vector<512x128xf32>
    %jit3A_612 = arith.constant 0x7F800000 : f32
    %broadcast_in_dim3A_613 = vector.broadcast %jit3A_612 : f32 to vector<512x128xf32>
    %select_n3A_614 = arith.select %eq3A_611, %broadcast_in_dim3A_613, %select_n3A_592 : vector<512x128xi1>, vector<512x128xf32>
    %reduce_min3A_615 = arith.constant dense<0x7F800000> : vector<128xf32>
    %reduce_min3A_616 = vector.multi_reduction <minimumf>, %select_n3A_614, %reduce_min3A_615 [0] : vector<512x128xf32> to vector<128xf32>
    %broadcast_in_dim3A_617 = vector.shape_cast %reduce_min3A_616 : vector<128xf32> to vector<1x128xf32>
    %eq3A_618 = vector.broadcast %broadcast_in_dim3A_617 : vector<1x128xf32> to vector<512x128xf32>
    %eq3A_619 = arith.cmpf oeq, %select_n3A_614, %eq3A_618 : vector<512x128xf32>
    %jit3A_620 = arith.constant 1.000000e+09 : f32
    %broadcast_in_dim3A_621 = vector.shape_cast %convert_element_type3A : vector<512x1xf32> to vector<512x1xf32>
    %broadcast_in_dim3A_622 = vector.broadcast %broadcast_in_dim3A_621 : vector<512x1xf32> to vector<512x128xf32>
    %broadcast_in_dim3A_623 = vector.broadcast %jit3A_620 : f32 to vector<512x128xf32>
    %select_n3A_624 = arith.select %eq3A_619, %broadcast_in_dim3A_622, %broadcast_in_dim3A_623 : vector<512x128xi1>, vector<512x128xf32>
    %reduce_min3A_625 = arith.constant dense<0x7F800000> : vector<128xf32>
    %reduce_min3A_626 = vector.multi_reduction <minimumf>, %select_n3A_624, %reduce_min3A_625 [0] : vector<512x128xf32> to vector<128xf32>
    %broadcast_in_dim3A_627 = vector.shape_cast %reduce_min3A_626 : vector<128xf32> to vector<1x128xf32>
    %convert_element_type3A_628 = arith.fptosi %broadcast_in_dim3A_627 : vector<1x128xf32> to vector<1x128xi32>
    %add3A_629 = vector.broadcast %multiple_of3A : i32 to vector<1x128xi32>
    %add3A_630 = arith.addi %add3A_629, %convert_element_type3A_628 : vector<1x128xi32>
    %eq3A_631 = vector.broadcast %convert_element_type3A : vector<512x1xf32> to vector<512x128xf32>
    %eq3A_632 = vector.broadcast %broadcast_in_dim3A_627 : vector<1x128xf32> to vector<512x128xf32>
    %eq3A_633 = arith.cmpf oeq, %eq3A_631, %eq3A_632 : vector<512x128xf32>
    %jit3A_634 = arith.constant 0x7F800000 : f32
    %broadcast_in_dim3A_635 = vector.broadcast %jit3A_634 : f32 to vector<512x128xf32>
    %select_n3A_636 = arith.select %eq3A_633, %broadcast_in_dim3A_635, %select_n3A_614 : vector<512x128xi1>, vector<512x128xf32>
    %reduce_min3A_637 = arith.constant dense<0x7F800000> : vector<128xf32>
    %reduce_min3A_638 = vector.multi_reduction <minimumf>, %select_n3A_636, %reduce_min3A_637 [0] : vector<512x128xf32> to vector<128xf32>
    %broadcast_in_dim3A_639 = vector.shape_cast %reduce_min3A_638 : vector<128xf32> to vector<1x128xf32>
    %eq3A_640 = vector.broadcast %broadcast_in_dim3A_639 : vector<1x128xf32> to vector<512x128xf32>
    %eq3A_641 = arith.cmpf oeq, %select_n3A_636, %eq3A_640 : vector<512x128xf32>
    %jit3A_642 = arith.constant 1.000000e+09 : f32
    %broadcast_in_dim3A_643 = vector.shape_cast %convert_element_type3A : vector<512x1xf32> to vector<512x1xf32>
    %broadcast_in_dim3A_644 = vector.broadcast %broadcast_in_dim3A_643 : vector<512x1xf32> to vector<512x128xf32>
    %broadcast_in_dim3A_645 = vector.broadcast %jit3A_642 : f32 to vector<512x128xf32>
    %select_n3A_646 = arith.select %eq3A_641, %broadcast_in_dim3A_644, %broadcast_in_dim3A_645 : vector<512x128xi1>, vector<512x128xf32>
    %reduce_min3A_647 = arith.constant dense<0x7F800000> : vector<128xf32>
    %reduce_min3A_648 = vector.multi_reduction <minimumf>, %select_n3A_646, %reduce_min3A_647 [0] : vector<512x128xf32> to vector<128xf32>
    %broadcast_in_dim3A_649 = vector.shape_cast %reduce_min3A_648 : vector<128xf32> to vector<1x128xf32>
    %convert_element_type3A_650 = arith.fptosi %broadcast_in_dim3A_649 : vector<1x128xf32> to vector<1x128xi32>
    %add3A_651 = vector.broadcast %multiple_of3A : i32 to vector<1x128xi32>
    %add3A_652 = arith.addi %add3A_651, %convert_element_type3A_650 : vector<1x128xi32>
    %eq3A_653 = vector.broadcast %convert_element_type3A : vector<512x1xf32> to vector<512x128xf32>
    %eq3A_654 = vector.broadcast %broadcast_in_dim3A_649 : vector<1x128xf32> to vector<512x128xf32>
    %eq3A_655 = arith.cmpf oeq, %eq3A_653, %eq3A_654 : vector<512x128xf32>
    %jit3A_656 = arith.constant 0x7F800000 : f32
    %broadcast_in_dim3A_657 = vector.broadcast %jit3A_656 : f32 to vector<512x128xf32>
    %select_n3A_658 = arith.select %eq3A_655, %broadcast_in_dim3A_657, %select_n3A_636 : vector<512x128xi1>, vector<512x128xf32>
    %reduce_min3A_659 = arith.constant dense<0x7F800000> : vector<128xf32>
    %reduce_min3A_660 = vector.multi_reduction <minimumf>, %select_n3A_658, %reduce_min3A_659 [0] : vector<512x128xf32> to vector<128xf32>
    %broadcast_in_dim3A_661 = vector.shape_cast %reduce_min3A_660 : vector<128xf32> to vector<1x128xf32>
    %eq3A_662 = vector.broadcast %broadcast_in_dim3A_661 : vector<1x128xf32> to vector<512x128xf32>
    %eq3A_663 = arith.cmpf oeq, %select_n3A_658, %eq3A_662 : vector<512x128xf32>
    %jit3A_664 = arith.constant 1.000000e+09 : f32
    %broadcast_in_dim3A_665 = vector.shape_cast %convert_element_type3A : vector<512x1xf32> to vector<512x1xf32>
    %broadcast_in_dim3A_666 = vector.broadcast %broadcast_in_dim3A_665 : vector<512x1xf32> to vector<512x128xf32>
    %broadcast_in_dim3A_667 = vector.broadcast %jit3A_664 : f32 to vector<512x128xf32>
    %select_n3A_668 = arith.select %eq3A_663, %broadcast_in_dim3A_666, %broadcast_in_dim3A_667 : vector<512x128xi1>, vector<512x128xf32>
    %reduce_min3A_669 = arith.constant dense<0x7F800000> : vector<128xf32>
    %reduce_min3A_670 = vector.multi_reduction <minimumf>, %select_n3A_668, %reduce_min3A_669 [0] : vector<512x128xf32> to vector<128xf32>
    %broadcast_in_dim3A_671 = vector.shape_cast %reduce_min3A_670 : vector<128xf32> to vector<1x128xf32>
    %convert_element_type3A_672 = arith.fptosi %broadcast_in_dim3A_671 : vector<1x128xf32> to vector<1x128xi32>
    %add3A_673 = vector.broadcast %multiple_of3A : i32 to vector<1x128xi32>
    %add3A_674 = arith.addi %add3A_673, %convert_element_type3A_672 : vector<1x128xi32>
    %eq3A_675 = vector.broadcast %convert_element_type3A : vector<512x1xf32> to vector<512x128xf32>
    %eq3A_676 = vector.broadcast %broadcast_in_dim3A_671 : vector<1x128xf32> to vector<512x128xf32>
    %eq3A_677 = arith.cmpf oeq, %eq3A_675, %eq3A_676 : vector<512x128xf32>
    %jit3A_678 = arith.constant 0x7F800000 : f32
    %broadcast_in_dim3A_679 = vector.broadcast %jit3A_678 : f32 to vector<512x128xf32>
    %select_n3A_680 = arith.select %eq3A_677, %broadcast_in_dim3A_679, %select_n3A_658 : vector<512x128xi1>, vector<512x128xf32>
    %reduce_min3A_681 = arith.constant dense<0x7F800000> : vector<128xf32>
    %reduce_min3A_682 = vector.multi_reduction <minimumf>, %select_n3A_680, %reduce_min3A_681 [0] : vector<512x128xf32> to vector<128xf32>
    %broadcast_in_dim3A_683 = vector.shape_cast %reduce_min3A_682 : vector<128xf32> to vector<1x128xf32>
    %eq3A_684 = vector.broadcast %broadcast_in_dim3A_683 : vector<1x128xf32> to vector<512x128xf32>
    %eq3A_685 = arith.cmpf oeq, %select_n3A_680, %eq3A_684 : vector<512x128xf32>
    %jit3A_686 = arith.constant 1.000000e+09 : f32
    %broadcast_in_dim3A_687 = vector.shape_cast %convert_element_type3A : vector<512x1xf32> to vector<512x1xf32>
    %broadcast_in_dim3A_688 = vector.broadcast %broadcast_in_dim3A_687 : vector<512x1xf32> to vector<512x128xf32>
    %broadcast_in_dim3A_689 = vector.broadcast %jit3A_686 : f32 to vector<512x128xf32>
    %select_n3A_690 = arith.select %eq3A_685, %broadcast_in_dim3A_688, %broadcast_in_dim3A_689 : vector<512x128xi1>, vector<512x128xf32>
    %reduce_min3A_691 = arith.constant dense<0x7F800000> : vector<128xf32>
    %reduce_min3A_692 = vector.multi_reduction <minimumf>, %select_n3A_690, %reduce_min3A_691 [0] : vector<512x128xf32> to vector<128xf32>
    %broadcast_in_dim3A_693 = vector.shape_cast %reduce_min3A_692 : vector<128xf32> to vector<1x128xf32>
    %convert_element_type3A_694 = arith.fptosi %broadcast_in_dim3A_693 : vector<1x128xf32> to vector<1x128xi32>
    %add3A_695 = vector.broadcast %multiple_of3A : i32 to vector<1x128xi32>
    %add3A_696 = arith.addi %add3A_695, %convert_element_type3A_694 : vector<1x128xi32>
    %eq3A_697 = vector.broadcast %convert_element_type3A : vector<512x1xf32> to vector<512x128xf32>
    %eq3A_698 = vector.broadcast %broadcast_in_dim3A_693 : vector<1x128xf32> to vector<512x128xf32>
    %eq3A_699 = arith.cmpf oeq, %eq3A_697, %eq3A_698 : vector<512x128xf32>
    %jit3A_700 = arith.constant 0x7F800000 : f32
    %broadcast_in_dim3A_701 = vector.broadcast %jit3A_700 : f32 to vector<512x128xf32>
    %select_n3A_702 = arith.select %eq3A_699, %broadcast_in_dim3A_701, %select_n3A_680 : vector<512x128xi1>, vector<512x128xf32>
    %reduce_min3A_703 = arith.constant dense<0x7F800000> : vector<128xf32>
    %reduce_min3A_704 = vector.multi_reduction <minimumf>, %select_n3A_702, %reduce_min3A_703 [0] : vector<512x128xf32> to vector<128xf32>
    %broadcast_in_dim3A_705 = vector.shape_cast %reduce_min3A_704 : vector<128xf32> to vector<1x128xf32>
    %eq3A_706 = vector.broadcast %broadcast_in_dim3A_705 : vector<1x128xf32> to vector<512x128xf32>
    %eq3A_707 = arith.cmpf oeq, %select_n3A_702, %eq3A_706 : vector<512x128xf32>
    %jit3A_708 = arith.constant 1.000000e+09 : f32
    %broadcast_in_dim3A_709 = vector.shape_cast %convert_element_type3A : vector<512x1xf32> to vector<512x1xf32>
    %broadcast_in_dim3A_710 = vector.broadcast %broadcast_in_dim3A_709 : vector<512x1xf32> to vector<512x128xf32>
    %broadcast_in_dim3A_711 = vector.broadcast %jit3A_708 : f32 to vector<512x128xf32>
    %select_n3A_712 = arith.select %eq3A_707, %broadcast_in_dim3A_710, %broadcast_in_dim3A_711 : vector<512x128xi1>, vector<512x128xf32>
    %reduce_min3A_713 = arith.constant dense<0x7F800000> : vector<128xf32>
    %reduce_min3A_714 = vector.multi_reduction <minimumf>, %select_n3A_712, %reduce_min3A_713 [0] : vector<512x128xf32> to vector<128xf32>
    %broadcast_in_dim3A_715 = vector.shape_cast %reduce_min3A_714 : vector<128xf32> to vector<1x128xf32>
    %convert_element_type3A_716 = arith.fptosi %broadcast_in_dim3A_715 : vector<1x128xf32> to vector<1x128xi32>
    %add3A_717 = vector.broadcast %multiple_of3A : i32 to vector<1x128xi32>
    %add3A_718 = arith.addi %add3A_717, %convert_element_type3A_716 : vector<1x128xi32>
    %eq3A_719 = vector.broadcast %convert_element_type3A : vector<512x1xf32> to vector<512x128xf32>
    %eq3A_720 = vector.broadcast %broadcast_in_dim3A_715 : vector<1x128xf32> to vector<512x128xf32>
    %eq3A_721 = arith.cmpf oeq, %eq3A_719, %eq3A_720 : vector<512x128xf32>
    %jit3A_722 = arith.constant 0x7F800000 : f32
    %broadcast_in_dim3A_723 = vector.broadcast %jit3A_722 : f32 to vector<512x128xf32>
    %select_n3A_724 = arith.select %eq3A_721, %broadcast_in_dim3A_723, %select_n3A_702 : vector<512x128xi1>, vector<512x128xf32>
    %reduce_min3A_725 = arith.constant dense<0x7F800000> : vector<128xf32>
    %reduce_min3A_726 = vector.multi_reduction <minimumf>, %select_n3A_724, %reduce_min3A_725 [0] : vector<512x128xf32> to vector<128xf32>
    %broadcast_in_dim3A_727 = vector.shape_cast %reduce_min3A_726 : vector<128xf32> to vector<1x128xf32>
    %eq3A_728 = vector.broadcast %broadcast_in_dim3A_727 : vector<1x128xf32> to vector<512x128xf32>
    %eq3A_729 = arith.cmpf oeq, %select_n3A_724, %eq3A_728 : vector<512x128xf32>
    %jit3A_730 = arith.constant 1.000000e+09 : f32
    %broadcast_in_dim3A_731 = vector.shape_cast %convert_element_type3A : vector<512x1xf32> to vector<512x1xf32>
    %broadcast_in_dim3A_732 = vector.broadcast %broadcast_in_dim3A_731 : vector<512x1xf32> to vector<512x128xf32>
    %broadcast_in_dim3A_733 = vector.broadcast %jit3A_730 : f32 to vector<512x128xf32>
    %select_n3A_734 = arith.select %eq3A_729, %broadcast_in_dim3A_732, %broadcast_in_dim3A_733 : vector<512x128xi1>, vector<512x128xf32>
    %reduce_min3A_735 = arith.constant dense<0x7F800000> : vector<128xf32>
    %reduce_min3A_736 = vector.multi_reduction <minimumf>, %select_n3A_734, %reduce_min3A_735 [0] : vector<512x128xf32> to vector<128xf32>
    %broadcast_in_dim3A_737 = vector.shape_cast %reduce_min3A_736 : vector<128xf32> to vector<1x128xf32>
    %convert_element_type3A_738 = arith.fptosi %broadcast_in_dim3A_737 : vector<1x128xf32> to vector<1x128xi32>
    %add3A_739 = vector.broadcast %multiple_of3A : i32 to vector<1x128xi32>
    %add3A_740 = arith.addi %add3A_739, %convert_element_type3A_738 : vector<1x128xi32>
    %concatenate3A = tpu.concatenate %add3A_58, %add3A_80, %add3A_102, %add3A_124, %add3A_146, %add3A_168, %add3A_190, %add3A_212, %add3A_234, %add3A_256, %add3A_278, %add3A_300, %add3A_322, %add3A_344, %add3A_366, %add3A_388, %add3A_410, %add3A_432, %add3A_454, %add3A_476, %add3A_498, %add3A_520, %add3A_542, %add3A_564, %add3A_586, %add3A_608, %add3A_630, %add3A_652, %add3A_674, %add3A_696, %add3A_718, %add3A_740 in 0 : vector<1x128xi32>, vector<1x128xi32>, vector<1x128xi32>, vector<1x128xi32>, vector<1x128xi32>, vector<1x128xi32>, vector<1x128xi32>, vector<1x128xi32>, vector<1x128xi32>, vector<1x128xi32>, vector<1x128xi32>, vector<1x128xi32>, vector<1x128xi32>, vector<1x128xi32>, vector<1x128xi32>, vector<1x128xi32>, vector<1x128xi32>, vector<1x128xi32>, vector<1x128xi32>, vector<1x128xi32>, vector<1x128xi32>, vector<1x128xi32>, vector<1x128xi32>, vector<1x128xi32>, vector<1x128xi32>, vector<1x128xi32>, vector<1x128xi32>, vector<1x128xi32>, vector<1x128xi32>, vector<1x128xi32>, vector<1x128xi32>, vector<1x128xi32> -> vector<32x128xi32>
    %concatenate3A_741 = tpu.concatenate %broadcast_in_dim3A_45, %broadcast_in_dim3A_67, %broadcast_in_dim3A_89, %broadcast_in_dim3A_111, %broadcast_in_dim3A_133, %broadcast_in_dim3A_155, %broadcast_in_dim3A_177, %broadcast_in_dim3A_199, %broadcast_in_dim3A_221, %broadcast_in_dim3A_243, %broadcast_in_dim3A_265, %broadcast_in_dim3A_287, %broadcast_in_dim3A_309, %broadcast_in_dim3A_331, %broadcast_in_dim3A_353, %broadcast_in_dim3A_375, %broadcast_in_dim3A_397, %broadcast_in_dim3A_419, %broadcast_in_dim3A_441, %broadcast_in_dim3A_463, %broadcast_in_dim3A_485, %broadcast_in_dim3A_507, %broadcast_in_dim3A_529, %broadcast_in_dim3A_551, %broadcast_in_dim3A_573, %broadcast_in_dim3A_595, %broadcast_in_dim3A_617, %broadcast_in_dim3A_639, %broadcast_in_dim3A_661, %broadcast_in_dim3A_683, %broadcast_in_dim3A_705, %broadcast_in_dim3A_727 in 0 : vector<1x128xf32>, vector<1x128xf32>, vector<1x128xf32>, vector<1x128xf32>, vector<1x128xf32>, vector<1x128xf32>, vector<1x128xf32>, vector<1x128xf32>, vector<1x128xf32>, vector<1x128xf32>, vector<1x128xf32>, vector<1x128xf32>, vector<1x128xf32>, vector<1x128xf32>, vector<1x128xf32>, vector<1x128xf32>, vector<1x128xf32>, vector<1x128xf32>, vector<1x128xf32>, vector<1x128xf32>, vector<1x128xf32>, vector<1x128xf32>, vector<1x128xf32>, vector<1x128xf32>, vector<1x128xf32>, vector<1x128xf32>, vector<1x128xf32>, vector<1x128xf32>, vector<1x128xf32>, vector<1x128xf32>, vector<1x128xf32>, vector<1x128xf32> -> vector<32x128xf32>
    %le3A_742 = arith.constant 1.000000e+02 : f32
    %le3A_743 = vector.broadcast %le3A_742 : f32 to vector<32x128xf32>
    %le3A_744 = arith.cmpf ole, %concatenate3A_741, %le3A_743 : vector<32x128xf32>
    %convert_element_type3A_745 = arith.extui %le3A_744 : vector<32x128xi1> to vector<32x128xi32>
    %convert_element_type3A_746 = arith.sitofp %convert_element_type3A_745 : vector<32x128xi32> to vector<32x128xf32>
    %le3A_747 = arith.constant 1.000000e+02 : f32
    %le3A_748 = vector.broadcast %le3A_747 : f32 to vector<32x128xf32>
    %le3A_749 = arith.cmpf ole, %concatenate3A_741, %le3A_748 : vector<32x128xf32>
    %jit3A_750 = arith.constant 1.000000e+00 : f32
    %broadcast_in_dim3A_751 = vector.broadcast %jit3A_750 : f32 to vector<32x128xf32>
    %select_n3A_752 = arith.select %le3A_749, %concatenate3A_741, %broadcast_in_dim3A_751 : vector<32x128xi1>, vector<32x128xf32>
    %sqrt3A = math.sqrt %select_n3A_752 : vector<32x128xf32>
    %mul3A_753 = arith.constant 3.14159274 : f32
    %mul3A_754 = vector.broadcast %mul3A_753 : f32 to vector<32x128xf32>
    %mul3A_755 = arith.mulf %sqrt3A, %mul3A_754 : vector<32x128xf32>
    %div3A = arith.constant 1.000000e+01 : f32
    %div3A_756 = vector.broadcast %div3A : f32 to vector<32x128xf32>
    %div3A_757 = arith.divf %mul3A_755, %div3A_756 : vector<32x128xf32>
    %cos3A = math.cos %div3A_757 : vector<32x128xf32>
    %add3A_758 = arith.constant 1.000000e+00 : f32
    %add3A_759 = vector.broadcast %add3A_758 : f32 to vector<32x128xf32>
    %add3A_760 = arith.addf %cos3A, %add3A_759 : vector<32x128xf32>
    %mul3A_761 = arith.constant 5.000000e-01 : f32
    %mul3A_762 = vector.broadcast %mul3A_761 : f32 to vector<32x128xf32>
    %mul3A_763 = arith.mulf %mul3A_762, %add3A_760 : vector<32x128xf32>
    %mul3A_764 = arith.mulf %mul3A_763, %convert_element_type3A_746 : vector<32x128xf32>
    %swap3A = arith.constant 0 : index
    %swap3A_765 = arith.constant 0 : index
    %swap3A_766 = vector.load %arg8[%swap3A, %swap3A_765] : memref<32x128xi32, #tpu.memory_space<vmem>>, vector<32x128xi32>
    tpu.vector_store %arg8[%swap3A, %swap3A_765], %concatenate3A {strides = array<i32>} : memref<32x128xi32, #tpu.memory_space<vmem>>, vector<32x128xi32>,
    %swap3A_767 = arith.constant 0 : index
    %swap3A_768 = arith.constant 0 : index
    %swap3A_769 = vector.load %arg9[%swap3A_767, %swap3A_768] : memref<32x128xf32, #tpu.memory_space<vmem>>, vector<32x128xf32>
    tpu.vector_store %arg9[%swap3A_767, %swap3A_768], %sqrt3A {strides = array<i32>} : memref<32x128xf32, #tpu.memory_space<vmem>>, vector<32x128xf32>,
    %swap3A_770 = arith.constant 0 : index
    %swap3A_771 = arith.constant 0 : index
    %swap3A_772 = vector.load %arg10[%swap3A_770, %swap3A_771] : memref<32x128xf32, #tpu.memory_space<vmem>>, vector<32x128xf32>
    tpu.vector_store %arg10[%swap3A_770, %swap3A_771], %mul3A_764 {strides = array<i32>} : memref<32x128xf32, #tpu.memory_space<vmem>>, vector<32x128xf32>,
    return
  }
  func.func @transform_0(%arg0: i32) -> (i32, i32, i32) {
    %c0_i32 = arith.constant 0 : i32
    %c0_i32_0 = arith.constant 0 : i32
    %c0_i32_1 = arith.constant 0 : i32
    return %arg0, %c0_i32, %c0_i32_0 : i32, i32, i32
  }
  func.func @transform_1(%arg0: i32) -> (i32, i32) {
    %c0_i32 = arith.constant 0 : i32
    %c0_i32_0 = arith.constant 0 : i32
    return %c0_i32, %arg0 : i32, i32
  }
  func.func @transform_2(%arg0: i32) -> (i32, i32) {
    %c0_i32 = arith.constant 0 : i32
    %c0_i32_0 = arith.constant 0 : i32
    return %c0_i32, %arg0 : i32, i32
  }
  func.func @transform_3(%arg0: i32) -> (i32, i32) {
    %c0_i32 = arith.constant 0 : i32
    %c0_i32_0 = arith.constant 0 : i32
    return %c0_i32, %arg0 : i32, i32
  }
  func.func @transform_4(%arg0: i32) -> (i32, i32) {
    %c0_i32 = arith.constant 0 : i32
    %c0_i32_0 = arith.constant 0 : i32
    %c0_i32_1 = arith.constant 0 : i32
    return %c0_i32, %c0_i32_0 : i32, i32
  }
  func.func @transform_5(%arg0: i32) -> (i32, i32) {
    %c0_i32 = arith.constant 0 : i32
    %c0_i32_0 = arith.constant 0 : i32
    %c0_i32_1 = arith.constant 0 : i32
    return %c0_i32, %c0_i32_0 : i32, i32
  }
  func.func @transform_6(%arg0: i32) -> (i32, i32) {
    %c0_i32 = arith.constant 0 : i32
    %c0_i32_0 = arith.constant 0 : i32
    %c0_i32_1 = arith.constant 0 : i32
    return %c0_i32, %c0_i32_0 : i32, i32
  }
  func.func @transform_7(%arg0: i32) -> (i32, i32) {
    %c0_i32 = arith.constant 0 : i32
    %c0_i32_0 = arith.constant 0 : i32
    return %c0_i32, %arg0 : i32, i32
  }
  func.func @transform_8(%arg0: i32) -> (i32, i32) {
    %c0_i32 = arith.constant 0 : i32
    %c0_i32_0 = arith.constant 0 : i32
    return %c0_i32, %arg0 : i32, i32
  }
  func.func @transform_9(%arg0: i32) -> (i32, i32) {
    %c0_i32 = arith.constant 0 : i32
    %c0_i32_0 = arith.constant 0 : i32
    return %c0_i32, %arg0 : i32, i32
  }
}

module attributes {stable_mosaic.version = 14 : i64} {
  func.func @_interact_body(%arg0: i32, %arg1: memref<6400x128xf32, #tpu.memory_space<vmem>>, %arg2: memref<200x32xf32, #tpu.memory_space<vmem>>, %arg3: memref<200x32xf32, #tpu.memory_space<vmem>>, %arg4: memref<200x128xf32, #tpu.memory_space<vmem>>, %arg5: memref<50x128xf32, #tpu.memory_space<vmem>>, %arg6: memref<1x128xf32, #tpu.memory_space<vmem>>, %arg7: memref<128x128xf32, #tpu.memory_space<vmem>>, %arg8: memref<1x128xf32, #tpu.memory_space<vmem>>, %arg9: memref<128x128xf32, #tpu.memory_space<vmem>>, %arg10: memref<1x128xf32, #tpu.memory_space<vmem>>, %arg11: memref<128x128xf32, #tpu.memory_space<vmem>>, %arg12: memref<1x128xf32, #tpu.memory_space<vmem>>, %arg13: memref<128x128xf32, #tpu.memory_space<vmem>>, %arg14: memref<200x128xf32, #tpu.memory_space<vmem>>, %arg15: memref<200x128xf32, #tpu.memory_space<vmem>>) attributes {dimension_semantics = [#tpu.dimension_semantics<arbitrary>], iteration_bounds = array<i64: 50>, scalar_prefetch = 0 : i64, scratch_operands = 0 : i64, tpu.core_type = #tpu.core_type<tc>, window_params = [{transform_indices = @transform_0, window_bounds = array<i64: 6400, 128>}, {transform_indices = @transform_1, window_bounds = array<i64: 200, 32>}, {transform_indices = @transform_2, window_bounds = array<i64: 200, 32>}, {transform_indices = @transform_3, window_bounds = array<i64: 200, 128>}, {pipeline_mode = #tpu.pipeline_mode<synchronous>, transform_indices = @transform_4, window_bounds = array<i64: 50, 128>}, {pipeline_mode = #tpu.pipeline_mode<synchronous>, transform_indices = @transform_5, window_bounds = array<i64: 1, 128>}, {pipeline_mode = #tpu.pipeline_mode<synchronous>, transform_indices = @transform_6, window_bounds = array<i64: 128, 128>}, {pipeline_mode = #tpu.pipeline_mode<synchronous>, transform_indices = @transform_7, window_bounds = array<i64: 1, 128>}, {pipeline_mode = #tpu.pipeline_mode<synchronous>, transform_indices = @transform_8, window_bounds = array<i64: 128, 128>}, {pipeline_mode = #tpu.pipeline_mode<synchronous>, transform_indices = @transform_9, window_bounds = array<i64: 1, 128>}, {pipeline_mode = #tpu.pipeline_mode<synchronous>, transform_indices = @transform_10, window_bounds = array<i64: 128, 128>}, {pipeline_mode = #tpu.pipeline_mode<synchronous>, transform_indices = @transform_11, window_bounds = array<i64: 1, 128>}, {pipeline_mode = #tpu.pipeline_mode<synchronous>, transform_indices = @transform_12, window_bounds = array<i64: 128, 128>}, {transform_indices = @transform_13, window_bounds = array<i64: 200, 128>}, {transform_indices = @transform_14, window_bounds = array<i64: 200, 128>}]} {
    %get3A = arith.constant 0 : index
    %get3A_0 = arith.constant 0 : index
    %get3A_1 = vector.load %arg2[%get3A, %get3A_0] : memref<200x32xf32, #tpu.memory_space<vmem>>, vector<200x32xf32>
    %broadcast_in_dim3A = vector.shape_cast %get3A_1 : vector<200x32xf32> to vector<200x32x1xf32>
    %get3A_2 = arith.constant 0 : index
    %get3A_3 = arith.constant 0 : index
    %get3A_4 = vector.load %arg3[%get3A_2, %get3A_3] : memref<200x32xf32, #tpu.memory_space<vmem>>, vector<200x32xf32>
    %broadcast_in_dim3A_5 = vector.shape_cast %get3A_4 : vector<200x32xf32> to vector<200x32x1xf32>
    %iota3A = tpu.iota {dimensions = array<i32: 2>} : vector<1x1x50xi32>
    %convert_element_type3A = arith.sitofp %iota3A : vector<1x1x50xi32> to vector<1x1x50xf32>
    %mul3A = arith.constant 0.20408164 : f32
    %mul3A_6 = vector.broadcast %mul3A : f32 to vector<1x1x50xf32>
    %mul3A_7 = arith.mulf %convert_element_type3A, %mul3A_6 : vector<1x1x50xf32>
    %sub3A = vector.broadcast %broadcast_in_dim3A : vector<200x32x1xf32> to vector<200x32x50xf32>
    %sub3A_8 = vector.broadcast %mul3A_7 : vector<1x1x50xf32> to vector<200x32x50xf32>
    %sub3A_9 = arith.subf %sub3A, %sub3A_8 : vector<200x32x50xf32>
    %integer_pow3A = arith.mulf %sub3A_9, %sub3A_9 : vector<200x32x50xf32>
    %mul3A_10 = arith.constant -12.0049992 : f32
    %mul3A_11 = vector.broadcast %mul3A_10 : f32 to vector<200x32x50xf32>
    %mul3A_12 = arith.mulf %mul3A_11, %integer_pow3A : vector<200x32x50xf32>
    %exp3A = math.exp %mul3A_12 : vector<200x32x50xf32>
    %reshape3A = vector.shape_cast %exp3A : vector<200x32x50xf32> to vector<6400x50xf32>
    %get3A_13 = arith.constant 0 : index
    %get3A_14 = arith.constant 0 : index
    %get3A_15 = vector.load %arg5[%get3A_13, %get3A_14] : memref<50x128xf32, #tpu.memory_space<vmem>>, vector<50x128xf32>
    %dot_general3A = arith.constant dense<0.000000e+00> : vector<6400x128xf32>
    %dot_general3A_16 = tpu.matmul %reshape3A, %get3A_15, %dot_general3A {dimension_numbers = #tpu.dot_dimension_numbers<[1], [0], [0], [1], [0, 0, 1, 1], [], []>, transpose_lhs_hint = false} : vector<6400x50xf32>, vector<50x128xf32>, vector<6400x128xf32> -> vector<6400x128xf32>
    %get3A_17 = arith.constant 0 : index
    %get3A_18 = arith.constant 0 : index
    %get3A_19 = vector.load %arg6[%get3A_17, %get3A_18] : memref<1x128xf32, #tpu.memory_space<vmem>>, vector<1x128xf32>
    %add3A = vector.broadcast %get3A_19 : vector<1x128xf32> to vector<6400x128xf32>
    %add3A_20 = arith.addf %dot_general3A_16, %add3A : vector<6400x128xf32>
    %max3A = arith.constant 0.000000e+00 : f32
    %max3A_21 = vector.broadcast %max3A : f32 to vector<6400x128xf32>
    %max3A_22 = arith.maximumf %add3A_20, %max3A_21 : vector<6400x128xf32>
    %abs3A = math.absf %add3A_20 : vector<6400x128xf32>
    %neg3A = arith.constant 0.000000e+00 : f32
    %neg3A_23 = vector.broadcast %neg3A : f32 to vector<6400x128xf32>
    %neg3A_24 = arith.subf %neg3A_23, %abs3A : vector<6400x128xf32>
    %exp3A_25 = math.exp %neg3A_24 : vector<6400x128xf32>
    %add3A_26 = arith.constant 1.000000e+00 : f32
    %add3A_27 = vector.broadcast %add3A_26 : f32 to vector<6400x128xf32>
    %add3A_28 = arith.addf %add3A_27, %exp3A_25 : vector<6400x128xf32>
    %log3A = math.log %add3A_28 : vector<6400x128xf32>
    %add3A_29 = arith.addf %max3A_22, %log3A : vector<6400x128xf32>
    %sub3A_30 = arith.constant 0.693147182 : f32
    %sub3A_31 = vector.broadcast %sub3A_30 : f32 to vector<6400x128xf32>
    %sub3A_32 = arith.subf %add3A_29, %sub3A_31 : vector<6400x128xf32>
    %get3A_33 = arith.constant 0 : index
    %get3A_34 = arith.constant 0 : index
    %get3A_35 = vector.load %arg7[%get3A_33, %get3A_34] : memref<128x128xf32, #tpu.memory_space<vmem>>, vector<128x128xf32>
    %dot_general3A_36 = arith.constant dense<0.000000e+00> : vector<6400x128xf32>
    %dot_general3A_37 = tpu.matmul %sub3A_32, %get3A_35, %dot_general3A_36 {dimension_numbers = #tpu.dot_dimension_numbers<[1], [0], [0], [1], [0, 0, 1, 1], [], []>, transpose_lhs_hint = false} : vector<6400x128xf32>, vector<128x128xf32>, vector<6400x128xf32> -> vector<6400x128xf32>
    %get3A_38 = arith.constant 0 : index
    %get3A_39 = arith.constant 0 : index
    %get3A_40 = vector.load %arg8[%get3A_38, %get3A_39] : memref<1x128xf32, #tpu.memory_space<vmem>>, vector<1x128xf32>
    %add3A_41 = vector.broadcast %get3A_40 : vector<1x128xf32> to vector<6400x128xf32>
    %add3A_42 = arith.addf %dot_general3A_37, %add3A_41 : vector<6400x128xf32>
    %reshape3A_43 = vector.shape_cast %add3A_42 : vector<6400x128xf32> to vector<200x32x128xf32>
    %mul3A_44 = vector.broadcast %broadcast_in_dim3A_5 : vector<200x32x1xf32> to vector<200x32x128xf32>
    %mul3A_45 = arith.mulf %reshape3A_43, %mul3A_44 : vector<200x32x128xf32>
    %get3A_46 = arith.constant 0 : index
    %get3A_47 = arith.constant 0 : index
    %get3A_48 = vector.load %arg1[%get3A_46, %get3A_47] : memref<6400x128xf32, #tpu.memory_space<vmem>>, vector<6400x128xf32>
    %reshape3A_49 = vector.shape_cast %get3A_48 : vector<6400x128xf32> to vector<200x32x128xf32>
    %mul3A_50 = arith.mulf %reshape3A_49, %mul3A_45 : vector<200x32x128xf32>
    %reduce_sum3A = arith.constant dense<0.000000e+00> : vector<200x128xf32>
    %reduce_sum3A_51 = vector.multi_reduction <add>, %mul3A_50, %reduce_sum3A [1] : vector<200x32x128xf32> to vector<200x128xf32>
    %get3A_52 = arith.constant 0 : index
    %get3A_53 = arith.constant 0 : index
    %get3A_54 = vector.load %arg9[%get3A_52, %get3A_53] : memref<128x128xf32, #tpu.memory_space<vmem>>, vector<128x128xf32>
    %dot_general3A_55 = arith.constant dense<0.000000e+00> : vector<200x128xf32>
    %dot_general3A_56 = tpu.matmul %reduce_sum3A_51, %get3A_54, %dot_general3A_55 {dimension_numbers = #tpu.dot_dimension_numbers<[1], [0], [0], [1], [0, 0, 1, 1], [], []>, transpose_lhs_hint = false} : vector<200x128xf32>, vector<128x128xf32>, vector<200x128xf32> -> vector<200x128xf32>
    %get3A_57 = arith.constant 0 : index
    %get3A_58 = arith.constant 0 : index
    %get3A_59 = vector.load %arg10[%get3A_57, %get3A_58] : memref<1x128xf32, #tpu.memory_space<vmem>>, vector<1x128xf32>
    %add3A_60 = vector.broadcast %get3A_59 : vector<1x128xf32> to vector<200x128xf32>
    %add3A_61 = arith.addf %dot_general3A_56, %add3A_60 : vector<200x128xf32>
    %max3A_62 = arith.constant 0.000000e+00 : f32
    %max3A_63 = vector.broadcast %max3A_62 : f32 to vector<200x128xf32>
    %max3A_64 = arith.maximumf %add3A_61, %max3A_63 : vector<200x128xf32>
    %abs3A_65 = math.absf %add3A_61 : vector<200x128xf32>
    %neg3A_66 = arith.constant 0.000000e+00 : f32
    %neg3A_67 = vector.broadcast %neg3A_66 : f32 to vector<200x128xf32>
    %neg3A_68 = arith.subf %neg3A_67, %abs3A_65 : vector<200x128xf32>
    %exp3A_69 = math.exp %neg3A_68 : vector<200x128xf32>
    %add3A_70 = arith.constant 1.000000e+00 : f32
    %add3A_71 = vector.broadcast %add3A_70 : f32 to vector<200x128xf32>
    %add3A_72 = arith.addf %add3A_71, %exp3A_69 : vector<200x128xf32>
    %log3A_73 = math.log %add3A_72 : vector<200x128xf32>
    %add3A_74 = arith.addf %max3A_64, %log3A_73 : vector<200x128xf32>
    %sub3A_75 = arith.constant 0.693147182 : f32
    %sub3A_76 = vector.broadcast %sub3A_75 : f32 to vector<200x128xf32>
    %sub3A_77 = arith.subf %add3A_74, %sub3A_76 : vector<200x128xf32>
    %get3A_78 = arith.constant 0 : index
    %get3A_79 = arith.constant 0 : index
    %get3A_80 = vector.load %arg11[%get3A_78, %get3A_79] : memref<128x128xf32, #tpu.memory_space<vmem>>, vector<128x128xf32>
    %dot_general3A_81 = arith.constant dense<0.000000e+00> : vector<200x128xf32>
    %dot_general3A_82 = tpu.matmul %sub3A_77, %get3A_80, %dot_general3A_81 {dimension_numbers = #tpu.dot_dimension_numbers<[1], [0], [0], [1], [0, 0, 1, 1], [], []>, transpose_lhs_hint = false} : vector<200x128xf32>, vector<128x128xf32>, vector<200x128xf32> -> vector<200x128xf32>
    %get3A_83 = arith.constant 0 : index
    %get3A_84 = arith.constant 0 : index
    %get3A_85 = vector.load %arg12[%get3A_83, %get3A_84] : memref<1x128xf32, #tpu.memory_space<vmem>>, vector<1x128xf32>
    %add3A_86 = vector.broadcast %get3A_85 : vector<1x128xf32> to vector<200x128xf32>
    %add3A_87 = arith.addf %dot_general3A_82, %add3A_86 : vector<200x128xf32>
    %get3A_88 = arith.constant 0 : index
    %get3A_89 = arith.constant 0 : index
    %get3A_90 = vector.load %arg4[%get3A_88, %get3A_89] : memref<200x128xf32, #tpu.memory_space<vmem>>, vector<200x128xf32>
    %add3A_91 = arith.addf %get3A_90, %add3A_87 : vector<200x128xf32>
    %swap3A = arith.constant 0 : index
    %swap3A_92 = arith.constant 0 : index
    %swap3A_93 = vector.load %arg14[%swap3A, %swap3A_92] : memref<200x128xf32, #tpu.memory_space<vmem>>, vector<200x128xf32>
    tpu.vector_store %arg14[%swap3A, %swap3A_92], %add3A_91 {strides = array<i32>} : memref<200x128xf32, #tpu.memory_space<vmem>>, vector<200x128xf32>,
    %get3A_94 = arith.constant 0 : index
    %get3A_95 = arith.constant 0 : index
    %get3A_96 = vector.load %arg13[%get3A_94, %get3A_95] : memref<128x128xf32, #tpu.memory_space<vmem>>, vector<128x128xf32>
    %dot_general3A_97 = arith.constant dense<0.000000e+00> : vector<200x128xf32>
    %dot_general3A_98 = tpu.matmul %add3A_91, %get3A_96, %dot_general3A_97 {dimension_numbers = #tpu.dot_dimension_numbers<[1], [0], [0], [1], [0, 0, 1, 1], [], []>, transpose_lhs_hint = false} : vector<200x128xf32>, vector<128x128xf32>, vector<200x128xf32> -> vector<200x128xf32>
    %swap3A_99 = arith.constant 0 : index
    %swap3A_100 = arith.constant 0 : index
    %swap3A_101 = vector.load %arg15[%swap3A_99, %swap3A_100] : memref<200x128xf32, #tpu.memory_space<vmem>>, vector<200x128xf32>
    tpu.vector_store %arg15[%swap3A_99, %swap3A_100], %dot_general3A_98 {strides = array<i32>} : memref<200x128xf32, #tpu.memory_space<vmem>>, vector<200x128xf32>,
    return
  }
  func.func @transform_0(%arg0: i32) -> (i32, i32) {
    %c0_i32 = arith.constant 0 : i32
    %c0_i32_0 = arith.constant 0 : i32
    return %arg0, %c0_i32 : i32, i32
  }
  func.func @transform_1(%arg0: i32) -> (i32, i32) {
    %c0_i32 = arith.constant 0 : i32
    %c0_i32_0 = arith.constant 0 : i32
    return %arg0, %c0_i32 : i32, i32
  }
  func.func @transform_2(%arg0: i32) -> (i32, i32) {
    %c0_i32 = arith.constant 0 : i32
    %c0_i32_0 = arith.constant 0 : i32
    return %arg0, %c0_i32 : i32, i32
  }
  func.func @transform_3(%arg0: i32) -> (i32, i32) {
    %c0_i32 = arith.constant 0 : i32
    %c0_i32_0 = arith.constant 0 : i32
    return %arg0, %c0_i32 : i32, i32
  }
  func.func @transform_4(%arg0: i32) -> (i32, i32) {
    %c0_i32 = arith.constant 0 : i32
    %c0_i32_0 = arith.constant 0 : i32
    %c0_i32_1 = arith.constant 0 : i32
    return %c0_i32, %c0_i32_0 : i32, i32
  }
  func.func @transform_5(%arg0: i32) -> (i32, i32) {
    %c0_i32 = arith.constant 0 : i32
    %c0_i32_0 = arith.constant 0 : i32
    %c0_i32_1 = arith.constant 0 : i32
    return %c0_i32, %c0_i32_0 : i32, i32
  }
  func.func @transform_6(%arg0: i32) -> (i32, i32) {
    %c0_i32 = arith.constant 0 : i32
    %c0_i32_0 = arith.constant 0 : i32
    %c0_i32_1 = arith.constant 0 : i32
    return %c0_i32, %c0_i32_0 : i32, i32
  }
  func.func @transform_7(%arg0: i32) -> (i32, i32) {
    %c0_i32 = arith.constant 0 : i32
    %c0_i32_0 = arith.constant 0 : i32
    %c0_i32_1 = arith.constant 0 : i32
    return %c0_i32, %c0_i32_0 : i32, i32
  }
  func.func @transform_8(%arg0: i32) -> (i32, i32) {
    %c0_i32 = arith.constant 0 : i32
    %c0_i32_0 = arith.constant 0 : i32
    %c0_i32_1 = arith.constant 0 : i32
    return %c0_i32, %c0_i32_0 : i32, i32
  }
  func.func @transform_9(%arg0: i32) -> (i32, i32) {
    %c0_i32 = arith.constant 0 : i32
    %c0_i32_0 = arith.constant 0 : i32
    %c0_i32_1 = arith.constant 0 : i32
    return %c0_i32, %c0_i32_0 : i32, i32
  }
  func.func @transform_10(%arg0: i32) -> (i32, i32) {
    %c0_i32 = arith.constant 0 : i32
    %c0_i32_0 = arith.constant 0 : i32
    %c0_i32_1 = arith.constant 0 : i32
    return %c0_i32, %c0_i32_0 : i32, i32
  }
  func.func @transform_11(%arg0: i32) -> (i32, i32) {
    %c0_i32 = arith.constant 0 : i32
    %c0_i32_0 = arith.constant 0 : i32
    %c0_i32_1 = arith.constant 0 : i32
    return %c0_i32, %c0_i32_0 : i32, i32
  }
  func.func @transform_12(%arg0: i32) -> (i32, i32) {
    %c0_i32 = arith.constant 0 : i32
    %c0_i32_0 = arith.constant 0 : i32
    %c0_i32_1 = arith.constant 0 : i32
    return %c0_i32, %c0_i32_0 : i32, i32
  }
  func.func @transform_13(%arg0: i32) -> (i32, i32) {
    %c0_i32 = arith.constant 0 : i32
    %c0_i32_0 = arith.constant 0 : i32
    return %arg0, %c0_i32 : i32, i32
  }
  func.func @transform_14(%arg0: i32) -> (i32, i32) {
    %c0_i32 = arith.constant 0 : i32
    %c0_i32_0 = arith.constant 0 : i32
    return %arg0, %c0_i32 : i32, i32
  }
}

module attributes {stable_mosaic.version = 14 : i64} {
  func.func @_interact_final_body(%arg0: i32, %arg1: memref<6400x128xf32, #tpu.memory_space<vmem>>, %arg2: memref<200x32xf32, #tpu.memory_space<vmem>>, %arg3: memref<200x32xf32, #tpu.memory_space<vmem>>, %arg4: memref<200x128xf32, #tpu.memory_space<vmem>>, %arg5: memref<50x128xf32, #tpu.memory_space<vmem>>, %arg6: memref<1x128xf32, #tpu.memory_space<vmem>>, %arg7: memref<128x128xf32, #tpu.memory_space<vmem>>, %arg8: memref<1x128xf32, #tpu.memory_space<vmem>>, %arg9: memref<128x128xf32, #tpu.memory_space<vmem>>, %arg10: memref<1x128xf32, #tpu.memory_space<vmem>>, %arg11: memref<128x128xf32, #tpu.memory_space<vmem>>, %arg12: memref<1x128xf32, #tpu.memory_space<vmem>>, %arg13: memref<200x1xi32, #tpu.memory_space<vmem>>, %arg14: memref<128x64xf32, #tpu.memory_space<vmem>>, %arg15: memref<1x64xf32, #tpu.memory_space<vmem>>, %arg16: memref<64x1xf32, #tpu.memory_space<vmem>>, %arg17: memref<1x1xf32, #tpu.memory_space<vmem>>, %arg18: memref<1x100xf32, #tpu.memory_space<vmem>>) attributes {dimension_semantics = [#tpu.dimension_semantics<arbitrary>], iteration_bounds = array<i64: 50>, scalar_prefetch = 0 : i64, scratch_operands = 0 : i64, tpu.core_type = #tpu.core_type<tc>, window_params = [{transform_indices = @transform_0, window_bounds = array<i64: 6400, 128>}, {transform_indices = @transform_1, window_bounds = array<i64: 200, 32>}, {transform_indices = @transform_2, window_bounds = array<i64: 200, 32>}, {transform_indices = @transform_3, window_bounds = array<i64: 200, 128>}, {pipeline_mode = #tpu.pipeline_mode<synchronous>, transform_indices = @transform_4, window_bounds = array<i64: 50, 128>}, {pipeline_mode = #tpu.pipeline_mode<synchronous>, transform_indices = @transform_5, window_bounds = array<i64: 1, 128>}, {pipeline_mode = #tpu.pipeline_mode<synchronous>, transform_indices = @transform_6, window_bounds = array<i64: 128, 128>}, {pipeline_mode = #tpu.pipeline_mode<synchronous>, transform_indices = @transform_7, window_bounds = array<i64: 1, 128>}, {pipeline_mode = #tpu.pipeline_mode<synchronous>, transform_indices = @transform_8, window_bounds = array<i64: 128, 128>}, {pipeline_mode = #tpu.pipeline_mode<synchronous>, transform_indices = @transform_9, window_bounds = array<i64: 1, 128>}, {pipeline_mode = #tpu.pipeline_mode<synchronous>, transform_indices = @transform_10, window_bounds = array<i64: 128, 128>}, {pipeline_mode = #tpu.pipeline_mode<synchronous>, transform_indices = @transform_11, window_bounds = array<i64: 1, 128>}, {transform_indices = @transform_12, window_bounds = array<i64: 200, 1>}, {pipeline_mode = #tpu.pipeline_mode<synchronous>, transform_indices = @transform_13, window_bounds = array<i64: 128, 64>}, {pipeline_mode = #tpu.pipeline_mode<synchronous>, transform_indices = @transform_14, window_bounds = array<i64: 1, 64>}, {pipeline_mode = #tpu.pipeline_mode<synchronous>, transform_indices = @transform_15, window_bounds = array<i64: 64, 1>}, {pipeline_mode = #tpu.pipeline_mode<synchronous>, transform_indices = @transform_16, window_bounds = array<i64: 1, 1>}, {pipeline_mode = #tpu.pipeline_mode<synchronous>, transform_indices = @transform_17, window_bounds = array<i64: 1, 100>}]} {
    %get3A = arith.constant 0 : index
    %get3A_0 = arith.constant 0 : index
    %get3A_1 = vector.load %arg2[%get3A, %get3A_0] : memref<200x32xf32, #tpu.memory_space<vmem>>, vector<200x32xf32>
    %broadcast_in_dim3A = vector.shape_cast %get3A_1 : vector<200x32xf32> to vector<200x32x1xf32>
    %get3A_2 = arith.constant 0 : index
    %get3A_3 = arith.constant 0 : index
    %get3A_4 = vector.load %arg3[%get3A_2, %get3A_3] : memref<200x32xf32, #tpu.memory_space<vmem>>, vector<200x32xf32>
    %broadcast_in_dim3A_5 = vector.shape_cast %get3A_4 : vector<200x32xf32> to vector<200x32x1xf32>
    %iota3A = tpu.iota {dimensions = array<i32: 2>} : vector<1x1x50xi32>
    %convert_element_type3A = arith.sitofp %iota3A : vector<1x1x50xi32> to vector<1x1x50xf32>
    %mul3A = arith.constant 0.20408164 : f32
    %mul3A_6 = vector.broadcast %mul3A : f32 to vector<1x1x50xf32>
    %mul3A_7 = arith.mulf %convert_element_type3A, %mul3A_6 : vector<1x1x50xf32>
    %sub3A = vector.broadcast %broadcast_in_dim3A : vector<200x32x1xf32> to vector<200x32x50xf32>
    %sub3A_8 = vector.broadcast %mul3A_7 : vector<1x1x50xf32> to vector<200x32x50xf32>
    %sub3A_9 = arith.subf %sub3A, %sub3A_8 : vector<200x32x50xf32>
    %integer_pow3A = arith.mulf %sub3A_9, %sub3A_9 : vector<200x32x50xf32>
    %mul3A_10 = arith.constant -12.0049992 : f32
    %mul3A_11 = vector.broadcast %mul3A_10 : f32 to vector<200x32x50xf32>
    %mul3A_12 = arith.mulf %mul3A_11, %integer_pow3A : vector<200x32x50xf32>
    %exp3A = math.exp %mul3A_12 : vector<200x32x50xf32>
    %reshape3A = vector.shape_cast %exp3A : vector<200x32x50xf32> to vector<6400x50xf32>
    %get3A_13 = arith.constant 0 : index
    %get3A_14 = arith.constant 0 : index
    %get3A_15 = vector.load %arg5[%get3A_13, %get3A_14] : memref<50x128xf32, #tpu.memory_space<vmem>>, vector<50x128xf32>
    %dot_general3A = arith.constant dense<0.000000e+00> : vector<6400x128xf32>
    %dot_general3A_16 = tpu.matmul %reshape3A, %get3A_15, %dot_general3A {dimension_numbers = #tpu.dot_dimension_numbers<[1], [0], [0], [1], [0, 0, 1, 1], [], []>, transpose_lhs_hint = false} : vector<6400x50xf32>, vector<50x128xf32>, vector<6400x128xf32> -> vector<6400x128xf32>
    %get3A_17 = arith.constant 0 : index
    %get3A_18 = arith.constant 0 : index
    %get3A_19 = vector.load %arg6[%get3A_17, %get3A_18] : memref<1x128xf32, #tpu.memory_space<vmem>>, vector<1x128xf32>
    %add3A = vector.broadcast %get3A_19 : vector<1x128xf32> to vector<6400x128xf32>
    %add3A_20 = arith.addf %dot_general3A_16, %add3A : vector<6400x128xf32>
    %max3A = arith.constant 0.000000e+00 : f32
    %max3A_21 = vector.broadcast %max3A : f32 to vector<6400x128xf32>
    %max3A_22 = arith.maximumf %add3A_20, %max3A_21 : vector<6400x128xf32>
    %abs3A = math.absf %add3A_20 : vector<6400x128xf32>
    %neg3A = arith.constant 0.000000e+00 : f32
    %neg3A_23 = vector.broadcast %neg3A : f32 to vector<6400x128xf32>
    %neg3A_24 = arith.subf %neg3A_23, %abs3A : vector<6400x128xf32>
    %exp3A_25 = math.exp %neg3A_24 : vector<6400x128xf32>
    %add3A_26 = arith.constant 1.000000e+00 : f32
    %add3A_27 = vector.broadcast %add3A_26 : f32 to vector<6400x128xf32>
    %add3A_28 = arith.addf %add3A_27, %exp3A_25 : vector<6400x128xf32>
    %log3A = math.log %add3A_28 : vector<6400x128xf32>
    %add3A_29 = arith.addf %max3A_22, %log3A : vector<6400x128xf32>
    %sub3A_30 = arith.constant 0.693147182 : f32
    %sub3A_31 = vector.broadcast %sub3A_30 : f32 to vector<6400x128xf32>
    %sub3A_32 = arith.subf %add3A_29, %sub3A_31 : vector<6400x128xf32>
    %get3A_33 = arith.constant 0 : index
    %get3A_34 = arith.constant 0 : index
    %get3A_35 = vector.load %arg7[%get3A_33, %get3A_34] : memref<128x128xf32, #tpu.memory_space<vmem>>, vector<128x128xf32>
    %dot_general3A_36 = arith.constant dense<0.000000e+00> : vector<6400x128xf32>
    %dot_general3A_37 = tpu.matmul %sub3A_32, %get3A_35, %dot_general3A_36 {dimension_numbers = #tpu.dot_dimension_numbers<[1], [0], [0], [1], [0, 0, 1, 1], [], []>, transpose_lhs_hint = false} : vector<6400x128xf32>, vector<128x128xf32>, vector<6400x128xf32> -> vector<6400x128xf32>
    %get3A_38 = arith.constant 0 : index
    %get3A_39 = arith.constant 0 : index
    %get3A_40 = vector.load %arg8[%get3A_38, %get3A_39] : memref<1x128xf32, #tpu.memory_space<vmem>>, vector<1x128xf32>
    %add3A_41 = vector.broadcast %get3A_40 : vector<1x128xf32> to vector<6400x128xf32>
    %add3A_42 = arith.addf %dot_general3A_37, %add3A_41 : vector<6400x128xf32>
    %reshape3A_43 = vector.shape_cast %add3A_42 : vector<6400x128xf32> to vector<200x32x128xf32>
    %mul3A_44 = vector.broadcast %broadcast_in_dim3A_5 : vector<200x32x1xf32> to vector<200x32x128xf32>
    %mul3A_45 = arith.mulf %reshape3A_43, %mul3A_44 : vector<200x32x128xf32>
    %get3A_46 = arith.constant 0 : index
    %get3A_47 = arith.constant 0 : index
    %get3A_48 = vector.load %arg1[%get3A_46, %get3A_47] : memref<6400x128xf32, #tpu.memory_space<vmem>>, vector<6400x128xf32>
    %reshape3A_49 = vector.shape_cast %get3A_48 : vector<6400x128xf32> to vector<200x32x128xf32>
    %mul3A_50 = arith.mulf %reshape3A_49, %mul3A_45 : vector<200x32x128xf32>
    %reduce_sum3A = arith.constant dense<0.000000e+00> : vector<200x128xf32>
    %reduce_sum3A_51 = vector.multi_reduction <add>, %mul3A_50, %reduce_sum3A [1] : vector<200x32x128xf32> to vector<200x128xf32>
    %get3A_52 = arith.constant 0 : index
    %get3A_53 = arith.constant 0 : index
    %get3A_54 = vector.load %arg9[%get3A_52, %get3A_53] : memref<128x128xf32, #tpu.memory_space<vmem>>, vector<128x128xf32>
    %dot_general3A_55 = arith.constant dense<0.000000e+00> : vector<200x128xf32>
    %dot_general3A_56 = tpu.matmul %reduce_sum3A_51, %get3A_54, %dot_general3A_55 {dimension_numbers = #tpu.dot_dimension_numbers<[1], [0], [0], [1], [0, 0, 1, 1], [], []>, transpose_lhs_hint = false} : vector<200x128xf32>, vector<128x128xf32>, vector<200x128xf32> -> vector<200x128xf32>
    %get3A_57 = arith.constant 0 : index
    %get3A_58 = arith.constant 0 : index
    %get3A_59 = vector.load %arg10[%get3A_57, %get3A_58] : memref<1x128xf32, #tpu.memory_space<vmem>>, vector<1x128xf32>
    %add3A_60 = vector.broadcast %get3A_59 : vector<1x128xf32> to vector<200x128xf32>
    %add3A_61 = arith.addf %dot_general3A_56, %add3A_60 : vector<200x128xf32>
    %max3A_62 = arith.constant 0.000000e+00 : f32
    %max3A_63 = vector.broadcast %max3A_62 : f32 to vector<200x128xf32>
    %max3A_64 = arith.maximumf %add3A_61, %max3A_63 : vector<200x128xf32>
    %abs3A_65 = math.absf %add3A_61 : vector<200x128xf32>
    %neg3A_66 = arith.constant 0.000000e+00 : f32
    %neg3A_67 = vector.broadcast %neg3A_66 : f32 to vector<200x128xf32>
    %neg3A_68 = arith.subf %neg3A_67, %abs3A_65 : vector<200x128xf32>
    %exp3A_69 = math.exp %neg3A_68 : vector<200x128xf32>
    %add3A_70 = arith.constant 1.000000e+00 : f32
    %add3A_71 = vector.broadcast %add3A_70 : f32 to vector<200x128xf32>
    %add3A_72 = arith.addf %add3A_71, %exp3A_69 : vector<200x128xf32>
    %log3A_73 = math.log %add3A_72 : vector<200x128xf32>
    %add3A_74 = arith.addf %max3A_64, %log3A_73 : vector<200x128xf32>
    %sub3A_75 = arith.constant 0.693147182 : f32
    %sub3A_76 = vector.broadcast %sub3A_75 : f32 to vector<200x128xf32>
    %sub3A_77 = arith.subf %add3A_74, %sub3A_76 : vector<200x128xf32>
    %get3A_78 = arith.constant 0 : index
    %get3A_79 = arith.constant 0 : index
    %get3A_80 = vector.load %arg11[%get3A_78, %get3A_79] : memref<128x128xf32, #tpu.memory_space<vmem>>, vector<128x128xf32>
    %dot_general3A_81 = arith.constant dense<0.000000e+00> : vector<200x128xf32>
    %dot_general3A_82 = tpu.matmul %sub3A_77, %get3A_80, %dot_general3A_81 {dimension_numbers = #tpu.dot_dimension_numbers<[1], [0], [0], [1], [0, 0, 1, 1], [], []>, transpose_lhs_hint = false} : vector<200x128xf32>, vector<128x128xf32>, vector<200x128xf32> -> vector<200x128xf32>
    %get3A_83 = arith.constant 0 : index
    %get3A_84 = arith.constant 0 : index
    %get3A_85 = vector.load %arg12[%get3A_83, %get3A_84] : memref<1x128xf32, #tpu.memory_space<vmem>>, vector<1x128xf32>
    %add3A_86 = vector.broadcast %get3A_85 : vector<1x128xf32> to vector<200x128xf32>
    %add3A_87 = arith.addf %dot_general3A_82, %add3A_86 : vector<200x128xf32>
    %get3A_88 = arith.constant 0 : index
    %get3A_89 = arith.constant 0 : index
    %get3A_90 = vector.load %arg4[%get3A_88, %get3A_89] : memref<200x128xf32, #tpu.memory_space<vmem>>, vector<200x128xf32>
    %add3A_91 = arith.addf %get3A_90, %add3A_87 : vector<200x128xf32>
    %get3A_92 = arith.constant 0 : index
    %get3A_93 = arith.constant 0 : index
    %get3A_94 = vector.load %arg14[%get3A_92, %get3A_93] : memref<128x64xf32, #tpu.memory_space<vmem>>, vector<128x64xf32>
    %dot_general3A_95 = arith.constant dense<0.000000e+00> : vector<200x64xf32>
    %dot_general3A_96 = tpu.matmul %add3A_91, %get3A_94, %dot_general3A_95 {dimension_numbers = #tpu.dot_dimension_numbers<[1], [0], [0], [1], [0, 0, 1, 1], [], []>, transpose_lhs_hint = false} : vector<200x128xf32>, vector<128x64xf32>, vector<200x64xf32> -> vector<200x64xf32>
    %get3A_97 = arith.constant 0 : index
    %get3A_98 = arith.constant 0 : index
    %get3A_99 = vector.load %arg15[%get3A_97, %get3A_98] : memref<1x64xf32, #tpu.memory_space<vmem>>, vector<1x64xf32>
    %add3A_100 = vector.broadcast %get3A_99 : vector<1x64xf32> to vector<200x64xf32>
    %add3A_101 = arith.addf %dot_general3A_96, %add3A_100 : vector<200x64xf32>
    %max3A_102 = arith.constant 0.000000e+00 : f32
    %max3A_103 = vector.broadcast %max3A_102 : f32 to vector<200x64xf32>
    %max3A_104 = arith.maximumf %add3A_101, %max3A_103 : vector<200x64xf32>
    %abs3A_105 = math.absf %add3A_101 : vector<200x64xf32>
    %neg3A_106 = arith.constant 0.000000e+00 : f32
    %neg3A_107 = vector.broadcast %neg3A_106 : f32 to vector<200x64xf32>
    %neg3A_108 = arith.subf %neg3A_107, %abs3A_105 : vector<200x64xf32>
    %exp3A_109 = math.exp %neg3A_108 : vector<200x64xf32>
    %add3A_110 = arith.constant 1.000000e+00 : f32
    %add3A_111 = vector.broadcast %add3A_110 : f32 to vector<200x64xf32>
    %add3A_112 = arith.addf %add3A_111, %exp3A_109 : vector<200x64xf32>
    %log3A_113 = math.log %add3A_112 : vector<200x64xf32>
    %add3A_114 = arith.addf %max3A_104, %log3A_113 : vector<200x64xf32>
    %sub3A_115 = arith.constant 0.693147182 : f32
    %sub3A_116 = vector.broadcast %sub3A_115 : f32 to vector<200x64xf32>
    %sub3A_117 = arith.subf %add3A_114, %sub3A_116 : vector<200x64xf32>
    %get3A_118 = arith.constant 0 : index
    %get3A_119 = arith.constant 0 : index
    %get3A_120 = vector.load %arg16[%get3A_118, %get3A_119] : memref<64x1xf32, #tpu.memory_space<vmem>>, vector<64x1xf32>
    %dot_general3A_121 = arith.constant dense<0.000000e+00> : vector<200x1xf32>
    %dot_general3A_122 = tpu.matmul %sub3A_117, %get3A_120, %dot_general3A_121 {dimension_numbers = #tpu.dot_dimension_numbers<[1], [0], [0], [1], [0, 0, 1, 1], [], []>, transpose_lhs_hint = false} : vector<200x64xf32>, vector<64x1xf32>, vector<200x1xf32> -> vector<200x1xf32>
    %get3A_123 = arith.constant 0 : index
    %get3A_124 = arith.constant 0 : index
    %get3A_125 = vector.load %arg17[%get3A_123, %get3A_124] : memref<1x1xf32, #tpu.memory_space<vmem>>, vector<1x1xf32>
    %add3A_126 = vector.broadcast %get3A_125 : vector<1x1xf32> to vector<200x1xf32>
    %add3A_127 = arith.addf %dot_general3A_122, %add3A_126 : vector<200x1xf32>
    %iota3A_128 = tpu.iota {dimensions = array<i32: 1>} : vector<1x100xi32>
    %get3A_129 = arith.constant 0 : index
    %get3A_130 = arith.constant 0 : index
    %get3A_131 = vector.load %arg13[%get3A_129, %get3A_130] : memref<200x1xi32, #tpu.memory_space<vmem>>, vector<200x1xi32>
    %eq3A = vector.broadcast %get3A_131 : vector<200x1xi32> to vector<200x100xi32>
    %eq3A_132 = vector.broadcast %iota3A_128 : vector<1x100xi32> to vector<200x100xi32>
    %eq3A_133 = arith.cmpi eq, %eq3A, %eq3A_132 : vector<200x100xi32>
    %convert_element_type3A_134 = arith.extui %eq3A_133 : vector<200x100xi1> to vector<200x100xi32>
    %convert_element_type3A_135 = arith.sitofp %convert_element_type3A_134 : vector<200x100xi32> to vector<200x100xf32>
    %mul3A_136 = vector.broadcast %add3A_127 : vector<200x1xf32> to vector<200x100xf32>
    %mul3A_137 = arith.mulf %convert_element_type3A_135, %mul3A_136 : vector<200x100xf32>
    %reduce_sum3A_138 = arith.constant dense<0.000000e+00> : vector<100xf32>
    %reduce_sum3A_139 = vector.multi_reduction <add>, %mul3A_137, %reduce_sum3A_138 [0] : vector<200x100xf32> to vector<100xf32>
    %broadcast_in_dim3A_140 = vector.shape_cast %reduce_sum3A_139 : vector<100xf32> to vector<1x100xf32>
    %eq3A_141 = arith.constant 0 : i32
    %eq3A_142 = arith.cmpi eq, %arg0, %eq3A_141 : i32
    %convert_element_type3A_143 = arith.extui %eq3A_142 : i1 to i32
    %cond3A = arith.constant 0 : i32
    %cond3A_144 = arith.cmpi ne, %convert_element_type3A_143, %cond3A : i32
    scf.if %cond3A_144 {
      %broadcast_in_dim3A_151 = arith.constant 0.000000e+00 : f32
      %broadcast_in_dim3A_152 = vector.broadcast %broadcast_in_dim3A_151 : f32 to vector<1x100xf32>
      %swap3A_153 = arith.constant 0 : index
      %swap3A_154 = arith.constant 0 : index
      %swap3A_155 = vector.load %arg18[%swap3A_153, %swap3A_154] : memref<1x100xf32, #tpu.memory_space<vmem>>, vector<1x100xf32>
      tpu.vector_store %arg18[%swap3A_153, %swap3A_154], %broadcast_in_dim3A_152 {strides = array<i32>} : memref<1x100xf32, #tpu.memory_space<vmem>>, vector<1x100xf32>,
    } else {
    }
    %get3A_145 = arith.constant 0 : index
    %get3A_146 = arith.constant 0 : index
    %get3A_147 = vector.load %arg18[%get3A_145, %get3A_146] : memref<1x100xf32, #tpu.memory_space<vmem>>, vector<1x100xf32>
    %add3A_148 = arith.addf %get3A_147, %broadcast_in_dim3A_140 : vector<1x100xf32>
    %swap3A = arith.constant 0 : index
    %swap3A_149 = arith.constant 0 : index
    %swap3A_150 = vector.load %arg18[%swap3A, %swap3A_149] : memref<1x100xf32, #tpu.memory_space<vmem>>, vector<1x100xf32>
    tpu.vector_store %arg18[%swap3A, %swap3A_149], %add3A_148 {strides = array<i32>} : memref<1x100xf32, #tpu.memory_space<vmem>>, vector<1x100xf32>,
    return
  }
  func.func @transform_0(%arg0: i32) -> (i32, i32) {
    %c0_i32 = arith.constant 0 : i32
    %c0_i32_0 = arith.constant 0 : i32
    return %arg0, %c0_i32 : i32, i32
  }
  func.func @transform_1(%arg0: i32) -> (i32, i32) {
    %c0_i32 = arith.constant 0 : i32
    %c0_i32_0 = arith.constant 0 : i32
    return %arg0, %c0_i32 : i32, i32
  }
  func.func @transform_2(%arg0: i32) -> (i32, i32) {
    %c0_i32 = arith.constant 0 : i32
    %c0_i32_0 = arith.constant 0 : i32
    return %arg0, %c0_i32 : i32, i32
  }
  func.func @transform_3(%arg0: i32) -> (i32, i32) {
    %c0_i32 = arith.constant 0 : i32
    %c0_i32_0 = arith.constant 0 : i32
    return %arg0, %c0_i32 : i32, i32
  }
  func.func @transform_4(%arg0: i32) -> (i32, i32) {
    %c0_i32 = arith.constant 0 : i32
    %c0_i32_0 = arith.constant 0 : i32
    %c0_i32_1 = arith.constant 0 : i32
    return %c0_i32, %c0_i32_0 : i32, i32
  }
  func.func @transform_5(%arg0: i32) -> (i32, i32) {
    %c0_i32 = arith.constant 0 : i32
    %c0_i32_0 = arith.constant 0 : i32
    %c0_i32_1 = arith.constant 0 : i32
    return %c0_i32, %c0_i32_0 : i32, i32
  }
  func.func @transform_6(%arg0: i32) -> (i32, i32) {
    %c0_i32 = arith.constant 0 : i32
    %c0_i32_0 = arith.constant 0 : i32
    %c0_i32_1 = arith.constant 0 : i32
    return %c0_i32, %c0_i32_0 : i32, i32
  }
  func.func @transform_7(%arg0: i32) -> (i32, i32) {
    %c0_i32 = arith.constant 0 : i32
    %c0_i32_0 = arith.constant 0 : i32
    %c0_i32_1 = arith.constant 0 : i32
    return %c0_i32, %c0_i32_0 : i32, i32
  }
  func.func @transform_8(%arg0: i32) -> (i32, i32) {
    %c0_i32 = arith.constant 0 : i32
    %c0_i32_0 = arith.constant 0 : i32
    %c0_i32_1 = arith.constant 0 : i32
    return %c0_i32, %c0_i32_0 : i32, i32
  }
  func.func @transform_9(%arg0: i32) -> (i32, i32) {
    %c0_i32 = arith.constant 0 : i32
    %c0_i32_0 = arith.constant 0 : i32
    %c0_i32_1 = arith.constant 0 : i32
    return %c0_i32, %c0_i32_0 : i32, i32
  }
  func.func @transform_10(%arg0: i32) -> (i32, i32) {
    %c0_i32 = arith.constant 0 : i32
    %c0_i32_0 = arith.constant 0 : i32
    %c0_i32_1 = arith.constant 0 : i32
    return %c0_i32, %c0_i32_0 : i32, i32
  }
  func.func @transform_11(%arg0: i32) -> (i32, i32) {
    %c0_i32 = arith.constant 0 : i32
    %c0_i32_0 = arith.constant 0 : i32
    %c0_i32_1 = arith.constant 0 : i32
    return %c0_i32, %c0_i32_0 : i32, i32
  }
  func.func @transform_12(%arg0: i32) -> (i32, i32) {
    %c0_i32 = arith.constant 0 : i32
    %c0_i32_0 = arith.constant 0 : i32
    return %arg0, %c0_i32 : i32, i32
  }
  func.func @transform_13(%arg0: i32) -> (i32, i32) {
    %c0_i32 = arith.constant 0 : i32
    %c0_i32_0 = arith.constant 0 : i32
    %c0_i32_1 = arith.constant 0 : i32
    return %c0_i32, %c0_i32_0 : i32, i32
  }
  func.func @transform_14(%arg0: i32) -> (i32, i32) {
    %c0_i32 = arith.constant 0 : i32
    %c0_i32_0 = arith.constant 0 : i32
    %c0_i32_1 = arith.constant 0 : i32
    return %c0_i32, %c0_i32_0 : i32, i32
  }
  func.func @transform_15(%arg0: i32) -> (i32, i32) {
    %c0_i32 = arith.constant 0 : i32
    %c0_i32_0 = arith.constant 0 : i32
    %c0_i32_1 = arith.constant 0 : i32
    return %c0_i32, %c0_i32_0 : i32, i32
  }
  func.func @transform_16(%arg0: i32) -> (i32, i32) {
    %c0_i32 = arith.constant 0 : i32
    %c0_i32_0 = arith.constant 0 : i32
    %c0_i32_1 = arith.constant 0 : i32
    return %c0_i32, %c0_i32_0 : i32, i32
  }
  func.func @transform_17(%arg0: i32) -> (i32, i32) {
    %c0_i32 = arith.constant 0 : i32
    %c0_i32_0 = arith.constant 0 : i32
    %c0_i32_1 = arith.constant 0 : i32
    return %c0_i32, %c0_i32_0 : i32, i32
  }
}

</mosaic_0001>

<sc_bundles>
// kernel: kernel.16.cloned.1.call-start
scs
__scs_entry_jumppad:
0x0: {  	(pc) =	sbr.rel $0x88, $3  }
0x1: {  	(tag) =	ssettag $0x0;
	lr =	simm.s32 $0x1  }
0x2: {  	[smem:$0x3F90] =	sst lr;
	_ =	strace $0xD0000000  }
0x3: {  	_ = 	snop  }
0x4: {  	_ = 	snop  }
0x5: {  	_ = 	snop  }
0x6: {  	_ = 	snop  }
0x7: {  	_ = 	snop  }
__scs_overlays_trampoline_lowered:
0x8: {  	[smem:$0x3F9F] =	sst s0  }
0x9: {  	[smem:$0x3FA0] =	sst s1  }
0xa: {  	[smem:$0x3FA1] =	sst s2  }
0xb: {  	[smem:$0x3FA2] =	sst s3  }
0xc: {  	[smem:$0x3FA3] =	sst s4  }
0xd: {  	[smem:$0x3FA4] =	sst s5  }
0xe: {  	[smem:$0x3FA5] =	sst s6  }
0xf: {  	[smem:$0x3FA6] =	sst s7  }
0x10: {  	[smem:$0x3FA7] =	sst s8  }
0x11: {  	[smem:$0x3FA8] =	sst s9;
	s0 =	simm.s32 @!p0 $0x0  }
0x12: {  	s1 =	sld [smem:$0x3F8E];
	s0 =	simm.s32 @p0 $0x1  }
0x13: {  	[smem:$0x3FA9] =	sst s0;
	s0 =	simm.s32 @!p1 $0x0  }
0x14: {  	s2 =	sld [smem:$0x3F8D];
	s0 =	simm.s32 @p1 $0x1  }
0x15: {  	[smem:$0x3FAA] =	sst s0;
	s0 =	simm.s32 @!p2 $0x0  }
0x16: {  	s3 =	sld [smem:$0x3FDB];
	s0 =	simm.s32 @p2 $0x1  }
0x17: {  	s4 =	simm.s32 $0x1BF5;
	[smem:$0x3FAC] =	sst s0  }
0x18: {  	s0 =	sld [smem:$0x3F8F];
	_ =	swait.ge [sflag:s4], $0x0  }
0x19: {  	s7 =	sld [smem:$0x3F90]  }
0x1a: {  	s8 =	sadd.s32 $0xFFFFE003, lr  }
0x1b: {  	s9 =	sadd.s32 $0xFFFFFEF7, lr;
	s5 =	simm.s32 $0xFFFFFFFF;
	p2 =	slt.u32 s8, $0xFFFFF086  }
0x1c: {  	p1 =	slt.u32 s9, $0xF7A;
	s5 =	simm.s32 @!p2 $0x0  }
0x1d: {  	s5 =	simm.s32 @p1 $0x1;
	p0 =	seq.s32 s7, s2  }
0x1e: {  	s7 =	smul.u32 @!p0 $0xF7A, s2;
	p2 =	seq.s32 @!p0 s5, $0x0  }
0x1f: {  	s9 =	smul.u32 $0xF7A, s1;
	s8 =	simm.s32 @!p0 $0x1BF5;
	p2 =	por !p2, p0  }
0x20: {  	[sflag:s8] =	ssyncset.s32 @!p0 $0xFFFFF086;
	s6 =	sadd.s32 @!p0 s3, s7;
	s7 =	simm.s32 @!p0 $0x108  }
0x21: {  	s3 =	sadd.s32 s3, s9;
	s6 =	sadd.s32 @!p0 $0x88, s6;
	s7 =	simm.s32 @p2 $0x1082  }
0x22: {  	[simem:s7], [sflag:s8] =	dma.local @!p0 [hbm:s6], $0xF7A  }
0x23: {  	s9 =	sor.u32 $0xD0000000, s2;
	s6 =	simm.s32 $0x108;
	_ =	swait.ge @!p0 [sflag:s8], $0x0  }
0x24: {  	s3 =	sadd.s32 $0x88, s3;
	s6 =	simm.s32 @!p1 $0x1082;
	[sflag:s4] =	ssyncset.s32 $0xFFFFF086  }
0x25: {  	[simem:s6], [sflag:s4] =	dma.local [hbm:s3], $0xF7A  }
0x26: {  	[smem:$0x3F90] =	sst s1;
	(tag) =	ssettag s2;
	_ =	strace s9  }
0x27: {  	s1 =	sld [smem:$0x3FA0]  }
0x28: {  	s2 =	sld [smem:$0x3FA1]  }
0x29: {  	s4 =	sld [smem:$0x3FA3]  }
0x2a: {  	p0 =	seq.s32 s5, $0x0;
	s5 =	sld [smem:$0x3FA4]  }
0x2b: {  	s6 =	sld [smem:$0x3FA5]  }
0x2c: {  	s7 =	sld [smem:$0x3FA6]  }
0x2d: {  	s3 =	simm.s32 $0x108;
	s8 =	sld [smem:$0x3FA7]  }
0x2e: {  	s3 =	simm.s32 @!p0 $0x1082;
	s9 =	sld [smem:$0x3FA8]  }
0x2f: {  	lr =	sadd.s32 s0, s3;
	s0 =	sld [smem:$0x3F9F]  }
0x30: {  	s3 =	sld [smem:$0x3FA2]  }
0x31: {  	[smem:$0x3FAB] =	sst s10  }
0x32: {  	s10 =	sld [smem:$0x3FA9];
	_ =	sdelay $0x3  }
0x33: {  	p0 =	seq.s32 s10, $0x1;
	s10 =	sld [smem:$0x3FAB];
	_ =	sdelay $0x3  }
0x34: {  	[smem:$0x3FAB] =	sst s10  }
0x35: {  	s10 =	sld [smem:$0x3FAA];
	_ =	sdelay $0x3  }
0x36: {  	p1 =	seq.s32 s10, $0x1;
	s10 =	sld [smem:$0x3FAB];
	_ =	sdelay $0x3  }
0x37: {  	[smem:$0x3FAB] =	sst s10  }
0x38: {  	s10 =	sld [smem:$0x3FAC]  }
0x39: {  	_ = 	snop;
	(pc) =	sbr.ind lr, $3  }
0x3a: {  	_ = 	snop  }
0x3b: {  	_ = 	snop  }
0x3c: {  	p2 =	seq.s32 s10, $0x1;
	s10 =	sld [smem:$0x3FAB]  }
0x3d: {  	_ =	shalt  }
0x3e: {  	_ =	shalt  }
0x3f: {  	_ =	shalt  }
0x40: {  	_ =	shalt  }
0x41: {  	_ =	shalt  }
0x42: {  	_ =	shalt  }
0x43: {  	_ =	shalt  }
0x44: {  	_ =	shalt  }
0x45: {  	_ =	shalt  }
0x46: {  	_ =	shalt  }
0x47: {  	_ =	shalt  }
0x48: {  	_ =	shalt  }
0x49: {  	_ =	shalt  }
0x4a: {  	_ =	shalt  }
0x4b: {  	_ =	shalt  }
0x4c: {  	_ =	shalt  }
0x4d: {  	_ =	shalt  }
0x4e: {  	_ =	shalt  }
0x4f: {  	_ =	shalt  }
0x50: {  	_ =	shalt  }
0x51: {  	_ =	shalt  }
0x52: {  	_ =	shalt  }
0x53: {  	_ =	shalt  }
0x54: {  	_ =	shalt  }
0x55: {  	_ =	shalt  }
0x56: {  	_ =	shalt  }
0x57: {  	_ =	shalt  }
0x58: {  	_ =	shalt  }
0x59: {  	_ =	shalt  }
0x5a: {  	_ =	shalt  }
0x5b: {  	_ =	shalt  }
0x5c: {  	_ =	shalt  }
0x5d: {  	_ =	shalt  }
0x5e: {  	_ =	shalt  }
0x5f: {  	_ =	shalt  }
0x60: {  	_ =	shalt  }
0x61: {  	_ =	shalt  }
0x62: {  	_ =	shalt  }
0x63: {  	_ =	shalt  }
0x64: {  	_ =	shalt  }
0x65: {  	_ =	shalt  }
0x66: {  	_ =	shalt  }
0x67: {  	_ =	shalt  }
0x68: {  	_ =	shalt  }
0x69: {  	_ =	shalt  }
0x6a: {  	_ =	shalt  }
0x6b: {  	_ =	shalt  }
0x6c: {  	_ =	shalt  }
0x6d: {  	_ =	shalt  }
0x6e: {  	_ =	shalt  }
0x6f: {  	_ =	shalt  }
0x70: {  	_ =	shalt  }
0x71: {  	_ =	shalt  }
0x72: {  	_ =	shalt  }
0x73: {  	_ =	shalt  }
0x74: {  	_ =	shalt  }
0x75: {  	_ =	shalt  }
0x76: {  	_ =	shalt  }
0x77: {  	_ =	shalt  }
0x78: {  	_ =	shalt  }
0x79: {  	_ =	shalt  }
0x7a: {  	_ =	shalt  }
0x7b: {  	_ =	shalt  }
0x7c: {  	_ =	shalt  }
0x7d: {  	_ =	shalt  }
0x7e: {  	_ =	shalt  }
0x7f: {  	_ =	shalt  }
0x80: {  	_ =	shalt  }
0x81: {  	_ =	shalt  }
0x82: {  	_ =	shalt  }
0x83: {  	_ =	shalt  }
0x84: {  	_ =	shalt  }
0x85: {  	_ =	shalt  }
0x86: {  	_ =	shalt  }
0x87: {  	_ =	shalt  }
.Lfunc_end0:
.L_simem_size_0:
called_computation_lowered:
.L_overlay_start_0:
0x88: {  	s2 =	sld [smem:$0x3FD9]  }
0x89: {  	s3 =	sld [smem:$0x3FFE];
	_ =	sdelay $0x1  }
0x8a: {  	s1 =	srdreg.scid  }
0x8b: {  	s0 =	sand.u32 $0x1, s1  }
0x8c: {  	s16 =	sshll.u32 s0, $0xA;
	s2 =	sadd.s32 s3, s2  }
0x8d: {  	s2 =	sadd.s32 s2, s16  }
0x8e: {  	[smem:$0x3FB7] =	sst s2  }
0x8f: {  	_ = 	snop  }
0x90: {  	(tm) =	ssettm $0x1  }
0x91: {  	s17 =	sld [smem:$0x3FFB];
	_ =	sdelay $0x3  }
0x92: {  	_ =	strace s17  }
0x93: {  	s2 =	sld [smem:$0x3FFC];
	_ =	sdelay $0x3  }
0x94: {  	_ =	strace s2  }
0x95: {  	s2 =	sld [smem:$0x3FFD];
	_ =	sdelay $0x3  }
0x96: {  	_ =	strace s2  }
0x97: {  	_ =	strace $0x8FFFFFFF  }
0x98: {  	s18 =	sld [smem:$0x3FDB];
	_ =	sdelay $0x1  }
0x99: {  	s19 =	simm.s32 $_scs_section_size  }
0x9a: {  	s4 =	simm.s32 $_size__tile_overlayer_lowered;
	s5 =	simm.s32 $_tile_overlayer_lowered  }
0x9b: {  	s22 =	simm.s32 $0x1BFF;
	s21 =	sshll.u32 s5, $0x1;
	s2 =	sadd.s32 s19, s18  }
0x9c: {  	s6 =	simm.s32 $0x0;
	s20 =	sshll.u32 s4, $0x1;
	s4 =	sadd.s32 s21, s2  }
0x9d: {  	[timem:s6], [sflag:s22] =	dma.local [hbm:s4], s20  }
0x9e: {  	_ =	swait.ge [sflag:s22], s20  }
0x9f: {  	s3 =	ssub.s32 $0x0, s20;
	[sflag:s22] =	ssyncset.done $0x0  }
0xa0: {  	[sflag:s22] =	ssyncadd.s32 s3;
	_ =	sdelay $0x1  }
0xa1: {  	s23 =	simm.s32 $0x1B8B  }
0xa2: {  	_ =	swait.ge [sflag:s23], $0x1  }
0xa3: {  	[sflag:s23] =	ssyncset.done $0x0  }
0xa4: {  	s25 =	simm.s32 $0x1B8E;
	s24 =	sld [smem:$0x3FFE];
	[sflag:s23] =	ssyncadd.s32 $0xFFFFFFFF  }
0xa5: {  	s26 =	simm.s32 $execute0_lowered;
	[smem:$0x3FD2] =	sst s25  }
0xa6: {  	s4 =	sshll.u32 s26, $0x1;
	_ =	strace $0x80000046;
	[dreg:$0x1] =	wrdreg $0xFFFFFFFF  }
0xa7: {  	s28 =	simm.s32 $_size_execute0_lowered;
	s2 =	sadd.s32 s2, s4;
	[dreg:$0x0] =	wrdreg $0x0  }
0xa8: {  	s4 =	sshll.u32 s28, $0x1;
	[dreg:$0x2] =	wrdreg s2  }
0xa9: {  	[dreg:$0x3] =	wrdreg s4  }
0xaa: {  	[dreg:$0x4] =	wrdreg $0xC0  }
0xab: {  	_ =	task [dreg:s6], $0x5FFFF  }
0xac: {  	[dreg:$0x1] =	wrdreg $0xFFFFFFFF  }
0xad: {  	[dreg:$0x0] =	wrdreg $0x60  }
0xae: {  	[dreg:$0x2] =	wrdreg s24  }
0xaf: {  	[dreg:$0x3] =	wrdreg $0xEF800  }
0xb0: {  	[dreg:$0x4] =	wrdreg $0x9  }
0xb1: {  	_ =	task.clear_ibuf [dreg:s6], $0x5FFFF;
	_ =	strace $0x90000046  }
0xb2: {  	s29 =	simm.s32 $0x9;
	_ =	strace $0x80000048  }
0xb3: {  	_ =	swait.ge [sflag:s29], $0x1  }
0xb4: {  	[sflag:s29] =	ssyncadd.s32 $0xFFFFFFFF  }
0xb5: {  	_ =	strace $0x90000048  }
0xb6: {  	_ =	sfence  }
0xb7: {  	s30 =	sld [smem:$0x0];
	_ =	sdelay $0x2  }
0xb8: {  	s31 =	sshll.u32 s1, $0xD;
	s1 =	sshrl.u32 s1, $0x2  }
0xb9: {  	s3 =	sand.u32 $0x4000, s31;
	s1 =	sadd.s32 s1, s30  }
0xba: {  	s0 =	sor.u32 s3, s0;
	s1 =	sshll.u32 s1, $0x11  }
0xbb: {  	s0 =	sor.u32 s1, s0  }
0xbc: {  	s0 =	sadd.s32 $0x8F2B, s0  }
0xbd: {  	[sflag:s0] =	ssyncadd.remote.s32 $0x1  }
0xbe: {  	_ =	sfence.sel $0xFFFF  }
0xbf: {  	[dreg:$0x0] =	wrdreg $0xFFFFFFFF;
	(pc) =	sbr.abs _section_cstart, $3  }
0xc0: {  	[dreg:$0x1] =	wrdreg $0xFFFFFFFF  }
0xc1: {  	_ =	task.clear_ibuf [dreg:s6], $0x2FFFF;
	_ =	strace $0x9FFFFFFF  }
0xc2: {  	(tm) =	ssettm $0x7FFFFFFF  }
0xc3: {  	_ =	shalt  }
tec
execute0_lowered:
.L_overlay_start_1:
0x0: {  	(tag) =	ssettag $0x1  }
0x1: {  	s0 =	srdreg.scid  }
0x2: {  	s3 =	rddreg [dreg:$0x0];
	s7 =	stileid.u32  }
0x3: {  	s1 =	rddreg [dreg:$0x1];
	s2 =	simm.s32 $0x0;
	s13 =	simm.s32 $0x1  }
0x4: {  	s14 =	simm.s32 $0x8B80;
	s15 =	simm.s32 $0x2;
	s16 =	simm.s32 $0x3  }
0x5: {  	s17 =	simm.s32 $0x4;
	s18 =	simm.s32 $0x0;
	s4 =	sand.u32 $0x1, s0  }
0x6: {  	[smem:$0x7FF] =	sst s2;
	s11 =	sadd.s32 $0x80400, s3;
	s30 =	smul.u32 $0x27100, s7  }
0x7: {  	p0 =	sne.s32 s7, $0x0;
	s0 =	sshll.u32 s4, $0x4;
	s5 =	smul.u32 $0x12000, s4  }
0x8: {  	s9 =	ssub.s32 $0x2, s4;
	s12 =	smul.u32 $0x271000, s4;
	s6 =	sor.u32 s7, s0  }
0x9: {  	s0 =	rddreg [dreg:$0x2];
	_ =	strace $0x80000047;
	s8 =	smul.u32 $0x2710, s6  }
0xa: {  	s29 =	sshrl.u32 s9, $0x1;
	s5 =	sadd.s32 s5, s3;
	s10 =	smul.u32 $0x27100, s6  }
0xb: {  	s6 =	smul.u32 $0x138800, s6;
	s9 =	ssub.s32 s9, s29;
	s31 =	sadd.s32 s12, s11  }
0xc: {  	s12 =	simm.s32 $0x2780;
	s7 =	smax.u32 s9, $0x1;
	s8 =	sshrl.u32 s8, $0x3  }
0xd: {  	s9 =	sshrl.u32 @!p0 s1, $0x3;
	s6 =	sshrl.u32 s6, $0x3;
	s8 =	sadd.s32 s8, s3  }
0xe: {  	s3 =	sadd.s32 $0x3A600, s5;
	s5 =	sadd.s32 s11, s10;
	s6 =	sadd.s32 s11, s6  }
0xf: {  	s10 =	simm.s32 $0x5;
	s4 =	sadd.s32 $0x76600, s8;
	s8 =	sadd.s32 s30, s31  }
0x10: {  	s11 =	simm.s32 $0xC8;
	s6 =	sadd.s32 $0x26480, s6;
	s8 =	sadd.s32 $0xC80, s8  }
.LBB2_1:
0x11: {  	s19 =	simm.s32 @!p0 $0x1C05  }
0x12: {  	[spmem:s9], [sflag:s19] =	dma.local @!p0 [hbm:s3], $0x16000  }
0x13: {  	s19 =	simm.s32 @!p0 $0x5  }
0x14: {  	_ =	swait.ge @!p0 [sflag:s19], $0x16000  }
0x15: {  	[sflag:s19] =	ssyncset.done @!p0 $0x0  }
0x16: {  	[sflag:s19] =	ssyncadd.s32 @!p0 $0xFFFEA000  }
0x17: {  	[bflag:$0x0] =	sbarrier.arrive $0xFFFF  }
0x18: {  	[tilespmem:s2], [sflag:$0x5] =	stream.linear.gather [hbm4b:s4+s2], $0x2710, $0x38;
	[tilespmem:$0x19F80] =	vst v63  }
0x19: {  	_ =	swait.ge [sflag:s10], $0x2710  }
0x1a: {  	[sflag:s10] =	ssyncset.done $0x0  }
0x1b: {  	[sflag:s10] =	ssyncadd.s32 $0xFFFFD8F0  }
0x1c: {  	[tilespmem:s12], [sflag:$0x1] =	stream.indirect.gather [spmem:s1], $0x80, s2, s11, $0xb8;
	[tilespmem:$0x19F80] =	vst v63  }
0x1d: {  	_ =	swait.ge [sflag:s13], $0x6400  }
0x1e: {  	[sflag:s13] =	ssyncset.done $0x0  }
0x1f: {  	[sflag:s13] =	ssyncadd.s32 $0xFFFF9C00  }
0x20: {  	[hbm4b:s5+s2] =	stream.linear.scatter [tilespmem:s12], [sflag:$0x3], $0x6400, $0x38;
	[tilespmem:$0x19F80] =	vst v63  }
0x21: {  	_ = 	snop  }
0x22: {  	[tilespmem:s14], [sflag:$0x2] =	stream.indirect.gather [spmem:s1], $0x80, s11, s11, $0xb8;
	[tilespmem:$0x19F80] =	vst v63  }
0x23: {  	_ =	swait.ge [sflag:s15], $0x6400  }
0x24: {  	[sflag:s15] =	ssyncset.done $0x0  }
0x25: {  	[sflag:s15] =	ssyncadd.s32 $0xFFFF9C00  }
0x26: {  	[hbm4b:s8+s2] =	stream.linear.scatter [tilespmem:s14], [sflag:$0x4], $0x6400, $0x38;
	[tilespmem:$0x19F80] =	vst v63  }
0x27: {  	_ =	swait.ge [sflag:s16], $0x6400  }
0x28: {  	[sflag:s16] =	ssyncset.done $0x0  }
0x29: {  	s30 =	simm.s32 $0x190;
	[sflag:s16] =	ssyncadd.s32 $0xFFFF9C00  }
0x2a: {  	[tilespmem:s12], [sflag:$0x1] =	stream.indirect.gather [spmem:s1], $0x80, s30, s11, $0xb8;
	[tilespmem:$0x19F80] =	vst v63  }
0x2b: {  	_ =	swait.ge [sflag:s13], $0x6400  }
0x2c: {  	[sflag:s13] =	ssyncset.done $0x0  }
0x2d: {  	s31 =	sadd.s32 $0xC80, s8;
	[sflag:s13] =	ssyncadd.s32 $0xFFFF9C00  }
0x2e: {  	[hbm4b:s31+s2] =	stream.linear.scatter [tilespmem:s12], [sflag:$0x3], $0x6400, $0x38;
	[tilespmem:$0x19F80] =	vst v63  }
0x2f: {  	_ =	swait.ge [sflag:s17], $0x6400  }
0x30: {  	s21 =	simm.s32 $0x258;
	[sflag:s17] =	ssyncset.done $0x0  }
0x31: {  	s20 =	sadd.s32 $0x1900, s8;
	s19 =	simm.s32 $0x640;
	[sflag:s17] =	ssyncadd.s32 $0xFFFF9C00  }
.LBB2_2:
0x32: {  	[tilespmem:s14], [sflag:$0x2] =	stream.indirect.gather [spmem:s1], $0x80, s21, s11, $0xb8;
	[tilespmem:$0x19F80] =	vst v63  }
0x33: {  	s21 =	smov.u32 s19  }
0x34: {  	p1 =	sne.s32 s19, $0x8FC0;
	s19 =	sadd.s32 $0x640, s19;
	_ =	swait.ge [sflag:s15], $0x6400  }
0x35: {  	[sflag:s15] =	ssyncset.done $0x0  }
0x36: {  	[sflag:s15] =	ssyncadd.s32 $0xFFFF9C00  }
0x37: {  	[hbm4b:s20+s2] =	stream.linear.scatter [tilespmem:s14], [sflag:$0x4], $0x6400, $0x38;
	[tilespmem:$0x19F80] =	vst v63  }
0x38: {  	_ =	swait.ge [sflag:s16], $0x6400  }
0x39: {  	s21 =	sshra.s32 s21, $0x2;
	[sflag:s16] =	ssyncset.done $0x0  }
0x3a: {  	s22 =	sadd.s32 $0x190, s21;
	[sflag:s16] =	ssyncadd.s32 $0xFFFF9C00  }
0x3b: {  	[tilespmem:s12], [sflag:$0x1] =	stream.indirect.gather [spmem:s1], $0x80, s22, s11, $0xb8;
	[tilespmem:$0x19F80] =	vst v63  }
0x3c: {  	_ =	swait.ge [sflag:s13], $0x6400  }
0x3d: {  	[sflag:s13] =	ssyncset.done $0x0  }
.Ltmp0:
0x3e: {  	s22 =	sadd.s32 $0xC80, s20;
	[sflag:s13] =	ssyncadd.s32 $0xFFFF9C00;
	(pc) =	sbr.rel @p1 .LBB2_2-.Ltmp0, $4  }
0x3f: {  	[hbm4b:s22+s2] =	stream.linear.scatter [tilespmem:s12], [sflag:$0x3], $0x6400, $0x38;
	[tilespmem:$0x19F80] =	vst v63  }
0x40: {  	_ =	swait.ge [sflag:s17], $0x6400  }
0x41: {  	[sflag:s17] =	ssyncset.done $0x0  }
0x42: {  	s21 =	sadd.s32 $0x258, s21;
	s20 =	sadd.s32 $0x1900, s20;
	[sflag:s17] =	ssyncadd.s32 $0xFFFF9C00  }
0x43: {  	[tilespmem:s14], [sflag:$0x2] =	stream.indirect.gather [spmem:s1], $0x80, s21, s11, $0xb8;
	[tilespmem:$0x19F80] =	vst v63  }
0x44: {  	_ =	swait.ge [sflag:s15], $0x6400  }
0x45: {  	[sflag:s15] =	ssyncset.done $0x0  }
0x46: {  	s18 =	sadd.s32 $0x1, s18;
	[sflag:s15] =	ssyncadd.s32 $0xFFFF9C00  }
0x47: {  	[hbm4b:s6+s2] =	stream.linear.scatter [tilespmem:s14], [sflag:$0x4], $0x6400, $0x38;
	[tilespmem:$0x19F80] =	vst v63  }
0x48: {  	p1 =	sne.s32 s18, s7;
	_ =	swait.ge [sflag:s16], $0x6400  }
.Ltmp1:
0x49: {  	[sflag:s16] =	ssyncset.done $0x0;
	(pc) =	sbr.rel @p1 .LBB2_1-.Ltmp1, $4  }
0x4a: {  	[sflag:s16] =	ssyncadd.s32 $0xFFFF9C00  }
0x4b: {  	_ =	swait.ge [sflag:s17], $0x6400  }
0x4c: {  	[sflag:s17] =	ssyncset.done $0x0  }
0x4d: {  	[sflag:s17] =	ssyncadd.s32 $0xFFFF9C00  }
0x4e: {  	_ =	sfence.sel $0x180000  }
0x4f: {  	[bflag:$0x0] =	sbarrier.arrive $0xFFFF  }
0x50: {  	_ =	strace $0x90000047  }
0x51: {  	s0 =	sadd.s32 @!p0 $0x100000, s0;
	[bflag:$0x2] =	sbarrier.arrive $0xFFFF  }
0x52: {  	[sflag:s0] =	ssyncadd.tile.s32 @!p0 $0x1;
	_ =	shalt  }
.Lfunc_end2:
_tile_overlayer_lowered:
.L_overlay_start_2:
0x53: {  	(tag) =	ssettag $0x2  }
0x54: {  	s0 =	rddreg [dreg:$0x0];
	s2 =	stileid.u32  }
0x55: {  	s1 =	rddreg [dreg:$0x1];
	p0 =	sne.s32 s2, $0x0  }
0x56: {  	s3 =	rddreg [dreg:$0x2];
	[bflag:$0x3] =	sbarrier.arrive $0xFFFF;
	s2 =	simm.s32 @!p0 $0x1C05  }
0x57: {  	[timem:s3], [sflag:s2] =	dma.local @!p0 [hbm:s0], s1  }
0x58: {  	s0 =	simm.s32 @!p0 $0x5  }
0x59: {  	_ =	swait.ge @!p0 [sflag:s0], s1  }
0x5a: {  	s1 =	ssub.s32 @!p0 $0x0, s1;
	[sflag:s0] =	ssyncset.done @!p0 $0x0  }
0x5b: {  	[sflag:s0] =	ssyncadd.s32 @!p0 s1  }
0x5c: {  	[bflag:$0x3] =	sbarrier.arrive $0xFFFF  }
0x5d: {  	_ =	shalt  }

// kernel: kernel.19.cloned.1.call-start
scs
__scs_entry_jumppad:
0x0: {  	(pc) =	sbr.rel $0x88, $3  }
0x1: {  	(tag) =	ssettag $0x0;
	lr =	simm.s32 $0x1  }
0x2: {  	[smem:$0x3F90] =	sst lr;
	_ =	strace $0xD0000000  }
0x3: {  	_ = 	snop  }
0x4: {  	_ = 	snop  }
0x5: {  	_ = 	snop  }
0x6: {  	_ = 	snop  }
0x7: {  	_ = 	snop  }
__scs_overlays_trampoline_lowered:
0x8: {  	[smem:$0x3F9F] =	sst s0  }
0x9: {  	[smem:$0x3FA0] =	sst s1  }
0xa: {  	[smem:$0x3FA1] =	sst s2  }
0xb: {  	[smem:$0x3FA2] =	sst s3  }
0xc: {  	[smem:$0x3FA3] =	sst s4  }
0xd: {  	[smem:$0x3FA4] =	sst s5  }
0xe: {  	[smem:$0x3FA5] =	sst s6  }
0xf: {  	[smem:$0x3FA6] =	sst s7  }
0x10: {  	[smem:$0x3FA7] =	sst s8  }
0x11: {  	[smem:$0x3FA8] =	sst s9;
	s0 =	simm.s32 @!p0 $0x0  }
0x12: {  	s1 =	sld [smem:$0x3F8E];
	s0 =	simm.s32 @p0 $0x1  }
0x13: {  	[smem:$0x3FA9] =	sst s0;
	s0 =	simm.s32 @!p1 $0x0  }
0x14: {  	s2 =	sld [smem:$0x3F8D];
	s0 =	simm.s32 @p1 $0x1  }
0x15: {  	[smem:$0x3FAA] =	sst s0;
	s0 =	simm.s32 @!p2 $0x0  }
0x16: {  	s3 =	sld [smem:$0x3FDB];
	s0 =	simm.s32 @p2 $0x1  }
0x17: {  	s4 =	simm.s32 $0x1BF5;
	[smem:$0x3FAC] =	sst s0  }
0x18: {  	s0 =	sld [smem:$0x3F8F];
	_ =	swait.ge [sflag:s4], $0x0  }
0x19: {  	s7 =	sld [smem:$0x3F90]  }
0x1a: {  	s8 =	sadd.s32 $0xFFFFE003, lr  }
0x1b: {  	s9 =	sadd.s32 $0xFFFFFEF7, lr;
	s5 =	simm.s32 $0xFFFFFFFF;
	p2 =	slt.u32 s8, $0xFFFFF086  }
0x1c: {  	p1 =	slt.u32 s9, $0xF7A;
	s5 =	simm.s32 @!p2 $0x0  }
0x1d: {  	s5 =	simm.s32 @p1 $0x1;
	p0 =	seq.s32 s7, s2  }
0x1e: {  	s7 =	smul.u32 @!p0 $0xF7A, s2;
	p2 =	seq.s32 @!p0 s5, $0x0  }
0x1f: {  	s9 =	smul.u32 $0xF7A, s1;
	s8 =	simm.s32 @!p0 $0x1BF5;
	p2 =	por !p2, p0  }
0x20: {  	[sflag:s8] =	ssyncset.s32 @!p0 $0xFFFFF086;
	s6 =	sadd.s32 @!p0 s3, s7;
	s7 =	simm.s32 @!p0 $0x108  }
0x21: {  	s3 =	sadd.s32 s3, s9;
	s6 =	sadd.s32 @!p0 $0x88, s6;
	s7 =	simm.s32 @p2 $0x1082  }
0x22: {  	[simem:s7], [sflag:s8] =	dma.local @!p0 [hbm:s6], $0xF7A  }
0x23: {  	s9 =	sor.u32 $0xD0000000, s2;
	s6 =	simm.s32 $0x108;
	_ =	swait.ge @!p0 [sflag:s8], $0x0  }
0x24: {  	s3 =	sadd.s32 $0x88, s3;
	s6 =	simm.s32 @!p1 $0x1082;
	[sflag:s4] =	ssyncset.s32 $0xFFFFF086  }
0x25: {  	[simem:s6], [sflag:s4] =	dma.local [hbm:s3], $0xF7A  }
0x26: {  	[smem:$0x3F90] =	sst s1;
	(tag) =	ssettag s2;
	_ =	strace s9  }
0x27: {  	s1 =	sld [smem:$0x3FA0]  }
0x28: {  	s2 =	sld [smem:$0x3FA1]  }
0x29: {  	s4 =	sld [smem:$0x3FA3]  }
0x2a: {  	p0 =	seq.s32 s5, $0x0;
	s5 =	sld [smem:$0x3FA4]  }
0x2b: {  	s6 =	sld [smem:$0x3FA5]  }
0x2c: {  	s7 =	sld [smem:$0x3FA6]  }
0x2d: {  	s3 =	simm.s32 $0x108;
	s8 =	sld [smem:$0x3FA7]  }
0x2e: {  	s3 =	simm.s32 @!p0 $0x1082;
	s9 =	sld [smem:$0x3FA8]  }
0x2f: {  	lr =	sadd.s32 s0, s3;
	s0 =	sld [smem:$0x3F9F]  }
0x30: {  	s3 =	sld [smem:$0x3FA2]  }
0x31: {  	[smem:$0x3FAB] =	sst s10  }
0x32: {  	s10 =	sld [smem:$0x3FA9];
	_ =	sdelay $0x3  }
0x33: {  	p0 =	seq.s32 s10, $0x1;
	s10 =	sld [smem:$0x3FAB];
	_ =	sdelay $0x3  }
0x34: {  	[smem:$0x3FAB] =	sst s10  }
0x35: {  	s10 =	sld [smem:$0x3FAA];
	_ =	sdelay $0x3  }
0x36: {  	p1 =	seq.s32 s10, $0x1;
	s10 =	sld [smem:$0x3FAB];
	_ =	sdelay $0x3  }
0x37: {  	[smem:$0x3FAB] =	sst s10  }
0x38: {  	s10 =	sld [smem:$0x3FAC]  }
0x39: {  	_ = 	snop;
	(pc) =	sbr.ind lr, $3  }
0x3a: {  	_ = 	snop  }
0x3b: {  	_ = 	snop  }
0x3c: {  	p2 =	seq.s32 s10, $0x1;
	s10 =	sld [smem:$0x3FAB]  }
0x3d: {  	_ =	shalt  }
0x3e: {  	_ =	shalt  }
0x3f: {  	_ =	shalt  }
0x40: {  	_ =	shalt  }
0x41: {  	_ =	shalt  }
0x42: {  	_ =	shalt  }
0x43: {  	_ =	shalt  }
0x44: {  	_ =	shalt  }
0x45: {  	_ =	shalt  }
0x46: {  	_ =	shalt  }
0x47: {  	_ =	shalt  }
0x48: {  	_ =	shalt  }
0x49: {  	_ =	shalt  }
0x4a: {  	_ =	shalt  }
0x4b: {  	_ =	shalt  }
0x4c: {  	_ =	shalt  }
0x4d: {  	_ =	shalt  }
0x4e: {  	_ =	shalt  }
0x4f: {  	_ =	shalt  }
0x50: {  	_ =	shalt  }
0x51: {  	_ =	shalt  }
0x52: {  	_ =	shalt  }
0x53: {  	_ =	shalt  }
0x54: {  	_ =	shalt  }
0x55: {  	_ =	shalt  }
0x56: {  	_ =	shalt  }
0x57: {  	_ =	shalt  }
0x58: {  	_ =	shalt  }
0x59: {  	_ =	shalt  }
0x5a: {  	_ =	shalt  }
0x5b: {  	_ =	shalt  }
0x5c: {  	_ =	shalt  }
0x5d: {  	_ =	shalt  }
0x5e: {  	_ =	shalt  }
0x5f: {  	_ =	shalt  }
0x60: {  	_ =	shalt  }
0x61: {  	_ =	shalt  }
0x62: {  	_ =	shalt  }
0x63: {  	_ =	shalt  }
0x64: {  	_ =	shalt  }
0x65: {  	_ =	shalt  }
0x66: {  	_ =	shalt  }
0x67: {  	_ =	shalt  }
0x68: {  	_ =	shalt  }
0x69: {  	_ =	shalt  }
0x6a: {  	_ =	shalt  }
0x6b: {  	_ =	shalt  }
0x6c: {  	_ =	shalt  }
0x6d: {  	_ =	shalt  }
0x6e: {  	_ =	shalt  }
0x6f: {  	_ =	shalt  }
0x70: {  	_ =	shalt  }
0x71: {  	_ =	shalt  }
0x72: {  	_ =	shalt  }
0x73: {  	_ =	shalt  }
0x74: {  	_ =	shalt  }
0x75: {  	_ =	shalt  }
0x76: {  	_ =	shalt  }
0x77: {  	_ =	shalt  }
0x78: {  	_ =	shalt  }
0x79: {  	_ =	shalt  }
0x7a: {  	_ =	shalt  }
0x7b: {  	_ =	shalt  }
0x7c: {  	_ =	shalt  }
0x7d: {  	_ =	shalt  }
0x7e: {  	_ =	shalt  }
0x7f: {  	_ =	shalt  }
0x80: {  	_ =	shalt  }
0x81: {  	_ =	shalt  }
0x82: {  	_ =	shalt  }
0x83: {  	_ =	shalt  }
0x84: {  	_ =	shalt  }
0x85: {  	_ =	shalt  }
0x86: {  	_ =	shalt  }
0x87: {  	_ =	shalt  }
.Lfunc_end0:
.L_simem_size_0:
called_computation.1_lowered:
.L_overlay_start_0:
0x88: {  	s2 =	sld [smem:$0x3FD9]  }
0x89: {  	s3 =	sld [smem:$0x3FFE];
	_ =	sdelay $0x1  }
0x8a: {  	s1 =	srdreg.scid  }
0x8b: {  	s0 =	sand.u32 $0x1, s1  }
0x8c: {  	s16 =	sshll.u32 s0, $0xA;
	s2 =	sadd.s32 s3, s2  }
0x8d: {  	s2 =	sadd.s32 s2, s16  }
0x8e: {  	[smem:$0x3FB7] =	sst s2  }
0x8f: {  	_ = 	snop  }
0x90: {  	(tm) =	ssettm $0x1  }
0x91: {  	s17 =	sld [smem:$0x3FFB];
	_ =	sdelay $0x3  }
0x92: {  	_ =	strace s17  }
0x93: {  	s2 =	sld [smem:$0x3FFC];
	_ =	sdelay $0x3  }
0x94: {  	_ =	strace s2  }
0x95: {  	s2 =	sld [smem:$0x3FFD];
	_ =	sdelay $0x3  }
0x96: {  	_ =	strace s2  }
0x97: {  	_ =	strace $0x8FFFFFFF  }
0x98: {  	s18 =	sld [smem:$0x3FDB];
	_ =	sdelay $0x1  }
0x99: {  	s19 =	simm.s32 $_scs_section_size  }
0x9a: {  	s4 =	simm.s32 $_size__tile_overlayer_lowered;
	s5 =	simm.s32 $_tile_overlayer_lowered  }
0x9b: {  	s22 =	simm.s32 $0x1BFF;
	s21 =	sshll.u32 s5, $0x1;
	s2 =	sadd.s32 s19, s18  }
0x9c: {  	s6 =	simm.s32 $0x0;
	s20 =	sshll.u32 s4, $0x1;
	s4 =	sadd.s32 s21, s2  }
0x9d: {  	[timem:s6], [sflag:s22] =	dma.local [hbm:s4], s20  }
0x9e: {  	_ =	swait.ge [sflag:s22], s20  }
0x9f: {  	s3 =	ssub.s32 $0x0, s20;
	[sflag:s22] =	ssyncset.done $0x0  }
0xa0: {  	[sflag:s22] =	ssyncadd.s32 s3;
	_ =	sdelay $0x1  }
0xa1: {  	s23 =	simm.s32 $0x1B8B  }
0xa2: {  	_ =	swait.ge [sflag:s23], $0x1  }
0xa3: {  	[sflag:s23] =	ssyncset.done $0x0  }
0xa4: {  	s25 =	simm.s32 $0x1B8E;
	s24 =	sld [smem:$0x3FFE];
	[sflag:s23] =	ssyncadd.s32 $0xFFFFFFFF  }
0xa5: {  	s26 =	simm.s32 $execute0_lowered;
	[smem:$0x3FD2] =	sst s25  }
0xa6: {  	s4 =	sshll.u32 s26, $0x1;
	_ =	strace $0x80000049;
	[dreg:$0x1] =	wrdreg $0xFFFFFFFF  }
0xa7: {  	s28 =	simm.s32 $_size_execute0_lowered;
	s2 =	sadd.s32 s2, s4;
	[dreg:$0x0] =	wrdreg $0x0  }
0xa8: {  	s4 =	sshll.u32 s28, $0x1;
	[dreg:$0x2] =	wrdreg s2  }
0xa9: {  	[dreg:$0x3] =	wrdreg s4  }
0xaa: {  	[dreg:$0x4] =	wrdreg $0xC0  }
0xab: {  	_ =	task [dreg:s6], $0x5FFFF  }
0xac: {  	[dreg:$0x1] =	wrdreg $0xFFFFFFFF  }
0xad: {  	[dreg:$0x0] =	wrdreg $0x60  }
0xae: {  	[dreg:$0x2] =	wrdreg s24  }
0xaf: {  	[dreg:$0x3] =	wrdreg $0xEF800  }
0xb0: {  	[dreg:$0x4] =	wrdreg $0x9  }
0xb1: {  	_ =	task.clear_ibuf [dreg:s6], $0x5FFFF;
	_ =	strace $0x90000049  }
0xb2: {  	s29 =	simm.s32 $0x9;
	_ =	strace $0x8000004B  }
0xb3: {  	_ =	swait.ge [sflag:s29], $0x1  }
0xb4: {  	[sflag:s29] =	ssyncadd.s32 $0xFFFFFFFF  }
0xb5: {  	_ =	strace $0x9000004B  }
0xb6: {  	_ =	sfence  }
0xb7: {  	s30 =	sld [smem:$0x0];
	_ =	sdelay $0x2  }
0xb8: {  	s31 =	sshll.u32 s1, $0xD;
	s1 =	sshrl.u32 s1, $0x2  }
0xb9: {  	s3 =	sand.u32 $0x4000, s31;
	s1 =	sadd.s32 s1, s30  }
0xba: {  	s0 =	sor.u32 s3, s0;
	s1 =	sshll.u32 s1, $0x11  }
0xbb: {  	s0 =	sor.u32 s1, s0  }
0xbc: {  	s0 =	sadd.s32 $0x8F2B, s0  }
0xbd: {  	[sflag:s0] =	ssyncadd.remote.s32 $0x1  }
0xbe: {  	_ =	sfence.sel $0xFFFF  }
0xbf: {  	[dreg:$0x0] =	wrdreg $0xFFFFFFFF;
	(pc) =	sbr.abs _section_cstart, $3  }
0xc0: {  	[dreg:$0x1] =	wrdreg $0xFFFFFFFF  }
0xc1: {  	_ =	task.clear_ibuf [dreg:s6], $0x2FFFF;
	_ =	strace $0x9FFFFFFF  }
0xc2: {  	(tm) =	ssettm $0x7FFFFFFF  }
0xc3: {  	_ =	shalt  }
tec
execute0_lowered:
.L_overlay_start_1:
0x0: {  	(tag) =	ssettag $0x1  }
0x1: {  	s0 =	srdreg.scid  }
0x2: {  	s3 =	rddreg [dreg:$0x0];
	s7 =	stileid.u32  }
0x3: {  	s1 =	rddreg [dreg:$0x1];
	s2 =	simm.s32 $0x0;
	s13 =	simm.s32 $0x1  }
0x4: {  	s14 =	simm.s32 $0x8B80;
	s15 =	simm.s32 $0x2;
	s16 =	simm.s32 $0x3  }
0x5: {  	s17 =	simm.s32 $0x4;
	s18 =	simm.s32 $0x0;
	s4 =	sand.u32 $0x1, s0  }
0x6: {  	[smem:$0x7FF] =	sst s2;
	s11 =	sadd.s32 $0x80400, s3;
	s30 =	smul.u32 $0x27100, s7  }
0x7: {  	p0 =	sne.s32 s7, $0x0;
	s0 =	sshll.u32 s4, $0x4;
	s5 =	smul.u32 $0x12000, s4  }
0x8: {  	s9 =	ssub.s32 $0x2, s4;
	s12 =	smul.u32 $0x271000, s4;
	s6 =	sor.u32 s7, s0  }
0x9: {  	s0 =	rddreg [dreg:$0x2];
	_ =	strace $0x8000004A;
	s8 =	smul.u32 $0x2710, s6  }
0xa: {  	s29 =	sshrl.u32 s9, $0x1;
	s5 =	sadd.s32 s5, s3;
	s10 =	smul.u32 $0x27100, s6  }
0xb: {  	s6 =	smul.u32 $0x138800, s6;
	s9 =	ssub.s32 s9, s29;
	s31 =	sadd.s32 s12, s11  }
0xc: {  	s12 =	simm.s32 $0x2780;
	s7 =	smax.u32 s9, $0x1;
	s8 =	sshrl.u32 s8, $0x3  }
0xd: {  	s9 =	sshrl.u32 @!p0 s1, $0x3;
	s6 =	sshrl.u32 s6, $0x3;
	s8 =	sadd.s32 s8, s3  }
0xe: {  	s3 =	sadd.s32 $0x3A600, s5;
	s5 =	sadd.s32 s11, s10;
	s6 =	sadd.s32 s11, s6  }
0xf: {  	s10 =	simm.s32 $0x5;
	s4 =	sadd.s32 $0x76600, s8;
	s8 =	sadd.s32 s30, s31  }
0x10: {  	s11 =	simm.s32 $0xC8;
	s6 =	sadd.s32 $0x26480, s6;
	s8 =	sadd.s32 $0xC80, s8  }
.LBB2_1:
0x11: {  	s19 =	simm.s32 @!p0 $0x1C05  }
0x12: {  	[spmem:s9], [sflag:s19] =	dma.local @!p0 [hbm:s3], $0x16000  }
0x13: {  	s19 =	simm.s32 @!p0 $0x5  }
0x14: {  	_ =	swait.ge @!p0 [sflag:s19], $0x16000  }
0x15: {  	[sflag:s19] =	ssyncset.done @!p0 $0x0  }
0x16: {  	[sflag:s19] =	ssyncadd.s32 @!p0 $0xFFFEA000  }
0x17: {  	[bflag:$0x0] =	sbarrier.arrive $0xFFFF  }
0x18: {  	[tilespmem:s2], [sflag:$0x5] =	stream.linear.gather [hbm4b:s4+s2], $0x2710, $0x38;
	[tilespmem:$0x19F80] =	vst v63  }
0x19: {  	_ =	swait.ge [sflag:s10], $0x2710  }
0x1a: {  	[sflag:s10] =	ssyncset.done $0x0  }
0x1b: {  	[sflag:s10] =	ssyncadd.s32 $0xFFFFD8F0  }
0x1c: {  	[tilespmem:s12], [sflag:$0x1] =	stream.indirect.gather [spmem:s1], $0x80, s2, s11, $0xb8;
	[tilespmem:$0x19F80] =	vst v63  }
0x1d: {  	_ =	swait.ge [sflag:s13], $0x6400  }
0x1e: {  	[sflag:s13] =	ssyncset.done $0x0  }
0x1f: {  	[sflag:s13] =	ssyncadd.s32 $0xFFFF9C00  }
0x20: {  	[hbm4b:s5+s2] =	stream.linear.scatter [tilespmem:s12], [sflag:$0x3], $0x6400, $0x38;
	[tilespmem:$0x19F80] =	vst v63  }
0x21: {  	_ = 	snop  }
0x22: {  	[tilespmem:s14], [sflag:$0x2] =	stream.indirect.gather [spmem:s1], $0x80, s11, s11, $0xb8;
	[tilespmem:$0x19F80] =	vst v63  }
0x23: {  	_ =	swait.ge [sflag:s15], $0x6400  }
0x24: {  	[sflag:s15] =	ssyncset.done $0x0  }
0x25: {  	[sflag:s15] =	ssyncadd.s32 $0xFFFF9C00  }
0x26: {  	[hbm4b:s8+s2] =	stream.linear.scatter [tilespmem:s14], [sflag:$0x4], $0x6400, $0x38;
	[tilespmem:$0x19F80] =	vst v63  }
0x27: {  	_ =	swait.ge [sflag:s16], $0x6400  }
0x28: {  	[sflag:s16] =	ssyncset.done $0x0  }
0x29: {  	s30 =	simm.s32 $0x190;
	[sflag:s16] =	ssyncadd.s32 $0xFFFF9C00  }
0x2a: {  	[tilespmem:s12], [sflag:$0x1] =	stream.indirect.gather [spmem:s1], $0x80, s30, s11, $0xb8;
	[tilespmem:$0x19F80] =	vst v63  }
0x2b: {  	_ =	swait.ge [sflag:s13], $0x6400  }
0x2c: {  	[sflag:s13] =	ssyncset.done $0x0  }
0x2d: {  	s31 =	sadd.s32 $0xC80, s8;
	[sflag:s13] =	ssyncadd.s32 $0xFFFF9C00  }
0x2e: {  	[hbm4b:s31+s2] =	stream.linear.scatter [tilespmem:s12], [sflag:$0x3], $0x6400, $0x38;
	[tilespmem:$0x19F80] =	vst v63  }
0x2f: {  	_ =	swait.ge [sflag:s17], $0x6400  }
0x30: {  	s21 =	simm.s32 $0x258;
	[sflag:s17] =	ssyncset.done $0x0  }
0x31: {  	s20 =	sadd.s32 $0x1900, s8;
	s19 =	simm.s32 $0x640;
	[sflag:s17] =	ssyncadd.s32 $0xFFFF9C00  }
.LBB2_2:
0x32: {  	[tilespmem:s14], [sflag:$0x2] =	stream.indirect.gather [spmem:s1], $0x80, s21, s11, $0xb8;
	[tilespmem:$0x19F80] =	vst v63  }
0x33: {  	s21 =	smov.u32 s19  }
0x34: {  	p1 =	sne.s32 s19, $0x8FC0;
	s19 =	sadd.s32 $0x640, s19;
	_ =	swait.ge [sflag:s15], $0x6400  }
0x35: {  	[sflag:s15] =	ssyncset.done $0x0  }
0x36: {  	[sflag:s15] =	ssyncadd.s32 $0xFFFF9C00  }
0x37: {  	[hbm4b:s20+s2] =	stream.linear.scatter [tilespmem:s14], [sflag:$0x4], $0x6400, $0x38;
	[tilespmem:$0x19F80] =	vst v63  }
0x38: {  	_ =	swait.ge [sflag:s16], $0x6400  }
0x39: {  	s21 =	sshra.s32 s21, $0x2;
	[sflag:s16] =	ssyncset.done $0x0  }
0x3a: {  	s22 =	sadd.s32 $0x190, s21;
	[sflag:s16] =	ssyncadd.s32 $0xFFFF9C00  }
0x3b: {  	[tilespmem:s12], [sflag:$0x1] =	stream.indirect.gather [spmem:s1], $0x80, s22, s11, $0xb8;
	[tilespmem:$0x19F80] =	vst v63  }
0x3c: {  	_ =	swait.ge [sflag:s13], $0x6400  }
0x3d: {  	[sflag:s13] =	ssyncset.done $0x0  }
.Ltmp0:
0x3e: {  	s22 =	sadd.s32 $0xC80, s20;
	[sflag:s13] =	ssyncadd.s32 $0xFFFF9C00;
	(pc) =	sbr.rel @p1 .LBB2_2-.Ltmp0, $4  }
0x3f: {  	[hbm4b:s22+s2] =	stream.linear.scatter [tilespmem:s12], [sflag:$0x3], $0x6400, $0x38;
	[tilespmem:$0x19F80] =	vst v63  }
0x40: {  	_ =	swait.ge [sflag:s17], $0x6400  }
0x41: {  	[sflag:s17] =	ssyncset.done $0x0  }
0x42: {  	s21 =	sadd.s32 $0x258, s21;
	s20 =	sadd.s32 $0x1900, s20;
	[sflag:s17] =	ssyncadd.s32 $0xFFFF9C00  }
0x43: {  	[tilespmem:s14], [sflag:$0x2] =	stream.indirect.gather [spmem:s1], $0x80, s21, s11, $0xb8;
	[tilespmem:$0x19F80] =	vst v63  }
0x44: {  	_ =	swait.ge [sflag:s15], $0x6400  }
0x45: {  	[sflag:s15] =	ssyncset.done $0x0  }
0x46: {  	s18 =	sadd.s32 $0x1, s18;
	[sflag:s15] =	ssyncadd.s32 $0xFFFF9C00  }
0x47: {  	[hbm4b:s6+s2] =	stream.linear.scatter [tilespmem:s14], [sflag:$0x4], $0x6400, $0x38;
	[tilespmem:$0x19F80] =	vst v63  }
0x48: {  	p1 =	sne.s32 s18, s7;
	_ =	swait.ge [sflag:s16], $0x6400  }
.Ltmp1:
0x49: {  	[sflag:s16] =	ssyncset.done $0x0;
	(pc) =	sbr.rel @p1 .LBB2_1-.Ltmp1, $4  }
0x4a: {  	[sflag:s16] =	ssyncadd.s32 $0xFFFF9C00  }
0x4b: {  	_ =	swait.ge [sflag:s17], $0x6400  }
0x4c: {  	[sflag:s17] =	ssyncset.done $0x0  }
0x4d: {  	[sflag:s17] =	ssyncadd.s32 $0xFFFF9C00  }
0x4e: {  	_ =	sfence.sel $0x180000  }
0x4f: {  	[bflag:$0x0] =	sbarrier.arrive $0xFFFF  }
0x50: {  	_ =	strace $0x9000004A  }
0x51: {  	s0 =	sadd.s32 @!p0 $0x100000, s0;
	[bflag:$0x2] =	sbarrier.arrive $0xFFFF  }
0x52: {  	[sflag:s0] =	ssyncadd.tile.s32 @!p0 $0x1;
	_ =	shalt  }
.Lfunc_end2:
_tile_overlayer_lowered:
.L_overlay_start_2:
0x53: {  	(tag) =	ssettag $0x2  }
0x54: {  	s0 =	rddreg [dreg:$0x0];
	s2 =	stileid.u32  }
0x55: {  	s1 =	rddreg [dreg:$0x1];
	p0 =	sne.s32 s2, $0x0  }
0x56: {  	s3 =	rddreg [dreg:$0x2];
	[bflag:$0x3] =	sbarrier.arrive $0xFFFF;
	s2 =	simm.s32 @!p0 $0x1C05  }
0x57: {  	[timem:s3], [sflag:s2] =	dma.local @!p0 [hbm:s0], s1  }
0x58: {  	s0 =	simm.s32 @!p0 $0x5  }
0x59: {  	_ =	swait.ge @!p0 [sflag:s0], s1  }
0x5a: {  	s1 =	ssub.s32 @!p0 $0x0, s1;
	[sflag:s0] =	ssyncset.done @!p0 $0x0  }
0x5b: {  	[sflag:s0] =	ssyncadd.s32 @!p0 s1  }
0x5c: {  	[bflag:$0x3] =	sbarrier.arrive $0xFFFF  }
0x5d: {  	_ =	shalt  }

// kernel: kernel.22.cloned.1.call-start
scs
__scs_entry_jumppad:
0x0: {  	(pc) =	sbr.rel $0x88, $3  }
0x1: {  	(tag) =	ssettag $0x0;
	lr =	simm.s32 $0x1  }
0x2: {  	[smem:$0x3F90] =	sst lr;
	_ =	strace $0xD0000000  }
0x3: {  	_ = 	snop  }
0x4: {  	_ = 	snop  }
0x5: {  	_ = 	snop  }
0x6: {  	_ = 	snop  }
0x7: {  	_ = 	snop  }
__scs_overlays_trampoline_lowered:
0x8: {  	[smem:$0x3F9F] =	sst s0  }
0x9: {  	[smem:$0x3FA0] =	sst s1  }
0xa: {  	[smem:$0x3FA1] =	sst s2  }
0xb: {  	[smem:$0x3FA2] =	sst s3  }
0xc: {  	[smem:$0x3FA3] =	sst s4  }
0xd: {  	[smem:$0x3FA4] =	sst s5  }
0xe: {  	[smem:$0x3FA5] =	sst s6  }
0xf: {  	[smem:$0x3FA6] =	sst s7  }
0x10: {  	[smem:$0x3FA7] =	sst s8  }
0x11: {  	[smem:$0x3FA8] =	sst s9;
	s0 =	simm.s32 @!p0 $0x0  }
0x12: {  	s1 =	sld [smem:$0x3F8E];
	s0 =	simm.s32 @p0 $0x1  }
0x13: {  	[smem:$0x3FA9] =	sst s0;
	s0 =	simm.s32 @!p1 $0x0  }
0x14: {  	s2 =	sld [smem:$0x3F8D];
	s0 =	simm.s32 @p1 $0x1  }
0x15: {  	[smem:$0x3FAA] =	sst s0;
	s0 =	simm.s32 @!p2 $0x0  }
0x16: {  	s3 =	sld [smem:$0x3FDB];
	s0 =	simm.s32 @p2 $0x1  }
0x17: {  	s4 =	simm.s32 $0x1BF5;
	[smem:$0x3FAC] =	sst s0  }
0x18: {  	s0 =	sld [smem:$0x3F8F];
	_ =	swait.ge [sflag:s4], $0x0  }
0x19: {  	s7 =	sld [smem:$0x3F90]  }
0x1a: {  	s8 =	sadd.s32 $0xFFFFE003, lr  }
0x1b: {  	s9 =	sadd.s32 $0xFFFFFEF7, lr;
	s5 =	simm.s32 $0xFFFFFFFF;
	p2 =	slt.u32 s8, $0xFFFFF086  }
0x1c: {  	p1 =	slt.u32 s9, $0xF7A;
	s5 =	simm.s32 @!p2 $0x0  }
0x1d: {  	s5 =	simm.s32 @p1 $0x1;
	p0 =	seq.s32 s7, s2  }
0x1e: {  	s7 =	smul.u32 @!p0 $0xF7A, s2;
	p2 =	seq.s32 @!p0 s5, $0x0  }
0x1f: {  	s9 =	smul.u32 $0xF7A, s1;
	s8 =	simm.s32 @!p0 $0x1BF5;
	p2 =	por !p2, p0  }
0x20: {  	[sflag:s8] =	ssyncset.s32 @!p0 $0xFFFFF086;
	s6 =	sadd.s32 @!p0 s3, s7;
	s7 =	simm.s32 @!p0 $0x108  }
0x21: {  	s3 =	sadd.s32 s3, s9;
	s6 =	sadd.s32 @!p0 $0x88, s6;
	s7 =	simm.s32 @p2 $0x1082  }
0x22: {  	[simem:s7], [sflag:s8] =	dma.local @!p0 [hbm:s6], $0xF7A  }
0x23: {  	s9 =	sor.u32 $0xD0000000, s2;
	s6 =	simm.s32 $0x108;
	_ =	swait.ge @!p0 [sflag:s8], $0x0  }
0x24: {  	s3 =	sadd.s32 $0x88, s3;
	s6 =	simm.s32 @!p1 $0x1082;
	[sflag:s4] =	ssyncset.s32 $0xFFFFF086  }
0x25: {  	[simem:s6], [sflag:s4] =	dma.local [hbm:s3], $0xF7A  }
0x26: {  	[smem:$0x3F90] =	sst s1;
	(tag) =	ssettag s2;
	_ =	strace s9  }
0x27: {  	s1 =	sld [smem:$0x3FA0]  }
0x28: {  	s2 =	sld [smem:$0x3FA1]  }
0x29: {  	s4 =	sld [smem:$0x3FA3]  }
0x2a: {  	p0 =	seq.s32 s5, $0x0;
	s5 =	sld [smem:$0x3FA4]  }
0x2b: {  	s6 =	sld [smem:$0x3FA5]  }
0x2c: {  	s7 =	sld [smem:$0x3FA6]  }
0x2d: {  	s3 =	simm.s32 $0x108;
	s8 =	sld [smem:$0x3FA7]  }
0x2e: {  	s3 =	simm.s32 @!p0 $0x1082;
	s9 =	sld [smem:$0x3FA8]  }
0x2f: {  	lr =	sadd.s32 s0, s3;
	s0 =	sld [smem:$0x3F9F]  }
0x30: {  	s3 =	sld [smem:$0x3FA2]  }
0x31: {  	[smem:$0x3FAB] =	sst s10  }
0x32: {  	s10 =	sld [smem:$0x3FA9];
	_ =	sdelay $0x3  }
0x33: {  	p0 =	seq.s32 s10, $0x1;
	s10 =	sld [smem:$0x3FAB];
	_ =	sdelay $0x3  }
0x34: {  	[smem:$0x3FAB] =	sst s10  }
0x35: {  	s10 =	sld [smem:$0x3FAA];
	_ =	sdelay $0x3  }
0x36: {  	p1 =	seq.s32 s10, $0x1;
	s10 =	sld [smem:$0x3FAB];
	_ =	sdelay $0x3  }
0x37: {  	[smem:$0x3FAB] =	sst s10  }
0x38: {  	s10 =	sld [smem:$0x3FAC]  }
0x39: {  	_ = 	snop;
	(pc) =	sbr.ind lr, $3  }
0x3a: {  	_ = 	snop  }
0x3b: {  	_ = 	snop  }
0x3c: {  	p2 =	seq.s32 s10, $0x1;
	s10 =	sld [smem:$0x3FAB]  }
0x3d: {  	_ =	shalt  }
0x3e: {  	_ =	shalt  }
0x3f: {  	_ =	shalt  }
0x40: {  	_ =	shalt  }
0x41: {  	_ =	shalt  }
0x42: {  	_ =	shalt  }
0x43: {  	_ =	shalt  }
0x44: {  	_ =	shalt  }
0x45: {  	_ =	shalt  }
0x46: {  	_ =	shalt  }
0x47: {  	_ =	shalt  }
0x48: {  	_ =	shalt  }
0x49: {  	_ =	shalt  }
0x4a: {  	_ =	shalt  }
0x4b: {  	_ =	shalt  }
0x4c: {  	_ =	shalt  }
0x4d: {  	_ =	shalt  }
0x4e: {  	_ =	shalt  }
0x4f: {  	_ =	shalt  }
0x50: {  	_ =	shalt  }
0x51: {  	_ =	shalt  }
0x52: {  	_ =	shalt  }
0x53: {  	_ =	shalt  }
0x54: {  	_ =	shalt  }
0x55: {  	_ =	shalt  }
0x56: {  	_ =	shalt  }
0x57: {  	_ =	shalt  }
0x58: {  	_ =	shalt  }
0x59: {  	_ =	shalt  }
0x5a: {  	_ =	shalt  }
0x5b: {  	_ =	shalt  }
0x5c: {  	_ =	shalt  }
0x5d: {  	_ =	shalt  }
0x5e: {  	_ =	shalt  }
0x5f: {  	_ =	shalt  }
0x60: {  	_ =	shalt  }
0x61: {  	_ =	shalt  }
0x62: {  	_ =	shalt  }
0x63: {  	_ =	shalt  }
0x64: {  	_ =	shalt  }
0x65: {  	_ =	shalt  }
0x66: {  	_ =	shalt  }
0x67: {  	_ =	shalt  }
0x68: {  	_ =	shalt  }
0x69: {  	_ =	shalt  }
0x6a: {  	_ =	shalt  }
0x6b: {  	_ =	shalt  }
0x6c: {  	_ =	shalt  }
0x6d: {  	_ =	shalt  }
0x6e: {  	_ =	shalt  }
0x6f: {  	_ =	shalt  }
0x70: {  	_ =	shalt  }
0x71: {  	_ =	shalt  }
0x72: {  	_ =	shalt  }
0x73: {  	_ =	shalt  }
0x74: {  	_ =	shalt  }
0x75: {  	_ =	shalt  }
0x76: {  	_ =	shalt  }
0x77: {  	_ =	shalt  }
0x78: {  	_ =	shalt  }
0x79: {  	_ =	shalt  }
0x7a: {  	_ =	shalt  }
0x7b: {  	_ =	shalt  }
0x7c: {  	_ =	shalt  }
0x7d: {  	_ =	shalt  }
0x7e: {  	_ =	shalt  }
0x7f: {  	_ =	shalt  }
0x80: {  	_ =	shalt  }
0x81: {  	_ =	shalt  }
0x82: {  	_ =	shalt  }
0x83: {  	_ =	shalt  }
0x84: {  	_ =	shalt  }
0x85: {  	_ =	shalt  }
0x86: {  	_ =	shalt  }
0x87: {  	_ =	shalt  }
.Lfunc_end0:
.L_simem_size_0:
called_computation.2_lowered:
.L_overlay_start_0:
0x88: {  	s2 =	sld [smem:$0x3FD9]  }
0x89: {  	s3 =	sld [smem:$0x3FFE];
	_ =	sdelay $0x1  }
0x8a: {  	s1 =	srdreg.scid  }
0x8b: {  	s0 =	sand.u32 $0x1, s1  }
0x8c: {  	s16 =	sshll.u32 s0, $0xA;
	s2 =	sadd.s32 s3, s2  }
0x8d: {  	s2 =	sadd.s32 s2, s16  }
0x8e: {  	[smem:$0x3FB7] =	sst s2  }
0x8f: {  	_ = 	snop  }
0x90: {  	(tm) =	ssettm $0x1  }
0x91: {  	s17 =	sld [smem:$0x3FFB];
	_ =	sdelay $0x3  }
0x92: {  	_ =	strace s17  }
0x93: {  	s2 =	sld [smem:$0x3FFC];
	_ =	sdelay $0x3  }
0x94: {  	_ =	strace s2  }
0x95: {  	s2 =	sld [smem:$0x3FFD];
	_ =	sdelay $0x3  }
0x96: {  	_ =	strace s2  }
0x97: {  	_ =	strace $0x8FFFFFFF  }
0x98: {  	s18 =	sld [smem:$0x3FDB];
	_ =	sdelay $0x1  }
0x99: {  	s19 =	simm.s32 $_scs_section_size  }
0x9a: {  	s4 =	simm.s32 $_size__tile_overlayer_lowered;
	s5 =	simm.s32 $_tile_overlayer_lowered  }
0x9b: {  	s22 =	simm.s32 $0x1BFF;
	s21 =	sshll.u32 s5, $0x1;
	s2 =	sadd.s32 s19, s18  }
0x9c: {  	s6 =	simm.s32 $0x0;
	s20 =	sshll.u32 s4, $0x1;
	s4 =	sadd.s32 s21, s2  }
0x9d: {  	[timem:s6], [sflag:s22] =	dma.local [hbm:s4], s20  }
0x9e: {  	_ =	swait.ge [sflag:s22], s20  }
0x9f: {  	s3 =	ssub.s32 $0x0, s20;
	[sflag:s22] =	ssyncset.done $0x0  }
0xa0: {  	[sflag:s22] =	ssyncadd.s32 s3;
	_ =	sdelay $0x1  }
0xa1: {  	s23 =	simm.s32 $0x1B8B  }
0xa2: {  	_ =	swait.ge [sflag:s23], $0x1  }
0xa3: {  	[sflag:s23] =	ssyncset.done $0x0  }
0xa4: {  	s25 =	simm.s32 $0x1B8E;
	s24 =	sld [smem:$0x3FFE];
	[sflag:s23] =	ssyncadd.s32 $0xFFFFFFFF  }
0xa5: {  	s26 =	simm.s32 $execute0_lowered;
	[smem:$0x3FD2] =	sst s25  }
0xa6: {  	s4 =	sshll.u32 s26, $0x1;
	_ =	strace $0x8000004C;
	[dreg:$0x1] =	wrdreg $0xFFFFFFFF  }
0xa7: {  	s28 =	simm.s32 $_size_execute0_lowered;
	s2 =	sadd.s32 s2, s4;
	[dreg:$0x0] =	wrdreg $0x0  }
0xa8: {  	s4 =	sshll.u32 s28, $0x1;
	[dreg:$0x2] =	wrdreg s2  }
0xa9: {  	[dreg:$0x3] =	wrdreg s4  }
0xaa: {  	[dreg:$0x4] =	wrdreg $0xC0  }
0xab: {  	_ =	task [dreg:s6], $0x5FFFF  }
0xac: {  	[dreg:$0x1] =	wrdreg $0xFFFFFFFF  }
0xad: {  	[dreg:$0x0] =	wrdreg $0x60  }
0xae: {  	[dreg:$0x2] =	wrdreg s24  }
0xaf: {  	[dreg:$0x3] =	wrdreg $0xEF800  }
0xb0: {  	[dreg:$0x4] =	wrdreg $0x9  }
0xb1: {  	_ =	task.clear_ibuf [dreg:s6], $0x5FFFF;
	_ =	strace $0x9000004C  }
0xb2: {  	s29 =	simm.s32 $0x9;
	_ =	strace $0x8000004E  }
0xb3: {  	_ =	swait.ge [sflag:s29], $0x1  }
0xb4: {  	[sflag:s29] =	ssyncadd.s32 $0xFFFFFFFF  }
0xb5: {  	_ =	strace $0x9000004E  }
0xb6: {  	_ =	sfence  }
0xb7: {  	s30 =	sld [smem:$0x0];
	_ =	sdelay $0x2  }
0xb8: {  	s31 =	sshll.u32 s1, $0xD;
	s1 =	sshrl.u32 s1, $0x2  }
0xb9: {  	s3 =	sand.u32 $0x4000, s31;
	s1 =	sadd.s32 s1, s30  }
0xba: {  	s0 =	sor.u32 s3, s0;
	s1 =	sshll.u32 s1, $0x11  }
0xbb: {  	s0 =	sor.u32 s1, s0  }
0xbc: {  	s0 =	sadd.s32 $0x8F2B, s0  }
0xbd: {  	[sflag:s0] =	ssyncadd.remote.s32 $0x1  }
0xbe: {  	_ =	sfence.sel $0xFFFF  }
0xbf: {  	[dreg:$0x0] =	wrdreg $0xFFFFFFFF;
	(pc) =	sbr.abs _section_cstart, $3  }
0xc0: {  	[dreg:$0x1] =	wrdreg $0xFFFFFFFF  }
0xc1: {  	_ =	task.clear_ibuf [dreg:s6], $0x2FFFF;
	_ =	strace $0x9FFFFFFF  }
0xc2: {  	(tm) =	ssettm $0x7FFFFFFF  }
0xc3: {  	_ =	shalt  }
tec
execute0_lowered:
.L_overlay_start_1:
0x0: {  	(tag) =	ssettag $0x1  }
0x1: {  	s0 =	srdreg.scid  }
0x2: {  	s3 =	rddreg [dreg:$0x0];
	s7 =	stileid.u32  }
0x3: {  	s1 =	rddreg [dreg:$0x1];
	s2 =	simm.s32 $0x0;
	s13 =	simm.s32 $0x1  }
0x4: {  	s14 =	simm.s32 $0x8B80;
	s15 =	simm.s32 $0x2;
	s16 =	simm.s32 $0x3  }
0x5: {  	s17 =	simm.s32 $0x4;
	s18 =	simm.s32 $0x0;
	s4 =	sand.u32 $0x1, s0  }
0x6: {  	[smem:$0x7FF] =	sst s2;
	s11 =	sadd.s32 $0x80400, s3;
	s30 =	smul.u32 $0x27100, s7  }
0x7: {  	p0 =	sne.s32 s7, $0x0;
	s0 =	sshll.u32 s4, $0x4;
	s5 =	smul.u32 $0x12000, s4  }
0x8: {  	s9 =	ssub.s32 $0x2, s4;
	s12 =	smul.u32 $0x271000, s4;
	s6 =	sor.u32 s7, s0  }
0x9: {  	s0 =	rddreg [dreg:$0x2];
	_ =	strace $0x8000004D;
	s8 =	smul.u32 $0x2710, s6  }
0xa: {  	s29 =	sshrl.u32 s9, $0x1;
	s5 =	sadd.s32 s5, s3;
	s10 =	smul.u32 $0x27100, s6  }
0xb: {  	s6 =	smul.u32 $0x138800, s6;
	s9 =	ssub.s32 s9, s29;
	s31 =	sadd.s32 s12, s11  }
0xc: {  	s12 =	simm.s32 $0x2780;
	s7 =	smax.u32 s9, $0x1;
	s8 =	sshrl.u32 s8, $0x3  }
0xd: {  	s9 =	sshrl.u32 @!p0 s1, $0x3;
	s6 =	sshrl.u32 s6, $0x3;
	s8 =	sadd.s32 s8, s3  }
0xe: {  	s3 =	sadd.s32 $0x3A600, s5;
	s5 =	sadd.s32 s11, s10;
	s6 =	sadd.s32 s11, s6  }
0xf: {  	s10 =	simm.s32 $0x5;
	s4 =	sadd.s32 $0x76600, s8;
	s8 =	sadd.s32 s30, s31  }
0x10: {  	s11 =	simm.s32 $0xC8;
	s6 =	sadd.s32 $0x26480, s6;
	s8 =	sadd.s32 $0xC80, s8  }
.LBB2_1:
0x11: {  	s19 =	simm.s32 @!p0 $0x1C05  }
0x12: {  	[spmem:s9], [sflag:s19] =	dma.local @!p0 [hbm:s3], $0x16000  }
0x13: {  	s19 =	simm.s32 @!p0 $0x5  }
0x14: {  	_ =	swait.ge @!p0 [sflag:s19], $0x16000  }
0x15: {  	[sflag:s19] =	ssyncset.done @!p0 $0x0  }
0x16: {  	[sflag:s19] =	ssyncadd.s32 @!p0 $0xFFFEA000  }
0x17: {  	[bflag:$0x0] =	sbarrier.arrive $0xFFFF  }
0x18: {  	[tilespmem:s2], [sflag:$0x5] =	stream.linear.gather [hbm4b:s4+s2], $0x2710, $0x38;
	[tilespmem:$0x19F80] =	vst v63  }
0x19: {  	_ =	swait.ge [sflag:s10], $0x2710  }
0x1a: {  	[sflag:s10] =	ssyncset.done $0x0  }
0x1b: {  	[sflag:s10] =	ssyncadd.s32 $0xFFFFD8F0  }
0x1c: {  	[tilespmem:s12], [sflag:$0x1] =	stream.indirect.gather [spmem:s1], $0x80, s2, s11, $0xb8;
	[tilespmem:$0x19F80] =	vst v63  }
0x1d: {  	_ =	swait.ge [sflag:s13], $0x6400  }
0x1e: {  	[sflag:s13] =	ssyncset.done $0x0  }
0x1f: {  	[sflag:s13] =	ssyncadd.s32 $0xFFFF9C00  }
0x20: {  	[hbm4b:s5+s2] =	stream.linear.scatter [tilespmem:s12], [sflag:$0x3], $0x6400, $0x38;
	[tilespmem:$0x19F80] =	vst v63  }
0x21: {  	_ = 	snop  }
0x22: {  	[tilespmem:s14], [sflag:$0x2] =	stream.indirect.gather [spmem:s1], $0x80, s11, s11, $0xb8;
	[tilespmem:$0x19F80] =	vst v63  }
0x23: {  	_ =	swait.ge [sflag:s15], $0x6400  }
0x24: {  	[sflag:s15] =	ssyncset.done $0x0  }
0x25: {  	[sflag:s15] =	ssyncadd.s32 $0xFFFF9C00  }
0x26: {  	[hbm4b:s8+s2] =	stream.linear.scatter [tilespmem:s14], [sflag:$0x4], $0x6400, $0x38;
	[tilespmem:$0x19F80] =	vst v63  }
0x27: {  	_ =	swait.ge [sflag:s16], $0x6400  }
0x28: {  	[sflag:s16] =	ssyncset.done $0x0  }
0x29: {  	s30 =	simm.s32 $0x190;
	[sflag:s16] =	ssyncadd.s32 $0xFFFF9C00  }
0x2a: {  	[tilespmem:s12], [sflag:$0x1] =	stream.indirect.gather [spmem:s1], $0x80, s30, s11, $0xb8;
	[tilespmem:$0x19F80] =	vst v63  }
0x2b: {  	_ =	swait.ge [sflag:s13], $0x6400  }
0x2c: {  	[sflag:s13] =	ssyncset.done $0x0  }
0x2d: {  	s31 =	sadd.s32 $0xC80, s8;
	[sflag:s13] =	ssyncadd.s32 $0xFFFF9C00  }
0x2e: {  	[hbm4b:s31+s2] =	stream.linear.scatter [tilespmem:s12], [sflag:$0x3], $0x6400, $0x38;
	[tilespmem:$0x19F80] =	vst v63  }
0x2f: {  	_ =	swait.ge [sflag:s17], $0x6400  }
0x30: {  	s21 =	simm.s32 $0x258;
	[sflag:s17] =	ssyncset.done $0x0  }
0x31: {  	s20 =	sadd.s32 $0x1900, s8;
	s19 =	simm.s32 $0x640;
	[sflag:s17] =	ssyncadd.s32 $0xFFFF9C00  }
.LBB2_2:
0x32: {  	[tilespmem:s14], [sflag:$0x2] =	stream.indirect.gather [spmem:s1], $0x80, s21, s11, $0xb8;
	[tilespmem:$0x19F80] =	vst v63  }
0x33: {  	s21 =	smov.u32 s19  }
0x34: {  	p1 =	sne.s32 s19, $0x8FC0;
	s19 =	sadd.s32 $0x640, s19;
	_ =	swait.ge [sflag:s15], $0x6400  }
0x35: {  	[sflag:s15] =	ssyncset.done $0x0  }
0x36: {  	[sflag:s15] =	ssyncadd.s32 $0xFFFF9C00  }
0x37: {  	[hbm4b:s20+s2] =	stream.linear.scatter [tilespmem:s14], [sflag:$0x4], $0x6400, $0x38;
	[tilespmem:$0x19F80] =	vst v63  }
0x38: {  	_ =	swait.ge [sflag:s16], $0x6400  }
0x39: {  	s21 =	sshra.s32 s21, $0x2;
	[sflag:s16] =	ssyncset.done $0x0  }
0x3a: {  	s22 =	sadd.s32 $0x190, s21;
	[sflag:s16] =	ssyncadd.s32 $0xFFFF9C00  }
0x3b: {  	[tilespmem:s12], [sflag:$0x1] =	stream.indirect.gather [spmem:s1], $0x80, s22, s11, $0xb8;
	[tilespmem:$0x19F80] =	vst v63  }
0x3c: {  	_ =	swait.ge [sflag:s13], $0x6400  }
0x3d: {  	[sflag:s13] =	ssyncset.done $0x0  }
.Ltmp0:
0x3e: {  	s22 =	sadd.s32 $0xC80, s20;
	[sflag:s13] =	ssyncadd.s32 $0xFFFF9C00;
	(pc) =	sbr.rel @p1 .LBB2_2-.Ltmp0, $4  }
0x3f: {  	[hbm4b:s22+s2] =	stream.linear.scatter [tilespmem:s12], [sflag:$0x3], $0x6400, $0x38;
	[tilespmem:$0x19F80] =	vst v63  }
0x40: {  	_ =	swait.ge [sflag:s17], $0x6400  }
0x41: {  	[sflag:s17] =	ssyncset.done $0x0  }
0x42: {  	s21 =	sadd.s32 $0x258, s21;
	s20 =	sadd.s32 $0x1900, s20;
	[sflag:s17] =	ssyncadd.s32 $0xFFFF9C00  }
0x43: {  	[tilespmem:s14], [sflag:$0x2] =	stream.indirect.gather [spmem:s1], $0x80, s21, s11, $0xb8;
	[tilespmem:$0x19F80] =	vst v63  }
0x44: {  	_ =	swait.ge [sflag:s15], $0x6400  }
0x45: {  	[sflag:s15] =	ssyncset.done $0x0  }
0x46: {  	s18 =	sadd.s32 $0x1, s18;
	[sflag:s15] =	ssyncadd.s32 $0xFFFF9C00  }
0x47: {  	[hbm4b:s6+s2] =	stream.linear.scatter [tilespmem:s14], [sflag:$0x4], $0x6400, $0x38;
	[tilespmem:$0x19F80] =	vst v63  }
0x48: {  	p1 =	sne.s32 s18, s7;
	_ =	swait.ge [sflag:s16], $0x6400  }
.Ltmp1:
0x49: {  	[sflag:s16] =	ssyncset.done $0x0;
	(pc) =	sbr.rel @p1 .LBB2_1-.Ltmp1, $4  }
0x4a: {  	[sflag:s16] =	ssyncadd.s32 $0xFFFF9C00  }
0x4b: {  	_ =	swait.ge [sflag:s17], $0x6400  }
0x4c: {  	[sflag:s17] =	ssyncset.done $0x0  }
0x4d: {  	[sflag:s17] =	ssyncadd.s32 $0xFFFF9C00  }
0x4e: {  	_ =	sfence.sel $0x180000  }
0x4f: {  	[bflag:$0x0] =	sbarrier.arrive $0xFFFF  }
0x50: {  	_ =	strace $0x9000004D  }
0x51: {  	s0 =	sadd.s32 @!p0 $0x100000, s0;
	[bflag:$0x2] =	sbarrier.arrive $0xFFFF  }
0x52: {  	[sflag:s0] =	ssyncadd.tile.s32 @!p0 $0x1;
	_ =	shalt  }
.Lfunc_end2:
_tile_overlayer_lowered:
.L_overlay_start_2:
0x53: {  	(tag) =	ssettag $0x2  }
0x54: {  	s0 =	rddreg [dreg:$0x0];
	s2 =	stileid.u32  }
0x55: {  	s1 =	rddreg [dreg:$0x1];
	p0 =	sne.s32 s2, $0x0  }
0x56: {  	s3 =	rddreg [dreg:$0x2];
	[bflag:$0x3] =	sbarrier.arrive $0xFFFF;
	s2 =	simm.s32 @!p0 $0x1C05  }
0x57: {  	[timem:s3], [sflag:s2] =	dma.local @!p0 [hbm:s0], s1  }
0x58: {  	s0 =	simm.s32 @!p0 $0x5  }
0x59: {  	_ =	swait.ge @!p0 [sflag:s0], s1  }
0x5a: {  	s1 =	ssub.s32 @!p0 $0x0, s1;
	[sflag:s0] =	ssyncset.done @!p0 $0x0  }
0x5b: {  	[sflag:s0] =	ssyncadd.s32 @!p0 s1  }
0x5c: {  	[bflag:$0x3] =	sbarrier.arrive $0xFFFF  }
0x5d: {  	_ =	shalt  }

// kernel: kernel.25.cloned.1.call-start
scs
__scs_entry_jumppad:
0x0: {  	(pc) =	sbr.rel $0x88, $3  }
0x1: {  	(tag) =	ssettag $0x0;
	lr =	simm.s32 $0x1  }
0x2: {  	[smem:$0x3F90] =	sst lr;
	_ =	strace $0xD0000000  }
0x3: {  	_ = 	snop  }
0x4: {  	_ = 	snop  }
0x5: {  	_ = 	snop  }
0x6: {  	_ = 	snop  }
0x7: {  	_ = 	snop  }
__scs_overlays_trampoline_lowered:
0x8: {  	[smem:$0x3F9F] =	sst s0  }
0x9: {  	[smem:$0x3FA0] =	sst s1  }
0xa: {  	[smem:$0x3FA1] =	sst s2  }
0xb: {  	[smem:$0x3FA2] =	sst s3  }
0xc: {  	[smem:$0x3FA3] =	sst s4  }
0xd: {  	[smem:$0x3FA4] =	sst s5  }
0xe: {  	[smem:$0x3FA5] =	sst s6  }
0xf: {  	[smem:$0x3FA6] =	sst s7  }
0x10: {  	[smem:$0x3FA7] =	sst s8  }
0x11: {  	[smem:$0x3FA8] =	sst s9;
	s0 =	simm.s32 @!p0 $0x0  }
0x12: {  	s1 =	sld [smem:$0x3F8E];
	s0 =	simm.s32 @p0 $0x1  }
0x13: {  	[smem:$0x3FA9] =	sst s0;
	s0 =	simm.s32 @!p1 $0x0  }
0x14: {  	s2 =	sld [smem:$0x3F8D];
	s0 =	simm.s32 @p1 $0x1  }
0x15: {  	[smem:$0x3FAA] =	sst s0;
	s0 =	simm.s32 @!p2 $0x0  }
0x16: {  	s3 =	sld [smem:$0x3FDB];
	s0 =	simm.s32 @p2 $0x1  }
0x17: {  	s4 =	simm.s32 $0x1BF5;
	[smem:$0x3FAC] =	sst s0  }
0x18: {  	s0 =	sld [smem:$0x3F8F];
	_ =	swait.ge [sflag:s4], $0x0  }
0x19: {  	s7 =	sld [smem:$0x3F90]  }
0x1a: {  	s8 =	sadd.s32 $0xFFFFE003, lr  }
0x1b: {  	s9 =	sadd.s32 $0xFFFFFEF7, lr;
	s5 =	simm.s32 $0xFFFFFFFF;
	p2 =	slt.u32 s8, $0xFFFFF086  }
0x1c: {  	p1 =	slt.u32 s9, $0xF7A;
	s5 =	simm.s32 @!p2 $0x0  }
0x1d: {  	s5 =	simm.s32 @p1 $0x1;
	p0 =	seq.s32 s7, s2  }
0x1e: {  	s7 =	smul.u32 @!p0 $0xF7A, s2;
	p2 =	seq.s32 @!p0 s5, $0x0  }
0x1f: {  	s9 =	smul.u32 $0xF7A, s1;
	s8 =	simm.s32 @!p0 $0x1BF5;
	p2 =	por !p2, p0  }
0x20: {  	[sflag:s8] =	ssyncset.s32 @!p0 $0xFFFFF086;
	s6 =	sadd.s32 @!p0 s3, s7;
	s7 =	simm.s32 @!p0 $0x108  }
0x21: {  	s3 =	sadd.s32 s3, s9;
	s6 =	sadd.s32 @!p0 $0x88, s6;
	s7 =	simm.s32 @p2 $0x1082  }
0x22: {  	[simem:s7], [sflag:s8] =	dma.local @!p0 [hbm:s6], $0xF7A  }
0x23: {  	s9 =	sor.u32 $0xD0000000, s2;
	s6 =	simm.s32 $0x108;
	_ =	swait.ge @!p0 [sflag:s8], $0x0  }
0x24: {  	s3 =	sadd.s32 $0x88, s3;
	s6 =	simm.s32 @!p1 $0x1082;
	[sflag:s4] =	ssyncset.s32 $0xFFFFF086  }
0x25: {  	[simem:s6], [sflag:s4] =	dma.local [hbm:s3], $0xF7A  }
0x26: {  	[smem:$0x3F90] =	sst s1;
	(tag) =	ssettag s2;
	_ =	strace s9  }
0x27: {  	s1 =	sld [smem:$0x3FA0]  }
0x28: {  	s2 =	sld [smem:$0x3FA1]  }
0x29: {  	s4 =	sld [smem:$0x3FA3]  }
0x2a: {  	p0 =	seq.s32 s5, $0x0;
	s5 =	sld [smem:$0x3FA4]  }
0x2b: {  	s6 =	sld [smem:$0x3FA5]  }
0x2c: {  	s7 =	sld [smem:$0x3FA6]  }
0x2d: {  	s3 =	simm.s32 $0x108;
	s8 =	sld [smem:$0x3FA7]  }
0x2e: {  	s3 =	simm.s32 @!p0 $0x1082;
	s9 =	sld [smem:$0x3FA8]  }
0x2f: {  	lr =	sadd.s32 s0, s3;
	s0 =	sld [smem:$0x3F9F]  }
0x30: {  	s3 =	sld [smem:$0x3FA2]  }
0x31: {  	[smem:$0x3FAB] =	sst s10  }
0x32: {  	s10 =	sld [smem:$0x3FA9];
	_ =	sdelay $0x3  }
0x33: {  	p0 =	seq.s32 s10, $0x1;
	s10 =	sld [smem:$0x3FAB];
	_ =	sdelay $0x3  }
0x34: {  	[smem:$0x3FAB] =	sst s10  }
0x35: {  	s10 =	sld [smem:$0x3FAA];
	_ =	sdelay $0x3  }
0x36: {  	p1 =	seq.s32 s10, $0x1;
	s10 =	sld [smem:$0x3FAB];
	_ =	sdelay $0x3  }
0x37: {  	[smem:$0x3FAB] =	sst s10  }
0x38: {  	s10 =	sld [smem:$0x3FAC]  }
0x39: {  	_ = 	snop;
	(pc) =	sbr.ind lr, $3  }
0x3a: {  	_ = 	snop  }
0x3b: {  	_ = 	snop  }
0x3c: {  	p2 =	seq.s32 s10, $0x1;
	s10 =	sld [smem:$0x3FAB]  }
0x3d: {  	_ =	shalt  }
0x3e: {  	_ =	shalt  }
0x3f: {  	_ =	shalt  }
0x40: {  	_ =	shalt  }
0x41: {  	_ =	shalt  }
0x42: {  	_ =	shalt  }
0x43: {  	_ =	shalt  }
0x44: {  	_ =	shalt  }
0x45: {  	_ =	shalt  }
0x46: {  	_ =	shalt  }
0x47: {  	_ =	shalt  }
0x48: {  	_ =	shalt  }
0x49: {  	_ =	shalt  }
0x4a: {  	_ =	shalt  }
0x4b: {  	_ =	shalt  }
0x4c: {  	_ =	shalt  }
0x4d: {  	_ =	shalt  }
0x4e: {  	_ =	shalt  }
0x4f: {  	_ =	shalt  }
0x50: {  	_ =	shalt  }
0x51: {  	_ =	shalt  }
0x52: {  	_ =	shalt  }
0x53: {  	_ =	shalt  }
0x54: {  	_ =	shalt  }
0x55: {  	_ =	shalt  }
0x56: {  	_ =	shalt  }
0x57: {  	_ =	shalt  }
0x58: {  	_ =	shalt  }
0x59: {  	_ =	shalt  }
0x5a: {  	_ =	shalt  }
0x5b: {  	_ =	shalt  }
0x5c: {  	_ =	shalt  }
0x5d: {  	_ =	shalt  }
0x5e: {  	_ =	shalt  }
0x5f: {  	_ =	shalt  }
0x60: {  	_ =	shalt  }
0x61: {  	_ =	shalt  }
0x62: {  	_ =	shalt  }
0x63: {  	_ =	shalt  }
0x64: {  	_ =	shalt  }
0x65: {  	_ =	shalt  }
0x66: {  	_ =	shalt  }
0x67: {  	_ =	shalt  }
0x68: {  	_ =	shalt  }
0x69: {  	_ =	shalt  }
0x6a: {  	_ =	shalt  }
0x6b: {  	_ =	shalt  }
0x6c: {  	_ =	shalt  }
0x6d: {  	_ =	shalt  }
0x6e: {  	_ =	shalt  }
0x6f: {  	_ =	shalt  }
0x70: {  	_ =	shalt  }
0x71: {  	_ =	shalt  }
0x72: {  	_ =	shalt  }
0x73: {  	_ =	shalt  }
0x74: {  	_ =	shalt  }
0x75: {  	_ =	shalt  }
0x76: {  	_ =	shalt  }
0x77: {  	_ =	shalt  }
0x78: {  	_ =	shalt  }
0x79: {  	_ =	shalt  }
0x7a: {  	_ =	shalt  }
0x7b: {  	_ =	shalt  }
0x7c: {  	_ =	shalt  }
0x7d: {  	_ =	shalt  }
0x7e: {  	_ =	shalt  }
0x7f: {  	_ =	shalt  }
0x80: {  	_ =	shalt  }
0x81: {  	_ =	shalt  }
0x82: {  	_ =	shalt  }
0x83: {  	_ =	shalt  }
0x84: {  	_ =	shalt  }
0x85: {  	_ =	shalt  }
0x86: {  	_ =	shalt  }
0x87: {  	_ =	shalt  }
.Lfunc_end0:
.L_simem_size_0:
called_computation.3_lowered:
.L_overlay_start_0:
0x88: {  	s2 =	sld [smem:$0x3FD9]  }
0x89: {  	s3 =	sld [smem:$0x3FFE];
	_ =	sdelay $0x1  }
0x8a: {  	s1 =	srdreg.scid  }
0x8b: {  	s0 =	sand.u32 $0x1, s1  }
0x8c: {  	s16 =	sshll.u32 s0, $0xA;
	s2 =	sadd.s32 s3, s2  }
0x8d: {  	s2 =	sadd.s32 s2, s16  }
0x8e: {  	[smem:$0x3FB7] =	sst s2  }
0x8f: {  	_ = 	snop  }
0x90: {  	(tm) =	ssettm $0x1  }
0x91: {  	s17 =	sld [smem:$0x3FFB];
	_ =	sdelay $0x3  }
0x92: {  	_ =	strace s17  }
0x93: {  	s2 =	sld [smem:$0x3FFC];
	_ =	sdelay $0x3  }
0x94: {  	_ =	strace s2  }
0x95: {  	s2 =	sld [smem:$0x3FFD];
	_ =	sdelay $0x3  }
0x96: {  	_ =	strace s2  }
0x97: {  	_ =	strace $0x8FFFFFFF  }
0x98: {  	s18 =	sld [smem:$0x3FDB];
	_ =	sdelay $0x1  }
0x99: {  	s19 =	simm.s32 $_scs_section_size  }
0x9a: {  	s4 =	simm.s32 $_size__tile_overlayer_lowered;
	s5 =	simm.s32 $_tile_overlayer_lowered  }
0x9b: {  	s22 =	simm.s32 $0x1BFF;
	s21 =	sshll.u32 s5, $0x1;
	s2 =	sadd.s32 s19, s18  }
0x9c: {  	s6 =	simm.s32 $0x0;
	s20 =	sshll.u32 s4, $0x1;
	s4 =	sadd.s32 s21, s2  }
0x9d: {  	[timem:s6], [sflag:s22] =	dma.local [hbm:s4], s20  }
0x9e: {  	_ =	swait.ge [sflag:s22], s20  }
0x9f: {  	s3 =	ssub.s32 $0x0, s20;
	[sflag:s22] =	ssyncset.done $0x0  }
0xa0: {  	[sflag:s22] =	ssyncadd.s32 s3;
	_ =	sdelay $0x1  }
0xa1: {  	s23 =	simm.s32 $0x1B8B  }
0xa2: {  	_ =	swait.ge [sflag:s23], $0x1  }
0xa3: {  	[sflag:s23] =	ssyncset.done $0x0  }
0xa4: {  	s25 =	simm.s32 $0x1B8E;
	s24 =	sld [smem:$0x3FFE];
	[sflag:s23] =	ssyncadd.s32 $0xFFFFFFFF  }
0xa5: {  	s26 =	simm.s32 $execute0_lowered;
	[smem:$0x3FD2] =	sst s25  }
0xa6: {  	s4 =	sshll.u32 s26, $0x1;
	_ =	strace $0x8000004F;
	[dreg:$0x1] =	wrdreg $0xFFFFFFFF  }
0xa7: {  	s28 =	simm.s32 $_size_execute0_lowered;
	s2 =	sadd.s32 s2, s4;
	[dreg:$0x0] =	wrdreg $0x0  }
0xa8: {  	s4 =	sshll.u32 s28, $0x1;
	[dreg:$0x2] =	wrdreg s2  }
0xa9: {  	[dreg:$0x3] =	wrdreg s4  }
0xaa: {  	[dreg:$0x4] =	wrdreg $0xC0  }
0xab: {  	_ =	task [dreg:s6], $0x5FFFF  }
0xac: {  	[dreg:$0x1] =	wrdreg $0xFFFFFFFF  }
0xad: {  	[dreg:$0x0] =	wrdreg $0x60  }
0xae: {  	[dreg:$0x2] =	wrdreg s24  }
0xaf: {  	[dreg:$0x3] =	wrdreg $0xEF800  }
0xb0: {  	[dreg:$0x4] =	wrdreg $0x9  }
0xb1: {  	_ =	task.clear_ibuf [dreg:s6], $0x5FFFF;
	_ =	strace $0x9000004F  }
0xb2: {  	s29 =	simm.s32 $0x9;
	_ =	strace $0x80000051  }
0xb3: {  	_ =	swait.ge [sflag:s29], $0x1  }
0xb4: {  	[sflag:s29] =	ssyncadd.s32 $0xFFFFFFFF  }
0xb5: {  	_ =	strace $0x90000051  }
0xb6: {  	_ =	sfence  }
0xb7: {  	s30 =	sld [smem:$0x0];
	_ =	sdelay $0x2  }
0xb8: {  	s31 =	sshll.u32 s1, $0xD;
	s1 =	sshrl.u32 s1, $0x2  }
0xb9: {  	s3 =	sand.u32 $0x4000, s31;
	s1 =	sadd.s32 s1, s30  }
0xba: {  	s0 =	sor.u32 s3, s0;
	s1 =	sshll.u32 s1, $0x11  }
0xbb: {  	s0 =	sor.u32 s1, s0  }
0xbc: {  	s0 =	sadd.s32 $0x8F2B, s0  }
0xbd: {  	[sflag:s0] =	ssyncadd.remote.s32 $0x1  }
0xbe: {  	_ =	sfence.sel $0xFFFF  }
0xbf: {  	[dreg:$0x0] =	wrdreg $0xFFFFFFFF;
	(pc) =	sbr.abs _section_cstart, $3  }
0xc0: {  	[dreg:$0x1] =	wrdreg $0xFFFFFFFF  }
0xc1: {  	_ =	task.clear_ibuf [dreg:s6], $0x2FFFF;
	_ =	strace $0x9FFFFFFF  }
0xc2: {  	(tm) =	ssettm $0x7FFFFFFF  }
0xc3: {  	_ =	shalt  }
tec
execute0_lowered:
.L_overlay_start_1:
0x0: {  	(tag) =	ssettag $0x1  }
0x1: {  	s0 =	srdreg.scid  }
0x2: {  	s3 =	rddreg [dreg:$0x0];
	s7 =	stileid.u32  }
0x3: {  	s1 =	rddreg [dreg:$0x1];
	s2 =	simm.s32 $0x0;
	s13 =	simm.s32 $0x1  }
0x4: {  	s14 =	simm.s32 $0x8B80;
	s15 =	simm.s32 $0x2;
	s16 =	simm.s32 $0x3  }
0x5: {  	s17 =	simm.s32 $0x4;
	s18 =	simm.s32 $0x0;
	s4 =	sand.u32 $0x1, s0  }
0x6: {  	[smem:$0x7FF] =	sst s2;
	s11 =	sadd.s32 $0x80400, s3;
	s30 =	smul.u32 $0x27100, s7  }
0x7: {  	p0 =	sne.s32 s7, $0x0;
	s0 =	sshll.u32 s4, $0x4;
	s5 =	smul.u32 $0x12000, s4  }
0x8: {  	s9 =	ssub.s32 $0x2, s4;
	s12 =	smul.u32 $0x271000, s4;
	s6 =	sor.u32 s7, s0  }
0x9: {  	s0 =	rddreg [dreg:$0x2];
	_ =	strace $0x80000050;
	s8 =	smul.u32 $0x2710, s6  }
0xa: {  	s29 =	sshrl.u32 s9, $0x1;
	s5 =	sadd.s32 s5, s3;
	s10 =	smul.u32 $0x27100, s6  }
0xb: {  	s6 =	smul.u32 $0x138800, s6;
	s9 =	ssub.s32 s9, s29;
	s31 =	sadd.s32 s12, s11  }
0xc: {  	s12 =	simm.s32 $0x2780;
	s7 =	smax.u32 s9, $0x1;
	s8 =	sshrl.u32 s8, $0x3  }
0xd: {  	s9 =	sshrl.u32 @!p0 s1, $0x3;
	s6 =	sshrl.u32 s6, $0x3;
	s8 =	sadd.s32 s8, s3  }
0xe: {  	s3 =	sadd.s32 $0x3A600, s5;
	s5 =	sadd.s32 s11, s10;
	s6 =	sadd.s32 s11, s6  }
0xf: {  	s10 =	simm.s32 $0x5;
	s4 =	sadd.s32 $0x76600, s8;
	s8 =	sadd.s32 s30, s31  }
0x10: {  	s11 =	simm.s32 $0xC8;
	s6 =	sadd.s32 $0x26480, s6;
	s8 =	sadd.s32 $0xC80, s8  }
.LBB2_1:
0x11: {  	s19 =	simm.s32 @!p0 $0x1C05  }
0x12: {  	[spmem:s9], [sflag:s19] =	dma.local @!p0 [hbm:s3], $0x16000  }
0x13: {  	s19 =	simm.s32 @!p0 $0x5  }
0x14: {  	_ =	swait.ge @!p0 [sflag:s19], $0x16000  }
0x15: {  	[sflag:s19] =	ssyncset.done @!p0 $0x0  }
0x16: {  	[sflag:s19] =	ssyncadd.s32 @!p0 $0xFFFEA000  }
0x17: {  	[bflag:$0x0] =	sbarrier.arrive $0xFFFF  }
0x18: {  	[tilespmem:s2], [sflag:$0x5] =	stream.linear.gather [hbm4b:s4+s2], $0x2710, $0x38;
	[tilespmem:$0x19F80] =	vst v63  }
0x19: {  	_ =	swait.ge [sflag:s10], $0x2710  }
0x1a: {  	[sflag:s10] =	ssyncset.done $0x0  }
0x1b: {  	[sflag:s10] =	ssyncadd.s32 $0xFFFFD8F0  }
0x1c: {  	[tilespmem:s12], [sflag:$0x1] =	stream.indirect.gather [spmem:s1], $0x80, s2, s11, $0xb8;
	[tilespmem:$0x19F80] =	vst v63  }
0x1d: {  	_ =	swait.ge [sflag:s13], $0x6400  }
0x1e: {  	[sflag:s13] =	ssyncset.done $0x0  }
0x1f: {  	[sflag:s13] =	ssyncadd.s32 $0xFFFF9C00  }
0x20: {  	[hbm4b:s5+s2] =	stream.linear.scatter [tilespmem:s12], [sflag:$0x3], $0x6400, $0x38;
	[tilespmem:$0x19F80] =	vst v63  }
0x21: {  	_ = 	snop  }
0x22: {  	[tilespmem:s14], [sflag:$0x2] =	stream.indirect.gather [spmem:s1], $0x80, s11, s11, $0xb8;
	[tilespmem:$0x19F80] =	vst v63  }
0x23: {  	_ =	swait.ge [sflag:s15], $0x6400  }
0x24: {  	[sflag:s15] =	ssyncset.done $0x0  }
0x25: {  	[sflag:s15] =	ssyncadd.s32 $0xFFFF9C00  }
0x26: {  	[hbm4b:s8+s2] =	stream.linear.scatter [tilespmem:s14], [sflag:$0x4], $0x6400, $0x38;
	[tilespmem:$0x19F80] =	vst v63  }
0x27: {  	_ =	swait.ge [sflag:s16], $0x6400  }
0x28: {  	[sflag:s16] =	ssyncset.done $0x0  }
0x29: {  	s30 =	simm.s32 $0x190;
	[sflag:s16] =	ssyncadd.s32 $0xFFFF9C00  }
0x2a: {  	[tilespmem:s12], [sflag:$0x1] =	stream.indirect.gather [spmem:s1], $0x80, s30, s11, $0xb8;
	[tilespmem:$0x19F80] =	vst v63  }
0x2b: {  	_ =	swait.ge [sflag:s13], $0x6400  }
0x2c: {  	[sflag:s13] =	ssyncset.done $0x0  }
0x2d: {  	s31 =	sadd.s32 $0xC80, s8;
	[sflag:s13] =	ssyncadd.s32 $0xFFFF9C00  }
0x2e: {  	[hbm4b:s31+s2] =	stream.linear.scatter [tilespmem:s12], [sflag:$0x3], $0x6400, $0x38;
	[tilespmem:$0x19F80] =	vst v63  }
0x2f: {  	_ =	swait.ge [sflag:s17], $0x6400  }
0x30: {  	s21 =	simm.s32 $0x258;
	[sflag:s17] =	ssyncset.done $0x0  }
0x31: {  	s20 =	sadd.s32 $0x1900, s8;
	s19 =	simm.s32 $0x640;
	[sflag:s17] =	ssyncadd.s32 $0xFFFF9C00  }
.LBB2_2:
0x32: {  	[tilespmem:s14], [sflag:$0x2] =	stream.indirect.gather [spmem:s1], $0x80, s21, s11, $0xb8;
	[tilespmem:$0x19F80] =	vst v63  }
0x33: {  	s21 =	smov.u32 s19  }
0x34: {  	p1 =	sne.s32 s19, $0x8FC0;
	s19 =	sadd.s32 $0x640, s19;
	_ =	swait.ge [sflag:s15], $0x6400  }
0x35: {  	[sflag:s15] =	ssyncset.done $0x0  }
0x36: {  	[sflag:s15] =	ssyncadd.s32 $0xFFFF9C00  }
0x37: {  	[hbm4b:s20+s2] =	stream.linear.scatter [tilespmem:s14], [sflag:$0x4], $0x6400, $0x38;
	[tilespmem:$0x19F80] =	vst v63  }
0x38: {  	_ =	swait.ge [sflag:s16], $0x6400  }
0x39: {  	s21 =	sshra.s32 s21, $0x2;
	[sflag:s16] =	ssyncset.done $0x0  }
0x3a: {  	s22 =	sadd.s32 $0x190, s21;
	[sflag:s16] =	ssyncadd.s32 $0xFFFF9C00  }
0x3b: {  	[tilespmem:s12], [sflag:$0x1] =	stream.indirect.gather [spmem:s1], $0x80, s22, s11, $0xb8;
	[tilespmem:$0x19F80] =	vst v63  }
0x3c: {  	_ =	swait.ge [sflag:s13], $0x6400  }
0x3d: {  	[sflag:s13] =	ssyncset.done $0x0  }
.Ltmp0:
0x3e: {  	s22 =	sadd.s32 $0xC80, s20;
	[sflag:s13] =	ssyncadd.s32 $0xFFFF9C00;
	(pc) =	sbr.rel @p1 .LBB2_2-.Ltmp0, $4  }
0x3f: {  	[hbm4b:s22+s2] =	stream.linear.scatter [tilespmem:s12], [sflag:$0x3], $0x6400, $0x38;
	[tilespmem:$0x19F80] =	vst v63  }
0x40: {  	_ =	swait.ge [sflag:s17], $0x6400  }
0x41: {  	[sflag:s17] =	ssyncset.done $0x0  }
0x42: {  	s21 =	sadd.s32 $0x258, s21;
	s20 =	sadd.s32 $0x1900, s20;
	[sflag:s17] =	ssyncadd.s32 $0xFFFF9C00  }
0x43: {  	[tilespmem:s14], [sflag:$0x2] =	stream.indirect.gather [spmem:s1], $0x80, s21, s11, $0xb8;
	[tilespmem:$0x19F80] =	vst v63  }
0x44: {  	_ =	swait.ge [sflag:s15], $0x6400  }
0x45: {  	[sflag:s15] =	ssyncset.done $0x0  }
0x46: {  	s18 =	sadd.s32 $0x1, s18;
	[sflag:s15] =	ssyncadd.s32 $0xFFFF9C00  }
0x47: {  	[hbm4b:s6+s2] =	stream.linear.scatter [tilespmem:s14], [sflag:$0x4], $0x6400, $0x38;
	[tilespmem:$0x19F80] =	vst v63  }
0x48: {  	p1 =	sne.s32 s18, s7;
	_ =	swait.ge [sflag:s16], $0x6400  }
.Ltmp1:
0x49: {  	[sflag:s16] =	ssyncset.done $0x0;
	(pc) =	sbr.rel @p1 .LBB2_1-.Ltmp1, $4  }
0x4a: {  	[sflag:s16] =	ssyncadd.s32 $0xFFFF9C00  }
0x4b: {  	_ =	swait.ge [sflag:s17], $0x6400  }
0x4c: {  	[sflag:s17] =	ssyncset.done $0x0  }
0x4d: {  	[sflag:s17] =	ssyncadd.s32 $0xFFFF9C00  }
0x4e: {  	_ =	sfence.sel $0x180000  }
0x4f: {  	[bflag:$0x0] =	sbarrier.arrive $0xFFFF  }
0x50: {  	_ =	strace $0x90000050  }
0x51: {  	s0 =	sadd.s32 @!p0 $0x100000, s0;
	[bflag:$0x2] =	sbarrier.arrive $0xFFFF  }
0x52: {  	[sflag:s0] =	ssyncadd.tile.s32 @!p0 $0x1;
	_ =	shalt  }
.Lfunc_end2:
_tile_overlayer_lowered:
.L_overlay_start_2:
0x53: {  	(tag) =	ssettag $0x2  }
0x54: {  	s0 =	rddreg [dreg:$0x0];
	s2 =	stileid.u32  }
0x55: {  	s1 =	rddreg [dreg:$0x1];
	p0 =	sne.s32 s2, $0x0  }
0x56: {  	s3 =	rddreg [dreg:$0x2];
	[bflag:$0x3] =	sbarrier.arrive $0xFFFF;
	s2 =	simm.s32 @!p0 $0x1C05  }
0x57: {  	[timem:s3], [sflag:s2] =	dma.local @!p0 [hbm:s0], s1  }
0x58: {  	s0 =	simm.s32 @!p0 $0x5  }
0x59: {  	_ =	swait.ge @!p0 [sflag:s0], s1  }
0x5a: {  	s1 =	ssub.s32 @!p0 $0x0, s1;
	[sflag:s0] =	ssyncset.done @!p0 $0x0  }
0x5b: {  	[sflag:s0] =	ssyncadd.s32 @!p0 s1  }
0x5c: {  	[bflag:$0x3] =	sbarrier.arrive $0xFFFF  }
0x5d: {  	_ =	shalt  }

// kernel: kernel.28.cloned.1.call-start
scs
__scs_entry_jumppad:
0x0: {  	(pc) =	sbr.rel $0x88, $3  }
0x1: {  	(tag) =	ssettag $0x0;
	lr =	simm.s32 $0x1  }
0x2: {  	[smem:$0x3F90] =	sst lr;
	_ =	strace $0xD0000000  }
0x3: {  	_ = 	snop  }
0x4: {  	_ = 	snop  }
0x5: {  	_ = 	snop  }
0x6: {  	_ = 	snop  }
0x7: {  	_ = 	snop  }
__scs_overlays_trampoline_lowered:
0x8: {  	[smem:$0x3F9F] =	sst s0  }
0x9: {  	[smem:$0x3FA0] =	sst s1  }
0xa: {  	[smem:$0x3FA1] =	sst s2  }
0xb: {  	[smem:$0x3FA2] =	sst s3  }
0xc: {  	[smem:$0x3FA3] =	sst s4  }
0xd: {  	[smem:$0x3FA4] =	sst s5  }
0xe: {  	[smem:$0x3FA5] =	sst s6  }
0xf: {  	[smem:$0x3FA6] =	sst s7  }
0x10: {  	[smem:$0x3FA7] =	sst s8  }
0x11: {  	[smem:$0x3FA8] =	sst s9;
	s0 =	simm.s32 @!p0 $0x0  }
0x12: {  	s1 =	sld [smem:$0x3F8E];
	s0 =	simm.s32 @p0 $0x1  }
0x13: {  	[smem:$0x3FA9] =	sst s0;
	s0 =	simm.s32 @!p1 $0x0  }
0x14: {  	s2 =	sld [smem:$0x3F8D];
	s0 =	simm.s32 @p1 $0x1  }
0x15: {  	[smem:$0x3FAA] =	sst s0;
	s0 =	simm.s32 @!p2 $0x0  }
0x16: {  	s3 =	sld [smem:$0x3FDB];
	s0 =	simm.s32 @p2 $0x1  }
0x17: {  	s4 =	simm.s32 $0x1BF5;
	[smem:$0x3FAC] =	sst s0  }
0x18: {  	s0 =	sld [smem:$0x3F8F];
	_ =	swait.ge [sflag:s4], $0x0  }
0x19: {  	s7 =	sld [smem:$0x3F90]  }
0x1a: {  	s8 =	sadd.s32 $0xFFFFE003, lr  }
0x1b: {  	s9 =	sadd.s32 $0xFFFFFEF7, lr;
	s5 =	simm.s32 $0xFFFFFFFF;
	p2 =	slt.u32 s8, $0xFFFFF086  }
0x1c: {  	p1 =	slt.u32 s9, $0xF7A;
	s5 =	simm.s32 @!p2 $0x0  }
0x1d: {  	s5 =	simm.s32 @p1 $0x1;
	p0 =	seq.s32 s7, s2  }
0x1e: {  	s7 =	smul.u32 @!p0 $0xF7A, s2;
	p2 =	seq.s32 @!p0 s5, $0x0  }
0x1f: {  	s9 =	smul.u32 $0xF7A, s1;
	s8 =	simm.s32 @!p0 $0x1BF5;
	p2 =	por !p2, p0  }
0x20: {  	[sflag:s8] =	ssyncset.s32 @!p0 $0xFFFFF086;
	s6 =	sadd.s32 @!p0 s3, s7;
	s7 =	simm.s32 @!p0 $0x108  }
0x21: {  	s3 =	sadd.s32 s3, s9;
	s6 =	sadd.s32 @!p0 $0x88, s6;
	s7 =	simm.s32 @p2 $0x1082  }
0x22: {  	[simem:s7], [sflag:s8] =	dma.local @!p0 [hbm:s6], $0xF7A  }
0x23: {  	s9 =	sor.u32 $0xD0000000, s2;
	s6 =	simm.s32 $0x108;
	_ =	swait.ge @!p0 [sflag:s8], $0x0  }
0x24: {  	s3 =	sadd.s32 $0x88, s3;
	s6 =	simm.s32 @!p1 $0x1082;
	[sflag:s4] =	ssyncset.s32 $0xFFFFF086  }
0x25: {  	[simem:s6], [sflag:s4] =	dma.local [hbm:s3], $0xF7A  }
0x26: {  	[smem:$0x3F90] =	sst s1;
	(tag) =	ssettag s2;
	_ =	strace s9  }
0x27: {  	s1 =	sld [smem:$0x3FA0]  }
0x28: {  	s2 =	sld [smem:$0x3FA1]  }
0x29: {  	s4 =	sld [smem:$0x3FA3]  }
0x2a: {  	p0 =	seq.s32 s5, $0x0;
	s5 =	sld [smem:$0x3FA4]  }
0x2b: {  	s6 =	sld [smem:$0x3FA5]  }
0x2c: {  	s7 =	sld [smem:$0x3FA6]  }
0x2d: {  	s3 =	simm.s32 $0x108;
	s8 =	sld [smem:$0x3FA7]  }
0x2e: {  	s3 =	simm.s32 @!p0 $0x1082;
	s9 =	sld [smem:$0x3FA8]  }
0x2f: {  	lr =	sadd.s32 s0, s3;
	s0 =	sld [smem:$0x3F9F]  }
0x30: {  	s3 =	sld [smem:$0x3FA2]  }
0x31: {  	[smem:$0x3FAB] =	sst s10  }
0x32: {  	s10 =	sld [smem:$0x3FA9];
	_ =	sdelay $0x3  }
0x33: {  	p0 =	seq.s32 s10, $0x1;
	s10 =	sld [smem:$0x3FAB];
	_ =	sdelay $0x3  }
0x34: {  	[smem:$0x3FAB] =	sst s10  }
0x35: {  	s10 =	sld [smem:$0x3FAA];
	_ =	sdelay $0x3  }
0x36: {  	p1 =	seq.s32 s10, $0x1;
	s10 =	sld [smem:$0x3FAB];
	_ =	sdelay $0x3  }
0x37: {  	[smem:$0x3FAB] =	sst s10  }
0x38: {  	s10 =	sld [smem:$0x3FAC]  }
0x39: {  	_ = 	snop;
	(pc) =	sbr.ind lr, $3  }
0x3a: {  	_ = 	snop  }
0x3b: {  	_ = 	snop  }
0x3c: {  	p2 =	seq.s32 s10, $0x1;
	s10 =	sld [smem:$0x3FAB]  }
0x3d: {  	_ =	shalt  }
0x3e: {  	_ =	shalt  }
0x3f: {  	_ =	shalt  }
0x40: {  	_ =	shalt  }
0x41: {  	_ =	shalt  }
0x42: {  	_ =	shalt  }
0x43: {  	_ =	shalt  }
0x44: {  	_ =	shalt  }
0x45: {  	_ =	shalt  }
0x46: {  	_ =	shalt  }
0x47: {  	_ =	shalt  }
0x48: {  	_ =	shalt  }
0x49: {  	_ =	shalt  }
0x4a: {  	_ =	shalt  }
0x4b: {  	_ =	shalt  }
0x4c: {  	_ =	shalt  }
0x4d: {  	_ =	shalt  }
0x4e: {  	_ =	shalt  }
0x4f: {  	_ =	shalt  }
0x50: {  	_ =	shalt  }
0x51: {  	_ =	shalt  }
0x52: {  	_ =	shalt  }
0x53: {  	_ =	shalt  }
0x54: {  	_ =	shalt  }
0x55: {  	_ =	shalt  }
0x56: {  	_ =	shalt  }
0x57: {  	_ =	shalt  }
0x58: {  	_ =	shalt  }
0x59: {  	_ =	shalt  }
0x5a: {  	_ =	shalt  }
0x5b: {  	_ =	shalt  }
0x5c: {  	_ =	shalt  }
0x5d: {  	_ =	shalt  }
0x5e: {  	_ =	shalt  }
0x5f: {  	_ =	shalt  }
0x60: {  	_ =	shalt  }
0x61: {  	_ =	shalt  }
0x62: {  	_ =	shalt  }
0x63: {  	_ =	shalt  }
0x64: {  	_ =	shalt  }
0x65: {  	_ =	shalt  }
0x66: {  	_ =	shalt  }
0x67: {  	_ =	shalt  }
0x68: {  	_ =	shalt  }
0x69: {  	_ =	shalt  }
0x6a: {  	_ =	shalt  }
0x6b: {  	_ =	shalt  }
0x6c: {  	_ =	shalt  }
0x6d: {  	_ =	shalt  }
0x6e: {  	_ =	shalt  }
0x6f: {  	_ =	shalt  }
0x70: {  	_ =	shalt  }
0x71: {  	_ =	shalt  }
0x72: {  	_ =	shalt  }
0x73: {  	_ =	shalt  }
0x74: {  	_ =	shalt  }
0x75: {  	_ =	shalt  }
0x76: {  	_ =	shalt  }
0x77: {  	_ =	shalt  }
0x78: {  	_ =	shalt  }
0x79: {  	_ =	shalt  }
0x7a: {  	_ =	shalt  }
0x7b: {  	_ =	shalt  }
0x7c: {  	_ =	shalt  }
0x7d: {  	_ =	shalt  }
0x7e: {  	_ =	shalt  }
0x7f: {  	_ =	shalt  }
0x80: {  	_ =	shalt  }
0x81: {  	_ =	shalt  }
0x82: {  	_ =	shalt  }
0x83: {  	_ =	shalt  }
0x84: {  	_ =	shalt  }
0x85: {  	_ =	shalt  }
0x86: {  	_ =	shalt  }
0x87: {  	_ =	shalt  }
.Lfunc_end0:
.L_simem_size_0:
called_computation.4_lowered:
.L_overlay_start_0:
0x88: {  	s2 =	sld [smem:$0x3FD9]  }
0x89: {  	s3 =	sld [smem:$0x3FFE];
	_ =	sdelay $0x1  }
0x8a: {  	s1 =	srdreg.scid  }
0x8b: {  	s0 =	sand.u32 $0x1, s1  }
0x8c: {  	s16 =	sshll.u32 s0, $0xA;
	s2 =	sadd.s32 s3, s2  }
0x8d: {  	s2 =	sadd.s32 s2, s16  }
0x8e: {  	[smem:$0x3FB7] =	sst s2  }
0x8f: {  	_ = 	snop  }
0x90: {  	(tm) =	ssettm $0x1  }
0x91: {  	s17 =	sld [smem:$0x3FFB];
	_ =	sdelay $0x3  }
0x92: {  	_ =	strace s17  }
0x93: {  	s2 =	sld [smem:$0x3FFC];
	_ =	sdelay $0x3  }
0x94: {  	_ =	strace s2  }
0x95: {  	s2 =	sld [smem:$0x3FFD];
	_ =	sdelay $0x3  }
0x96: {  	_ =	strace s2  }
0x97: {  	_ =	strace $0x8FFFFFFF  }
0x98: {  	s18 =	sld [smem:$0x3FDB];
	_ =	sdelay $0x1  }
0x99: {  	s19 =	simm.s32 $_scs_section_size  }
0x9a: {  	s4 =	simm.s32 $_size__tile_overlayer_lowered;
	s5 =	simm.s32 $_tile_overlayer_lowered  }
0x9b: {  	s22 =	simm.s32 $0x1BFF;
	s21 =	sshll.u32 s5, $0x1;
	s2 =	sadd.s32 s19, s18  }
0x9c: {  	s6 =	simm.s32 $0x0;
	s20 =	sshll.u32 s4, $0x1;
	s4 =	sadd.s32 s21, s2  }
0x9d: {  	[timem:s6], [sflag:s22] =	dma.local [hbm:s4], s20  }
0x9e: {  	_ =	swait.ge [sflag:s22], s20  }
0x9f: {  	s3 =	ssub.s32 $0x0, s20;
	[sflag:s22] =	ssyncset.done $0x0  }
0xa0: {  	[sflag:s22] =	ssyncadd.s32 s3;
	_ =	sdelay $0x1  }
0xa1: {  	s23 =	simm.s32 $0x1B8B  }
0xa2: {  	_ =	swait.ge [sflag:s23], $0x1  }
0xa3: {  	[sflag:s23] =	ssyncset.done $0x0  }
0xa4: {  	s25 =	simm.s32 $0x1B8E;
	s24 =	sld [smem:$0x3FFE];
	[sflag:s23] =	ssyncadd.s32 $0xFFFFFFFF  }
0xa5: {  	s26 =	simm.s32 $execute0_lowered;
	[smem:$0x3FD2] =	sst s25  }
0xa6: {  	s4 =	sshll.u32 s26, $0x1;
	_ =	strace $0x80000052;
	[dreg:$0x1] =	wrdreg $0xFFFFFFFF  }
0xa7: {  	s28 =	simm.s32 $_size_execute0_lowered;
	s2 =	sadd.s32 s2, s4;
	[dreg:$0x0] =	wrdreg $0x0  }
0xa8: {  	s4 =	sshll.u32 s28, $0x1;
	[dreg:$0x2] =	wrdreg s2  }
0xa9: {  	[dreg:$0x3] =	wrdreg s4  }
0xaa: {  	[dreg:$0x4] =	wrdreg $0xC0  }
0xab: {  	_ =	task [dreg:s6], $0x5FFFF  }
0xac: {  	[dreg:$0x1] =	wrdreg $0xFFFFFFFF  }
0xad: {  	[dreg:$0x0] =	wrdreg $0x60  }
0xae: {  	[dreg:$0x2] =	wrdreg s24  }
0xaf: {  	[dreg:$0x3] =	wrdreg $0xEF800  }
0xb0: {  	[dreg:$0x4] =	wrdreg $0x9  }
0xb1: {  	_ =	task.clear_ibuf [dreg:s6], $0x5FFFF;
	_ =	strace $0x90000052  }
0xb2: {  	s29 =	simm.s32 $0x9;
	_ =	strace $0x80000054  }
0xb3: {  	_ =	swait.ge [sflag:s29], $0x1  }
0xb4: {  	[sflag:s29] =	ssyncadd.s32 $0xFFFFFFFF  }
0xb5: {  	_ =	strace $0x90000054  }
0xb6: {  	_ =	sfence  }
0xb7: {  	s30 =	sld [smem:$0x0];
	_ =	sdelay $0x2  }
0xb8: {  	s31 =	sshll.u32 s1, $0xD;
	s1 =	sshrl.u32 s1, $0x2  }
0xb9: {  	s3 =	sand.u32 $0x4000, s31;
	s1 =	sadd.s32 s1, s30  }
0xba: {  	s0 =	sor.u32 s3, s0;
	s1 =	sshll.u32 s1, $0x11  }
0xbb: {  	s0 =	sor.u32 s1, s0  }
0xbc: {  	s0 =	sadd.s32 $0x8F2B, s0  }
0xbd: {  	[sflag:s0] =	ssyncadd.remote.s32 $0x1  }
0xbe: {  	_ =	sfence.sel $0xFFFF  }
0xbf: {  	[dreg:$0x0] =	wrdreg $0xFFFFFFFF;
	(pc) =	sbr.abs _section_cstart, $3  }
0xc0: {  	[dreg:$0x1] =	wrdreg $0xFFFFFFFF  }
0xc1: {  	_ =	task.clear_ibuf [dreg:s6], $0x2FFFF;
	_ =	strace $0x9FFFFFFF  }
0xc2: {  	(tm) =	ssettm $0x7FFFFFFF  }
0xc3: {  	_ =	shalt  }
tec
execute0_lowered:
.L_overlay_start_1:
0x0: {  	(tag) =	ssettag $0x1  }
0x1: {  	s0 =	srdreg.scid  }
0x2: {  	s3 =	rddreg [dreg:$0x0];
	s7 =	stileid.u32  }
0x3: {  	s1 =	rddreg [dreg:$0x1];
	s2 =	simm.s32 $0x0;
	s13 =	simm.s32 $0x1  }
0x4: {  	s14 =	simm.s32 $0x8B80;
	s15 =	simm.s32 $0x2;
	s16 =	simm.s32 $0x3  }
0x5: {  	s17 =	simm.s32 $0x4;
	s18 =	simm.s32 $0x0;
	s4 =	sand.u32 $0x1, s0  }
0x6: {  	[smem:$0x7FF] =	sst s2;
	s11 =	sadd.s32 $0x80400, s3;
	s30 =	smul.u32 $0x27100, s7  }
0x7: {  	p0 =	sne.s32 s7, $0x0;
	s0 =	sshll.u32 s4, $0x4;
	s5 =	smul.u32 $0x12000, s4  }
0x8: {  	s9 =	ssub.s32 $0x2, s4;
	s12 =	smul.u32 $0x271000, s4;
	s6 =	sor.u32 s7, s0  }
0x9: {  	s0 =	rddreg [dreg:$0x2];
	_ =	strace $0x80000053;
	s8 =	smul.u32 $0x2710, s6  }
0xa: {  	s29 =	sshrl.u32 s9, $0x1;
	s5 =	sadd.s32 s5, s3;
	s10 =	smul.u32 $0x27100, s6  }
0xb: {  	s6 =	smul.u32 $0x138800, s6;
	s9 =	ssub.s32 s9, s29;
	s31 =	sadd.s32 s12, s11  }
0xc: {  	s12 =	simm.s32 $0x2780;
	s7 =	smax.u32 s9, $0x1;
	s8 =	sshrl.u32 s8, $0x3  }
0xd: {  	s9 =	sshrl.u32 @!p0 s1, $0x3;
	s6 =	sshrl.u32 s6, $0x3;
	s8 =	sadd.s32 s8, s3  }
0xe: {  	s3 =	sadd.s32 $0x3A600, s5;
	s5 =	sadd.s32 s11, s10;
	s6 =	sadd.s32 s11, s6  }
0xf: {  	s10 =	simm.s32 $0x5;
	s4 =	sadd.s32 $0x76600, s8;
	s8 =	sadd.s32 s30, s31  }
0x10: {  	s11 =	simm.s32 $0xC8;
	s6 =	sadd.s32 $0x26480, s6;
	s8 =	sadd.s32 $0xC80, s8  }
.LBB2_1:
0x11: {  	s19 =	simm.s32 @!p0 $0x1C05  }
0x12: {  	[spmem:s9], [sflag:s19] =	dma.local @!p0 [hbm:s3], $0x16000  }
0x13: {  	s19 =	simm.s32 @!p0 $0x5  }
0x14: {  	_ =	swait.ge @!p0 [sflag:s19], $0x16000  }
0x15: {  	[sflag:s19] =	ssyncset.done @!p0 $0x0  }
0x16: {  	[sflag:s19] =	ssyncadd.s32 @!p0 $0xFFFEA000  }
0x17: {  	[bflag:$0x0] =	sbarrier.arrive $0xFFFF  }
0x18: {  	[tilespmem:s2], [sflag:$0x5] =	stream.linear.gather [hbm4b:s4+s2], $0x2710, $0x38;
	[tilespmem:$0x19F80] =	vst v63  }
0x19: {  	_ =	swait.ge [sflag:s10], $0x2710  }
0x1a: {  	[sflag:s10] =	ssyncset.done $0x0  }
0x1b: {  	[sflag:s10] =	ssyncadd.s32 $0xFFFFD8F0  }
0x1c: {  	[tilespmem:s12], [sflag:$0x1] =	stream.indirect.gather [spmem:s1], $0x80, s2, s11, $0xb8;
	[tilespmem:$0x19F80] =	vst v63  }
0x1d: {  	_ =	swait.ge [sflag:s13], $0x6400  }
0x1e: {  	[sflag:s13] =	ssyncset.done $0x0  }
0x1f: {  	[sflag:s13] =	ssyncadd.s32 $0xFFFF9C00  }
0x20: {  	[hbm4b:s5+s2] =	stream.linear.scatter [tilespmem:s12], [sflag:$0x3], $0x6400, $0x38;
	[tilespmem:$0x19F80] =	vst v63  }
0x21: {  	_ = 	snop  }
0x22: {  	[tilespmem:s14], [sflag:$0x2] =	stream.indirect.gather [spmem:s1], $0x80, s11, s11, $0xb8;
	[tilespmem:$0x19F80] =	vst v63  }
0x23: {  	_ =	swait.ge [sflag:s15], $0x6400  }
0x24: {  	[sflag:s15] =	ssyncset.done $0x0  }
0x25: {  	[sflag:s15] =	ssyncadd.s32 $0xFFFF9C00  }
0x26: {  	[hbm4b:s8+s2] =	stream.linear.scatter [tilespmem:s14], [sflag:$0x4], $0x6400, $0x38;
	[tilespmem:$0x19F80] =	vst v63  }
0x27: {  	_ =	swait.ge [sflag:s16], $0x6400  }
0x28: {  	[sflag:s16] =	ssyncset.done $0x0  }
0x29: {  	s30 =	simm.s32 $0x190;
	[sflag:s16] =	ssyncadd.s32 $0xFFFF9C00  }
0x2a: {  	[tilespmem:s12], [sflag:$0x1] =	stream.indirect.gather [spmem:s1], $0x80, s30, s11, $0xb8;
	[tilespmem:$0x19F80] =	vst v63  }
0x2b: {  	_ =	swait.ge [sflag:s13], $0x6400  }
0x2c: {  	[sflag:s13] =	ssyncset.done $0x0  }
0x2d: {  	s31 =	sadd.s32 $0xC80, s8;
	[sflag:s13] =	ssyncadd.s32 $0xFFFF9C00  }
0x2e: {  	[hbm4b:s31+s2] =	stream.linear.scatter [tilespmem:s12], [sflag:$0x3], $0x6400, $0x38;
	[tilespmem:$0x19F80] =	vst v63  }
0x2f: {  	_ =	swait.ge [sflag:s17], $0x6400  }
0x30: {  	s21 =	simm.s32 $0x258;
	[sflag:s17] =	ssyncset.done $0x0  }
0x31: {  	s20 =	sadd.s32 $0x1900, s8;
	s19 =	simm.s32 $0x640;
	[sflag:s17] =	ssyncadd.s32 $0xFFFF9C00  }
.LBB2_2:
0x32: {  	[tilespmem:s14], [sflag:$0x2] =	stream.indirect.gather [spmem:s1], $0x80, s21, s11, $0xb8;
	[tilespmem:$0x19F80] =	vst v63  }
0x33: {  	s21 =	smov.u32 s19  }
0x34: {  	p1 =	sne.s32 s19, $0x8FC0;
	s19 =	sadd.s32 $0x640, s19;
	_ =	swait.ge [sflag:s15], $0x6400  }
0x35: {  	[sflag:s15] =	ssyncset.done $0x0  }
0x36: {  	[sflag:s15] =	ssyncadd.s32 $0xFFFF9C00  }
0x37: {  	[hbm4b:s20+s2] =	stream.linear.scatter [tilespmem:s14], [sflag:$0x4], $0x6400, $0x38;
	[tilespmem:$0x19F80] =	vst v63  }
0x38: {  	_ =	swait.ge [sflag:s16], $0x6400  }
0x39: {  	s21 =	sshra.s32 s21, $0x2;
	[sflag:s16] =	ssyncset.done $0x0  }
0x3a: {  	s22 =	sadd.s32 $0x190, s21;
	[sflag:s16] =	ssyncadd.s32 $0xFFFF9C00  }
0x3b: {  	[tilespmem:s12], [sflag:$0x1] =	stream.indirect.gather [spmem:s1], $0x80, s22, s11, $0xb8;
	[tilespmem:$0x19F80] =	vst v63  }
0x3c: {  	_ =	swait.ge [sflag:s13], $0x6400  }
0x3d: {  	[sflag:s13] =	ssyncset.done $0x0  }
.Ltmp0:
0x3e: {  	s22 =	sadd.s32 $0xC80, s20;
	[sflag:s13] =	ssyncadd.s32 $0xFFFF9C00;
	(pc) =	sbr.rel @p1 .LBB2_2-.Ltmp0, $4  }
0x3f: {  	[hbm4b:s22+s2] =	stream.linear.scatter [tilespmem:s12], [sflag:$0x3], $0x6400, $0x38;
	[tilespmem:$0x19F80] =	vst v63  }
0x40: {  	_ =	swait.ge [sflag:s17], $0x6400  }
0x41: {  	[sflag:s17] =	ssyncset.done $0x0  }
0x42: {  	s21 =	sadd.s32 $0x258, s21;
	s20 =	sadd.s32 $0x1900, s20;
	[sflag:s17] =	ssyncadd.s32 $0xFFFF9C00  }
0x43: {  	[tilespmem:s14], [sflag:$0x2] =	stream.indirect.gather [spmem:s1], $0x80, s21, s11, $0xb8;
	[tilespmem:$0x19F80] =	vst v63  }
0x44: {  	_ =	swait.ge [sflag:s15], $0x6400  }
0x45: {  	[sflag:s15] =	ssyncset.done $0x0  }
0x46: {  	s18 =	sadd.s32 $0x1, s18;
	[sflag:s15] =	ssyncadd.s32 $0xFFFF9C00  }
0x47: {  	[hbm4b:s6+s2] =	stream.linear.scatter [tilespmem:s14], [sflag:$0x4], $0x6400, $0x38;
	[tilespmem:$0x19F80] =	vst v63  }
0x48: {  	p1 =	sne.s32 s18, s7;
	_ =	swait.ge [sflag:s16], $0x6400  }
.Ltmp1:
0x49: {  	[sflag:s16] =	ssyncset.done $0x0;
	(pc) =	sbr.rel @p1 .LBB2_1-.Ltmp1, $4  }
0x4a: {  	[sflag:s16] =	ssyncadd.s32 $0xFFFF9C00  }
0x4b: {  	_ =	swait.ge [sflag:s17], $0x6400  }
0x4c: {  	[sflag:s17] =	ssyncset.done $0x0  }
0x4d: {  	[sflag:s17] =	ssyncadd.s32 $0xFFFF9C00  }
0x4e: {  	_ =	sfence.sel $0x180000  }
0x4f: {  	[bflag:$0x0] =	sbarrier.arrive $0xFFFF  }
0x50: {  	_ =	strace $0x90000053  }
0x51: {  	s0 =	sadd.s32 @!p0 $0x100000, s0;
	[bflag:$0x2] =	sbarrier.arrive $0xFFFF  }
0x52: {  	[sflag:s0] =	ssyncadd.tile.s32 @!p0 $0x1;
	_ =	shalt  }
.Lfunc_end2:
_tile_overlayer_lowered:
.L_overlay_start_2:
0x53: {  	(tag) =	ssettag $0x2  }
0x54: {  	s0 =	rddreg [dreg:$0x0];
	s2 =	stileid.u32  }
0x55: {  	s1 =	rddreg [dreg:$0x1];
	p0 =	sne.s32 s2, $0x0  }
0x56: {  	s3 =	rddreg [dreg:$0x2];
	[bflag:$0x3] =	sbarrier.arrive $0xFFFF;
	s2 =	simm.s32 @!p0 $0x1C05  }
0x57: {  	[timem:s3], [sflag:s2] =	dma.local @!p0 [hbm:s0], s1  }
0x58: {  	s0 =	simm.s32 @!p0 $0x5  }
0x59: {  	_ =	swait.ge @!p0 [sflag:s0], s1  }
0x5a: {  	s1 =	ssub.s32 @!p0 $0x0, s1;
	[sflag:s0] =	ssyncset.done @!p0 $0x0  }
0x5b: {  	[sflag:s0] =	ssyncadd.s32 @!p0 s1  }
0x5c: {  	[bflag:$0x3] =	sbarrier.arrive $0xFFFF  }
0x5d: {  	_ =	shalt  }

// kernel: kernel.31.cloned.1.call-start
scs
__scs_entry_jumppad:
0x0: {  	(pc) =	sbr.rel $0x88, $3  }
0x1: {  	(tag) =	ssettag $0x0;
	lr =	simm.s32 $0x1  }
0x2: {  	[smem:$0x3F90] =	sst lr;
	_ =	strace $0xD0000000  }
0x3: {  	_ = 	snop  }
0x4: {  	_ = 	snop  }
0x5: {  	_ = 	snop  }
0x6: {  	_ = 	snop  }
0x7: {  	_ = 	snop  }
__scs_overlays_trampoline_lowered:
0x8: {  	[smem:$0x3F9F] =	sst s0  }
0x9: {  	[smem:$0x3FA0] =	sst s1  }
0xa: {  	[smem:$0x3FA1] =	sst s2  }
0xb: {  	[smem:$0x3FA2] =	sst s3  }
0xc: {  	[smem:$0x3FA3] =	sst s4  }
0xd: {  	[smem:$0x3FA4] =	sst s5  }
0xe: {  	[smem:$0x3FA5] =	sst s6  }
0xf: {  	[smem:$0x3FA6] =	sst s7  }
0x10: {  	[smem:$0x3FA7] =	sst s8  }
0x11: {  	[smem:$0x3FA8] =	sst s9;
	s0 =	simm.s32 @!p0 $0x0  }
0x12: {  	s1 =	sld [smem:$0x3F8E];
	s0 =	simm.s32 @p0 $0x1  }
0x13: {  	[smem:$0x3FA9] =	sst s0;
	s0 =	simm.s32 @!p1 $0x0  }
0x14: {  	s2 =	sld [smem:$0x3F8D];
	s0 =	simm.s32 @p1 $0x1  }
0x15: {  	[smem:$0x3FAA] =	sst s0;
	s0 =	simm.s32 @!p2 $0x0  }
0x16: {  	s3 =	sld [smem:$0x3FDB];
	s0 =	simm.s32 @p2 $0x1  }
0x17: {  	s4 =	simm.s32 $0x1BF5;
	[smem:$0x3FAC] =	sst s0  }
0x18: {  	s0 =	sld [smem:$0x3F8F];
	_ =	swait.ge [sflag:s4], $0x0  }
0x19: {  	s7 =	sld [smem:$0x3F90]  }
0x1a: {  	s8 =	sadd.s32 $0xFFFFE003, lr  }
0x1b: {  	s9 =	sadd.s32 $0xFFFFFEF7, lr;
	s5 =	simm.s32 $0xFFFFFFFF;
	p2 =	slt.u32 s8, $0xFFFFF086  }
0x1c: {  	p1 =	slt.u32 s9, $0xF7A;
	s5 =	simm.s32 @!p2 $0x0  }
0x1d: {  	s5 =	simm.s32 @p1 $0x1;
	p0 =	seq.s32 s7, s2  }
0x1e: {  	s7 =	smul.u32 @!p0 $0xF7A, s2;
	p2 =	seq.s32 @!p0 s5, $0x0  }
0x1f: {  	s9 =	smul.u32 $0xF7A, s1;
	s8 =	simm.s32 @!p0 $0x1BF5;
	p2 =	por !p2, p0  }
0x20: {  	[sflag:s8] =	ssyncset.s32 @!p0 $0xFFFFF086;
	s6 =	sadd.s32 @!p0 s3, s7;
	s7 =	simm.s32 @!p0 $0x108  }
0x21: {  	s3 =	sadd.s32 s3, s9;
	s6 =	sadd.s32 @!p0 $0x88, s6;
	s7 =	simm.s32 @p2 $0x1082  }
0x22: {  	[simem:s7], [sflag:s8] =	dma.local @!p0 [hbm:s6], $0xF7A  }
0x23: {  	s9 =	sor.u32 $0xD0000000, s2;
	s6 =	simm.s32 $0x108;
	_ =	swait.ge @!p0 [sflag:s8], $0x0  }
0x24: {  	s3 =	sadd.s32 $0x88, s3;
	s6 =	simm.s32 @!p1 $0x1082;
	[sflag:s4] =	ssyncset.s32 $0xFFFFF086  }
0x25: {  	[simem:s6], [sflag:s4] =	dma.local [hbm:s3], $0xF7A  }
0x26: {  	[smem:$0x3F90] =	sst s1;
	(tag) =	ssettag s2;
	_ =	strace s9  }
0x27: {  	s1 =	sld [smem:$0x3FA0]  }
0x28: {  	s2 =	sld [smem:$0x3FA1]  }
0x29: {  	s4 =	sld [smem:$0x3FA3]  }
0x2a: {  	p0 =	seq.s32 s5, $0x0;
	s5 =	sld [smem:$0x3FA4]  }
0x2b: {  	s6 =	sld [smem:$0x3FA5]  }
0x2c: {  	s7 =	sld [smem:$0x3FA6]  }
0x2d: {  	s3 =	simm.s32 $0x108;
	s8 =	sld [smem:$0x3FA7]  }
0x2e: {  	s3 =	simm.s32 @!p0 $0x1082;
	s9 =	sld [smem:$0x3FA8]  }
0x2f: {  	lr =	sadd.s32 s0, s3;
	s0 =	sld [smem:$0x3F9F]  }
0x30: {  	s3 =	sld [smem:$0x3FA2]  }
0x31: {  	[smem:$0x3FAB] =	sst s10  }
0x32: {  	s10 =	sld [smem:$0x3FA9];
	_ =	sdelay $0x3  }
0x33: {  	p0 =	seq.s32 s10, $0x1;
	s10 =	sld [smem:$0x3FAB];
	_ =	sdelay $0x3  }
0x34: {  	[smem:$0x3FAB] =	sst s10  }
0x35: {  	s10 =	sld [smem:$0x3FAA];
	_ =	sdelay $0x3  }
0x36: {  	p1 =	seq.s32 s10, $0x1;
	s10 =	sld [smem:$0x3FAB];
	_ =	sdelay $0x3  }
0x37: {  	[smem:$0x3FAB] =	sst s10  }
0x38: {  	s10 =	sld [smem:$0x3FAC]  }
0x39: {  	_ = 	snop;
	(pc) =	sbr.ind lr, $3  }
0x3a: {  	_ = 	snop  }
0x3b: {  	_ = 	snop  }
0x3c: {  	p2 =	seq.s32 s10, $0x1;
	s10 =	sld [smem:$0x3FAB]  }
0x3d: {  	_ =	shalt  }
0x3e: {  	_ =	shalt  }
0x3f: {  	_ =	shalt  }
0x40: {  	_ =	shalt  }
0x41: {  	_ =	shalt  }
0x42: {  	_ =	shalt  }
0x43: {  	_ =	shalt  }
0x44: {  	_ =	shalt  }
0x45: {  	_ =	shalt  }
0x46: {  	_ =	shalt  }
0x47: {  	_ =	shalt  }
0x48: {  	_ =	shalt  }
0x49: {  	_ =	shalt  }
0x4a: {  	_ =	shalt  }
0x4b: {  	_ =	shalt  }
0x4c: {  	_ =	shalt  }
0x4d: {  	_ =	shalt  }
0x4e: {  	_ =	shalt  }
0x4f: {  	_ =	shalt  }
0x50: {  	_ =	shalt  }
0x51: {  	_ =	shalt  }
0x52: {  	_ =	shalt  }
0x53: {  	_ =	shalt  }
0x54: {  	_ =	shalt  }
0x55: {  	_ =	shalt  }
0x56: {  	_ =	shalt  }
0x57: {  	_ =	shalt  }
0x58: {  	_ =	shalt  }
0x59: {  	_ =	shalt  }
0x5a: {  	_ =	shalt  }
0x5b: {  	_ =	shalt  }
0x5c: {  	_ =	shalt  }
0x5d: {  	_ =	shalt  }
0x5e: {  	_ =	shalt  }
0x5f: {  	_ =	shalt  }
0x60: {  	_ =	shalt  }
0x61: {  	_ =	shalt  }
0x62: {  	_ =	shalt  }
0x63: {  	_ =	shalt  }
0x64: {  	_ =	shalt  }
0x65: {  	_ =	shalt  }
0x66: {  	_ =	shalt  }
0x67: {  	_ =	shalt  }
0x68: {  	_ =	shalt  }
0x69: {  	_ =	shalt  }
0x6a: {  	_ =	shalt  }
0x6b: {  	_ =	shalt  }
0x6c: {  	_ =	shalt  }
0x6d: {  	_ =	shalt  }
0x6e: {  	_ =	shalt  }
0x6f: {  	_ =	shalt  }
0x70: {  	_ =	shalt  }
0x71: {  	_ =	shalt  }
0x72: {  	_ =	shalt  }
0x73: {  	_ =	shalt  }
0x74: {  	_ =	shalt  }
0x75: {  	_ =	shalt  }
0x76: {  	_ =	shalt  }
0x77: {  	_ =	shalt  }
0x78: {  	_ =	shalt  }
0x79: {  	_ =	shalt  }
0x7a: {  	_ =	shalt  }
0x7b: {  	_ =	shalt  }
0x7c: {  	_ =	shalt  }
0x7d: {  	_ =	shalt  }
0x7e: {  	_ =	shalt  }
0x7f: {  	_ =	shalt  }
0x80: {  	_ =	shalt  }
0x81: {  	_ =	shalt  }
0x82: {  	_ =	shalt  }
0x83: {  	_ =	shalt  }
0x84: {  	_ =	shalt  }
0x85: {  	_ =	shalt  }
0x86: {  	_ =	shalt  }
0x87: {  	_ =	shalt  }
.Lfunc_end0:
.L_simem_size_0:
called_computation.5_lowered:
.L_overlay_start_0:
0x88: {  	s2 =	sld [smem:$0x3FD9]  }
0x89: {  	s3 =	sld [smem:$0x3FFE];
	_ =	sdelay $0x1  }
0x8a: {  	s1 =	srdreg.scid  }
0x8b: {  	s0 =	sand.u32 $0x1, s1  }
0x8c: {  	s16 =	sshll.u32 s0, $0xA;
	s2 =	sadd.s32 s3, s2  }
0x8d: {  	s2 =	sadd.s32 s2, s16  }
0x8e: {  	[smem:$0x3FB7] =	sst s2  }
0x8f: {  	_ = 	snop  }
0x90: {  	(tm) =	ssettm $0x1  }
0x91: {  	s17 =	sld [smem:$0x3FFB];
	_ =	sdelay $0x3  }
0x92: {  	_ =	strace s17  }
0x93: {  	s2 =	sld [smem:$0x3FFC];
	_ =	sdelay $0x3  }
0x94: {  	_ =	strace s2  }
0x95: {  	s2 =	sld [smem:$0x3FFD];
	_ =	sdelay $0x3  }
0x96: {  	_ =	strace s2  }
0x97: {  	_ =	strace $0x8FFFFFFF  }
0x98: {  	s18 =	sld [smem:$0x3FDB];
	_ =	sdelay $0x1  }
0x99: {  	s19 =	simm.s32 $_scs_section_size  }
0x9a: {  	s4 =	simm.s32 $_size__tile_overlayer_lowered;
	s5 =	simm.s32 $_tile_overlayer_lowered  }
0x9b: {  	s22 =	simm.s32 $0x1BFF;
	s21 =	sshll.u32 s5, $0x1;
	s2 =	sadd.s32 s19, s18  }
0x9c: {  	s6 =	simm.s32 $0x0;
	s20 =	sshll.u32 s4, $0x1;
	s4 =	sadd.s32 s21, s2  }
0x9d: {  	[timem:s6], [sflag:s22] =	dma.local [hbm:s4], s20  }
0x9e: {  	_ =	swait.ge [sflag:s22], s20  }
0x9f: {  	s3 =	ssub.s32 $0x0, s20;
	[sflag:s22] =	ssyncset.done $0x0  }
0xa0: {  	[sflag:s22] =	ssyncadd.s32 s3;
	_ =	sdelay $0x1  }
0xa1: {  	s23 =	simm.s32 $0x1B8B  }
0xa2: {  	_ =	swait.ge [sflag:s23], $0x1  }
0xa3: {  	[sflag:s23] =	ssyncset.done $0x0  }
0xa4: {  	s25 =	simm.s32 $0x1B8E;
	s24 =	sld [smem:$0x3FFE];
	[sflag:s23] =	ssyncadd.s32 $0xFFFFFFFF  }
0xa5: {  	s26 =	simm.s32 $execute0_lowered;
	[smem:$0x3FD2] =	sst s25  }
0xa6: {  	s4 =	sshll.u32 s26, $0x1;
	_ =	strace $0x80000055;
	[dreg:$0x1] =	wrdreg $0xFFFFFFFF  }
0xa7: {  	s28 =	simm.s32 $_size_execute0_lowered;
	s2 =	sadd.s32 s2, s4;
	[dreg:$0x0] =	wrdreg $0x0  }
0xa8: {  	s4 =	sshll.u32 s28, $0x1;
	[dreg:$0x2] =	wrdreg s2  }
0xa9: {  	[dreg:$0x3] =	wrdreg s4  }
0xaa: {  	[dreg:$0x4] =	wrdreg $0xC0  }
0xab: {  	_ =	task [dreg:s6], $0x5FFFF  }
0xac: {  	[dreg:$0x1] =	wrdreg $0xFFFFFFFF  }
0xad: {  	[dreg:$0x0] =	wrdreg $0x60  }
0xae: {  	[dreg:$0x2] =	wrdreg s24  }
0xaf: {  	[dreg:$0x3] =	wrdreg $0xEF800  }
0xb0: {  	[dreg:$0x4] =	wrdreg $0x9  }
0xb1: {  	_ =	task.clear_ibuf [dreg:s6], $0x5FFFF;
	_ =	strace $0x90000055  }
0xb2: {  	s29 =	simm.s32 $0x9;
	_ =	strace $0x80000057  }
0xb3: {  	_ =	swait.ge [sflag:s29], $0x1  }
0xb4: {  	[sflag:s29] =	ssyncadd.s32 $0xFFFFFFFF  }
0xb5: {  	_ =	strace $0x90000057  }
0xb6: {  	_ =	sfence  }
0xb7: {  	s30 =	sld [smem:$0x0];
	_ =	sdelay $0x2  }
0xb8: {  	s31 =	sshll.u32 s1, $0xD;
	s1 =	sshrl.u32 s1, $0x2  }
0xb9: {  	s3 =	sand.u32 $0x4000, s31;
	s1 =	sadd.s32 s1, s30  }
0xba: {  	s0 =	sor.u32 s3, s0;
	s1 =	sshll.u32 s1, $0x11  }
0xbb: {  	s0 =	sor.u32 s1, s0  }
0xbc: {  	s0 =	sadd.s32 $0x8F2B, s0  }
0xbd: {  	[sflag:s0] =	ssyncadd.remote.s32 $0x1  }
0xbe: {  	_ =	sfence.sel $0xFFFF  }
0xbf: {  	[dreg:$0x0] =	wrdreg $0xFFFFFFFF;
	(pc) =	sbr.abs _section_cstart, $3  }
0xc0: {  	[dreg:$0x1] =	wrdreg $0xFFFFFFFF  }
0xc1: {  	_ =	task.clear_ibuf [dreg:s6], $0x2FFFF;
	_ =	strace $0x9FFFFFFF  }
0xc2: {  	(tm) =	ssettm $0x7FFFFFFF  }
0xc3: {  	_ =	shalt  }
tec
execute0_lowered:
.L_overlay_start_1:
0x0: {  	(tag) =	ssettag $0x1  }
0x1: {  	s0 =	srdreg.scid  }
0x2: {  	s3 =	rddreg [dreg:$0x0];
	s7 =	stileid.u32  }
0x3: {  	s1 =	rddreg [dreg:$0x1];
	s2 =	simm.s32 $0x0;
	s13 =	simm.s32 $0x1  }
0x4: {  	s14 =	simm.s32 $0x8B80;
	s15 =	simm.s32 $0x2;
	s16 =	simm.s32 $0x3  }
0x5: {  	s17 =	simm.s32 $0x4;
	s18 =	simm.s32 $0x0;
	s4 =	sand.u32 $0x1, s0  }
0x6: {  	[smem:$0x7FF] =	sst s2;
	s11 =	sadd.s32 $0x80400, s3;
	s30 =	smul.u32 $0x27100, s7  }
0x7: {  	p0 =	sne.s32 s7, $0x0;
	s0 =	sshll.u32 s4, $0x4;
	s5 =	smul.u32 $0x12000, s4  }
0x8: {  	s9 =	ssub.s32 $0x2, s4;
	s12 =	smul.u32 $0x271000, s4;
	s6 =	sor.u32 s7, s0  }
0x9: {  	s0 =	rddreg [dreg:$0x2];
	_ =	strace $0x80000056;
	s8 =	smul.u32 $0x2710, s6  }
0xa: {  	s29 =	sshrl.u32 s9, $0x1;
	s5 =	sadd.s32 s5, s3;
	s10 =	smul.u32 $0x27100, s6  }
0xb: {  	s6 =	smul.u32 $0x138800, s6;
	s9 =	ssub.s32 s9, s29;
	s31 =	sadd.s32 s12, s11  }
0xc: {  	s12 =	simm.s32 $0x2780;
	s7 =	smax.u32 s9, $0x1;
	s8 =	sshrl.u32 s8, $0x3  }
0xd: {  	s9 =	sshrl.u32 @!p0 s1, $0x3;
	s6 =	sshrl.u32 s6, $0x3;
	s8 =	sadd.s32 s8, s3  }
0xe: {  	s3 =	sadd.s32 $0x3A600, s5;
	s5 =	sadd.s32 s11, s10;
	s6 =	sadd.s32 s11, s6  }
0xf: {  	s10 =	simm.s32 $0x5;
	s4 =	sadd.s32 $0x76600, s8;
	s8 =	sadd.s32 s30, s31  }
0x10: {  	s11 =	simm.s32 $0xC8;
	s6 =	sadd.s32 $0x26480, s6;
	s8 =	sadd.s32 $0xC80, s8  }
.LBB2_1:
0x11: {  	s19 =	simm.s32 @!p0 $0x1C05  }
0x12: {  	[spmem:s9], [sflag:s19] =	dma.local @!p0 [hbm:s3], $0x16000  }
0x13: {  	s19 =	simm.s32 @!p0 $0x5  }
0x14: {  	_ =	swait.ge @!p0 [sflag:s19], $0x16000  }
0x15: {  	[sflag:s19] =	ssyncset.done @!p0 $0x0  }
0x16: {  	[sflag:s19] =	ssyncadd.s32 @!p0 $0xFFFEA000  }
0x17: {  	[bflag:$0x0] =	sbarrier.arrive $0xFFFF  }
0x18: {  	[tilespmem:s2], [sflag:$0x5] =	stream.linear.gather [hbm4b:s4+s2], $0x2710, $0x38;
	[tilespmem:$0x19F80] =	vst v63  }
0x19: {  	_ =	swait.ge [sflag:s10], $0x2710  }
0x1a: {  	[sflag:s10] =	ssyncset.done $0x0  }
0x1b: {  	[sflag:s10] =	ssyncadd.s32 $0xFFFFD8F0  }
0x1c: {  	[tilespmem:s12], [sflag:$0x1] =	stream.indirect.gather [spmem:s1], $0x80, s2, s11, $0xb8;
	[tilespmem:$0x19F80] =	vst v63  }
0x1d: {  	_ =	swait.ge [sflag:s13], $0x6400  }
0x1e: {  	[sflag:s13] =	ssyncset.done $0x0  }
0x1f: {  	[sflag:s13] =	ssyncadd.s32 $0xFFFF9C00  }
0x20: {  	[hbm4b:s5+s2] =	stream.linear.scatter [tilespmem:s12], [sflag:$0x3], $0x6400, $0x38;
	[tilespmem:$0x19F80] =	vst v63  }
0x21: {  	_ = 	snop  }
0x22: {  	[tilespmem:s14], [sflag:$0x2] =	stream.indirect.gather [spmem:s1], $0x80, s11, s11, $0xb8;
	[tilespmem:$0x19F80] =	vst v63  }
0x23: {  	_ =	swait.ge [sflag:s15], $0x6400  }
0x24: {  	[sflag:s15] =	ssyncset.done $0x0  }
0x25: {  	[sflag:s15] =	ssyncadd.s32 $0xFFFF9C00  }
0x26: {  	[hbm4b:s8+s2] =	stream.linear.scatter [tilespmem:s14], [sflag:$0x4], $0x6400, $0x38;
	[tilespmem:$0x19F80] =	vst v63  }
0x27: {  	_ =	swait.ge [sflag:s16], $0x6400  }
0x28: {  	[sflag:s16] =	ssyncset.done $0x0  }
0x29: {  	s30 =	simm.s32 $0x190;
	[sflag:s16] =	ssyncadd.s32 $0xFFFF9C00  }
0x2a: {  	[tilespmem:s12], [sflag:$0x1] =	stream.indirect.gather [spmem:s1], $0x80, s30, s11, $0xb8;
	[tilespmem:$0x19F80] =	vst v63  }
0x2b: {  	_ =	swait.ge [sflag:s13], $0x6400  }
0x2c: {  	[sflag:s13] =	ssyncset.done $0x0  }
0x2d: {  	s31 =	sadd.s32 $0xC80, s8;
	[sflag:s13] =	ssyncadd.s32 $0xFFFF9C00  }
0x2e: {  	[hbm4b:s31+s2] =	stream.linear.scatter [tilespmem:s12], [sflag:$0x3], $0x6400, $0x38;
	[tilespmem:$0x19F80] =	vst v63  }
0x2f: {  	_ =	swait.ge [sflag:s17], $0x6400  }
0x30: {  	s21 =	simm.s32 $0x258;
	[sflag:s17] =	ssyncset.done $0x0  }
0x31: {  	s20 =	sadd.s32 $0x1900, s8;
	s19 =	simm.s32 $0x640;
	[sflag:s17] =	ssyncadd.s32 $0xFFFF9C00  }
.LBB2_2:
0x32: {  	[tilespmem:s14], [sflag:$0x2] =	stream.indirect.gather [spmem:s1], $0x80, s21, s11, $0xb8;
	[tilespmem:$0x19F80] =	vst v63  }
0x33: {  	s21 =	smov.u32 s19  }
0x34: {  	p1 =	sne.s32 s19, $0x8FC0;
	s19 =	sadd.s32 $0x640, s19;
	_ =	swait.ge [sflag:s15], $0x6400  }
0x35: {  	[sflag:s15] =	ssyncset.done $0x0  }
0x36: {  	[sflag:s15] =	ssyncadd.s32 $0xFFFF9C00  }
0x37: {  	[hbm4b:s20+s2] =	stream.linear.scatter [tilespmem:s14], [sflag:$0x4], $0x6400, $0x38;
	[tilespmem:$0x19F80] =	vst v63  }
0x38: {  	_ =	swait.ge [sflag:s16], $0x6400  }
0x39: {  	s21 =	sshra.s32 s21, $0x2;
	[sflag:s16] =	ssyncset.done $0x0  }
0x3a: {  	s22 =	sadd.s32 $0x190, s21;
	[sflag:s16] =	ssyncadd.s32 $0xFFFF9C00  }
0x3b: {  	[tilespmem:s12], [sflag:$0x1] =	stream.indirect.gather [spmem:s1], $0x80, s22, s11, $0xb8;
	[tilespmem:$0x19F80] =	vst v63  }
0x3c: {  	_ =	swait.ge [sflag:s13], $0x6400  }
0x3d: {  	[sflag:s13] =	ssyncset.done $0x0  }
.Ltmp0:
0x3e: {  	s22 =	sadd.s32 $0xC80, s20;
	[sflag:s13] =	ssyncadd.s32 $0xFFFF9C00;
	(pc) =	sbr.rel @p1 .LBB2_2-.Ltmp0, $4  }
0x3f: {  	[hbm4b:s22+s2] =	stream.linear.scatter [tilespmem:s12], [sflag:$0x3], $0x6400, $0x38;
	[tilespmem:$0x19F80] =	vst v63  }
0x40: {  	_ =	swait.ge [sflag:s17], $0x6400  }
0x41: {  	[sflag:s17] =	ssyncset.done $0x0  }
0x42: {  	s21 =	sadd.s32 $0x258, s21;
	s20 =	sadd.s32 $0x1900, s20;
	[sflag:s17] =	ssyncadd.s32 $0xFFFF9C00  }
0x43: {  	[tilespmem:s14], [sflag:$0x2] =	stream.indirect.gather [spmem:s1], $0x80, s21, s11, $0xb8;
	[tilespmem:$0x19F80] =	vst v63  }
0x44: {  	_ =	swait.ge [sflag:s15], $0x6400  }
0x45: {  	[sflag:s15] =	ssyncset.done $0x0  }
0x46: {  	s18 =	sadd.s32 $0x1, s18;
	[sflag:s15] =	ssyncadd.s32 $0xFFFF9C00  }
0x47: {  	[hbm4b:s6+s2] =	stream.linear.scatter [tilespmem:s14], [sflag:$0x4], $0x6400, $0x38;
	[tilespmem:$0x19F80] =	vst v63  }
0x48: {  	p1 =	sne.s32 s18, s7;
	_ =	swait.ge [sflag:s16], $0x6400  }
.Ltmp1:
0x49: {  	[sflag:s16] =	ssyncset.done $0x0;
	(pc) =	sbr.rel @p1 .LBB2_1-.Ltmp1, $4  }
0x4a: {  	[sflag:s16] =	ssyncadd.s32 $0xFFFF9C00  }
0x4b: {  	_ =	swait.ge [sflag:s17], $0x6400  }
0x4c: {  	[sflag:s17] =	ssyncset.done $0x0  }
0x4d: {  	[sflag:s17] =	ssyncadd.s32 $0xFFFF9C00  }
0x4e: {  	_ =	sfence.sel $0x180000  }
0x4f: {  	[bflag:$0x0] =	sbarrier.arrive $0xFFFF  }
0x50: {  	_ =	strace $0x90000056  }
0x51: {  	s0 =	sadd.s32 @!p0 $0x100000, s0;
	[bflag:$0x2] =	sbarrier.arrive $0xFFFF  }
0x52: {  	[sflag:s0] =	ssyncadd.tile.s32 @!p0 $0x1;
	_ =	shalt  }
.Lfunc_end2:
_tile_overlayer_lowered:
.L_overlay_start_2:
0x53: {  	(tag) =	ssettag $0x2  }
0x54: {  	s0 =	rddreg [dreg:$0x0];
	s2 =	stileid.u32  }
0x55: {  	s1 =	rddreg [dreg:$0x1];
	p0 =	sne.s32 s2, $0x0  }
0x56: {  	s3 =	rddreg [dreg:$0x2];
	[bflag:$0x3] =	sbarrier.arrive $0xFFFF;
	s2 =	simm.s32 @!p0 $0x1C05  }
0x57: {  	[timem:s3], [sflag:s2] =	dma.local @!p0 [hbm:s0], s1  }
0x58: {  	s0 =	simm.s32 @!p0 $0x5  }
0x59: {  	_ =	swait.ge @!p0 [sflag:s0], s1  }
0x5a: {  	s1 =	ssub.s32 @!p0 $0x0, s1;
	[sflag:s0] =	ssyncset.done @!p0 $0x0  }
0x5b: {  	[sflag:s0] =	ssyncadd.s32 @!p0 s1  }
0x5c: {  	[bflag:$0x3] =	sbarrier.arrive $0xFFFF  }
0x5d: {  	_ =	shalt  }

</sc_bundles>
